<compile_context>
chip_gen: v7x
topology: tpu7x:2x2x1
jax: 0.10.2.dev20260603
libtpu: 0.0.44.dev20260713+nightly
codegen_flags: <defaults>
</compile_context>

<pallas_src>
import functools

import jax
from jax import lax
import jax.numpy as jnp
from jax.experimental import pallas as pl
from jax.experimental.pallas import tpu as pltpu
from jax.experimental.pallas import tpu_sc as plsc

N = 10000
DIM = 32
STEPS = 6
EB = 4096
NB = 2000

NC = 2
NS = 16
NW = NC * NS
CH = 128
NCH = 40
EPW = CH * NCH
EPAD = NW * EPW
NT = 10240


def _prep_nodes_body(x_ref, w_ref, b_ref, o_ref):
    o_ref[...] = jax.nn.relu(
        jnp.dot(x_ref[...], w_ref[...], preferred_element_type=jnp.float32)
        + b_ref[...])


def _prep_edges_body(ea_ref, w1_ref, b1_ref, o_ref):
    o_ref[...] = jax.nn.relu(
        jnp.dot(ea_ref[...], w1_ref[...], preferred_element_type=jnp.float32)
        + b1_ref[...])


def _msg_body(xj_ref, h_ref, w2t_ref, x1_ref, b2_ref, o_ref):
    xj = xj_ref[...]
    xr = jnp.dot(xj.astype(jnp.bfloat16), x1_ref[...],
                 preferred_element_type=jnp.float32)
    w = jnp.dot(h_ref[...], w2t_ref[...], preferred_element_type=jnp.float32)
    prod = (w + b2_ref[...]) * xr
    acc = prod[:, 0:128]
    for g in range(1, 8):
        acc = acc + prod[:, g * 128:(g + 1) * 128]
    o_ref[...] = (acc[:, 0:DIM] + acc[:, DIM:2 * DIM]
                  + acc[:, 2 * DIM:3 * DIM] + acc[:, 3 * DIM:4 * DIM])


def _update_body(p0_ref, p1_ref, deg_ref, out_ref, root_ref, cb_ref,
                 wih_ref, whh_ref, bih_ref, bhh_ref, new_ref):
    deg = jnp.maximum(deg_ref[...], 1.0)
    agg = (p0_ref[0] + p1_ref[0]) / deg
    out = out_ref[...]
    outb = out.astype(jnp.bfloat16)
    m = jax.nn.relu(
        agg + jnp.dot(outb, root_ref[...], preferred_element_type=jnp.float32)
        + cb_ref[...])
    gi = jnp.dot(m.astype(jnp.bfloat16), wih_ref[...],
                 preferred_element_type=jnp.float32) + bih_ref[...]
    gh = jnp.dot(outb, whh_ref[...],
                 preferred_element_type=jnp.float32) + bhh_ref[...]
    r = jax.nn.sigmoid(gi[:, 0:DIM] + gh[:, 0:DIM])
    z = jax.nn.sigmoid(gi[:, DIM:2 * DIM] + gh[:, DIM:2 * DIM])
    n = jnp.tanh(gi[:, 2 * DIM:3 * DIM] + r * gh[:, 2 * DIM:3 * DIM])
    new_ref[...] = (1.0 - z) * n + z * out



_SC_MESH = plsc.VectorSubcoreMesh(core_axis_name="c", subcore_axis_name="s")


def _gather_body(table_hbm, idx_hbm, xj_hbm, idx_v, buf0, buf1, sem0, sem1):
    wid = lax.axis_index("s") * NC + lax.axis_index("c")
    base = wid * EPW
    pltpu.sync_copy(idx_hbm.at[wid], idx_v)
    pltpu.async_copy(table_hbm.at[idx_v.at[0]], buf0, sem0)

    def body(i, carry):
        j0 = 2 * i
        h1 = pltpu.async_copy(table_hbm.at[idx_v.at[j0 + 1]], buf1, sem1)
        pltpu.make_async_copy(table_hbm.at[pl.ds(0, CH)], buf0, sem0).wait()
        pltpu.sync_copy(buf0, xj_hbm.at[pl.ds(base + j0 * CH, CH)])

        @pl.when(j0 + 2 < NCH)
        def _():
            pltpu.async_copy(table_hbm.at[idx_v.at[j0 + 2]], buf0, sem0)

        h1.wait()
        pltpu.sync_copy(buf1, xj_hbm.at[pl.ds(base + (j0 + 1) * CH, CH)])
        return carry

    lax.fori_loop(0, NCH // 2, body, 0)


@functools.partial(
    pl.kernel, mesh=_SC_MESH,
    out_type=jax.ShapeDtypeStruct((EPAD, DIM), jnp.float32),
    scratch_types=[
        pltpu.VMEM((NCH, CH), jnp.int32),
        pltpu.VMEM((CH, DIM), jnp.float32),
        pltpu.VMEM((CH, DIM), jnp.float32),
        pltpu.SemaphoreType.DMA,
        pltpu.SemaphoreType.DMA,
    ],
    compiler_params=pltpu.CompilerParams(use_tc_tiling_on_sc=False),
)
def _sc_gather(table_hbm, idx_hbm, xj_hbm, idx_v, buf0, buf1, sem0, sem1):
    _gather_body(table_hbm, idx_hbm, xj_hbm, idx_v, buf0, buf1, sem0, sem1)


_ROWS_PER_TILE = NT // NS


def _scatter_body(msg_hbm, idx_hbm, zero_hbm, part_hbm, idx_v, buf0, buf1,
                  out_v, sem0, sem1, acc):
    cid = lax.axis_index("c")
    sid = lax.axis_index("s")
    wid = sid * NC + cid
    base = wid * EPW
    r0 = sid * _ROWS_PER_TILE
    pltpu.sync_copy(idx_hbm.at[wid], idx_v)
    pltpu.sync_copy(zero_hbm.at[pl.ds(r0, _ROWS_PER_TILE)],
                    acc.at[pl.ds(r0, _ROWS_PER_TILE)])
    plsc.subcore_barrier()
    pltpu.async_copy(msg_hbm.at[pl.ds(base, CH)], buf0, sem0)

    def body(i, carry):
        j0 = 2 * i
        h1 = pltpu.async_copy(
            msg_hbm.at[pl.ds(base + (j0 + 1) * CH, CH)], buf1, sem1)
        pltpu.make_async_copy(msg_hbm.at[pl.ds(0, CH)], buf0, sem0).wait()
        pltpu.sync_copy(buf0, acc.at[idx_v.at[j0]], add=True)

        @pl.when(j0 + 2 < NCH)
        def _():
            pltpu.async_copy(
                msg_hbm.at[pl.ds(base + (j0 + 2) * CH, CH)], buf0, sem0)

        h1.wait()
        pltpu.sync_copy(buf1, acc.at[idx_v.at[j0 + 1]], add=True)
        return carry

    lax.fori_loop(0, NCH // 2, body, 0)
    plsc.subcore_barrier()
    pltpu.sync_copy(acc.at[pl.ds(r0, _ROWS_PER_TILE)], out_v)
    pltpu.sync_copy(out_v, part_hbm.at[cid].at[pl.ds(r0, _ROWS_PER_TILE)])


@functools.partial(
    pl.kernel, mesh=_SC_MESH,
    out_type=jax.ShapeDtypeStruct((NC, NT, DIM), jnp.float32),
    scratch_types=[
        pltpu.VMEM((NCH, CH), jnp.int32),
        pltpu.VMEM((CH, DIM), jnp.float32),
        pltpu.VMEM((CH, DIM), jnp.float32),
        pltpu.VMEM((_ROWS_PER_TILE, DIM), jnp.float32),
        pltpu.SemaphoreType.DMA,
        pltpu.SemaphoreType.DMA,
        pltpu.VMEM_SHARED((NT, DIM), jnp.float32),
    ],
    compiler_params=pltpu.CompilerParams(use_tc_tiling_on_sc=False),
)
def _sc_scatter(msg_hbm, idx_hbm, zero_hbm, part_hbm, idx_v, buf0, buf1,
                out_v, sem0, sem1, acc):
    _scatter_body(msg_hbm, idx_hbm, zero_hbm, part_hbm, idx_v, buf0, buf1,
                  out_v, sem0, sem1, acc)


def _full(shape):
    return pl.BlockSpec(shape, lambda i: (0,) * len(shape))


def _rows(nrows, ncols):
    return pl.BlockSpec((nrows, ncols), lambda i: (i, 0))


def _prep_nodes(xp, fct, fcb):
    return pl.pallas_call(
        _prep_nodes_body,
        grid=(N // NB,),
        in_specs=[_rows(NB, 8), _full((8, DIM)), _full((1, DIM))],
        out_specs=_rows(NB, DIM),
        out_shape=jax.ShapeDtypeStruct((N, DIM), jnp.float32),
    )(xp, fct, fcb)


def _prep_edges(ea_p, w1t, b1, epad):
    return pl.pallas_call(
        _prep_edges_body,
        grid=(epad // EB,),
        in_specs=[_rows(EB, 16), _full((16, DIM)), _full((1, DIM))],
        out_specs=_rows(EB, DIM),
        out_shape=jax.ShapeDtypeStruct((epad, DIM), jnp.float32),
    )(ea_p, w1t, b1)


def _msg(xj, hid, w2t, x1, b2, epad):
    return pl.pallas_call(
        _msg_body,
        grid=(epad // EB,),
        in_specs=[_rows(EB, DIM), _rows(EB, DIM),
                  _full((DIM, DIM * DIM)), _full((DIM, DIM * DIM)),
                  _full((1, DIM * DIM))],
        out_specs=_rows(EB, DIM),
        out_shape=jax.ShapeDtypeStruct((epad, DIM), jnp.float32),
    )(xj, hid, w2t, x1, b2)


def _update(part, deg, out, root, cb, wih, whh, bih, bhh):
    return pl.pallas_call(
        _update_body,
        grid=(N // NB,),
        in_specs=[pl.BlockSpec((1, NB, DIM), lambda i: (0, i, 0)),
                  pl.BlockSpec((1, NB, DIM), lambda i: (1, i, 0)),
                  _rows(NB, 1), _rows(NB, DIM),
                  _full((DIM, DIM)), _full((1, DIM)),
                  _full((DIM, 3 * DIM)), _full((DIM, 3 * DIM)),
                  _full((1, 3 * DIM)), _full((1, 3 * DIM))],
        out_specs=_rows(NB, DIM),
        out_shape=jax.ShapeDtypeStruct((N, DIM), jnp.float32),
    )(part, part, deg, out, root, cb, wih, whh, bih, bhh)


def kernel(x, edge_index, edge_attr, fc_W, fc_b, root, conv_bias,
           en_W1, en_b1, en_W2, en_b2, gru_Wih, gru_Whh, gru_bih, gru_bhh):
    e = edge_index.shape[1]
    src = edge_index[0]
    dst = edge_index[1]
    src_t = jnp.concatenate(
        [src, jnp.zeros((EPAD - e,), src.dtype)]).reshape(NW, NCH, CH)
    dst_t = jnp.concatenate(
        [dst, jnp.full((EPAD - e,), N, dst.dtype)]).reshape(NW, NCH, CH)
    ea_p = jnp.pad(edge_attr, ((0, EPAD - e), (0, 0)))
    xp = jnp.pad(x, ((0, 0), (0, 8 - x.shape[1])))
    fct = jnp.pad(fc_W.T, ((0, 8 - x.shape[1]), (0, 0)))

    out = _prep_nodes(xp, fct, fc_b[None])
    hid = _prep_edges(ea_p, en_W1.T, en_b1[None], EPAD).astype(jnp.bfloat16)
    w2t = en_W2.T.reshape(DIM, DIM * DIM).astype(jnp.bfloat16)
    x1 = jnp.repeat(jnp.eye(DIM, dtype=jnp.bfloat16), DIM, axis=1)
    b2 = en_b2[None]

    zero_nt = jnp.zeros((NT, DIM), jnp.float32)
    ones_e = jnp.ones((EPAD, DIM), jnp.float32)
    dpart = _sc_scatter(ones_e, dst_t, zero_nt)
    deg = (dpart[0, :N, 0] + dpart[1, :N, 0])[:, None]
    rootb = root.astype(jnp.bfloat16)
    wih = gru_Wih.T.astype(jnp.bfloat16)
    whh = gru_Whh.T.astype(jnp.bfloat16)

    for _ in range(STEPS):
        xj = _sc_gather(out, src_t)
        msg = _msg(xj, hid, w2t, x1, b2, EPAD)
        part = _sc_scatter(msg, dst_t, zero_nt)
        out = _update(part, deg, out, rootb, conv_bias[None],
                      wih, whh, gru_bih[None], gru_bhh[None])
    return out

# --- scband reference (transcript-rebuilt; emitter-appended) ---
"""Pipeline reference for scband-mpnn-30983894073445 (READ-ONLY COPY).

The authoritative reference and input builder live on the scoring server;
editing this copy changes nothing except your own understanding.
"""

import jax, jax.numpy as jnp
import numpy as np

N = 10000
E = 160000
DIM = 32
EDGE_DIM = 16
NUM_FEAT = 3
STEPS = 6


def _uniform(key, shape, fan_in):
    s = 1.0 / np.sqrt(fan_in)
    return jax.random.uniform(key, shape, minval=-s, maxval=s, dtype=jnp.float32)


def setup_inputs(seed: int = 0) -> dict:
    key = jax.random.key(seed)
    ks = jax.random.split(key, 20)
    inp = {}
    inp["x"] = jax.random.normal(ks[0], (N, NUM_FEAT), dtype=jnp.float32)
    inp["edge_index"] = jax.random.randint(ks[1], (2, E), 0, N)
    inp["edge_attr"] = jax.random.normal(ks[2], (E, EDGE_DIM), dtype=jnp.float32)
    # fc: Linear(num_features, dim)
    inp["fc_W"] = _uniform(ks[3], (DIM, NUM_FEAT), NUM_FEAT)
    inp["fc_b"] = _uniform(ks[4], (DIM,), NUM_FEAT)
    # NNConv root weight (in, out) and bias
    inp["root"] = _uniform(ks[5], (DIM, DIM), DIM)
    inp["conv_bias"] = _uniform(ks[6], (DIM,), DIM)
    # edge network: Linear(edge_dim, dim) -> ReLU -> Linear(dim, dim*dim)
    inp["en_W1"] = _uniform(ks[7], (DIM, EDGE_DIM), EDGE_DIM)
    inp["en_b1"] = _uniform(ks[8], (DIM,), EDGE_DIM)
    inp["en_W2"] = _uniform(ks[9], (DIM * DIM, DIM), DIM)
    inp["en_b2"] = _uniform(ks[10], (DIM * DIM,), DIM)
    # GRU(dim, dim), single layer; gate order r, z, n (PyTorch convention)
    inp["gru_Wih"] = _uniform(ks[11], (3 * DIM, DIM), DIM)
    inp["gru_Whh"] = _uniform(ks[12], (3 * DIM, DIM), DIM)
    inp["gru_bih"] = _uniform(ks[13], (3 * DIM,), DIM)
    inp["gru_bhh"] = _uniform(ks[14], (3 * DIM,), DIM)
    return inp


def reference(x, edge_index, edge_attr, fc_W, fc_b, root, conv_bias,
              en_W1, en_b1, en_W2, en_b2, gru_Wih, gru_Whh, gru_bih, gru_bhh):
    src = edge_index[0]
    dst = edge_index[1]
    out = jax.nn.relu(x @ fc_W.T + fc_b)
    h = out
    # edge network output depends only on (constant) edge_attr: hoist out of loop
    hidden = jax.nn.relu(edge_attr @ en_W1.T + en_b1)
    We = (hidden @ en_W2.T + en_b2).reshape(E, DIM, DIM)  # (E, in, out)
    deg = jnp.maximum(jnp.zeros((N,), dtype=jnp.float32).at[dst].add(1.0), 1.0)
    for _ in range(STEPS):
        # NNConv message: x_j (1,in) @ We (in,out)
        xj = out[src]
        msg = jnp.einsum('ed,edo->eo', xj, We)
        agg = jnp.zeros((N, DIM), dtype=jnp.float32).at[dst].add(msg) / deg[:, None]
        conv_out = agg + out @ root + conv_bias
        m = jax.nn.relu(conv_out)
        # GRU cell step (seq_len = 1)
        gi = m @ gru_Wih.T + gru_bih
        gh = h @ gru_Whh.T + gru_bhh
        i_r, i_z, i_n = jnp.split(gi, 3, axis=-1)
        h_r, h_z, h_n = jnp.split(gh, 3, axis=-1)
        r = jax.nn.sigmoid(i_r + h_r)
        z = jax.nn.sigmoid(i_z + h_z)
        n = jnp.tanh(i_n + r * h_n)
        h = (1.0 - z) * n + z * h
        out = h
    return out

if __name__ == "__main__":
    import jax
    _d = setup_inputs()
    print(jax.jit(kernel)(*tuple(_d.values())))

</pallas_src>

<mosaic_0001>
#map = affine_map<(d0, d1) -> (0, 0)>
#map1 = affine_map<(d0, d1) -> (0, 0, 0)>
module attributes {stable_mosaic.version = 14 : i64} {
  func.func @_sc_gather(%arg0: i32, %arg1: i32, %arg2: memref<10000x32xf32, #tpu.memory_space<hbm>>, %arg3: memref<32x40x128xi32, #tpu.memory_space<hbm>>, %arg4: memref<163840x32xf32, #tpu.memory_space<hbm>>, %arg5: memref<40x128xi32, #tpu.memory_space<vmem>>, %arg6: memref<128x32xf32, #tpu.memory_space<vmem>>, %arg7: memref<128x32xf32, #tpu.memory_space<vmem>>, %arg8: memref<!tpu.dma_semaphore, #tpu.memory_space<semaphore_mem>>, %arg9: memref<!tpu.dma_semaphore, #tpu.memory_space<semaphore_mem>>) attributes {dimension_semantics = [#tpu.dimension_semantics<core_parallel>, #tpu.dimension_semantics<subcore_parallel>], iteration_bounds = array<i64: 2, 16>, scalar_prefetch = 0 : i64, scratch_operands = 5 : i64, tpu.core_type = #tpu.core_type<sc_vector_subcore>, window_params = [{transform_indices = #map}, {transform_indices = #map1}, {transform_indices = #map}]} {
    %mul3A = arith.constant 2 : i32
    %mul3A_0 = arith.muli %arg1, %mul3A : i32
    %add3A = arith.addi %mul3A_0, %arg0 : i32
    %mul3A_1 = arith.constant 5120 : i32
    %mul3A_2 = arith.muli %add3A, %mul3A_1 : i32
    "tpu.region"() ({
      %run_scoped3A = tpu.sem_alloc : memref<!tpu.dma_semaphore, #tpu.memory_space<semaphore_mem>>
      %dma_start3A_14 = arith.constant 0 : i32
      %dma_start3A_15 = arith.constant 0 : i32
      %dma_start3A_16 = tpu.memref_slice %arg3[%add3A, %dma_start3A_14, %dma_start3A_15] : memref<32x40x128xi32, #tpu.memory_space<hbm>> -> memref<1x40x128xi32, #tpu.memory_space<hbm>>
      %dma_start3A_17 = tpu.memref_squeeze %dma_start3A_16 : memref<1x40x128xi32, #tpu.memory_space<hbm>> -> memref<40x128xi32, #tpu.memory_space<hbm>>
      %dma_start3A_18 = arith.constant 0 : i32
      %dma_start3A_19 = arith.constant 0 : i32
      %dma_start3A_20 = tpu.memref_slice %arg3[%add3A, %dma_start3A_18, %dma_start3A_19] : memref<32x40x128xi32, #tpu.memory_space<hbm>> -> memref<1x40x128xi32, #tpu.memory_space<hbm>>
      %dma_start3A_21 = tpu.memref_squeeze %dma_start3A_20 : memref<1x40x128xi32, #tpu.memory_space<hbm>> -> memref<40x128xi32, #tpu.memory_space<hbm>>
      tpu.enqueue_dma source(%dma_start3A_21 : memref<40x128xi32, #tpu.memory_space<hbm>>) target(%arg5 : memref<40x128xi32, #tpu.memory_space<vmem>>) target_semaphore(%run_scoped3A : memref<!tpu.dma_semaphore, #tpu.memory_space<semaphore_mem>>)
      %dma_wait3A = arith.constant 0 : i32
      %dma_wait3A_22 = arith.constant 0 : i32
      %dma_wait3A_23 = tpu.memref_slice %arg3[%add3A, %dma_wait3A, %dma_wait3A_22] : memref<32x40x128xi32, #tpu.memory_space<hbm>> -> memref<1x40x128xi32, #tpu.memory_space<hbm>>
      %dma_wait3A_24 = tpu.memref_squeeze %dma_wait3A_23 : memref<1x40x128xi32, #tpu.memory_space<hbm>> -> memref<40x128xi32, #tpu.memory_space<hbm>>
      %dma_wait3A_25 = arith.constant 0 : i32
      %dma_wait3A_26 = arith.constant 0 : i32
      %dma_wait3A_27 = tpu.memref_slice %arg3[%add3A, %dma_wait3A_25, %dma_wait3A_26] : memref<32x40x128xi32, #tpu.memory_space<hbm>> -> memref<1x40x128xi32, #tpu.memory_space<hbm>>
      %dma_wait3A_28 = tpu.memref_squeeze %dma_wait3A_27 : memref<1x40x128xi32, #tpu.memory_space<hbm>> -> memref<40x128xi32, #tpu.memory_space<hbm>>
      tpu.wait_dma2 semaphore(%run_scoped3A : memref<!tpu.dma_semaphore, #tpu.memory_space<semaphore_mem>>) src(%dma_wait3A_28 : memref<40x128xi32, #tpu.memory_space<hbm>>) dst(%arg5 : memref<40x128xi32, #tpu.memory_space<vmem>>)
      tpu.yield
    }) : () -> ()
    %dma_start3A = arith.constant 0 : i32
    %dma_start3A_3 = arith.constant 0 : i32
    %dma_start3A_4 = tpu.memref_slice %arg5[%dma_start3A, %dma_start3A_3] : memref<40x128xi32, #tpu.memory_space<vmem>> -> memref<1x128xi32, #tpu.memory_space<vmem>>
    %dma_start3A_5 = tpu.memref_squeeze %dma_start3A_4 : memref<1x128xi32, #tpu.memory_space<vmem>> -> memref<128xi32, #tpu.memory_space<vmem>>
    %dma_start3A_6 = arith.constant 0 : i32
    %dma_start3A_7 = arith.constant 0 : i32
    %dma_start3A_8 = tpu.memref_slice %arg2[%dma_start3A_6, %dma_start3A_7] : memref<10000x32xf32, #tpu.memory_space<hbm>> -> memref<10000x32xf32, #tpu.memory_space<hbm>>
    tpu.enqueue_indirect_dma source(%dma_start3A_8 : memref<10000x32xf32, #tpu.memory_space<hbm>>) target(%arg6 : memref<128x32xf32, #tpu.memory_space<vmem>>) offsets(%dma_start3A_5 : memref<128xi32, #tpu.memory_space<vmem>>) semaphore(%arg8 : memref<!tpu.dma_semaphore, #tpu.memory_space<semaphore_mem>>)
    %scan3A = arith.constant 0 : i32
    %scan3A_9 = arith.constant 0 : i32
    %scan3A_10 = arith.constant 20 : i32
    %scan3A_11 = arith.addi %scan3A_9, %scan3A_10 : i32
    %scan3A_12 = arith.constant 1 : i32
    scf.for %scan3A_14 = %scan3A_9 to %scan3A_11 step %scan3A_12  : i32 {
      %mul3A_15 = arith.constant 2 : i32
      %mul3A_16 = arith.muli %mul3A_15, %scan3A_14 : i32
      %add3A_17 = arith.constant 1 : i32
      %add3A_18 = arith.addi %mul3A_16, %add3A_17 : i32
      %dma_start3A_19 = arith.constant 0 : i32
      %dma_start3A_20 = tpu.memref_slice %arg5[%add3A_18, %dma_start3A_19] : memref<40x128xi32, #tpu.memory_space<vmem>> -> memref<1x128xi32, #tpu.memory_space<vmem>>
      %dma_start3A_21 = tpu.memref_squeeze %dma_start3A_20 : memref<1x128xi32, #tpu.memory_space<vmem>> -> memref<128xi32, #tpu.memory_space<vmem>>
      %dma_start3A_22 = arith.constant 0 : i32
      %dma_start3A_23 = arith.constant 0 : i32
      %dma_start3A_24 = tpu.memref_slice %arg2[%dma_start3A_22, %dma_start3A_23] : memref<10000x32xf32, #tpu.memory_space<hbm>> -> memref<10000x32xf32, #tpu.memory_space<hbm>>
      tpu.enqueue_indirect_dma source(%dma_start3A_24 : memref<10000x32xf32, #tpu.memory_space<hbm>>) target(%arg7 : memref<128x32xf32, #tpu.memory_space<vmem>>) offsets(%dma_start3A_21 : memref<128xi32, #tpu.memory_space<vmem>>) semaphore(%arg9 : memref<!tpu.dma_semaphore, #tpu.memory_space<semaphore_mem>>)
      %dma_wait3A = arith.constant 0 : i32
      %dma_wait3A_25 = arith.constant 0 : i32
      %dma_wait3A_26 = tpu.memref_slice %arg2[%dma_wait3A, %dma_wait3A_25] : memref<10000x32xf32, #tpu.memory_space<hbm>> -> memref<128x32xf32, #tpu.memory_space<hbm>>
      %dma_wait3A_27 = arith.constant 0 : i32
      %dma_wait3A_28 = arith.constant 0 : i32
      %dma_wait3A_29 = tpu.memref_slice %arg2[%dma_wait3A_27, %dma_wait3A_28] : memref<10000x32xf32, #tpu.memory_space<hbm>> -> memref<128x32xf32, #tpu.memory_space<hbm>>
      tpu.wait_dma2 semaphore(%arg8 : memref<!tpu.dma_semaphore, #tpu.memory_space<semaphore_mem>>) src(%dma_wait3A_29 : memref<128x32xf32, #tpu.memory_space<hbm>>) dst(%arg6 : memref<128x32xf32, #tpu.memory_space<vmem>>)
      %mul3A_30 = arith.constant 128 : i32
      %mul3A_31 = arith.muli %mul3A_16, %mul3A_30 : i32
      %add3A_32 = arith.addi %mul3A_2, %mul3A_31 : i32
      "tpu.region"() ({
        %run_scoped3A = tpu.sem_alloc : memref<!tpu.dma_semaphore, #tpu.memory_space<semaphore_mem>>
        %dma_start3A_48 = arith.constant 0 : i32
        %dma_start3A_49 = tpu.memref_slice %arg4[%add3A_32, %dma_start3A_48] : memref<163840x32xf32, #tpu.memory_space<hbm>> -> memref<128x32xf32, #tpu.memory_space<hbm>>
        %dma_start3A_50 = arith.constant 0 : i32
        %dma_start3A_51 = tpu.memref_slice %arg4[%add3A_32, %dma_start3A_50] : memref<163840x32xf32, #tpu.memory_space<hbm>> -> memref<128x32xf32, #tpu.memory_space<hbm>>
        tpu.enqueue_dma source(%arg6 : memref<128x32xf32, #tpu.memory_space<vmem>>) target(%dma_start3A_51 : memref<128x32xf32, #tpu.memory_space<hbm>>) target_semaphore(%run_scoped3A : memref<!tpu.dma_semaphore, #tpu.memory_space<semaphore_mem>>)
        %dma_wait3A_52 = arith.constant 0 : i32
        %dma_wait3A_53 = tpu.memref_slice %arg4[%add3A_32, %dma_wait3A_52] : memref<163840x32xf32, #tpu.memory_space<hbm>> -> memref<128x32xf32, #tpu.memory_space<hbm>>
        %dma_wait3A_54 = arith.constant 0 : i32
        %dma_wait3A_55 = tpu.memref_slice %arg4[%add3A_32, %dma_wait3A_54] : memref<163840x32xf32, #tpu.memory_space<hbm>> -> memref<128x32xf32, #tpu.memory_space<hbm>>
        tpu.wait_dma2 semaphore(%run_scoped3A : memref<!tpu.dma_semaphore, #tpu.memory_space<semaphore_mem>>) src(%arg6 : memref<128x32xf32, #tpu.memory_space<vmem>>) dst(%dma_wait3A_55 : memref<128x32xf32, #tpu.memory_space<hbm>>)
        tpu.yield
      }) : () -> ()
      %add3A_33 = arith.constant 2 : i32
      %add3A_34 = arith.addi %mul3A_16, %add3A_33 : i32
      %lt3A = arith.constant 40 : i32
      %lt3A_35 = arith.cmpi slt, %add3A_34, %lt3A : i32
      %convert_element_type3A = arith.extui %lt3A_35 : i1 to i32
      %cond3A = arith.constant 0 : i32
      %cond3A_36 = arith.cmpi ne, %convert_element_type3A, %cond3A : i32
      scf.if %cond3A_36 {
        %add3A_48 = arith.constant 2 : i32
        %add3A_49 = arith.addi %mul3A_16, %add3A_48 : i32
        %dma_start3A_50 = arith.constant 0 : i32
        %dma_start3A_51 = tpu.memref_slice %arg5[%add3A_49, %dma_start3A_50] : memref<40x128xi32, #tpu.memory_space<vmem>> -> memref<1x128xi32, #tpu.memory_space<vmem>>
        %dma_start3A_52 = tpu.memref_squeeze %dma_start3A_51 : memref<1x128xi32, #tpu.memory_space<vmem>> -> memref<128xi32, #tpu.memory_space<vmem>>
        %dma_start3A_53 = arith.constant 0 : i32
        %dma_start3A_54 = arith.constant 0 : i32
        %dma_start3A_55 = tpu.memref_slice %arg2[%dma_start3A_53, %dma_start3A_54] : memref<10000x32xf32, #tpu.memory_space<hbm>> -> memref<10000x32xf32, #tpu.memory_space<hbm>>
        tpu.enqueue_indirect_dma source(%dma_start3A_55 : memref<10000x32xf32, #tpu.memory_space<hbm>>) target(%arg6 : memref<128x32xf32, #tpu.memory_space<vmem>>) offsets(%dma_start3A_52 : memref<128xi32, #tpu.memory_space<vmem>>) semaphore(%arg8 : memref<!tpu.dma_semaphore, #tpu.memory_space<semaphore_mem>>)
      } else {
      }
      %dma_wait3A_37 = arith.constant 0 : i32
      %dma_wait3A_38 = tpu.memref_slice %arg5[%add3A_18, %dma_wait3A_37] : memref<40x128xi32, #tpu.memory_space<vmem>> -> memref<1x128xi32, #tpu.memory_space<vmem>>
      %dma_wait3A_39 = tpu.memref_squeeze %dma_wait3A_38 : memref<1x128xi32, #tpu.memory_space<vmem>> -> memref<128xi32, #tpu.memory_space<vmem>>
      %dma_wait3A_40 = arith.constant 0 : i32
      %dma_wait3A_41 = arith.constant 0 : i32
      %dma_wait3A_42 = tpu.memref_slice %arg2[%dma_wait3A_40, %dma_wait3A_41] : memref<10000x32xf32, #tpu.memory_space<hbm>> -> memref<10000x32xf32, #tpu.memory_space<hbm>>
      tpu.wait_indirect_dma semaphore(%arg9 : memref<!tpu.dma_semaphore, #tpu.memory_space<semaphore_mem>>) src(%dma_wait3A_42 : memref<10000x32xf32, #tpu.memory_space<hbm>>) dst(%arg7 : memref<128x32xf32, #tpu.memory_space<vmem>>)
      %add3A_43 = arith.constant 1 : i32
      %add3A_44 = arith.addi %mul3A_16, %add3A_43 : i32
      %mul3A_45 = arith.constant 128 : i32
      %mul3A_46 = arith.muli %add3A_44, %mul3A_45 : i32
      %add3A_47 = arith.addi %mul3A_2, %mul3A_46 : i32
      "tpu.region"() ({
        %run_scoped3A = tpu.sem_alloc : memref<!tpu.dma_semaphore, #tpu.memory_space<semaphore_mem>>
        %dma_start3A_48 = arith.constant 0 : i32
        %dma_start3A_49 = tpu.memref_slice %arg4[%add3A_47, %dma_start3A_48] : memref<163840x32xf32, #tpu.memory_space<hbm>> -> memref<128x32xf32, #tpu.memory_space<hbm>>
        %dma_start3A_50 = arith.constant 0 : i32
        %dma_start3A_51 = tpu.memref_slice %arg4[%add3A_47, %dma_start3A_50] : memref<163840x32xf32, #tpu.memory_space<hbm>> -> memref<128x32xf32, #tpu.memory_space<hbm>>
        tpu.enqueue_dma source(%arg7 : memref<128x32xf32, #tpu.memory_space<vmem>>) target(%dma_start3A_51 : memref<128x32xf32, #tpu.memory_space<hbm>>) target_semaphore(%run_scoped3A : memref<!tpu.dma_semaphore, #tpu.memory_space<semaphore_mem>>)
        %dma_wait3A_52 = arith.constant 0 : i32
        %dma_wait3A_53 = tpu.memref_slice %arg4[%add3A_47, %dma_wait3A_52] : memref<163840x32xf32, #tpu.memory_space<hbm>> -> memref<128x32xf32, #tpu.memory_space<hbm>>
        %dma_wait3A_54 = arith.constant 0 : i32
        %dma_wait3A_55 = tpu.memref_slice %arg4[%add3A_47, %dma_wait3A_54] : memref<163840x32xf32, #tpu.memory_space<hbm>> -> memref<128x32xf32, #tpu.memory_space<hbm>>
        tpu.wait_dma2 semaphore(%run_scoped3A : memref<!tpu.dma_semaphore, #tpu.memory_space<semaphore_mem>>) src(%arg7 : memref<128x32xf32, #tpu.memory_space<vmem>>) dst(%dma_wait3A_55 : memref<128x32xf32, #tpu.memory_space<hbm>>)
        tpu.yield
      }) : () -> ()
    }
    %scan3A_13 = arith.constant 20 : i32
    return
  }
}

#map = affine_map<(d0, d1) -> (0, 0)>
#map1 = affine_map<(d0, d1) -> (0, 0, 0)>
module attributes {stable_mosaic.version = 14 : i64} {
  func.func @_sc_scatter(%arg0: i32, %arg1: i32, %arg2: memref<163840x32xf32, #tpu.memory_space<hbm>>, %arg3: memref<32x40x128xi32, #tpu.memory_space<hbm>>, %arg4: memref<10240x32xf32, #tpu.memory_space<hbm>>, %arg5: memref<2x10240x32xf32, #tpu.memory_space<hbm>>, %arg6: memref<40x128xi32, #tpu.memory_space<vmem>>, %arg7: memref<128x32xf32, #tpu.memory_space<vmem>>, %arg8: memref<128x32xf32, #tpu.memory_space<vmem>>, %arg9: memref<640x32xf32, #tpu.memory_space<vmem>>, %arg10: memref<!tpu.dma_semaphore, #tpu.memory_space<semaphore_mem>>, %arg11: memref<!tpu.dma_semaphore, #tpu.memory_space<semaphore_mem>>, %arg12: memref<10240x32xf32, #tpu.memory_space<vmem_shared>>) attributes {dimension_semantics = [#tpu.dimension_semantics<core_parallel>, #tpu.dimension_semantics<subcore_parallel>], iteration_bounds = array<i64: 2, 16>, scalar_prefetch = 0 : i64, scratch_operands = 7 : i64, tpu.core_type = #tpu.core_type<sc_vector_subcore>, window_params = [{transform_indices = #map}, {transform_indices = #map1}, {transform_indices = #map}, {transform_indices = #map1}]} {
    %mul3A = arith.constant 2 : i32
    %mul3A_0 = arith.muli %arg1, %mul3A : i32
    %add3A = arith.addi %mul3A_0, %arg0 : i32
    %mul3A_1 = arith.constant 5120 : i32
    %mul3A_2 = arith.muli %add3A, %mul3A_1 : i32
    %mul3A_3 = arith.constant 640 : i32
    %mul3A_4 = arith.muli %arg1, %mul3A_3 : i32
    "tpu.region"() ({
      %run_scoped3A = tpu.sem_alloc : memref<!tpu.dma_semaphore, #tpu.memory_space<semaphore_mem>>
      %dma_start3A_14 = arith.constant 0 : i32
      %dma_start3A_15 = arith.constant 0 : i32
      %dma_start3A_16 = tpu.memref_slice %arg3[%add3A, %dma_start3A_14, %dma_start3A_15] : memref<32x40x128xi32, #tpu.memory_space<hbm>> -> memref<1x40x128xi32, #tpu.memory_space<hbm>>
      %dma_start3A_17 = tpu.memref_squeeze %dma_start3A_16 : memref<1x40x128xi32, #tpu.memory_space<hbm>> -> memref<40x128xi32, #tpu.memory_space<hbm>>
      %dma_start3A_18 = arith.constant 0 : i32
      %dma_start3A_19 = arith.constant 0 : i32
      %dma_start3A_20 = tpu.memref_slice %arg3[%add3A, %dma_start3A_18, %dma_start3A_19] : memref<32x40x128xi32, #tpu.memory_space<hbm>> -> memref<1x40x128xi32, #tpu.memory_space<hbm>>
      %dma_start3A_21 = tpu.memref_squeeze %dma_start3A_20 : memref<1x40x128xi32, #tpu.memory_space<hbm>> -> memref<40x128xi32, #tpu.memory_space<hbm>>
      tpu.enqueue_dma source(%dma_start3A_21 : memref<40x128xi32, #tpu.memory_space<hbm>>) target(%arg6 : memref<40x128xi32, #tpu.memory_space<vmem>>) target_semaphore(%run_scoped3A : memref<!tpu.dma_semaphore, #tpu.memory_space<semaphore_mem>>)
      %dma_wait3A = arith.constant 0 : i32
      %dma_wait3A_22 = arith.constant 0 : i32
      %dma_wait3A_23 = tpu.memref_slice %arg3[%add3A, %dma_wait3A, %dma_wait3A_22] : memref<32x40x128xi32, #tpu.memory_space<hbm>> -> memref<1x40x128xi32, #tpu.memory_space<hbm>>
      %dma_wait3A_24 = tpu.memref_squeeze %dma_wait3A_23 : memref<1x40x128xi32, #tpu.memory_space<hbm>> -> memref<40x128xi32, #tpu.memory_space<hbm>>
      %dma_wait3A_25 = arith.constant 0 : i32
      %dma_wait3A_26 = arith.constant 0 : i32
      %dma_wait3A_27 = tpu.memref_slice %arg3[%add3A, %dma_wait3A_25, %dma_wait3A_26] : memref<32x40x128xi32, #tpu.memory_space<hbm>> -> memref<1x40x128xi32, #tpu.memory_space<hbm>>
      %dma_wait3A_28 = tpu.memref_squeeze %dma_wait3A_27 : memref<1x40x128xi32, #tpu.memory_space<hbm>> -> memref<40x128xi32, #tpu.memory_space<hbm>>
      tpu.wait_dma2 semaphore(%run_scoped3A : memref<!tpu.dma_semaphore, #tpu.memory_space<semaphore_mem>>) src(%dma_wait3A_28 : memref<40x128xi32, #tpu.memory_space<hbm>>) dst(%arg6 : memref<40x128xi32, #tpu.memory_space<vmem>>)
      tpu.yield
    }) : () -> ()
    "tpu.region"() ({
      %run_scoped3A = tpu.sem_alloc : memref<!tpu.dma_semaphore, #tpu.memory_space<semaphore_mem>>
      %dma_start3A_14 = arith.constant 0 : i32
      %dma_start3A_15 = tpu.memref_slice %arg12[%mul3A_4, %dma_start3A_14] : memref<10240x32xf32, #tpu.memory_space<vmem_shared>> -> memref<640x32xf32, #tpu.memory_space<vmem_shared>>
      %dma_start3A_16 = arith.constant 0 : i32
      %dma_start3A_17 = tpu.memref_slice %arg4[%mul3A_4, %dma_start3A_16] : memref<10240x32xf32, #tpu.memory_space<hbm>> -> memref<640x32xf32, #tpu.memory_space<hbm>>
      tpu.enqueue_dma source(%dma_start3A_17 : memref<640x32xf32, #tpu.memory_space<hbm>>) target(%dma_start3A_15 : memref<640x32xf32, #tpu.memory_space<vmem_shared>>) target_semaphore(%run_scoped3A : memref<!tpu.dma_semaphore, #tpu.memory_space<semaphore_mem>>)
      %dma_wait3A = arith.constant 0 : i32
      %dma_wait3A_18 = tpu.memref_slice %arg12[%mul3A_4, %dma_wait3A] : memref<10240x32xf32, #tpu.memory_space<vmem_shared>> -> memref<640x32xf32, #tpu.memory_space<vmem_shared>>
      %dma_wait3A_19 = arith.constant 0 : i32
      %dma_wait3A_20 = tpu.memref_slice %arg4[%mul3A_4, %dma_wait3A_19] : memref<10240x32xf32, #tpu.memory_space<hbm>> -> memref<640x32xf32, #tpu.memory_space<hbm>>
      tpu.wait_dma2 semaphore(%run_scoped3A : memref<!tpu.dma_semaphore, #tpu.memory_space<semaphore_mem>>) src(%dma_wait3A_20 : memref<640x32xf32, #tpu.memory_space<hbm>>) dst(%dma_wait3A_18 : memref<640x32xf32, #tpu.memory_space<vmem_shared>>)
      tpu.yield
    }) : () -> ()
    %barrier3A = arith.constant 0 : index
    tpu.barrier barrier_id(%barrier3A)
    %dma_start3A = arith.constant 0 : i32
    %dma_start3A_5 = tpu.memref_slice %arg2[%mul3A_2, %dma_start3A] : memref<163840x32xf32, #tpu.memory_space<hbm>> -> memref<128x32xf32, #tpu.memory_space<hbm>>
    %dma_start3A_6 = arith.constant 0 : i32
    %dma_start3A_7 = tpu.memref_slice %arg2[%mul3A_2, %dma_start3A_6] : memref<163840x32xf32, #tpu.memory_space<hbm>> -> memref<128x32xf32, #tpu.memory_space<hbm>>
    tpu.enqueue_dma source(%dma_start3A_7 : memref<128x32xf32, #tpu.memory_space<hbm>>) target(%arg7 : memref<128x32xf32, #tpu.memory_space<vmem>>) target_semaphore(%arg10 : memref<!tpu.dma_semaphore, #tpu.memory_space<semaphore_mem>>)
    %scan3A = arith.constant 0 : i32
    %scan3A_8 = arith.constant 0 : i32
    %scan3A_9 = arith.constant 20 : i32
    %scan3A_10 = arith.addi %scan3A_8, %scan3A_9 : i32
    %scan3A_11 = arith.constant 1 : i32
    scf.for %scan3A_14 = %scan3A_8 to %scan3A_10 step %scan3A_11  : i32 {
      %mul3A_15 = arith.constant 2 : i32
      %mul3A_16 = arith.muli %mul3A_15, %scan3A_14 : i32
      %add3A_17 = arith.constant 1 : i32
      %add3A_18 = arith.addi %mul3A_16, %add3A_17 : i32
      %mul3A_19 = arith.constant 128 : i32
      %mul3A_20 = arith.muli %add3A_18, %mul3A_19 : i32
      %add3A_21 = arith.addi %mul3A_2, %mul3A_20 : i32
      %dma_start3A_22 = arith.constant 0 : i32
      %dma_start3A_23 = tpu.memref_slice %arg2[%add3A_21, %dma_start3A_22] : memref<163840x32xf32, #tpu.memory_space<hbm>> -> memref<128x32xf32, #tpu.memory_space<hbm>>
      %dma_start3A_24 = arith.constant 0 : i32
      %dma_start3A_25 = tpu.memref_slice %arg2[%add3A_21, %dma_start3A_24] : memref<163840x32xf32, #tpu.memory_space<hbm>> -> memref<128x32xf32, #tpu.memory_space<hbm>>
      tpu.enqueue_dma source(%dma_start3A_25 : memref<128x32xf32, #tpu.memory_space<hbm>>) target(%arg8 : memref<128x32xf32, #tpu.memory_space<vmem>>) target_semaphore(%arg11 : memref<!tpu.dma_semaphore, #tpu.memory_space<semaphore_mem>>)
      %dma_wait3A = arith.constant 0 : i32
      %dma_wait3A_26 = arith.constant 0 : i32
      %dma_wait3A_27 = tpu.memref_slice %arg2[%dma_wait3A, %dma_wait3A_26] : memref<163840x32xf32, #tpu.memory_space<hbm>> -> memref<128x32xf32, #tpu.memory_space<hbm>>
      %dma_wait3A_28 = arith.constant 0 : i32
      %dma_wait3A_29 = arith.constant 0 : i32
      %dma_wait3A_30 = tpu.memref_slice %arg2[%dma_wait3A_28, %dma_wait3A_29] : memref<163840x32xf32, #tpu.memory_space<hbm>> -> memref<128x32xf32, #tpu.memory_space<hbm>>
      tpu.wait_dma2 semaphore(%arg10 : memref<!tpu.dma_semaphore, #tpu.memory_space<semaphore_mem>>) src(%dma_wait3A_30 : memref<128x32xf32, #tpu.memory_space<hbm>>) dst(%arg7 : memref<128x32xf32, #tpu.memory_space<vmem>>)
      "tpu.region"() ({
        %run_scoped3A = tpu.sem_alloc : memref<!tpu.dma_semaphore, #tpu.memory_space<semaphore_mem>>
        %dma_start3A_41 = arith.constant 0 : i32
        %dma_start3A_42 = tpu.memref_slice %arg6[%mul3A_16, %dma_start3A_41] : memref<40x128xi32, #tpu.memory_space<vmem>> -> memref<1x128xi32, #tpu.memory_space<vmem>>
        %dma_start3A_43 = tpu.memref_squeeze %dma_start3A_42 : memref<1x128xi32, #tpu.memory_space<vmem>> -> memref<128xi32, #tpu.memory_space<vmem>>
        %dma_start3A_44 = arith.constant 0 : i32
        %dma_start3A_45 = arith.constant 0 : i32
        %dma_start3A_46 = tpu.memref_slice %arg12[%dma_start3A_44, %dma_start3A_45] : memref<10240x32xf32, #tpu.memory_space<vmem_shared>> -> memref<10240x32xf32, #tpu.memory_space<vmem_shared>>
        tpu.enqueue_indirect_dma source(%arg7 : memref<128x32xf32, #tpu.memory_space<vmem>>) target(%dma_start3A_46 : memref<10240x32xf32, #tpu.memory_space<vmem_shared>>) offsets(%dma_start3A_43 : memref<128xi32, #tpu.memory_space<vmem>>) semaphore(%run_scoped3A : memref<!tpu.dma_semaphore, #tpu.memory_space<semaphore_mem>>) {add = true}
        %dma_wait3A_47 = arith.constant 0 : i32
        %dma_wait3A_48 = tpu.memref_slice %arg6[%mul3A_16, %dma_wait3A_47] : memref<40x128xi32, #tpu.memory_space<vmem>> -> memref<1x128xi32, #tpu.memory_space<vmem>>
        %dma_wait3A_49 = tpu.memref_squeeze %dma_wait3A_48 : memref<1x128xi32, #tpu.memory_space<vmem>> -> memref<128xi32, #tpu.memory_space<vmem>>
        %dma_wait3A_50 = arith.constant 0 : i32
        %dma_wait3A_51 = arith.constant 0 : i32
        %dma_wait3A_52 = tpu.memref_slice %arg12[%dma_wait3A_50, %dma_wait3A_51] : memref<10240x32xf32, #tpu.memory_space<vmem_shared>> -> memref<10240x32xf32, #tpu.memory_space<vmem_shared>>
        tpu.wait_indirect_dma semaphore(%run_scoped3A : memref<!tpu.dma_semaphore, #tpu.memory_space<semaphore_mem>>) src(%arg7 : memref<128x32xf32, #tpu.memory_space<vmem>>) dst(%dma_wait3A_52 : memref<10240x32xf32, #tpu.memory_space<vmem_shared>>)
        tpu.yield
      }) : () -> ()
      %add3A_31 = arith.constant 2 : i32
      %add3A_32 = arith.addi %mul3A_16, %add3A_31 : i32
      %lt3A = arith.constant 40 : i32
      %lt3A_33 = arith.cmpi slt, %add3A_32, %lt3A : i32
      %convert_element_type3A = arith.extui %lt3A_33 : i1 to i32
      %cond3A = arith.constant 0 : i32
      %cond3A_34 = arith.cmpi ne, %convert_element_type3A, %cond3A : i32
      scf.if %cond3A_34 {
        %add3A_41 = arith.constant 2 : i32
        %add3A_42 = arith.addi %mul3A_16, %add3A_41 : i32
        %mul3A_43 = arith.constant 128 : i32
        %mul3A_44 = arith.muli %add3A_42, %mul3A_43 : i32
        %add3A_45 = arith.addi %mul3A_2, %mul3A_44 : i32
        %dma_start3A_46 = arith.constant 0 : i32
        %dma_start3A_47 = tpu.memref_slice %arg2[%add3A_45, %dma_start3A_46] : memref<163840x32xf32, #tpu.memory_space<hbm>> -> memref<128x32xf32, #tpu.memory_space<hbm>>
        %dma_start3A_48 = arith.constant 0 : i32
        %dma_start3A_49 = tpu.memref_slice %arg2[%add3A_45, %dma_start3A_48] : memref<163840x32xf32, #tpu.memory_space<hbm>> -> memref<128x32xf32, #tpu.memory_space<hbm>>
        tpu.enqueue_dma source(%dma_start3A_49 : memref<128x32xf32, #tpu.memory_space<hbm>>) target(%arg7 : memref<128x32xf32, #tpu.memory_space<vmem>>) target_semaphore(%arg10 : memref<!tpu.dma_semaphore, #tpu.memory_space<semaphore_mem>>)
      } else {
      }
      %dma_wait3A_35 = arith.constant 0 : i32
      %dma_wait3A_36 = tpu.memref_slice %arg2[%add3A_21, %dma_wait3A_35] : memref<163840x32xf32, #tpu.memory_space<hbm>> -> memref<128x32xf32, #tpu.memory_space<hbm>>
      %dma_wait3A_37 = arith.constant 0 : i32
      %dma_wait3A_38 = tpu.memref_slice %arg2[%add3A_21, %dma_wait3A_37] : memref<163840x32xf32, #tpu.memory_space<hbm>> -> memref<128x32xf32, #tpu.memory_space<hbm>>
      tpu.wait_dma2 semaphore(%arg11 : memref<!tpu.dma_semaphore, #tpu.memory_space<semaphore_mem>>) src(%dma_wait3A_38 : memref<128x32xf32, #tpu.memory_space<hbm>>) dst(%arg8 : memref<128x32xf32, #tpu.memory_space<vmem>>)
      %add3A_39 = arith.constant 1 : i32
      %add3A_40 = arith.addi %mul3A_16, %add3A_39 : i32
      "tpu.region"() ({
        %run_scoped3A = tpu.sem_alloc : memref<!tpu.dma_semaphore, #tpu.memory_space<semaphore_mem>>
        %dma_start3A_41 = arith.constant 0 : i32
        %dma_start3A_42 = tpu.memref_slice %arg6[%add3A_40, %dma_start3A_41] : memref<40x128xi32, #tpu.memory_space<vmem>> -> memref<1x128xi32, #tpu.memory_space<vmem>>
        %dma_start3A_43 = tpu.memref_squeeze %dma_start3A_42 : memref<1x128xi32, #tpu.memory_space<vmem>> -> memref<128xi32, #tpu.memory_space<vmem>>
        %dma_start3A_44 = arith.constant 0 : i32
        %dma_start3A_45 = arith.constant 0 : i32
        %dma_start3A_46 = tpu.memref_slice %arg12[%dma_start3A_44, %dma_start3A_45] : memref<10240x32xf32, #tpu.memory_space<vmem_shared>> -> memref<10240x32xf32, #tpu.memory_space<vmem_shared>>
        tpu.enqueue_indirect_dma source(%arg8 : memref<128x32xf32, #tpu.memory_space<vmem>>) target(%dma_start3A_46 : memref<10240x32xf32, #tpu.memory_space<vmem_shared>>) offsets(%dma_start3A_43 : memref<128xi32, #tpu.memory_space<vmem>>) semaphore(%run_scoped3A : memref<!tpu.dma_semaphore, #tpu.memory_space<semaphore_mem>>) {add = true}
        %dma_wait3A_47 = arith.constant 0 : i32
        %dma_wait3A_48 = tpu.memref_slice %arg6[%add3A_40, %dma_wait3A_47] : memref<40x128xi32, #tpu.memory_space<vmem>> -> memref<1x128xi32, #tpu.memory_space<vmem>>
        %dma_wait3A_49 = tpu.memref_squeeze %dma_wait3A_48 : memref<1x128xi32, #tpu.memory_space<vmem>> -> memref<128xi32, #tpu.memory_space<vmem>>
        %dma_wait3A_50 = arith.constant 0 : i32
        %dma_wait3A_51 = arith.constant 0 : i32
        %dma_wait3A_52 = tpu.memref_slice %arg12[%dma_wait3A_50, %dma_wait3A_51] : memref<10240x32xf32, #tpu.memory_space<vmem_shared>> -> memref<10240x32xf32, #tpu.memory_space<vmem_shared>>
        tpu.wait_indirect_dma semaphore(%run_scoped3A : memref<!tpu.dma_semaphore, #tpu.memory_space<semaphore_mem>>) src(%arg8 : memref<128x32xf32, #tpu.memory_space<vmem>>) dst(%dma_wait3A_52 : memref<10240x32xf32, #tpu.memory_space<vmem_shared>>)
        tpu.yield
      }) : () -> ()
    }
    %scan3A_12 = arith.constant 20 : i32
    %barrier3A_13 = arith.constant 0 : index
    tpu.barrier barrier_id(%barrier3A_13)
    "tpu.region"() ({
      %run_scoped3A = tpu.sem_alloc : memref<!tpu.dma_semaphore, #tpu.memory_space<semaphore_mem>>
      %dma_start3A_14 = arith.constant 0 : i32
      %dma_start3A_15 = tpu.memref_slice %arg12[%mul3A_4, %dma_start3A_14] : memref<10240x32xf32, #tpu.memory_space<vmem_shared>> -> memref<640x32xf32, #tpu.memory_space<vmem_shared>>
      %dma_start3A_16 = arith.constant 0 : i32
      %dma_start3A_17 = tpu.memref_slice %arg12[%mul3A_4, %dma_start3A_16] : memref<10240x32xf32, #tpu.memory_space<vmem_shared>> -> memref<640x32xf32, #tpu.memory_space<vmem_shared>>
      tpu.enqueue_dma source(%dma_start3A_17 : memref<640x32xf32, #tpu.memory_space<vmem_shared>>) target(%arg9 : memref<640x32xf32, #tpu.memory_space<vmem>>) target_semaphore(%run_scoped3A : memref<!tpu.dma_semaphore, #tpu.memory_space<semaphore_mem>>)
      %dma_wait3A = arith.constant 0 : i32
      %dma_wait3A_18 = tpu.memref_slice %arg12[%mul3A_4, %dma_wait3A] : memref<10240x32xf32, #tpu.memory_space<vmem_shared>> -> memref<640x32xf32, #tpu.memory_space<vmem_shared>>
      %dma_wait3A_19 = arith.constant 0 : i32
      %dma_wait3A_20 = tpu.memref_slice %arg12[%mul3A_4, %dma_wait3A_19] : memref<10240x32xf32, #tpu.memory_space<vmem_shared>> -> memref<640x32xf32, #tpu.memory_space<vmem_shared>>
      tpu.wait_dma2 semaphore(%run_scoped3A : memref<!tpu.dma_semaphore, #tpu.memory_space<semaphore_mem>>) src(%dma_wait3A_20 : memref<640x32xf32, #tpu.memory_space<vmem_shared>>) dst(%arg9 : memref<640x32xf32, #tpu.memory_space<vmem>>)
      tpu.yield
    }) : () -> ()
    "tpu.region"() ({
      %run_scoped3A = tpu.sem_alloc : memref<!tpu.dma_semaphore, #tpu.memory_space<semaphore_mem>>
      %dma_start3A_14 = arith.constant 0 : i32
      %dma_start3A_15 = arith.constant 0 : i32
      %dma_start3A_16 = tpu.memref_slice %arg5[%arg0, %dma_start3A_14, %dma_start3A_15] : memref<2x10240x32xf32, #tpu.memory_space<hbm>> -> memref<1x10240x32xf32, #tpu.memory_space<hbm>>
      %dma_start3A_17 = tpu.memref_squeeze %dma_start3A_16 : memref<1x10240x32xf32, #tpu.memory_space<hbm>> -> memref<10240x32xf32, #tpu.memory_space<hbm>>
      %dma_start3A_18 = arith.constant 0 : i32
      %dma_start3A_19 = tpu.memref_slice %dma_start3A_17[%mul3A_4, %dma_start3A_18] : memref<10240x32xf32, #tpu.memory_space<hbm>> -> memref<640x32xf32, #tpu.memory_space<hbm>>
      %dma_start3A_20 = arith.constant 0 : i32
      %dma_start3A_21 = arith.constant 0 : i32
      %dma_start3A_22 = tpu.memref_slice %arg5[%arg0, %dma_start3A_20, %dma_start3A_21] : memref<2x10240x32xf32, #tpu.memory_space<hbm>> -> memref<1x10240x32xf32, #tpu.memory_space<hbm>>
      %dma_start3A_23 = tpu.memref_squeeze %dma_start3A_22 : memref<1x10240x32xf32, #tpu.memory_space<hbm>> -> memref<10240x32xf32, #tpu.memory_space<hbm>>
      %dma_start3A_24 = arith.constant 0 : i32
      %dma_start3A_25 = tpu.memref_slice %dma_start3A_23[%mul3A_4, %dma_start3A_24] : memref<10240x32xf32, #tpu.memory_space<hbm>> -> memref<640x32xf32, #tpu.memory_space<hbm>>
      tpu.enqueue_dma source(%arg9 : memref<640x32xf32, #tpu.memory_space<vmem>>) target(%dma_start3A_25 : memref<640x32xf32, #tpu.memory_space<hbm>>) target_semaphore(%run_scoped3A : memref<!tpu.dma_semaphore, #tpu.memory_space<semaphore_mem>>)
      %dma_wait3A = arith.constant 0 : i32
      %dma_wait3A_26 = arith.constant 0 : i32
      %dma_wait3A_27 = tpu.memref_slice %arg5[%arg0, %dma_wait3A, %dma_wait3A_26] : memref<2x10240x32xf32, #tpu.memory_space<hbm>> -> memref<1x10240x32xf32, #tpu.memory_space<hbm>>
      %dma_wait3A_28 = tpu.memref_squeeze %dma_wait3A_27 : memref<1x10240x32xf32, #tpu.memory_space<hbm>> -> memref<10240x32xf32, #tpu.memory_space<hbm>>
      %dma_wait3A_29 = arith.constant 0 : i32
      %dma_wait3A_30 = tpu.memref_slice %dma_wait3A_28[%mul3A_4, %dma_wait3A_29] : memref<10240x32xf32, #tpu.memory_space<hbm>> -> memref<640x32xf32, #tpu.memory_space<hbm>>
      %dma_wait3A_31 = arith.constant 0 : i32
      %dma_wait3A_32 = arith.constant 0 : i32
      %dma_wait3A_33 = tpu.memref_slice %arg5[%arg0, %dma_wait3A_31, %dma_wait3A_32] : memref<2x10240x32xf32, #tpu.memory_space<hbm>> -> memref<1x10240x32xf32, #tpu.memory_space<hbm>>
      %dma_wait3A_34 = tpu.memref_squeeze %dma_wait3A_33 : memref<1x10240x32xf32, #tpu.memory_space<hbm>> -> memref<10240x32xf32, #tpu.memory_space<hbm>>
      %dma_wait3A_35 = arith.constant 0 : i32
      %dma_wait3A_36 = tpu.memref_slice %dma_wait3A_34[%mul3A_4, %dma_wait3A_35] : memref<10240x32xf32, #tpu.memory_space<hbm>> -> memref<640x32xf32, #tpu.memory_space<hbm>>
      tpu.wait_dma2 semaphore(%run_scoped3A : memref<!tpu.dma_semaphore, #tpu.memory_space<semaphore_mem>>) src(%arg9 : memref<640x32xf32, #tpu.memory_space<vmem>>) dst(%dma_wait3A_36 : memref<640x32xf32, #tpu.memory_space<hbm>>)
      tpu.yield
    }) : () -> ()
    return
  }
}

#map = affine_map<(d0, d1) -> (0, 0)>
#map1 = affine_map<(d0, d1) -> (0, 0, 0)>
module attributes {stable_mosaic.version = 14 : i64} {
  func.func @_sc_scatter(%arg0: i32, %arg1: i32, %arg2: memref<163840x32xf32, #tpu.memory_space<hbm>>, %arg3: memref<32x40x128xi32, #tpu.memory_space<hbm>>, %arg4: memref<10240x32xf32, #tpu.memory_space<hbm>>, %arg5: memref<2x10240x32xf32, #tpu.memory_space<hbm>>, %arg6: memref<40x128xi32, #tpu.memory_space<vmem>>, %arg7: memref<128x32xf32, #tpu.memory_space<vmem>>, %arg8: memref<128x32xf32, #tpu.memory_space<vmem>>, %arg9: memref<640x32xf32, #tpu.memory_space<vmem>>, %arg10: memref<!tpu.dma_semaphore, #tpu.memory_space<semaphore_mem>>, %arg11: memref<!tpu.dma_semaphore, #tpu.memory_space<semaphore_mem>>, %arg12: memref<10240x32xf32, #tpu.memory_space<vmem_shared>>) attributes {dimension_semantics = [#tpu.dimension_semantics<core_parallel>, #tpu.dimension_semantics<subcore_parallel>], iteration_bounds = array<i64: 2, 16>, scalar_prefetch = 0 : i64, scratch_operands = 7 : i64, tpu.core_type = #tpu.core_type<sc_vector_subcore>, window_params = [{transform_indices = #map}, {transform_indices = #map1}, {transform_indices = #map}, {transform_indices = #map1}]} {
    %mul3A = arith.constant 2 : i32
    %mul3A_0 = arith.muli %arg1, %mul3A : i32
    %add3A = arith.addi %mul3A_0, %arg0 : i32
    %mul3A_1 = arith.constant 5120 : i32
    %mul3A_2 = arith.muli %add3A, %mul3A_1 : i32
    %mul3A_3 = arith.constant 640 : i32
    %mul3A_4 = arith.muli %arg1, %mul3A_3 : i32
    "tpu.region"() ({
      %run_scoped3A = tpu.sem_alloc : memref<!tpu.dma_semaphore, #tpu.memory_space<semaphore_mem>>
      %dma_start3A_14 = arith.constant 0 : i32
      %dma_start3A_15 = arith.constant 0 : i32
      %dma_start3A_16 = tpu.memref_slice %arg3[%add3A, %dma_start3A_14, %dma_start3A_15] : memref<32x40x128xi32, #tpu.memory_space<hbm>> -> memref<1x40x128xi32, #tpu.memory_space<hbm>>
      %dma_start3A_17 = tpu.memref_squeeze %dma_start3A_16 : memref<1x40x128xi32, #tpu.memory_space<hbm>> -> memref<40x128xi32, #tpu.memory_space<hbm>>
      %dma_start3A_18 = arith.constant 0 : i32
      %dma_start3A_19 = arith.constant 0 : i32
      %dma_start3A_20 = tpu.memref_slice %arg3[%add3A, %dma_start3A_18, %dma_start3A_19] : memref<32x40x128xi32, #tpu.memory_space<hbm>> -> memref<1x40x128xi32, #tpu.memory_space<hbm>>
      %dma_start3A_21 = tpu.memref_squeeze %dma_start3A_20 : memref<1x40x128xi32, #tpu.memory_space<hbm>> -> memref<40x128xi32, #tpu.memory_space<hbm>>
      tpu.enqueue_dma source(%dma_start3A_21 : memref<40x128xi32, #tpu.memory_space<hbm>>) target(%arg6 : memref<40x128xi32, #tpu.memory_space<vmem>>) target_semaphore(%run_scoped3A : memref<!tpu.dma_semaphore, #tpu.memory_space<semaphore_mem>>)
      %dma_wait3A = arith.constant 0 : i32
      %dma_wait3A_22 = arith.constant 0 : i32
      %dma_wait3A_23 = tpu.memref_slice %arg3[%add3A, %dma_wait3A, %dma_wait3A_22] : memref<32x40x128xi32, #tpu.memory_space<hbm>> -> memref<1x40x128xi32, #tpu.memory_space<hbm>>
      %dma_wait3A_24 = tpu.memref_squeeze %dma_wait3A_23 : memref<1x40x128xi32, #tpu.memory_space<hbm>> -> memref<40x128xi32, #tpu.memory_space<hbm>>
      %dma_wait3A_25 = arith.constant 0 : i32
      %dma_wait3A_26 = arith.constant 0 : i32
      %dma_wait3A_27 = tpu.memref_slice %arg3[%add3A, %dma_wait3A_25, %dma_wait3A_26] : memref<32x40x128xi32, #tpu.memory_space<hbm>> -> memref<1x40x128xi32, #tpu.memory_space<hbm>>
      %dma_wait3A_28 = tpu.memref_squeeze %dma_wait3A_27 : memref<1x40x128xi32, #tpu.memory_space<hbm>> -> memref<40x128xi32, #tpu.memory_space<hbm>>
      tpu.wait_dma2 semaphore(%run_scoped3A : memref<!tpu.dma_semaphore, #tpu.memory_space<semaphore_mem>>) src(%dma_wait3A_28 : memref<40x128xi32, #tpu.memory_space<hbm>>) dst(%arg6 : memref<40x128xi32, #tpu.memory_space<vmem>>)
      tpu.yield
    }) : () -> ()
    "tpu.region"() ({
      %run_scoped3A = tpu.sem_alloc : memref<!tpu.dma_semaphore, #tpu.memory_space<semaphore_mem>>
      %dma_start3A_14 = arith.constant 0 : i32
      %dma_start3A_15 = tpu.memref_slice %arg12[%mul3A_4, %dma_start3A_14] : memref<10240x32xf32, #tpu.memory_space<vmem_shared>> -> memref<640x32xf32, #tpu.memory_space<vmem_shared>>
      %dma_start3A_16 = arith.constant 0 : i32
      %dma_start3A_17 = tpu.memref_slice %arg4[%mul3A_4, %dma_start3A_16] : memref<10240x32xf32, #tpu.memory_space<hbm>> -> memref<640x32xf32, #tpu.memory_space<hbm>>
      tpu.enqueue_dma source(%dma_start3A_17 : memref<640x32xf32, #tpu.memory_space<hbm>>) target(%dma_start3A_15 : memref<640x32xf32, #tpu.memory_space<vmem_shared>>) target_semaphore(%run_scoped3A : memref<!tpu.dma_semaphore, #tpu.memory_space<semaphore_mem>>)
      %dma_wait3A = arith.constant 0 : i32
      %dma_wait3A_18 = tpu.memref_slice %arg12[%mul3A_4, %dma_wait3A] : memref<10240x32xf32, #tpu.memory_space<vmem_shared>> -> memref<640x32xf32, #tpu.memory_space<vmem_shared>>
      %dma_wait3A_19 = arith.constant 0 : i32
      %dma_wait3A_20 = tpu.memref_slice %arg4[%mul3A_4, %dma_wait3A_19] : memref<10240x32xf32, #tpu.memory_space<hbm>> -> memref<640x32xf32, #tpu.memory_space<hbm>>
      tpu.wait_dma2 semaphore(%run_scoped3A : memref<!tpu.dma_semaphore, #tpu.memory_space<semaphore_mem>>) src(%dma_wait3A_20 : memref<640x32xf32, #tpu.memory_space<hbm>>) dst(%dma_wait3A_18 : memref<640x32xf32, #tpu.memory_space<vmem_shared>>)
      tpu.yield
    }) : () -> ()
    %barrier3A = arith.constant 0 : index
    tpu.barrier barrier_id(%barrier3A)
    %dma_start3A = arith.constant 0 : i32
    %dma_start3A_5 = tpu.memref_slice %arg2[%mul3A_2, %dma_start3A] : memref<163840x32xf32, #tpu.memory_space<hbm>> -> memref<128x32xf32, #tpu.memory_space<hbm>>
    %dma_start3A_6 = arith.constant 0 : i32
    %dma_start3A_7 = tpu.memref_slice %arg2[%mul3A_2, %dma_start3A_6] : memref<163840x32xf32, #tpu.memory_space<hbm>> -> memref<128x32xf32, #tpu.memory_space<hbm>>
    tpu.enqueue_dma source(%dma_start3A_7 : memref<128x32xf32, #tpu.memory_space<hbm>>) target(%arg7 : memref<128x32xf32, #tpu.memory_space<vmem>>) target_semaphore(%arg10 : memref<!tpu.dma_semaphore, #tpu.memory_space<semaphore_mem>>)
    %scan3A = arith.constant 0 : i32
    %scan3A_8 = arith.constant 0 : i32
    %scan3A_9 = arith.constant 20 : i32
    %scan3A_10 = arith.addi %scan3A_8, %scan3A_9 : i32
    %scan3A_11 = arith.constant 1 : i32
    scf.for %scan3A_14 = %scan3A_8 to %scan3A_10 step %scan3A_11  : i32 {
      %mul3A_15 = arith.constant 2 : i32
      %mul3A_16 = arith.muli %mul3A_15, %scan3A_14 : i32
      %add3A_17 = arith.constant 1 : i32
      %add3A_18 = arith.addi %mul3A_16, %add3A_17 : i32
      %mul3A_19 = arith.constant 128 : i32
      %mul3A_20 = arith.muli %add3A_18, %mul3A_19 : i32
      %add3A_21 = arith.addi %mul3A_2, %mul3A_20 : i32
      %dma_start3A_22 = arith.constant 0 : i32
      %dma_start3A_23 = tpu.memref_slice %arg2[%add3A_21, %dma_start3A_22] : memref<163840x32xf32, #tpu.memory_space<hbm>> -> memref<128x32xf32, #tpu.memory_space<hbm>>
      %dma_start3A_24 = arith.constant 0 : i32
      %dma_start3A_25 = tpu.memref_slice %arg2[%add3A_21, %dma_start3A_24] : memref<163840x32xf32, #tpu.memory_space<hbm>> -> memref<128x32xf32, #tpu.memory_space<hbm>>
      tpu.enqueue_dma source(%dma_start3A_25 : memref<128x32xf32, #tpu.memory_space<hbm>>) target(%arg8 : memref<128x32xf32, #tpu.memory_space<vmem>>) target_semaphore(%arg11 : memref<!tpu.dma_semaphore, #tpu.memory_space<semaphore_mem>>)
      %dma_wait3A = arith.constant 0 : i32
      %dma_wait3A_26 = arith.constant 0 : i32
      %dma_wait3A_27 = tpu.memref_slice %arg2[%dma_wait3A, %dma_wait3A_26] : memref<163840x32xf32, #tpu.memory_space<hbm>> -> memref<128x32xf32, #tpu.memory_space<hbm>>
      %dma_wait3A_28 = arith.constant 0 : i32
      %dma_wait3A_29 = arith.constant 0 : i32
      %dma_wait3A_30 = tpu.memref_slice %arg2[%dma_wait3A_28, %dma_wait3A_29] : memref<163840x32xf32, #tpu.memory_space<hbm>> -> memref<128x32xf32, #tpu.memory_space<hbm>>
      tpu.wait_dma2 semaphore(%arg10 : memref<!tpu.dma_semaphore, #tpu.memory_space<semaphore_mem>>) src(%dma_wait3A_30 : memref<128x32xf32, #tpu.memory_space<hbm>>) dst(%arg7 : memref<128x32xf32, #tpu.memory_space<vmem>>)
      "tpu.region"() ({
        %run_scoped3A = tpu.sem_alloc : memref<!tpu.dma_semaphore, #tpu.memory_space<semaphore_mem>>
        %dma_start3A_41 = arith.constant 0 : i32
        %dma_start3A_42 = tpu.memref_slice %arg6[%mul3A_16, %dma_start3A_41] : memref<40x128xi32, #tpu.memory_space<vmem>> -> memref<1x128xi32, #tpu.memory_space<vmem>>
        %dma_start3A_43 = tpu.memref_squeeze %dma_start3A_42 : memref<1x128xi32, #tpu.memory_space<vmem>> -> memref<128xi32, #tpu.memory_space<vmem>>
        %dma_start3A_44 = arith.constant 0 : i32
        %dma_start3A_45 = arith.constant 0 : i32
        %dma_start3A_46 = tpu.memref_slice %arg12[%dma_start3A_44, %dma_start3A_45] : memref<10240x32xf32, #tpu.memory_space<vmem_shared>> -> memref<10240x32xf32, #tpu.memory_space<vmem_shared>>
        tpu.enqueue_indirect_dma source(%arg7 : memref<128x32xf32, #tpu.memory_space<vmem>>) target(%dma_start3A_46 : memref<10240x32xf32, #tpu.memory_space<vmem_shared>>) offsets(%dma_start3A_43 : memref<128xi32, #tpu.memory_space<vmem>>) semaphore(%run_scoped3A : memref<!tpu.dma_semaphore, #tpu.memory_space<semaphore_mem>>) {add = true}
        %dma_wait3A_47 = arith.constant 0 : i32
        %dma_wait3A_48 = tpu.memref_slice %arg6[%mul3A_16, %dma_wait3A_47] : memref<40x128xi32, #tpu.memory_space<vmem>> -> memref<1x128xi32, #tpu.memory_space<vmem>>
        %dma_wait3A_49 = tpu.memref_squeeze %dma_wait3A_48 : memref<1x128xi32, #tpu.memory_space<vmem>> -> memref<128xi32, #tpu.memory_space<vmem>>
        %dma_wait3A_50 = arith.constant 0 : i32
        %dma_wait3A_51 = arith.constant 0 : i32
        %dma_wait3A_52 = tpu.memref_slice %arg12[%dma_wait3A_50, %dma_wait3A_51] : memref<10240x32xf32, #tpu.memory_space<vmem_shared>> -> memref<10240x32xf32, #tpu.memory_space<vmem_shared>>
        tpu.wait_indirect_dma semaphore(%run_scoped3A : memref<!tpu.dma_semaphore, #tpu.memory_space<semaphore_mem>>) src(%arg7 : memref<128x32xf32, #tpu.memory_space<vmem>>) dst(%dma_wait3A_52 : memref<10240x32xf32, #tpu.memory_space<vmem_shared>>)
        tpu.yield
      }) : () -> ()
      %add3A_31 = arith.constant 2 : i32
      %add3A_32 = arith.addi %mul3A_16, %add3A_31 : i32
      %lt3A = arith.constant 40 : i32
      %lt3A_33 = arith.cmpi slt, %add3A_32, %lt3A : i32
      %convert_element_type3A = arith.extui %lt3A_33 : i1 to i32
      %cond3A = arith.constant 0 : i32
      %cond3A_34 = arith.cmpi ne, %convert_element_type3A, %cond3A : i32
      scf.if %cond3A_34 {
        %add3A_41 = arith.constant 2 : i32
        %add3A_42 = arith.addi %mul3A_16, %add3A_41 : i32
        %mul3A_43 = arith.constant 128 : i32
        %mul3A_44 = arith.muli %add3A_42, %mul3A_43 : i32
        %add3A_45 = arith.addi %mul3A_2, %mul3A_44 : i32
        %dma_start3A_46 = arith.constant 0 : i32
        %dma_start3A_47 = tpu.memref_slice %arg2[%add3A_45, %dma_start3A_46] : memref<163840x32xf32, #tpu.memory_space<hbm>> -> memref<128x32xf32, #tpu.memory_space<hbm>>
        %dma_start3A_48 = arith.constant 0 : i32
        %dma_start3A_49 = tpu.memref_slice %arg2[%add3A_45, %dma_start3A_48] : memref<163840x32xf32, #tpu.memory_space<hbm>> -> memref<128x32xf32, #tpu.memory_space<hbm>>
        tpu.enqueue_dma source(%dma_start3A_49 : memref<128x32xf32, #tpu.memory_space<hbm>>) target(%arg7 : memref<128x32xf32, #tpu.memory_space<vmem>>) target_semaphore(%arg10 : memref<!tpu.dma_semaphore, #tpu.memory_space<semaphore_mem>>)
      } else {
      }
      %dma_wait3A_35 = arith.constant 0 : i32
      %dma_wait3A_36 = tpu.memref_slice %arg2[%add3A_21, %dma_wait3A_35] : memref<163840x32xf32, #tpu.memory_space<hbm>> -> memref<128x32xf32, #tpu.memory_space<hbm>>
      %dma_wait3A_37 = arith.constant 0 : i32
      %dma_wait3A_38 = tpu.memref_slice %arg2[%add3A_21, %dma_wait3A_37] : memref<163840x32xf32, #tpu.memory_space<hbm>> -> memref<128x32xf32, #tpu.memory_space<hbm>>
      tpu.wait_dma2 semaphore(%arg11 : memref<!tpu.dma_semaphore, #tpu.memory_space<semaphore_mem>>) src(%dma_wait3A_38 : memref<128x32xf32, #tpu.memory_space<hbm>>) dst(%arg8 : memref<128x32xf32, #tpu.memory_space<vmem>>)
      %add3A_39 = arith.constant 1 : i32
      %add3A_40 = arith.addi %mul3A_16, %add3A_39 : i32
      "tpu.region"() ({
        %run_scoped3A = tpu.sem_alloc : memref<!tpu.dma_semaphore, #tpu.memory_space<semaphore_mem>>
        %dma_start3A_41 = arith.constant 0 : i32
        %dma_start3A_42 = tpu.memref_slice %arg6[%add3A_40, %dma_start3A_41] : memref<40x128xi32, #tpu.memory_space<vmem>> -> memref<1x128xi32, #tpu.memory_space<vmem>>
        %dma_start3A_43 = tpu.memref_squeeze %dma_start3A_42 : memref<1x128xi32, #tpu.memory_space<vmem>> -> memref<128xi32, #tpu.memory_space<vmem>>
        %dma_start3A_44 = arith.constant 0 : i32
        %dma_start3A_45 = arith.constant 0 : i32
        %dma_start3A_46 = tpu.memref_slice %arg12[%dma_start3A_44, %dma_start3A_45] : memref<10240x32xf32, #tpu.memory_space<vmem_shared>> -> memref<10240x32xf32, #tpu.memory_space<vmem_shared>>
        tpu.enqueue_indirect_dma source(%arg8 : memref<128x32xf32, #tpu.memory_space<vmem>>) target(%dma_start3A_46 : memref<10240x32xf32, #tpu.memory_space<vmem_shared>>) offsets(%dma_start3A_43 : memref<128xi32, #tpu.memory_space<vmem>>) semaphore(%run_scoped3A : memref<!tpu.dma_semaphore, #tpu.memory_space<semaphore_mem>>) {add = true}
        %dma_wait3A_47 = arith.constant 0 : i32
        %dma_wait3A_48 = tpu.memref_slice %arg6[%add3A_40, %dma_wait3A_47] : memref<40x128xi32, #tpu.memory_space<vmem>> -> memref<1x128xi32, #tpu.memory_space<vmem>>
        %dma_wait3A_49 = tpu.memref_squeeze %dma_wait3A_48 : memref<1x128xi32, #tpu.memory_space<vmem>> -> memref<128xi32, #tpu.memory_space<vmem>>
        %dma_wait3A_50 = arith.constant 0 : i32
        %dma_wait3A_51 = arith.constant 0 : i32
        %dma_wait3A_52 = tpu.memref_slice %arg12[%dma_wait3A_50, %dma_wait3A_51] : memref<10240x32xf32, #tpu.memory_space<vmem_shared>> -> memref<10240x32xf32, #tpu.memory_space<vmem_shared>>
        tpu.wait_indirect_dma semaphore(%run_scoped3A : memref<!tpu.dma_semaphore, #tpu.memory_space<semaphore_mem>>) src(%arg8 : memref<128x32xf32, #tpu.memory_space<vmem>>) dst(%dma_wait3A_52 : memref<10240x32xf32, #tpu.memory_space<vmem_shared>>)
        tpu.yield
      }) : () -> ()
    }
    %scan3A_12 = arith.constant 20 : i32
    %barrier3A_13 = arith.constant 0 : index
    tpu.barrier barrier_id(%barrier3A_13)
    "tpu.region"() ({
      %run_scoped3A = tpu.sem_alloc : memref<!tpu.dma_semaphore, #tpu.memory_space<semaphore_mem>>
      %dma_start3A_14 = arith.constant 0 : i32
      %dma_start3A_15 = tpu.memref_slice %arg12[%mul3A_4, %dma_start3A_14] : memref<10240x32xf32, #tpu.memory_space<vmem_shared>> -> memref<640x32xf32, #tpu.memory_space<vmem_shared>>
      %dma_start3A_16 = arith.constant 0 : i32
      %dma_start3A_17 = tpu.memref_slice %arg12[%mul3A_4, %dma_start3A_16] : memref<10240x32xf32, #tpu.memory_space<vmem_shared>> -> memref<640x32xf32, #tpu.memory_space<vmem_shared>>
      tpu.enqueue_dma source(%dma_start3A_17 : memref<640x32xf32, #tpu.memory_space<vmem_shared>>) target(%arg9 : memref<640x32xf32, #tpu.memory_space<vmem>>) target_semaphore(%run_scoped3A : memref<!tpu.dma_semaphore, #tpu.memory_space<semaphore_mem>>)
      %dma_wait3A = arith.constant 0 : i32
      %dma_wait3A_18 = tpu.memref_slice %arg12[%mul3A_4, %dma_wait3A] : memref<10240x32xf32, #tpu.memory_space<vmem_shared>> -> memref<640x32xf32, #tpu.memory_space<vmem_shared>>
      %dma_wait3A_19 = arith.constant 0 : i32
      %dma_wait3A_20 = tpu.memref_slice %arg12[%mul3A_4, %dma_wait3A_19] : memref<10240x32xf32, #tpu.memory_space<vmem_shared>> -> memref<640x32xf32, #tpu.memory_space<vmem_shared>>
      tpu.wait_dma2 semaphore(%run_scoped3A : memref<!tpu.dma_semaphore, #tpu.memory_space<semaphore_mem>>) src(%dma_wait3A_20 : memref<640x32xf32, #tpu.memory_space<vmem_shared>>) dst(%arg9 : memref<640x32xf32, #tpu.memory_space<vmem>>)
      tpu.yield
    }) : () -> ()
    "tpu.region"() ({
      %run_scoped3A = tpu.sem_alloc : memref<!tpu.dma_semaphore, #tpu.memory_space<semaphore_mem>>
      %dma_start3A_14 = arith.constant 0 : i32
      %dma_start3A_15 = arith.constant 0 : i32
      %dma_start3A_16 = tpu.memref_slice %arg5[%arg0, %dma_start3A_14, %dma_start3A_15] : memref<2x10240x32xf32, #tpu.memory_space<hbm>> -> memref<1x10240x32xf32, #tpu.memory_space<hbm>>
      %dma_start3A_17 = tpu.memref_squeeze %dma_start3A_16 : memref<1x10240x32xf32, #tpu.memory_space<hbm>> -> memref<10240x32xf32, #tpu.memory_space<hbm>>
      %dma_start3A_18 = arith.constant 0 : i32
      %dma_start3A_19 = tpu.memref_slice %dma_start3A_17[%mul3A_4, %dma_start3A_18] : memref<10240x32xf32, #tpu.memory_space<hbm>> -> memref<640x32xf32, #tpu.memory_space<hbm>>
      %dma_start3A_20 = arith.constant 0 : i32
      %dma_start3A_21 = arith.constant 0 : i32
      %dma_start3A_22 = tpu.memref_slice %arg5[%arg0, %dma_start3A_20, %dma_start3A_21] : memref<2x10240x32xf32, #tpu.memory_space<hbm>> -> memref<1x10240x32xf32, #tpu.memory_space<hbm>>
      %dma_start3A_23 = tpu.memref_squeeze %dma_start3A_22 : memref<1x10240x32xf32, #tpu.memory_space<hbm>> -> memref<10240x32xf32, #tpu.memory_space<hbm>>
      %dma_start3A_24 = arith.constant 0 : i32
      %dma_start3A_25 = tpu.memref_slice %dma_start3A_23[%mul3A_4, %dma_start3A_24] : memref<10240x32xf32, #tpu.memory_space<hbm>> -> memref<640x32xf32, #tpu.memory_space<hbm>>
      tpu.enqueue_dma source(%arg9 : memref<640x32xf32, #tpu.memory_space<vmem>>) target(%dma_start3A_25 : memref<640x32xf32, #tpu.memory_space<hbm>>) target_semaphore(%run_scoped3A : memref<!tpu.dma_semaphore, #tpu.memory_space<semaphore_mem>>)
      %dma_wait3A = arith.constant 0 : i32
      %dma_wait3A_26 = arith.constant 0 : i32
      %dma_wait3A_27 = tpu.memref_slice %arg5[%arg0, %dma_wait3A, %dma_wait3A_26] : memref<2x10240x32xf32, #tpu.memory_space<hbm>> -> memref<1x10240x32xf32, #tpu.memory_space<hbm>>
      %dma_wait3A_28 = tpu.memref_squeeze %dma_wait3A_27 : memref<1x10240x32xf32, #tpu.memory_space<hbm>> -> memref<10240x32xf32, #tpu.memory_space<hbm>>
      %dma_wait3A_29 = arith.constant 0 : i32
      %dma_wait3A_30 = tpu.memref_slice %dma_wait3A_28[%mul3A_4, %dma_wait3A_29] : memref<10240x32xf32, #tpu.memory_space<hbm>> -> memref<640x32xf32, #tpu.memory_space<hbm>>
      %dma_wait3A_31 = arith.constant 0 : i32
      %dma_wait3A_32 = arith.constant 0 : i32
      %dma_wait3A_33 = tpu.memref_slice %arg5[%arg0, %dma_wait3A_31, %dma_wait3A_32] : memref<2x10240x32xf32, #tpu.memory_space<hbm>> -> memref<1x10240x32xf32, #tpu.memory_space<hbm>>
      %dma_wait3A_34 = tpu.memref_squeeze %dma_wait3A_33 : memref<1x10240x32xf32, #tpu.memory_space<hbm>> -> memref<10240x32xf32, #tpu.memory_space<hbm>>
      %dma_wait3A_35 = arith.constant 0 : i32
      %dma_wait3A_36 = tpu.memref_slice %dma_wait3A_34[%mul3A_4, %dma_wait3A_35] : memref<10240x32xf32, #tpu.memory_space<hbm>> -> memref<640x32xf32, #tpu.memory_space<hbm>>
      tpu.wait_dma2 semaphore(%run_scoped3A : memref<!tpu.dma_semaphore, #tpu.memory_space<semaphore_mem>>) src(%arg9 : memref<640x32xf32, #tpu.memory_space<vmem>>) dst(%dma_wait3A_36 : memref<640x32xf32, #tpu.memory_space<hbm>>)
      tpu.yield
    }) : () -> ()
    return
  }
}

#map = affine_map<(d0, d1) -> (0, 0)>
#map1 = affine_map<(d0, d1) -> (0, 0, 0)>
module attributes {stable_mosaic.version = 14 : i64} {
  func.func @_sc_gather(%arg0: i32, %arg1: i32, %arg2: memref<10000x32xf32, #tpu.memory_space<hbm>>, %arg3: memref<32x40x128xi32, #tpu.memory_space<hbm>>, %arg4: memref<163840x32xf32, #tpu.memory_space<hbm>>, %arg5: memref<40x128xi32, #tpu.memory_space<vmem>>, %arg6: memref<128x32xf32, #tpu.memory_space<vmem>>, %arg7: memref<128x32xf32, #tpu.memory_space<vmem>>, %arg8: memref<!tpu.dma_semaphore, #tpu.memory_space<semaphore_mem>>, %arg9: memref<!tpu.dma_semaphore, #tpu.memory_space<semaphore_mem>>) attributes {dimension_semantics = [#tpu.dimension_semantics<core_parallel>, #tpu.dimension_semantics<subcore_parallel>], iteration_bounds = array<i64: 2, 16>, scalar_prefetch = 0 : i64, scratch_operands = 5 : i64, tpu.core_type = #tpu.core_type<sc_vector_subcore>, window_params = [{transform_indices = #map}, {transform_indices = #map1}, {transform_indices = #map}]} {
    %mul3A = arith.constant 2 : i32
    %mul3A_0 = arith.muli %arg1, %mul3A : i32
    %add3A = arith.addi %mul3A_0, %arg0 : i32
    %mul3A_1 = arith.constant 5120 : i32
    %mul3A_2 = arith.muli %add3A, %mul3A_1 : i32
    "tpu.region"() ({
      %run_scoped3A = tpu.sem_alloc : memref<!tpu.dma_semaphore, #tpu.memory_space<semaphore_mem>>
      %dma_start3A_14 = arith.constant 0 : i32
      %dma_start3A_15 = arith.constant 0 : i32
      %dma_start3A_16 = tpu.memref_slice %arg3[%add3A, %dma_start3A_14, %dma_start3A_15] : memref<32x40x128xi32, #tpu.memory_space<hbm>> -> memref<1x40x128xi32, #tpu.memory_space<hbm>>
      %dma_start3A_17 = tpu.memref_squeeze %dma_start3A_16 : memref<1x40x128xi32, #tpu.memory_space<hbm>> -> memref<40x128xi32, #tpu.memory_space<hbm>>
      %dma_start3A_18 = arith.constant 0 : i32
      %dma_start3A_19 = arith.constant 0 : i32
      %dma_start3A_20 = tpu.memref_slice %arg3[%add3A, %dma_start3A_18, %dma_start3A_19] : memref<32x40x128xi32, #tpu.memory_space<hbm>> -> memref<1x40x128xi32, #tpu.memory_space<hbm>>
      %dma_start3A_21 = tpu.memref_squeeze %dma_start3A_20 : memref<1x40x128xi32, #tpu.memory_space<hbm>> -> memref<40x128xi32, #tpu.memory_space<hbm>>
      tpu.enqueue_dma source(%dma_start3A_21 : memref<40x128xi32, #tpu.memory_space<hbm>>) target(%arg5 : memref<40x128xi32, #tpu.memory_space<vmem>>) target_semaphore(%run_scoped3A : memref<!tpu.dma_semaphore, #tpu.memory_space<semaphore_mem>>)
      %dma_wait3A = arith.constant 0 : i32
      %dma_wait3A_22 = arith.constant 0 : i32
      %dma_wait3A_23 = tpu.memref_slice %arg3[%add3A, %dma_wait3A, %dma_wait3A_22] : memref<32x40x128xi32, #tpu.memory_space<hbm>> -> memref<1x40x128xi32, #tpu.memory_space<hbm>>
      %dma_wait3A_24 = tpu.memref_squeeze %dma_wait3A_23 : memref<1x40x128xi32, #tpu.memory_space<hbm>> -> memref<40x128xi32, #tpu.memory_space<hbm>>
      %dma_wait3A_25 = arith.constant 0 : i32
      %dma_wait3A_26 = arith.constant 0 : i32
      %dma_wait3A_27 = tpu.memref_slice %arg3[%add3A, %dma_wait3A_25, %dma_wait3A_26] : memref<32x40x128xi32, #tpu.memory_space<hbm>> -> memref<1x40x128xi32, #tpu.memory_space<hbm>>
      %dma_wait3A_28 = tpu.memref_squeeze %dma_wait3A_27 : memref<1x40x128xi32, #tpu.memory_space<hbm>> -> memref<40x128xi32, #tpu.memory_space<hbm>>
      tpu.wait_dma2 semaphore(%run_scoped3A : memref<!tpu.dma_semaphore, #tpu.memory_space<semaphore_mem>>) src(%dma_wait3A_28 : memref<40x128xi32, #tpu.memory_space<hbm>>) dst(%arg5 : memref<40x128xi32, #tpu.memory_space<vmem>>)
      tpu.yield
    }) : () -> ()
    %dma_start3A = arith.constant 0 : i32
    %dma_start3A_3 = arith.constant 0 : i32
    %dma_start3A_4 = tpu.memref_slice %arg5[%dma_start3A, %dma_start3A_3] : memref<40x128xi32, #tpu.memory_space<vmem>> -> memref<1x128xi32, #tpu.memory_space<vmem>>
    %dma_start3A_5 = tpu.memref_squeeze %dma_start3A_4 : memref<1x128xi32, #tpu.memory_space<vmem>> -> memref<128xi32, #tpu.memory_space<vmem>>
    %dma_start3A_6 = arith.constant 0 : i32
    %dma_start3A_7 = arith.constant 0 : i32
    %dma_start3A_8 = tpu.memref_slice %arg2[%dma_start3A_6, %dma_start3A_7] : memref<10000x32xf32, #tpu.memory_space<hbm>> -> memref<10000x32xf32, #tpu.memory_space<hbm>>
    tpu.enqueue_indirect_dma source(%dma_start3A_8 : memref<10000x32xf32, #tpu.memory_space<hbm>>) target(%arg6 : memref<128x32xf32, #tpu.memory_space<vmem>>) offsets(%dma_start3A_5 : memref<128xi32, #tpu.memory_space<vmem>>) semaphore(%arg8 : memref<!tpu.dma_semaphore, #tpu.memory_space<semaphore_mem>>)
    %scan3A = arith.constant 0 : i32
    %scan3A_9 = arith.constant 0 : i32
    %scan3A_10 = arith.constant 20 : i32
    %scan3A_11 = arith.addi %scan3A_9, %scan3A_10 : i32
    %scan3A_12 = arith.constant 1 : i32
    scf.for %scan3A_14 = %scan3A_9 to %scan3A_11 step %scan3A_12  : i32 {
      %mul3A_15 = arith.constant 2 : i32
      %mul3A_16 = arith.muli %mul3A_15, %scan3A_14 : i32
      %add3A_17 = arith.constant 1 : i32
      %add3A_18 = arith.addi %mul3A_16, %add3A_17 : i32
      %dma_start3A_19 = arith.constant 0 : i32
      %dma_start3A_20 = tpu.memref_slice %arg5[%add3A_18, %dma_start3A_19] : memref<40x128xi32, #tpu.memory_space<vmem>> -> memref<1x128xi32, #tpu.memory_space<vmem>>
      %dma_start3A_21 = tpu.memref_squeeze %dma_start3A_20 : memref<1x128xi32, #tpu.memory_space<vmem>> -> memref<128xi32, #tpu.memory_space<vmem>>
      %dma_start3A_22 = arith.constant 0 : i32
      %dma_start3A_23 = arith.constant 0 : i32
      %dma_start3A_24 = tpu.memref_slice %arg2[%dma_start3A_22, %dma_start3A_23] : memref<10000x32xf32, #tpu.memory_space<hbm>> -> memref<10000x32xf32, #tpu.memory_space<hbm>>
      tpu.enqueue_indirect_dma source(%dma_start3A_24 : memref<10000x32xf32, #tpu.memory_space<hbm>>) target(%arg7 : memref<128x32xf32, #tpu.memory_space<vmem>>) offsets(%dma_start3A_21 : memref<128xi32, #tpu.memory_space<vmem>>) semaphore(%arg9 : memref<!tpu.dma_semaphore, #tpu.memory_space<semaphore_mem>>)
      %dma_wait3A = arith.constant 0 : i32
      %dma_wait3A_25 = arith.constant 0 : i32
      %dma_wait3A_26 = tpu.memref_slice %arg2[%dma_wait3A, %dma_wait3A_25] : memref<10000x32xf32, #tpu.memory_space<hbm>> -> memref<128x32xf32, #tpu.memory_space<hbm>>
      %dma_wait3A_27 = arith.constant 0 : i32
      %dma_wait3A_28 = arith.constant 0 : i32
      %dma_wait3A_29 = tpu.memref_slice %arg2[%dma_wait3A_27, %dma_wait3A_28] : memref<10000x32xf32, #tpu.memory_space<hbm>> -> memref<128x32xf32, #tpu.memory_space<hbm>>
      tpu.wait_dma2 semaphore(%arg8 : memref<!tpu.dma_semaphore, #tpu.memory_space<semaphore_mem>>) src(%dma_wait3A_29 : memref<128x32xf32, #tpu.memory_space<hbm>>) dst(%arg6 : memref<128x32xf32, #tpu.memory_space<vmem>>)
      %mul3A_30 = arith.constant 128 : i32
      %mul3A_31 = arith.muli %mul3A_16, %mul3A_30 : i32
      %add3A_32 = arith.addi %mul3A_2, %mul3A_31 : i32
      "tpu.region"() ({
        %run_scoped3A = tpu.sem_alloc : memref<!tpu.dma_semaphore, #tpu.memory_space<semaphore_mem>>
        %dma_start3A_48 = arith.constant 0 : i32
        %dma_start3A_49 = tpu.memref_slice %arg4[%add3A_32, %dma_start3A_48] : memref<163840x32xf32, #tpu.memory_space<hbm>> -> memref<128x32xf32, #tpu.memory_space<hbm>>
        %dma_start3A_50 = arith.constant 0 : i32
        %dma_start3A_51 = tpu.memref_slice %arg4[%add3A_32, %dma_start3A_50] : memref<163840x32xf32, #tpu.memory_space<hbm>> -> memref<128x32xf32, #tpu.memory_space<hbm>>
        tpu.enqueue_dma source(%arg6 : memref<128x32xf32, #tpu.memory_space<vmem>>) target(%dma_start3A_51 : memref<128x32xf32, #tpu.memory_space<hbm>>) target_semaphore(%run_scoped3A : memref<!tpu.dma_semaphore, #tpu.memory_space<semaphore_mem>>)
        %dma_wait3A_52 = arith.constant 0 : i32
        %dma_wait3A_53 = tpu.memref_slice %arg4[%add3A_32, %dma_wait3A_52] : memref<163840x32xf32, #tpu.memory_space<hbm>> -> memref<128x32xf32, #tpu.memory_space<hbm>>
        %dma_wait3A_54 = arith.constant 0 : i32
        %dma_wait3A_55 = tpu.memref_slice %arg4[%add3A_32, %dma_wait3A_54] : memref<163840x32xf32, #tpu.memory_space<hbm>> -> memref<128x32xf32, #tpu.memory_space<hbm>>
        tpu.wait_dma2 semaphore(%run_scoped3A : memref<!tpu.dma_semaphore, #tpu.memory_space<semaphore_mem>>) src(%arg6 : memref<128x32xf32, #tpu.memory_space<vmem>>) dst(%dma_wait3A_55 : memref<128x32xf32, #tpu.memory_space<hbm>>)
        tpu.yield
      }) : () -> ()
      %add3A_33 = arith.constant 2 : i32
      %add3A_34 = arith.addi %mul3A_16, %add3A_33 : i32
      %lt3A = arith.constant 40 : i32
      %lt3A_35 = arith.cmpi slt, %add3A_34, %lt3A : i32
      %convert_element_type3A = arith.extui %lt3A_35 : i1 to i32
      %cond3A = arith.constant 0 : i32
      %cond3A_36 = arith.cmpi ne, %convert_element_type3A, %cond3A : i32
      scf.if %cond3A_36 {
        %add3A_48 = arith.constant 2 : i32
        %add3A_49 = arith.addi %mul3A_16, %add3A_48 : i32
        %dma_start3A_50 = arith.constant 0 : i32
        %dma_start3A_51 = tpu.memref_slice %arg5[%add3A_49, %dma_start3A_50] : memref<40x128xi32, #tpu.memory_space<vmem>> -> memref<1x128xi32, #tpu.memory_space<vmem>>
        %dma_start3A_52 = tpu.memref_squeeze %dma_start3A_51 : memref<1x128xi32, #tpu.memory_space<vmem>> -> memref<128xi32, #tpu.memory_space<vmem>>
        %dma_start3A_53 = arith.constant 0 : i32
        %dma_start3A_54 = arith.constant 0 : i32
        %dma_start3A_55 = tpu.memref_slice %arg2[%dma_start3A_53, %dma_start3A_54] : memref<10000x32xf32, #tpu.memory_space<hbm>> -> memref<10000x32xf32, #tpu.memory_space<hbm>>
        tpu.enqueue_indirect_dma source(%dma_start3A_55 : memref<10000x32xf32, #tpu.memory_space<hbm>>) target(%arg6 : memref<128x32xf32, #tpu.memory_space<vmem>>) offsets(%dma_start3A_52 : memref<128xi32, #tpu.memory_space<vmem>>) semaphore(%arg8 : memref<!tpu.dma_semaphore, #tpu.memory_space<semaphore_mem>>)
      } else {
      }
      %dma_wait3A_37 = arith.constant 0 : i32
      %dma_wait3A_38 = tpu.memref_slice %arg5[%add3A_18, %dma_wait3A_37] : memref<40x128xi32, #tpu.memory_space<vmem>> -> memref<1x128xi32, #tpu.memory_space<vmem>>
      %dma_wait3A_39 = tpu.memref_squeeze %dma_wait3A_38 : memref<1x128xi32, #tpu.memory_space<vmem>> -> memref<128xi32, #tpu.memory_space<vmem>>
      %dma_wait3A_40 = arith.constant 0 : i32
      %dma_wait3A_41 = arith.constant 0 : i32
      %dma_wait3A_42 = tpu.memref_slice %arg2[%dma_wait3A_40, %dma_wait3A_41] : memref<10000x32xf32, #tpu.memory_space<hbm>> -> memref<10000x32xf32, #tpu.memory_space<hbm>>
      tpu.wait_indirect_dma semaphore(%arg9 : memref<!tpu.dma_semaphore, #tpu.memory_space<semaphore_mem>>) src(%dma_wait3A_42 : memref<10000x32xf32, #tpu.memory_space<hbm>>) dst(%arg7 : memref<128x32xf32, #tpu.memory_space<vmem>>)
      %add3A_43 = arith.constant 1 : i32
      %add3A_44 = arith.addi %mul3A_16, %add3A_43 : i32
      %mul3A_45 = arith.constant 128 : i32
      %mul3A_46 = arith.muli %add3A_44, %mul3A_45 : i32
      %add3A_47 = arith.addi %mul3A_2, %mul3A_46 : i32
      "tpu.region"() ({
        %run_scoped3A = tpu.sem_alloc : memref<!tpu.dma_semaphore, #tpu.memory_space<semaphore_mem>>
        %dma_start3A_48 = arith.constant 0 : i32
        %dma_start3A_49 = tpu.memref_slice %arg4[%add3A_47, %dma_start3A_48] : memref<163840x32xf32, #tpu.memory_space<hbm>> -> memref<128x32xf32, #tpu.memory_space<hbm>>
        %dma_start3A_50 = arith.constant 0 : i32
        %dma_start3A_51 = tpu.memref_slice %arg4[%add3A_47, %dma_start3A_50] : memref<163840x32xf32, #tpu.memory_space<hbm>> -> memref<128x32xf32, #tpu.memory_space<hbm>>
        tpu.enqueue_dma source(%arg7 : memref<128x32xf32, #tpu.memory_space<vmem>>) target(%dma_start3A_51 : memref<128x32xf32, #tpu.memory_space<hbm>>) target_semaphore(%run_scoped3A : memref<!tpu.dma_semaphore, #tpu.memory_space<semaphore_mem>>)
        %dma_wait3A_52 = arith.constant 0 : i32
        %dma_wait3A_53 = tpu.memref_slice %arg4[%add3A_47, %dma_wait3A_52] : memref<163840x32xf32, #tpu.memory_space<hbm>> -> memref<128x32xf32, #tpu.memory_space<hbm>>
        %dma_wait3A_54 = arith.constant 0 : i32
        %dma_wait3A_55 = tpu.memref_slice %arg4[%add3A_47, %dma_wait3A_54] : memref<163840x32xf32, #tpu.memory_space<hbm>> -> memref<128x32xf32, #tpu.memory_space<hbm>>
        tpu.wait_dma2 semaphore(%run_scoped3A : memref<!tpu.dma_semaphore, #tpu.memory_space<semaphore_mem>>) src(%arg7 : memref<128x32xf32, #tpu.memory_space<vmem>>) dst(%dma_wait3A_55 : memref<128x32xf32, #tpu.memory_space<hbm>>)
        tpu.yield
      }) : () -> ()
    }
    %scan3A_13 = arith.constant 20 : i32
    return
  }
}

#map = affine_map<(d0, d1) -> (0, 0)>
#map1 = affine_map<(d0, d1) -> (0, 0, 0)>
module attributes {stable_mosaic.version = 14 : i64} {
  func.func @_sc_scatter(%arg0: i32, %arg1: i32, %arg2: memref<163840x32xf32, #tpu.memory_space<hbm>>, %arg3: memref<32x40x128xi32, #tpu.memory_space<hbm>>, %arg4: memref<10240x32xf32, #tpu.memory_space<hbm>>, %arg5: memref<2x10240x32xf32, #tpu.memory_space<hbm>>, %arg6: memref<40x128xi32, #tpu.memory_space<vmem>>, %arg7: memref<128x32xf32, #tpu.memory_space<vmem>>, %arg8: memref<128x32xf32, #tpu.memory_space<vmem>>, %arg9: memref<640x32xf32, #tpu.memory_space<vmem>>, %arg10: memref<!tpu.dma_semaphore, #tpu.memory_space<semaphore_mem>>, %arg11: memref<!tpu.dma_semaphore, #tpu.memory_space<semaphore_mem>>, %arg12: memref<10240x32xf32, #tpu.memory_space<vmem_shared>>) attributes {dimension_semantics = [#tpu.dimension_semantics<core_parallel>, #tpu.dimension_semantics<subcore_parallel>], iteration_bounds = array<i64: 2, 16>, scalar_prefetch = 0 : i64, scratch_operands = 7 : i64, tpu.core_type = #tpu.core_type<sc_vector_subcore>, window_params = [{transform_indices = #map}, {transform_indices = #map1}, {transform_indices = #map}, {transform_indices = #map1}]} {
    %mul3A = arith.constant 2 : i32
    %mul3A_0 = arith.muli %arg1, %mul3A : i32
    %add3A = arith.addi %mul3A_0, %arg0 : i32
    %mul3A_1 = arith.constant 5120 : i32
    %mul3A_2 = arith.muli %add3A, %mul3A_1 : i32
    %mul3A_3 = arith.constant 640 : i32
    %mul3A_4 = arith.muli %arg1, %mul3A_3 : i32
    "tpu.region"() ({
      %run_scoped3A = tpu.sem_alloc : memref<!tpu.dma_semaphore, #tpu.memory_space<semaphore_mem>>
      %dma_start3A_14 = arith.constant 0 : i32
      %dma_start3A_15 = arith.constant 0 : i32
      %dma_start3A_16 = tpu.memref_slice %arg3[%add3A, %dma_start3A_14, %dma_start3A_15] : memref<32x40x128xi32, #tpu.memory_space<hbm>> -> memref<1x40x128xi32, #tpu.memory_space<hbm>>
      %dma_start3A_17 = tpu.memref_squeeze %dma_start3A_16 : memref<1x40x128xi32, #tpu.memory_space<hbm>> -> memref<40x128xi32, #tpu.memory_space<hbm>>
      %dma_start3A_18 = arith.constant 0 : i32
      %dma_start3A_19 = arith.constant 0 : i32
      %dma_start3A_20 = tpu.memref_slice %arg3[%add3A, %dma_start3A_18, %dma_start3A_19] : memref<32x40x128xi32, #tpu.memory_space<hbm>> -> memref<1x40x128xi32, #tpu.memory_space<hbm>>
      %dma_start3A_21 = tpu.memref_squeeze %dma_start3A_20 : memref<1x40x128xi32, #tpu.memory_space<hbm>> -> memref<40x128xi32, #tpu.memory_space<hbm>>
      tpu.enqueue_dma source(%dma_start3A_21 : memref<40x128xi32, #tpu.memory_space<hbm>>) target(%arg6 : memref<40x128xi32, #tpu.memory_space<vmem>>) target_semaphore(%run_scoped3A : memref<!tpu.dma_semaphore, #tpu.memory_space<semaphore_mem>>)
      %dma_wait3A = arith.constant 0 : i32
      %dma_wait3A_22 = arith.constant 0 : i32
      %dma_wait3A_23 = tpu.memref_slice %arg3[%add3A, %dma_wait3A, %dma_wait3A_22] : memref<32x40x128xi32, #tpu.memory_space<hbm>> -> memref<1x40x128xi32, #tpu.memory_space<hbm>>
      %dma_wait3A_24 = tpu.memref_squeeze %dma_wait3A_23 : memref<1x40x128xi32, #tpu.memory_space<hbm>> -> memref<40x128xi32, #tpu.memory_space<hbm>>
      %dma_wait3A_25 = arith.constant 0 : i32
      %dma_wait3A_26 = arith.constant 0 : i32
      %dma_wait3A_27 = tpu.memref_slice %arg3[%add3A, %dma_wait3A_25, %dma_wait3A_26] : memref<32x40x128xi32, #tpu.memory_space<hbm>> -> memref<1x40x128xi32, #tpu.memory_space<hbm>>
      %dma_wait3A_28 = tpu.memref_squeeze %dma_wait3A_27 : memref<1x40x128xi32, #tpu.memory_space<hbm>> -> memref<40x128xi32, #tpu.memory_space<hbm>>
      tpu.wait_dma2 semaphore(%run_scoped3A : memref<!tpu.dma_semaphore, #tpu.memory_space<semaphore_mem>>) src(%dma_wait3A_28 : memref<40x128xi32, #tpu.memory_space<hbm>>) dst(%arg6 : memref<40x128xi32, #tpu.memory_space<vmem>>)
      tpu.yield
    }) : () -> ()
    "tpu.region"() ({
      %run_scoped3A = tpu.sem_alloc : memref<!tpu.dma_semaphore, #tpu.memory_space<semaphore_mem>>
      %dma_start3A_14 = arith.constant 0 : i32
      %dma_start3A_15 = tpu.memref_slice %arg12[%mul3A_4, %dma_start3A_14] : memref<10240x32xf32, #tpu.memory_space<vmem_shared>> -> memref<640x32xf32, #tpu.memory_space<vmem_shared>>
      %dma_start3A_16 = arith.constant 0 : i32
      %dma_start3A_17 = tpu.memref_slice %arg4[%mul3A_4, %dma_start3A_16] : memref<10240x32xf32, #tpu.memory_space<hbm>> -> memref<640x32xf32, #tpu.memory_space<hbm>>
      tpu.enqueue_dma source(%dma_start3A_17 : memref<640x32xf32, #tpu.memory_space<hbm>>) target(%dma_start3A_15 : memref<640x32xf32, #tpu.memory_space<vmem_shared>>) target_semaphore(%run_scoped3A : memref<!tpu.dma_semaphore, #tpu.memory_space<semaphore_mem>>)
      %dma_wait3A = arith.constant 0 : i32
      %dma_wait3A_18 = tpu.memref_slice %arg12[%mul3A_4, %dma_wait3A] : memref<10240x32xf32, #tpu.memory_space<vmem_shared>> -> memref<640x32xf32, #tpu.memory_space<vmem_shared>>
      %dma_wait3A_19 = arith.constant 0 : i32
      %dma_wait3A_20 = tpu.memref_slice %arg4[%mul3A_4, %dma_wait3A_19] : memref<10240x32xf32, #tpu.memory_space<hbm>> -> memref<640x32xf32, #tpu.memory_space<hbm>>
      tpu.wait_dma2 semaphore(%run_scoped3A : memref<!tpu.dma_semaphore, #tpu.memory_space<semaphore_mem>>) src(%dma_wait3A_20 : memref<640x32xf32, #tpu.memory_space<hbm>>) dst(%dma_wait3A_18 : memref<640x32xf32, #tpu.memory_space<vmem_shared>>)
      tpu.yield
    }) : () -> ()
    %barrier3A = arith.constant 0 : index
    tpu.barrier barrier_id(%barrier3A)
    %dma_start3A = arith.constant 0 : i32
    %dma_start3A_5 = tpu.memref_slice %arg2[%mul3A_2, %dma_start3A] : memref<163840x32xf32, #tpu.memory_space<hbm>> -> memref<128x32xf32, #tpu.memory_space<hbm>>
    %dma_start3A_6 = arith.constant 0 : i32
    %dma_start3A_7 = tpu.memref_slice %arg2[%mul3A_2, %dma_start3A_6] : memref<163840x32xf32, #tpu.memory_space<hbm>> -> memref<128x32xf32, #tpu.memory_space<hbm>>
    tpu.enqueue_dma source(%dma_start3A_7 : memref<128x32xf32, #tpu.memory_space<hbm>>) target(%arg7 : memref<128x32xf32, #tpu.memory_space<vmem>>) target_semaphore(%arg10 : memref<!tpu.dma_semaphore, #tpu.memory_space<semaphore_mem>>)
    %scan3A = arith.constant 0 : i32
    %scan3A_8 = arith.constant 0 : i32
    %scan3A_9 = arith.constant 20 : i32
    %scan3A_10 = arith.addi %scan3A_8, %scan3A_9 : i32
    %scan3A_11 = arith.constant 1 : i32
    scf.for %scan3A_14 = %scan3A_8 to %scan3A_10 step %scan3A_11  : i32 {
      %mul3A_15 = arith.constant 2 : i32
      %mul3A_16 = arith.muli %mul3A_15, %scan3A_14 : i32
      %add3A_17 = arith.constant 1 : i32
      %add3A_18 = arith.addi %mul3A_16, %add3A_17 : i32
      %mul3A_19 = arith.constant 128 : i32
      %mul3A_20 = arith.muli %add3A_18, %mul3A_19 : i32
      %add3A_21 = arith.addi %mul3A_2, %mul3A_20 : i32
      %dma_start3A_22 = arith.constant 0 : i32
      %dma_start3A_23 = tpu.memref_slice %arg2[%add3A_21, %dma_start3A_22] : memref<163840x32xf32, #tpu.memory_space<hbm>> -> memref<128x32xf32, #tpu.memory_space<hbm>>
      %dma_start3A_24 = arith.constant 0 : i32
      %dma_start3A_25 = tpu.memref_slice %arg2[%add3A_21, %dma_start3A_24] : memref<163840x32xf32, #tpu.memory_space<hbm>> -> memref<128x32xf32, #tpu.memory_space<hbm>>
      tpu.enqueue_dma source(%dma_start3A_25 : memref<128x32xf32, #tpu.memory_space<hbm>>) target(%arg8 : memref<128x32xf32, #tpu.memory_space<vmem>>) target_semaphore(%arg11 : memref<!tpu.dma_semaphore, #tpu.memory_space<semaphore_mem>>)
      %dma_wait3A = arith.constant 0 : i32
      %dma_wait3A_26 = arith.constant 0 : i32
      %dma_wait3A_27 = tpu.memref_slice %arg2[%dma_wait3A, %dma_wait3A_26] : memref<163840x32xf32, #tpu.memory_space<hbm>> -> memref<128x32xf32, #tpu.memory_space<hbm>>
      %dma_wait3A_28 = arith.constant 0 : i32
      %dma_wait3A_29 = arith.constant 0 : i32
      %dma_wait3A_30 = tpu.memref_slice %arg2[%dma_wait3A_28, %dma_wait3A_29] : memref<163840x32xf32, #tpu.memory_space<hbm>> -> memref<128x32xf32, #tpu.memory_space<hbm>>
      tpu.wait_dma2 semaphore(%arg10 : memref<!tpu.dma_semaphore, #tpu.memory_space<semaphore_mem>>) src(%dma_wait3A_30 : memref<128x32xf32, #tpu.memory_space<hbm>>) dst(%arg7 : memref<128x32xf32, #tpu.memory_space<vmem>>)
      "tpu.region"() ({
        %run_scoped3A = tpu.sem_alloc : memref<!tpu.dma_semaphore, #tpu.memory_space<semaphore_mem>>
        %dma_start3A_41 = arith.constant 0 : i32
        %dma_start3A_42 = tpu.memref_slice %arg6[%mul3A_16, %dma_start3A_41] : memref<40x128xi32, #tpu.memory_space<vmem>> -> memref<1x128xi32, #tpu.memory_space<vmem>>
        %dma_start3A_43 = tpu.memref_squeeze %dma_start3A_42 : memref<1x128xi32, #tpu.memory_space<vmem>> -> memref<128xi32, #tpu.memory_space<vmem>>
        %dma_start3A_44 = arith.constant 0 : i32
        %dma_start3A_45 = arith.constant 0 : i32
        %dma_start3A_46 = tpu.memref_slice %arg12[%dma_start3A_44, %dma_start3A_45] : memref<10240x32xf32, #tpu.memory_space<vmem_shared>> -> memref<10240x32xf32, #tpu.memory_space<vmem_shared>>
        tpu.enqueue_indirect_dma source(%arg7 : memref<128x32xf32, #tpu.memory_space<vmem>>) target(%dma_start3A_46 : memref<10240x32xf32, #tpu.memory_space<vmem_shared>>) offsets(%dma_start3A_43 : memref<128xi32, #tpu.memory_space<vmem>>) semaphore(%run_scoped3A : memref<!tpu.dma_semaphore, #tpu.memory_space<semaphore_mem>>) {add = true}
        %dma_wait3A_47 = arith.constant 0 : i32
        %dma_wait3A_48 = tpu.memref_slice %arg6[%mul3A_16, %dma_wait3A_47] : memref<40x128xi32, #tpu.memory_space<vmem>> -> memref<1x128xi32, #tpu.memory_space<vmem>>
        %dma_wait3A_49 = tpu.memref_squeeze %dma_wait3A_48 : memref<1x128xi32, #tpu.memory_space<vmem>> -> memref<128xi32, #tpu.memory_space<vmem>>
        %dma_wait3A_50 = arith.constant 0 : i32
        %dma_wait3A_51 = arith.constant 0 : i32
        %dma_wait3A_52 = tpu.memref_slice %arg12[%dma_wait3A_50, %dma_wait3A_51] : memref<10240x32xf32, #tpu.memory_space<vmem_shared>> -> memref<10240x32xf32, #tpu.memory_space<vmem_shared>>
        tpu.wait_indirect_dma semaphore(%run_scoped3A : memref<!tpu.dma_semaphore, #tpu.memory_space<semaphore_mem>>) src(%arg7 : memref<128x32xf32, #tpu.memory_space<vmem>>) dst(%dma_wait3A_52 : memref<10240x32xf32, #tpu.memory_space<vmem_shared>>)
        tpu.yield
      }) : () -> ()
      %add3A_31 = arith.constant 2 : i32
      %add3A_32 = arith.addi %mul3A_16, %add3A_31 : i32
      %lt3A = arith.constant 40 : i32
      %lt3A_33 = arith.cmpi slt, %add3A_32, %lt3A : i32
      %convert_element_type3A = arith.extui %lt3A_33 : i1 to i32
      %cond3A = arith.constant 0 : i32
      %cond3A_34 = arith.cmpi ne, %convert_element_type3A, %cond3A : i32
      scf.if %cond3A_34 {
        %add3A_41 = arith.constant 2 : i32
        %add3A_42 = arith.addi %mul3A_16, %add3A_41 : i32
        %mul3A_43 = arith.constant 128 : i32
        %mul3A_44 = arith.muli %add3A_42, %mul3A_43 : i32
        %add3A_45 = arith.addi %mul3A_2, %mul3A_44 : i32
        %dma_start3A_46 = arith.constant 0 : i32
        %dma_start3A_47 = tpu.memref_slice %arg2[%add3A_45, %dma_start3A_46] : memref<163840x32xf32, #tpu.memory_space<hbm>> -> memref<128x32xf32, #tpu.memory_space<hbm>>
        %dma_start3A_48 = arith.constant 0 : i32
        %dma_start3A_49 = tpu.memref_slice %arg2[%add3A_45, %dma_start3A_48] : memref<163840x32xf32, #tpu.memory_space<hbm>> -> memref<128x32xf32, #tpu.memory_space<hbm>>
        tpu.enqueue_dma source(%dma_start3A_49 : memref<128x32xf32, #tpu.memory_space<hbm>>) target(%arg7 : memref<128x32xf32, #tpu.memory_space<vmem>>) target_semaphore(%arg10 : memref<!tpu.dma_semaphore, #tpu.memory_space<semaphore_mem>>)
      } else {
      }
      %dma_wait3A_35 = arith.constant 0 : i32
      %dma_wait3A_36 = tpu.memref_slice %arg2[%add3A_21, %dma_wait3A_35] : memref<163840x32xf32, #tpu.memory_space<hbm>> -> memref<128x32xf32, #tpu.memory_space<hbm>>
      %dma_wait3A_37 = arith.constant 0 : i32
      %dma_wait3A_38 = tpu.memref_slice %arg2[%add3A_21, %dma_wait3A_37] : memref<163840x32xf32, #tpu.memory_space<hbm>> -> memref<128x32xf32, #tpu.memory_space<hbm>>
      tpu.wait_dma2 semaphore(%arg11 : memref<!tpu.dma_semaphore, #tpu.memory_space<semaphore_mem>>) src(%dma_wait3A_38 : memref<128x32xf32, #tpu.memory_space<hbm>>) dst(%arg8 : memref<128x32xf32, #tpu.memory_space<vmem>>)
      %add3A_39 = arith.constant 1 : i32
      %add3A_40 = arith.addi %mul3A_16, %add3A_39 : i32
      "tpu.region"() ({
        %run_scoped3A = tpu.sem_alloc : memref<!tpu.dma_semaphore, #tpu.memory_space<semaphore_mem>>
        %dma_start3A_41 = arith.constant 0 : i32
        %dma_start3A_42 = tpu.memref_slice %arg6[%add3A_40, %dma_start3A_41] : memref<40x128xi32, #tpu.memory_space<vmem>> -> memref<1x128xi32, #tpu.memory_space<vmem>>
        %dma_start3A_43 = tpu.memref_squeeze %dma_start3A_42 : memref<1x128xi32, #tpu.memory_space<vmem>> -> memref<128xi32, #tpu.memory_space<vmem>>
        %dma_start3A_44 = arith.constant 0 : i32
        %dma_start3A_45 = arith.constant 0 : i32
        %dma_start3A_46 = tpu.memref_slice %arg12[%dma_start3A_44, %dma_start3A_45] : memref<10240x32xf32, #tpu.memory_space<vmem_shared>> -> memref<10240x32xf32, #tpu.memory_space<vmem_shared>>
        tpu.enqueue_indirect_dma source(%arg8 : memref<128x32xf32, #tpu.memory_space<vmem>>) target(%dma_start3A_46 : memref<10240x32xf32, #tpu.memory_space<vmem_shared>>) offsets(%dma_start3A_43 : memref<128xi32, #tpu.memory_space<vmem>>) semaphore(%run_scoped3A : memref<!tpu.dma_semaphore, #tpu.memory_space<semaphore_mem>>) {add = true}
        %dma_wait3A_47 = arith.constant 0 : i32
        %dma_wait3A_48 = tpu.memref_slice %arg6[%add3A_40, %dma_wait3A_47] : memref<40x128xi32, #tpu.memory_space<vmem>> -> memref<1x128xi32, #tpu.memory_space<vmem>>
        %dma_wait3A_49 = tpu.memref_squeeze %dma_wait3A_48 : memref<1x128xi32, #tpu.memory_space<vmem>> -> memref<128xi32, #tpu.memory_space<vmem>>
        %dma_wait3A_50 = arith.constant 0 : i32
        %dma_wait3A_51 = arith.constant 0 : i32
        %dma_wait3A_52 = tpu.memref_slice %arg12[%dma_wait3A_50, %dma_wait3A_51] : memref<10240x32xf32, #tpu.memory_space<vmem_shared>> -> memref<10240x32xf32, #tpu.memory_space<vmem_shared>>
        tpu.wait_indirect_dma semaphore(%run_scoped3A : memref<!tpu.dma_semaphore, #tpu.memory_space<semaphore_mem>>) src(%arg8 : memref<128x32xf32, #tpu.memory_space<vmem>>) dst(%dma_wait3A_52 : memref<10240x32xf32, #tpu.memory_space<vmem_shared>>)
        tpu.yield
      }) : () -> ()
    }
    %scan3A_12 = arith.constant 20 : i32
    %barrier3A_13 = arith.constant 0 : index
    tpu.barrier barrier_id(%barrier3A_13)
    "tpu.region"() ({
      %run_scoped3A = tpu.sem_alloc : memref<!tpu.dma_semaphore, #tpu.memory_space<semaphore_mem>>
      %dma_start3A_14 = arith.constant 0 : i32
      %dma_start3A_15 = tpu.memref_slice %arg12[%mul3A_4, %dma_start3A_14] : memref<10240x32xf32, #tpu.memory_space<vmem_shared>> -> memref<640x32xf32, #tpu.memory_space<vmem_shared>>
      %dma_start3A_16 = arith.constant 0 : i32
      %dma_start3A_17 = tpu.memref_slice %arg12[%mul3A_4, %dma_start3A_16] : memref<10240x32xf32, #tpu.memory_space<vmem_shared>> -> memref<640x32xf32, #tpu.memory_space<vmem_shared>>
      tpu.enqueue_dma source(%dma_start3A_17 : memref<640x32xf32, #tpu.memory_space<vmem_shared>>) target(%arg9 : memref<640x32xf32, #tpu.memory_space<vmem>>) target_semaphore(%run_scoped3A : memref<!tpu.dma_semaphore, #tpu.memory_space<semaphore_mem>>)
      %dma_wait3A = arith.constant 0 : i32
      %dma_wait3A_18 = tpu.memref_slice %arg12[%mul3A_4, %dma_wait3A] : memref<10240x32xf32, #tpu.memory_space<vmem_shared>> -> memref<640x32xf32, #tpu.memory_space<vmem_shared>>
      %dma_wait3A_19 = arith.constant 0 : i32
      %dma_wait3A_20 = tpu.memref_slice %arg12[%mul3A_4, %dma_wait3A_19] : memref<10240x32xf32, #tpu.memory_space<vmem_shared>> -> memref<640x32xf32, #tpu.memory_space<vmem_shared>>
      tpu.wait_dma2 semaphore(%run_scoped3A : memref<!tpu.dma_semaphore, #tpu.memory_space<semaphore_mem>>) src(%dma_wait3A_20 : memref<640x32xf32, #tpu.memory_space<vmem_shared>>) dst(%arg9 : memref<640x32xf32, #tpu.memory_space<vmem>>)
      tpu.yield
    }) : () -> ()
    "tpu.region"() ({
      %run_scoped3A = tpu.sem_alloc : memref<!tpu.dma_semaphore, #tpu.memory_space<semaphore_mem>>
      %dma_start3A_14 = arith.constant 0 : i32
      %dma_start3A_15 = arith.constant 0 : i32
      %dma_start3A_16 = tpu.memref_slice %arg5[%arg0, %dma_start3A_14, %dma_start3A_15] : memref<2x10240x32xf32, #tpu.memory_space<hbm>> -> memref<1x10240x32xf32, #tpu.memory_space<hbm>>
      %dma_start3A_17 = tpu.memref_squeeze %dma_start3A_16 : memref<1x10240x32xf32, #tpu.memory_space<hbm>> -> memref<10240x32xf32, #tpu.memory_space<hbm>>
      %dma_start3A_18 = arith.constant 0 : i32
      %dma_start3A_19 = tpu.memref_slice %dma_start3A_17[%mul3A_4, %dma_start3A_18] : memref<10240x32xf32, #tpu.memory_space<hbm>> -> memref<640x32xf32, #tpu.memory_space<hbm>>
      %dma_start3A_20 = arith.constant 0 : i32
      %dma_start3A_21 = arith.constant 0 : i32
      %dma_start3A_22 = tpu.memref_slice %arg5[%arg0, %dma_start3A_20, %dma_start3A_21] : memref<2x10240x32xf32, #tpu.memory_space<hbm>> -> memref<1x10240x32xf32, #tpu.memory_space<hbm>>
      %dma_start3A_23 = tpu.memref_squeeze %dma_start3A_22 : memref<1x10240x32xf32, #tpu.memory_space<hbm>> -> memref<10240x32xf32, #tpu.memory_space<hbm>>
      %dma_start3A_24 = arith.constant 0 : i32
      %dma_start3A_25 = tpu.memref_slice %dma_start3A_23[%mul3A_4, %dma_start3A_24] : memref<10240x32xf32, #tpu.memory_space<hbm>> -> memref<640x32xf32, #tpu.memory_space<hbm>>
      tpu.enqueue_dma source(%arg9 : memref<640x32xf32, #tpu.memory_space<vmem>>) target(%dma_start3A_25 : memref<640x32xf32, #tpu.memory_space<hbm>>) target_semaphore(%run_scoped3A : memref<!tpu.dma_semaphore, #tpu.memory_space<semaphore_mem>>)
      %dma_wait3A = arith.constant 0 : i32
      %dma_wait3A_26 = arith.constant 0 : i32
      %dma_wait3A_27 = tpu.memref_slice %arg5[%arg0, %dma_wait3A, %dma_wait3A_26] : memref<2x10240x32xf32, #tpu.memory_space<hbm>> -> memref<1x10240x32xf32, #tpu.memory_space<hbm>>
      %dma_wait3A_28 = tpu.memref_squeeze %dma_wait3A_27 : memref<1x10240x32xf32, #tpu.memory_space<hbm>> -> memref<10240x32xf32, #tpu.memory_space<hbm>>
      %dma_wait3A_29 = arith.constant 0 : i32
      %dma_wait3A_30 = tpu.memref_slice %dma_wait3A_28[%mul3A_4, %dma_wait3A_29] : memref<10240x32xf32, #tpu.memory_space<hbm>> -> memref<640x32xf32, #tpu.memory_space<hbm>>
      %dma_wait3A_31 = arith.constant 0 : i32
      %dma_wait3A_32 = arith.constant 0 : i32
      %dma_wait3A_33 = tpu.memref_slice %arg5[%arg0, %dma_wait3A_31, %dma_wait3A_32] : memref<2x10240x32xf32, #tpu.memory_space<hbm>> -> memref<1x10240x32xf32, #tpu.memory_space<hbm>>
      %dma_wait3A_34 = tpu.memref_squeeze %dma_wait3A_33 : memref<1x10240x32xf32, #tpu.memory_space<hbm>> -> memref<10240x32xf32, #tpu.memory_space<hbm>>
      %dma_wait3A_35 = arith.constant 0 : i32
      %dma_wait3A_36 = tpu.memref_slice %dma_wait3A_34[%mul3A_4, %dma_wait3A_35] : memref<10240x32xf32, #tpu.memory_space<hbm>> -> memref<640x32xf32, #tpu.memory_space<hbm>>
      tpu.wait_dma2 semaphore(%run_scoped3A : memref<!tpu.dma_semaphore, #tpu.memory_space<semaphore_mem>>) src(%arg9 : memref<640x32xf32, #tpu.memory_space<vmem>>) dst(%dma_wait3A_36 : memref<640x32xf32, #tpu.memory_space<hbm>>)
      tpu.yield
    }) : () -> ()
    return
  }
}

#map = affine_map<(d0, d1) -> (0, 0)>
#map1 = affine_map<(d0, d1) -> (0, 0, 0)>
module attributes {stable_mosaic.version = 14 : i64} {
  func.func @_sc_gather(%arg0: i32, %arg1: i32, %arg2: memref<10000x32xf32, #tpu.memory_space<hbm>>, %arg3: memref<32x40x128xi32, #tpu.memory_space<hbm>>, %arg4: memref<163840x32xf32, #tpu.memory_space<hbm>>, %arg5: memref<40x128xi32, #tpu.memory_space<vmem>>, %arg6: memref<128x32xf32, #tpu.memory_space<vmem>>, %arg7: memref<128x32xf32, #tpu.memory_space<vmem>>, %arg8: memref<!tpu.dma_semaphore, #tpu.memory_space<semaphore_mem>>, %arg9: memref<!tpu.dma_semaphore, #tpu.memory_space<semaphore_mem>>) attributes {dimension_semantics = [#tpu.dimension_semantics<core_parallel>, #tpu.dimension_semantics<subcore_parallel>], iteration_bounds = array<i64: 2, 16>, scalar_prefetch = 0 : i64, scratch_operands = 5 : i64, tpu.core_type = #tpu.core_type<sc_vector_subcore>, window_params = [{transform_indices = #map}, {transform_indices = #map1}, {transform_indices = #map}]} {
    %mul3A = arith.constant 2 : i32
    %mul3A_0 = arith.muli %arg1, %mul3A : i32
    %add3A = arith.addi %mul3A_0, %arg0 : i32
    %mul3A_1 = arith.constant 5120 : i32
    %mul3A_2 = arith.muli %add3A, %mul3A_1 : i32
    "tpu.region"() ({
      %run_scoped3A = tpu.sem_alloc : memref<!tpu.dma_semaphore, #tpu.memory_space<semaphore_mem>>
      %dma_start3A_14 = arith.constant 0 : i32
      %dma_start3A_15 = arith.constant 0 : i32
      %dma_start3A_16 = tpu.memref_slice %arg3[%add3A, %dma_start3A_14, %dma_start3A_15] : memref<32x40x128xi32, #tpu.memory_space<hbm>> -> memref<1x40x128xi32, #tpu.memory_space<hbm>>
      %dma_start3A_17 = tpu.memref_squeeze %dma_start3A_16 : memref<1x40x128xi32, #tpu.memory_space<hbm>> -> memref<40x128xi32, #tpu.memory_space<hbm>>
      %dma_start3A_18 = arith.constant 0 : i32
      %dma_start3A_19 = arith.constant 0 : i32
      %dma_start3A_20 = tpu.memref_slice %arg3[%add3A, %dma_start3A_18, %dma_start3A_19] : memref<32x40x128xi32, #tpu.memory_space<hbm>> -> memref<1x40x128xi32, #tpu.memory_space<hbm>>
      %dma_start3A_21 = tpu.memref_squeeze %dma_start3A_20 : memref<1x40x128xi32, #tpu.memory_space<hbm>> -> memref<40x128xi32, #tpu.memory_space<hbm>>
      tpu.enqueue_dma source(%dma_start3A_21 : memref<40x128xi32, #tpu.memory_space<hbm>>) target(%arg5 : memref<40x128xi32, #tpu.memory_space<vmem>>) target_semaphore(%run_scoped3A : memref<!tpu.dma_semaphore, #tpu.memory_space<semaphore_mem>>)
      %dma_wait3A = arith.constant 0 : i32
      %dma_wait3A_22 = arith.constant 0 : i32
      %dma_wait3A_23 = tpu.memref_slice %arg3[%add3A, %dma_wait3A, %dma_wait3A_22] : memref<32x40x128xi32, #tpu.memory_space<hbm>> -> memref<1x40x128xi32, #tpu.memory_space<hbm>>
      %dma_wait3A_24 = tpu.memref_squeeze %dma_wait3A_23 : memref<1x40x128xi32, #tpu.memory_space<hbm>> -> memref<40x128xi32, #tpu.memory_space<hbm>>
      %dma_wait3A_25 = arith.constant 0 : i32
      %dma_wait3A_26 = arith.constant 0 : i32
      %dma_wait3A_27 = tpu.memref_slice %arg3[%add3A, %dma_wait3A_25, %dma_wait3A_26] : memref<32x40x128xi32, #tpu.memory_space<hbm>> -> memref<1x40x128xi32, #tpu.memory_space<hbm>>
      %dma_wait3A_28 = tpu.memref_squeeze %dma_wait3A_27 : memref<1x40x128xi32, #tpu.memory_space<hbm>> -> memref<40x128xi32, #tpu.memory_space<hbm>>
      tpu.wait_dma2 semaphore(%run_scoped3A : memref<!tpu.dma_semaphore, #tpu.memory_space<semaphore_mem>>) src(%dma_wait3A_28 : memref<40x128xi32, #tpu.memory_space<hbm>>) dst(%arg5 : memref<40x128xi32, #tpu.memory_space<vmem>>)
      tpu.yield
    }) : () -> ()
    %dma_start3A = arith.constant 0 : i32
    %dma_start3A_3 = arith.constant 0 : i32
    %dma_start3A_4 = tpu.memref_slice %arg5[%dma_start3A, %dma_start3A_3] : memref<40x128xi32, #tpu.memory_space<vmem>> -> memref<1x128xi32, #tpu.memory_space<vmem>>
    %dma_start3A_5 = tpu.memref_squeeze %dma_start3A_4 : memref<1x128xi32, #tpu.memory_space<vmem>> -> memref<128xi32, #tpu.memory_space<vmem>>
    %dma_start3A_6 = arith.constant 0 : i32
    %dma_start3A_7 = arith.constant 0 : i32
    %dma_start3A_8 = tpu.memref_slice %arg2[%dma_start3A_6, %dma_start3A_7] : memref<10000x32xf32, #tpu.memory_space<hbm>> -> memref<10000x32xf32, #tpu.memory_space<hbm>>
    tpu.enqueue_indirect_dma source(%dma_start3A_8 : memref<10000x32xf32, #tpu.memory_space<hbm>>) target(%arg6 : memref<128x32xf32, #tpu.memory_space<vmem>>) offsets(%dma_start3A_5 : memref<128xi32, #tpu.memory_space<vmem>>) semaphore(%arg8 : memref<!tpu.dma_semaphore, #tpu.memory_space<semaphore_mem>>)
    %scan3A = arith.constant 0 : i32
    %scan3A_9 = arith.constant 0 : i32
    %scan3A_10 = arith.constant 20 : i32
    %scan3A_11 = arith.addi %scan3A_9, %scan3A_10 : i32
    %scan3A_12 = arith.constant 1 : i32
    scf.for %scan3A_14 = %scan3A_9 to %scan3A_11 step %scan3A_12  : i32 {
      %mul3A_15 = arith.constant 2 : i32
      %mul3A_16 = arith.muli %mul3A_15, %scan3A_14 : i32
      %add3A_17 = arith.constant 1 : i32
      %add3A_18 = arith.addi %mul3A_16, %add3A_17 : i32
      %dma_start3A_19 = arith.constant 0 : i32
      %dma_start3A_20 = tpu.memref_slice %arg5[%add3A_18, %dma_start3A_19] : memref<40x128xi32, #tpu.memory_space<vmem>> -> memref<1x128xi32, #tpu.memory_space<vmem>>
      %dma_start3A_21 = tpu.memref_squeeze %dma_start3A_20 : memref<1x128xi32, #tpu.memory_space<vmem>> -> memref<128xi32, #tpu.memory_space<vmem>>
      %dma_start3A_22 = arith.constant 0 : i32
      %dma_start3A_23 = arith.constant 0 : i32
      %dma_start3A_24 = tpu.memref_slice %arg2[%dma_start3A_22, %dma_start3A_23] : memref<10000x32xf32, #tpu.memory_space<hbm>> -> memref<10000x32xf32, #tpu.memory_space<hbm>>
      tpu.enqueue_indirect_dma source(%dma_start3A_24 : memref<10000x32xf32, #tpu.memory_space<hbm>>) target(%arg7 : memref<128x32xf32, #tpu.memory_space<vmem>>) offsets(%dma_start3A_21 : memref<128xi32, #tpu.memory_space<vmem>>) semaphore(%arg9 : memref<!tpu.dma_semaphore, #tpu.memory_space<semaphore_mem>>)
      %dma_wait3A = arith.constant 0 : i32
      %dma_wait3A_25 = arith.constant 0 : i32
      %dma_wait3A_26 = tpu.memref_slice %arg2[%dma_wait3A, %dma_wait3A_25] : memref<10000x32xf32, #tpu.memory_space<hbm>> -> memref<128x32xf32, #tpu.memory_space<hbm>>
      %dma_wait3A_27 = arith.constant 0 : i32
      %dma_wait3A_28 = arith.constant 0 : i32
      %dma_wait3A_29 = tpu.memref_slice %arg2[%dma_wait3A_27, %dma_wait3A_28] : memref<10000x32xf32, #tpu.memory_space<hbm>> -> memref<128x32xf32, #tpu.memory_space<hbm>>
      tpu.wait_dma2 semaphore(%arg8 : memref<!tpu.dma_semaphore, #tpu.memory_space<semaphore_mem>>) src(%dma_wait3A_29 : memref<128x32xf32, #tpu.memory_space<hbm>>) dst(%arg6 : memref<128x32xf32, #tpu.memory_space<vmem>>)
      %mul3A_30 = arith.constant 128 : i32
      %mul3A_31 = arith.muli %mul3A_16, %mul3A_30 : i32
      %add3A_32 = arith.addi %mul3A_2, %mul3A_31 : i32
      "tpu.region"() ({
        %run_scoped3A = tpu.sem_alloc : memref<!tpu.dma_semaphore, #tpu.memory_space<semaphore_mem>>
        %dma_start3A_48 = arith.constant 0 : i32
        %dma_start3A_49 = tpu.memref_slice %arg4[%add3A_32, %dma_start3A_48] : memref<163840x32xf32, #tpu.memory_space<hbm>> -> memref<128x32xf32, #tpu.memory_space<hbm>>
        %dma_start3A_50 = arith.constant 0 : i32
        %dma_start3A_51 = tpu.memref_slice %arg4[%add3A_32, %dma_start3A_50] : memref<163840x32xf32, #tpu.memory_space<hbm>> -> memref<128x32xf32, #tpu.memory_space<hbm>>
        tpu.enqueue_dma source(%arg6 : memref<128x32xf32, #tpu.memory_space<vmem>>) target(%dma_start3A_51 : memref<128x32xf32, #tpu.memory_space<hbm>>) target_semaphore(%run_scoped3A : memref<!tpu.dma_semaphore, #tpu.memory_space<semaphore_mem>>)
        %dma_wait3A_52 = arith.constant 0 : i32
        %dma_wait3A_53 = tpu.memref_slice %arg4[%add3A_32, %dma_wait3A_52] : memref<163840x32xf32, #tpu.memory_space<hbm>> -> memref<128x32xf32, #tpu.memory_space<hbm>>
        %dma_wait3A_54 = arith.constant 0 : i32
        %dma_wait3A_55 = tpu.memref_slice %arg4[%add3A_32, %dma_wait3A_54] : memref<163840x32xf32, #tpu.memory_space<hbm>> -> memref<128x32xf32, #tpu.memory_space<hbm>>
        tpu.wait_dma2 semaphore(%run_scoped3A : memref<!tpu.dma_semaphore, #tpu.memory_space<semaphore_mem>>) src(%arg6 : memref<128x32xf32, #tpu.memory_space<vmem>>) dst(%dma_wait3A_55 : memref<128x32xf32, #tpu.memory_space<hbm>>)
        tpu.yield
      }) : () -> ()
      %add3A_33 = arith.constant 2 : i32
      %add3A_34 = arith.addi %mul3A_16, %add3A_33 : i32
      %lt3A = arith.constant 40 : i32
      %lt3A_35 = arith.cmpi slt, %add3A_34, %lt3A : i32
      %convert_element_type3A = arith.extui %lt3A_35 : i1 to i32
      %cond3A = arith.constant 0 : i32
      %cond3A_36 = arith.cmpi ne, %convert_element_type3A, %cond3A : i32
      scf.if %cond3A_36 {
        %add3A_48 = arith.constant 2 : i32
        %add3A_49 = arith.addi %mul3A_16, %add3A_48 : i32
        %dma_start3A_50 = arith.constant 0 : i32
        %dma_start3A_51 = tpu.memref_slice %arg5[%add3A_49, %dma_start3A_50] : memref<40x128xi32, #tpu.memory_space<vmem>> -> memref<1x128xi32, #tpu.memory_space<vmem>>
        %dma_start3A_52 = tpu.memref_squeeze %dma_start3A_51 : memref<1x128xi32, #tpu.memory_space<vmem>> -> memref<128xi32, #tpu.memory_space<vmem>>
        %dma_start3A_53 = arith.constant 0 : i32
        %dma_start3A_54 = arith.constant 0 : i32
        %dma_start3A_55 = tpu.memref_slice %arg2[%dma_start3A_53, %dma_start3A_54] : memref<10000x32xf32, #tpu.memory_space<hbm>> -> memref<10000x32xf32, #tpu.memory_space<hbm>>
        tpu.enqueue_indirect_dma source(%dma_start3A_55 : memref<10000x32xf32, #tpu.memory_space<hbm>>) target(%arg6 : memref<128x32xf32, #tpu.memory_space<vmem>>) offsets(%dma_start3A_52 : memref<128xi32, #tpu.memory_space<vmem>>) semaphore(%arg8 : memref<!tpu.dma_semaphore, #tpu.memory_space<semaphore_mem>>)
      } else {
      }
      %dma_wait3A_37 = arith.constant 0 : i32
      %dma_wait3A_38 = tpu.memref_slice %arg5[%add3A_18, %dma_wait3A_37] : memref<40x128xi32, #tpu.memory_space<vmem>> -> memref<1x128xi32, #tpu.memory_space<vmem>>
      %dma_wait3A_39 = tpu.memref_squeeze %dma_wait3A_38 : memref<1x128xi32, #tpu.memory_space<vmem>> -> memref<128xi32, #tpu.memory_space<vmem>>
      %dma_wait3A_40 = arith.constant 0 : i32
      %dma_wait3A_41 = arith.constant 0 : i32
      %dma_wait3A_42 = tpu.memref_slice %arg2[%dma_wait3A_40, %dma_wait3A_41] : memref<10000x32xf32, #tpu.memory_space<hbm>> -> memref<10000x32xf32, #tpu.memory_space<hbm>>
      tpu.wait_indirect_dma semaphore(%arg9 : memref<!tpu.dma_semaphore, #tpu.memory_space<semaphore_mem>>) src(%dma_wait3A_42 : memref<10000x32xf32, #tpu.memory_space<hbm>>) dst(%arg7 : memref<128x32xf32, #tpu.memory_space<vmem>>)
      %add3A_43 = arith.constant 1 : i32
      %add3A_44 = arith.addi %mul3A_16, %add3A_43 : i32
      %mul3A_45 = arith.constant 128 : i32
      %mul3A_46 = arith.muli %add3A_44, %mul3A_45 : i32
      %add3A_47 = arith.addi %mul3A_2, %mul3A_46 : i32
      "tpu.region"() ({
        %run_scoped3A = tpu.sem_alloc : memref<!tpu.dma_semaphore, #tpu.memory_space<semaphore_mem>>
        %dma_start3A_48 = arith.constant 0 : i32
        %dma_start3A_49 = tpu.memref_slice %arg4[%add3A_47, %dma_start3A_48] : memref<163840x32xf32, #tpu.memory_space<hbm>> -> memref<128x32xf32, #tpu.memory_space<hbm>>
        %dma_start3A_50 = arith.constant 0 : i32
        %dma_start3A_51 = tpu.memref_slice %arg4[%add3A_47, %dma_start3A_50] : memref<163840x32xf32, #tpu.memory_space<hbm>> -> memref<128x32xf32, #tpu.memory_space<hbm>>
        tpu.enqueue_dma source(%arg7 : memref<128x32xf32, #tpu.memory_space<vmem>>) target(%dma_start3A_51 : memref<128x32xf32, #tpu.memory_space<hbm>>) target_semaphore(%run_scoped3A : memref<!tpu.dma_semaphore, #tpu.memory_space<semaphore_mem>>)
        %dma_wait3A_52 = arith.constant 0 : i32
        %dma_wait3A_53 = tpu.memref_slice %arg4[%add3A_47, %dma_wait3A_52] : memref<163840x32xf32, #tpu.memory_space<hbm>> -> memref<128x32xf32, #tpu.memory_space<hbm>>
        %dma_wait3A_54 = arith.constant 0 : i32
        %dma_wait3A_55 = tpu.memref_slice %arg4[%add3A_47, %dma_wait3A_54] : memref<163840x32xf32, #tpu.memory_space<hbm>> -> memref<128x32xf32, #tpu.memory_space<hbm>>
        tpu.wait_dma2 semaphore(%run_scoped3A : memref<!tpu.dma_semaphore, #tpu.memory_space<semaphore_mem>>) src(%arg7 : memref<128x32xf32, #tpu.memory_space<vmem>>) dst(%dma_wait3A_55 : memref<128x32xf32, #tpu.memory_space<hbm>>)
        tpu.yield
      }) : () -> ()
    }
    %scan3A_13 = arith.constant 20 : i32
    return
  }
}

#map = affine_map<(d0, d1) -> (0, 0)>
#map1 = affine_map<(d0, d1) -> (0, 0, 0)>
module attributes {stable_mosaic.version = 14 : i64} {
  func.func @_sc_scatter(%arg0: i32, %arg1: i32, %arg2: memref<163840x32xf32, #tpu.memory_space<hbm>>, %arg3: memref<32x40x128xi32, #tpu.memory_space<hbm>>, %arg4: memref<10240x32xf32, #tpu.memory_space<hbm>>, %arg5: memref<2x10240x32xf32, #tpu.memory_space<hbm>>, %arg6: memref<40x128xi32, #tpu.memory_space<vmem>>, %arg7: memref<128x32xf32, #tpu.memory_space<vmem>>, %arg8: memref<128x32xf32, #tpu.memory_space<vmem>>, %arg9: memref<640x32xf32, #tpu.memory_space<vmem>>, %arg10: memref<!tpu.dma_semaphore, #tpu.memory_space<semaphore_mem>>, %arg11: memref<!tpu.dma_semaphore, #tpu.memory_space<semaphore_mem>>, %arg12: memref<10240x32xf32, #tpu.memory_space<vmem_shared>>) attributes {dimension_semantics = [#tpu.dimension_semantics<core_parallel>, #tpu.dimension_semantics<subcore_parallel>], iteration_bounds = array<i64: 2, 16>, scalar_prefetch = 0 : i64, scratch_operands = 7 : i64, tpu.core_type = #tpu.core_type<sc_vector_subcore>, window_params = [{transform_indices = #map}, {transform_indices = #map1}, {transform_indices = #map}, {transform_indices = #map1}]} {
    %mul3A = arith.constant 2 : i32
    %mul3A_0 = arith.muli %arg1, %mul3A : i32
    %add3A = arith.addi %mul3A_0, %arg0 : i32
    %mul3A_1 = arith.constant 5120 : i32
    %mul3A_2 = arith.muli %add3A, %mul3A_1 : i32
    %mul3A_3 = arith.constant 640 : i32
    %mul3A_4 = arith.muli %arg1, %mul3A_3 : i32
    "tpu.region"() ({
      %run_scoped3A = tpu.sem_alloc : memref<!tpu.dma_semaphore, #tpu.memory_space<semaphore_mem>>
      %dma_start3A_14 = arith.constant 0 : i32
      %dma_start3A_15 = arith.constant 0 : i32
      %dma_start3A_16 = tpu.memref_slice %arg3[%add3A, %dma_start3A_14, %dma_start3A_15] : memref<32x40x128xi32, #tpu.memory_space<hbm>> -> memref<1x40x128xi32, #tpu.memory_space<hbm>>
      %dma_start3A_17 = tpu.memref_squeeze %dma_start3A_16 : memref<1x40x128xi32, #tpu.memory_space<hbm>> -> memref<40x128xi32, #tpu.memory_space<hbm>>
      %dma_start3A_18 = arith.constant 0 : i32
      %dma_start3A_19 = arith.constant 0 : i32
      %dma_start3A_20 = tpu.memref_slice %arg3[%add3A, %dma_start3A_18, %dma_start3A_19] : memref<32x40x128xi32, #tpu.memory_space<hbm>> -> memref<1x40x128xi32, #tpu.memory_space<hbm>>
      %dma_start3A_21 = tpu.memref_squeeze %dma_start3A_20 : memref<1x40x128xi32, #tpu.memory_space<hbm>> -> memref<40x128xi32, #tpu.memory_space<hbm>>
      tpu.enqueue_dma source(%dma_start3A_21 : memref<40x128xi32, #tpu.memory_space<hbm>>) target(%arg6 : memref<40x128xi32, #tpu.memory_space<vmem>>) target_semaphore(%run_scoped3A : memref<!tpu.dma_semaphore, #tpu.memory_space<semaphore_mem>>)
      %dma_wait3A = arith.constant 0 : i32
      %dma_wait3A_22 = arith.constant 0 : i32
      %dma_wait3A_23 = tpu.memref_slice %arg3[%add3A, %dma_wait3A, %dma_wait3A_22] : memref<32x40x128xi32, #tpu.memory_space<hbm>> -> memref<1x40x128xi32, #tpu.memory_space<hbm>>
      %dma_wait3A_24 = tpu.memref_squeeze %dma_wait3A_23 : memref<1x40x128xi32, #tpu.memory_space<hbm>> -> memref<40x128xi32, #tpu.memory_space<hbm>>
      %dma_wait3A_25 = arith.constant 0 : i32
      %dma_wait3A_26 = arith.constant 0 : i32
      %dma_wait3A_27 = tpu.memref_slice %arg3[%add3A, %dma_wait3A_25, %dma_wait3A_26] : memref<32x40x128xi32, #tpu.memory_space<hbm>> -> memref<1x40x128xi32, #tpu.memory_space<hbm>>
      %dma_wait3A_28 = tpu.memref_squeeze %dma_wait3A_27 : memref<1x40x128xi32, #tpu.memory_space<hbm>> -> memref<40x128xi32, #tpu.memory_space<hbm>>
      tpu.wait_dma2 semaphore(%run_scoped3A : memref<!tpu.dma_semaphore, #tpu.memory_space<semaphore_mem>>) src(%dma_wait3A_28 : memref<40x128xi32, #tpu.memory_space<hbm>>) dst(%arg6 : memref<40x128xi32, #tpu.memory_space<vmem>>)
      tpu.yield
    }) : () -> ()
    "tpu.region"() ({
      %run_scoped3A = tpu.sem_alloc : memref<!tpu.dma_semaphore, #tpu.memory_space<semaphore_mem>>
      %dma_start3A_14 = arith.constant 0 : i32
      %dma_start3A_15 = tpu.memref_slice %arg12[%mul3A_4, %dma_start3A_14] : memref<10240x32xf32, #tpu.memory_space<vmem_shared>> -> memref<640x32xf32, #tpu.memory_space<vmem_shared>>
      %dma_start3A_16 = arith.constant 0 : i32
      %dma_start3A_17 = tpu.memref_slice %arg4[%mul3A_4, %dma_start3A_16] : memref<10240x32xf32, #tpu.memory_space<hbm>> -> memref<640x32xf32, #tpu.memory_space<hbm>>
      tpu.enqueue_dma source(%dma_start3A_17 : memref<640x32xf32, #tpu.memory_space<hbm>>) target(%dma_start3A_15 : memref<640x32xf32, #tpu.memory_space<vmem_shared>>) target_semaphore(%run_scoped3A : memref<!tpu.dma_semaphore, #tpu.memory_space<semaphore_mem>>)
      %dma_wait3A = arith.constant 0 : i32
      %dma_wait3A_18 = tpu.memref_slice %arg12[%mul3A_4, %dma_wait3A] : memref<10240x32xf32, #tpu.memory_space<vmem_shared>> -> memref<640x32xf32, #tpu.memory_space<vmem_shared>>
      %dma_wait3A_19 = arith.constant 0 : i32
      %dma_wait3A_20 = tpu.memref_slice %arg4[%mul3A_4, %dma_wait3A_19] : memref<10240x32xf32, #tpu.memory_space<hbm>> -> memref<640x32xf32, #tpu.memory_space<hbm>>
      tpu.wait_dma2 semaphore(%run_scoped3A : memref<!tpu.dma_semaphore, #tpu.memory_space<semaphore_mem>>) src(%dma_wait3A_20 : memref<640x32xf32, #tpu.memory_space<hbm>>) dst(%dma_wait3A_18 : memref<640x32xf32, #tpu.memory_space<vmem_shared>>)
      tpu.yield
    }) : () -> ()
    %barrier3A = arith.constant 0 : index
    tpu.barrier barrier_id(%barrier3A)
    %dma_start3A = arith.constant 0 : i32
    %dma_start3A_5 = tpu.memref_slice %arg2[%mul3A_2, %dma_start3A] : memref<163840x32xf32, #tpu.memory_space<hbm>> -> memref<128x32xf32, #tpu.memory_space<hbm>>
    %dma_start3A_6 = arith.constant 0 : i32
    %dma_start3A_7 = tpu.memref_slice %arg2[%mul3A_2, %dma_start3A_6] : memref<163840x32xf32, #tpu.memory_space<hbm>> -> memref<128x32xf32, #tpu.memory_space<hbm>>
    tpu.enqueue_dma source(%dma_start3A_7 : memref<128x32xf32, #tpu.memory_space<hbm>>) target(%arg7 : memref<128x32xf32, #tpu.memory_space<vmem>>) target_semaphore(%arg10 : memref<!tpu.dma_semaphore, #tpu.memory_space<semaphore_mem>>)
    %scan3A = arith.constant 0 : i32
    %scan3A_8 = arith.constant 0 : i32
    %scan3A_9 = arith.constant 20 : i32
    %scan3A_10 = arith.addi %scan3A_8, %scan3A_9 : i32
    %scan3A_11 = arith.constant 1 : i32
    scf.for %scan3A_14 = %scan3A_8 to %scan3A_10 step %scan3A_11  : i32 {
      %mul3A_15 = arith.constant 2 : i32
      %mul3A_16 = arith.muli %mul3A_15, %scan3A_14 : i32
      %add3A_17 = arith.constant 1 : i32
      %add3A_18 = arith.addi %mul3A_16, %add3A_17 : i32
      %mul3A_19 = arith.constant 128 : i32
      %mul3A_20 = arith.muli %add3A_18, %mul3A_19 : i32
      %add3A_21 = arith.addi %mul3A_2, %mul3A_20 : i32
      %dma_start3A_22 = arith.constant 0 : i32
      %dma_start3A_23 = tpu.memref_slice %arg2[%add3A_21, %dma_start3A_22] : memref<163840x32xf32, #tpu.memory_space<hbm>> -> memref<128x32xf32, #tpu.memory_space<hbm>>
      %dma_start3A_24 = arith.constant 0 : i32
      %dma_start3A_25 = tpu.memref_slice %arg2[%add3A_21, %dma_start3A_24] : memref<163840x32xf32, #tpu.memory_space<hbm>> -> memref<128x32xf32, #tpu.memory_space<hbm>>
      tpu.enqueue_dma source(%dma_start3A_25 : memref<128x32xf32, #tpu.memory_space<hbm>>) target(%arg8 : memref<128x32xf32, #tpu.memory_space<vmem>>) target_semaphore(%arg11 : memref<!tpu.dma_semaphore, #tpu.memory_space<semaphore_mem>>)
      %dma_wait3A = arith.constant 0 : i32
      %dma_wait3A_26 = arith.constant 0 : i32
      %dma_wait3A_27 = tpu.memref_slice %arg2[%dma_wait3A, %dma_wait3A_26] : memref<163840x32xf32, #tpu.memory_space<hbm>> -> memref<128x32xf32, #tpu.memory_space<hbm>>
      %dma_wait3A_28 = arith.constant 0 : i32
      %dma_wait3A_29 = arith.constant 0 : i32
      %dma_wait3A_30 = tpu.memref_slice %arg2[%dma_wait3A_28, %dma_wait3A_29] : memref<163840x32xf32, #tpu.memory_space<hbm>> -> memref<128x32xf32, #tpu.memory_space<hbm>>
      tpu.wait_dma2 semaphore(%arg10 : memref<!tpu.dma_semaphore, #tpu.memory_space<semaphore_mem>>) src(%dma_wait3A_30 : memref<128x32xf32, #tpu.memory_space<hbm>>) dst(%arg7 : memref<128x32xf32, #tpu.memory_space<vmem>>)
      "tpu.region"() ({
        %run_scoped3A = tpu.sem_alloc : memref<!tpu.dma_semaphore, #tpu.memory_space<semaphore_mem>>
        %dma_start3A_41 = arith.constant 0 : i32
        %dma_start3A_42 = tpu.memref_slice %arg6[%mul3A_16, %dma_start3A_41] : memref<40x128xi32, #tpu.memory_space<vmem>> -> memref<1x128xi32, #tpu.memory_space<vmem>>
        %dma_start3A_43 = tpu.memref_squeeze %dma_start3A_42 : memref<1x128xi32, #tpu.memory_space<vmem>> -> memref<128xi32, #tpu.memory_space<vmem>>
        %dma_start3A_44 = arith.constant 0 : i32
        %dma_start3A_45 = arith.constant 0 : i32
        %dma_start3A_46 = tpu.memref_slice %arg12[%dma_start3A_44, %dma_start3A_45] : memref<10240x32xf32, #tpu.memory_space<vmem_shared>> -> memref<10240x32xf32, #tpu.memory_space<vmem_shared>>
        tpu.enqueue_indirect_dma source(%arg7 : memref<128x32xf32, #tpu.memory_space<vmem>>) target(%dma_start3A_46 : memref<10240x32xf32, #tpu.memory_space<vmem_shared>>) offsets(%dma_start3A_43 : memref<128xi32, #tpu.memory_space<vmem>>) semaphore(%run_scoped3A : memref<!tpu.dma_semaphore, #tpu.memory_space<semaphore_mem>>) {add = true}
        %dma_wait3A_47 = arith.constant 0 : i32
        %dma_wait3A_48 = tpu.memref_slice %arg6[%mul3A_16, %dma_wait3A_47] : memref<40x128xi32, #tpu.memory_space<vmem>> -> memref<1x128xi32, #tpu.memory_space<vmem>>
        %dma_wait3A_49 = tpu.memref_squeeze %dma_wait3A_48 : memref<1x128xi32, #tpu.memory_space<vmem>> -> memref<128xi32, #tpu.memory_space<vmem>>
        %dma_wait3A_50 = arith.constant 0 : i32
        %dma_wait3A_51 = arith.constant 0 : i32
        %dma_wait3A_52 = tpu.memref_slice %arg12[%dma_wait3A_50, %dma_wait3A_51] : memref<10240x32xf32, #tpu.memory_space<vmem_shared>> -> memref<10240x32xf32, #tpu.memory_space<vmem_shared>>
        tpu.wait_indirect_dma semaphore(%run_scoped3A : memref<!tpu.dma_semaphore, #tpu.memory_space<semaphore_mem>>) src(%arg7 : memref<128x32xf32, #tpu.memory_space<vmem>>) dst(%dma_wait3A_52 : memref<10240x32xf32, #tpu.memory_space<vmem_shared>>)
        tpu.yield
      }) : () -> ()
      %add3A_31 = arith.constant 2 : i32
      %add3A_32 = arith.addi %mul3A_16, %add3A_31 : i32
      %lt3A = arith.constant 40 : i32
      %lt3A_33 = arith.cmpi slt, %add3A_32, %lt3A : i32
      %convert_element_type3A = arith.extui %lt3A_33 : i1 to i32
      %cond3A = arith.constant 0 : i32
      %cond3A_34 = arith.cmpi ne, %convert_element_type3A, %cond3A : i32
      scf.if %cond3A_34 {
        %add3A_41 = arith.constant 2 : i32
        %add3A_42 = arith.addi %mul3A_16, %add3A_41 : i32
        %mul3A_43 = arith.constant 128 : i32
        %mul3A_44 = arith.muli %add3A_42, %mul3A_43 : i32
        %add3A_45 = arith.addi %mul3A_2, %mul3A_44 : i32
        %dma_start3A_46 = arith.constant 0 : i32
        %dma_start3A_47 = tpu.memref_slice %arg2[%add3A_45, %dma_start3A_46] : memref<163840x32xf32, #tpu.memory_space<hbm>> -> memref<128x32xf32, #tpu.memory_space<hbm>>
        %dma_start3A_48 = arith.constant 0 : i32
        %dma_start3A_49 = tpu.memref_slice %arg2[%add3A_45, %dma_start3A_48] : memref<163840x32xf32, #tpu.memory_space<hbm>> -> memref<128x32xf32, #tpu.memory_space<hbm>>
        tpu.enqueue_dma source(%dma_start3A_49 : memref<128x32xf32, #tpu.memory_space<hbm>>) target(%arg7 : memref<128x32xf32, #tpu.memory_space<vmem>>) target_semaphore(%arg10 : memref<!tpu.dma_semaphore, #tpu.memory_space<semaphore_mem>>)
      } else {
      }
      %dma_wait3A_35 = arith.constant 0 : i32
      %dma_wait3A_36 = tpu.memref_slice %arg2[%add3A_21, %dma_wait3A_35] : memref<163840x32xf32, #tpu.memory_space<hbm>> -> memref<128x32xf32, #tpu.memory_space<hbm>>
      %dma_wait3A_37 = arith.constant 0 : i32
      %dma_wait3A_38 = tpu.memref_slice %arg2[%add3A_21, %dma_wait3A_37] : memref<163840x32xf32, #tpu.memory_space<hbm>> -> memref<128x32xf32, #tpu.memory_space<hbm>>
      tpu.wait_dma2 semaphore(%arg11 : memref<!tpu.dma_semaphore, #tpu.memory_space<semaphore_mem>>) src(%dma_wait3A_38 : memref<128x32xf32, #tpu.memory_space<hbm>>) dst(%arg8 : memref<128x32xf32, #tpu.memory_space<vmem>>)
      %add3A_39 = arith.constant 1 : i32
      %add3A_40 = arith.addi %mul3A_16, %add3A_39 : i32
      "tpu.region"() ({
        %run_scoped3A = tpu.sem_alloc : memref<!tpu.dma_semaphore, #tpu.memory_space<semaphore_mem>>
        %dma_start3A_41 = arith.constant 0 : i32
        %dma_start3A_42 = tpu.memref_slice %arg6[%add3A_40, %dma_start3A_41] : memref<40x128xi32, #tpu.memory_space<vmem>> -> memref<1x128xi32, #tpu.memory_space<vmem>>
        %dma_start3A_43 = tpu.memref_squeeze %dma_start3A_42 : memref<1x128xi32, #tpu.memory_space<vmem>> -> memref<128xi32, #tpu.memory_space<vmem>>
        %dma_start3A_44 = arith.constant 0 : i32
        %dma_start3A_45 = arith.constant 0 : i32
        %dma_start3A_46 = tpu.memref_slice %arg12[%dma_start3A_44, %dma_start3A_45] : memref<10240x32xf32, #tpu.memory_space<vmem_shared>> -> memref<10240x32xf32, #tpu.memory_space<vmem_shared>>
        tpu.enqueue_indirect_dma source(%arg8 : memref<128x32xf32, #tpu.memory_space<vmem>>) target(%dma_start3A_46 : memref<10240x32xf32, #tpu.memory_space<vmem_shared>>) offsets(%dma_start3A_43 : memref<128xi32, #tpu.memory_space<vmem>>) semaphore(%run_scoped3A : memref<!tpu.dma_semaphore, #tpu.memory_space<semaphore_mem>>) {add = true}
        %dma_wait3A_47 = arith.constant 0 : i32
        %dma_wait3A_48 = tpu.memref_slice %arg6[%add3A_40, %dma_wait3A_47] : memref<40x128xi32, #tpu.memory_space<vmem>> -> memref<1x128xi32, #tpu.memory_space<vmem>>
        %dma_wait3A_49 = tpu.memref_squeeze %dma_wait3A_48 : memref<1x128xi32, #tpu.memory_space<vmem>> -> memref<128xi32, #tpu.memory_space<vmem>>
        %dma_wait3A_50 = arith.constant 0 : i32
        %dma_wait3A_51 = arith.constant 0 : i32
        %dma_wait3A_52 = tpu.memref_slice %arg12[%dma_wait3A_50, %dma_wait3A_51] : memref<10240x32xf32, #tpu.memory_space<vmem_shared>> -> memref<10240x32xf32, #tpu.memory_space<vmem_shared>>
        tpu.wait_indirect_dma semaphore(%run_scoped3A : memref<!tpu.dma_semaphore, #tpu.memory_space<semaphore_mem>>) src(%arg8 : memref<128x32xf32, #tpu.memory_space<vmem>>) dst(%dma_wait3A_52 : memref<10240x32xf32, #tpu.memory_space<vmem_shared>>)
        tpu.yield
      }) : () -> ()
    }
    %scan3A_12 = arith.constant 20 : i32
    %barrier3A_13 = arith.constant 0 : index
    tpu.barrier barrier_id(%barrier3A_13)
    "tpu.region"() ({
      %run_scoped3A = tpu.sem_alloc : memref<!tpu.dma_semaphore, #tpu.memory_space<semaphore_mem>>
      %dma_start3A_14 = arith.constant 0 : i32
      %dma_start3A_15 = tpu.memref_slice %arg12[%mul3A_4, %dma_start3A_14] : memref<10240x32xf32, #tpu.memory_space<vmem_shared>> -> memref<640x32xf32, #tpu.memory_space<vmem_shared>>
      %dma_start3A_16 = arith.constant 0 : i32
      %dma_start3A_17 = tpu.memref_slice %arg12[%mul3A_4, %dma_start3A_16] : memref<10240x32xf32, #tpu.memory_space<vmem_shared>> -> memref<640x32xf32, #tpu.memory_space<vmem_shared>>
      tpu.enqueue_dma source(%dma_start3A_17 : memref<640x32xf32, #tpu.memory_space<vmem_shared>>) target(%arg9 : memref<640x32xf32, #tpu.memory_space<vmem>>) target_semaphore(%run_scoped3A : memref<!tpu.dma_semaphore, #tpu.memory_space<semaphore_mem>>)
      %dma_wait3A = arith.constant 0 : i32
      %dma_wait3A_18 = tpu.memref_slice %arg12[%mul3A_4, %dma_wait3A] : memref<10240x32xf32, #tpu.memory_space<vmem_shared>> -> memref<640x32xf32, #tpu.memory_space<vmem_shared>>
      %dma_wait3A_19 = arith.constant 0 : i32
      %dma_wait3A_20 = tpu.memref_slice %arg12[%mul3A_4, %dma_wait3A_19] : memref<10240x32xf32, #tpu.memory_space<vmem_shared>> -> memref<640x32xf32, #tpu.memory_space<vmem_shared>>
      tpu.wait_dma2 semaphore(%run_scoped3A : memref<!tpu.dma_semaphore, #tpu.memory_space<semaphore_mem>>) src(%dma_wait3A_20 : memref<640x32xf32, #tpu.memory_space<vmem_shared>>) dst(%arg9 : memref<640x32xf32, #tpu.memory_space<vmem>>)
      tpu.yield
    }) : () -> ()
    "tpu.region"() ({
      %run_scoped3A = tpu.sem_alloc : memref<!tpu.dma_semaphore, #tpu.memory_space<semaphore_mem>>
      %dma_start3A_14 = arith.constant 0 : i32
      %dma_start3A_15 = arith.constant 0 : i32
      %dma_start3A_16 = tpu.memref_slice %arg5[%arg0, %dma_start3A_14, %dma_start3A_15] : memref<2x10240x32xf32, #tpu.memory_space<hbm>> -> memref<1x10240x32xf32, #tpu.memory_space<hbm>>
      %dma_start3A_17 = tpu.memref_squeeze %dma_start3A_16 : memref<1x10240x32xf32, #tpu.memory_space<hbm>> -> memref<10240x32xf32, #tpu.memory_space<hbm>>
      %dma_start3A_18 = arith.constant 0 : i32
      %dma_start3A_19 = tpu.memref_slice %dma_start3A_17[%mul3A_4, %dma_start3A_18] : memref<10240x32xf32, #tpu.memory_space<hbm>> -> memref<640x32xf32, #tpu.memory_space<hbm>>
      %dma_start3A_20 = arith.constant 0 : i32
      %dma_start3A_21 = arith.constant 0 : i32
      %dma_start3A_22 = tpu.memref_slice %arg5[%arg0, %dma_start3A_20, %dma_start3A_21] : memref<2x10240x32xf32, #tpu.memory_space<hbm>> -> memref<1x10240x32xf32, #tpu.memory_space<hbm>>
      %dma_start3A_23 = tpu.memref_squeeze %dma_start3A_22 : memref<1x10240x32xf32, #tpu.memory_space<hbm>> -> memref<10240x32xf32, #tpu.memory_space<hbm>>
      %dma_start3A_24 = arith.constant 0 : i32
      %dma_start3A_25 = tpu.memref_slice %dma_start3A_23[%mul3A_4, %dma_start3A_24] : memref<10240x32xf32, #tpu.memory_space<hbm>> -> memref<640x32xf32, #tpu.memory_space<hbm>>
      tpu.enqueue_dma source(%arg9 : memref<640x32xf32, #tpu.memory_space<vmem>>) target(%dma_start3A_25 : memref<640x32xf32, #tpu.memory_space<hbm>>) target_semaphore(%run_scoped3A : memref<!tpu.dma_semaphore, #tpu.memory_space<semaphore_mem>>)
      %dma_wait3A = arith.constant 0 : i32
      %dma_wait3A_26 = arith.constant 0 : i32
      %dma_wait3A_27 = tpu.memref_slice %arg5[%arg0, %dma_wait3A, %dma_wait3A_26] : memref<2x10240x32xf32, #tpu.memory_space<hbm>> -> memref<1x10240x32xf32, #tpu.memory_space<hbm>>
      %dma_wait3A_28 = tpu.memref_squeeze %dma_wait3A_27 : memref<1x10240x32xf32, #tpu.memory_space<hbm>> -> memref<10240x32xf32, #tpu.memory_space<hbm>>
      %dma_wait3A_29 = arith.constant 0 : i32
      %dma_wait3A_30 = tpu.memref_slice %dma_wait3A_28[%mul3A_4, %dma_wait3A_29] : memref<10240x32xf32, #tpu.memory_space<hbm>> -> memref<640x32xf32, #tpu.memory_space<hbm>>
      %dma_wait3A_31 = arith.constant 0 : i32
      %dma_wait3A_32 = arith.constant 0 : i32
      %dma_wait3A_33 = tpu.memref_slice %arg5[%arg0, %dma_wait3A_31, %dma_wait3A_32] : memref<2x10240x32xf32, #tpu.memory_space<hbm>> -> memref<1x10240x32xf32, #tpu.memory_space<hbm>>
      %dma_wait3A_34 = tpu.memref_squeeze %dma_wait3A_33 : memref<1x10240x32xf32, #tpu.memory_space<hbm>> -> memref<10240x32xf32, #tpu.memory_space<hbm>>
      %dma_wait3A_35 = arith.constant 0 : i32
      %dma_wait3A_36 = tpu.memref_slice %dma_wait3A_34[%mul3A_4, %dma_wait3A_35] : memref<10240x32xf32, #tpu.memory_space<hbm>> -> memref<640x32xf32, #tpu.memory_space<hbm>>
      tpu.wait_dma2 semaphore(%run_scoped3A : memref<!tpu.dma_semaphore, #tpu.memory_space<semaphore_mem>>) src(%arg9 : memref<640x32xf32, #tpu.memory_space<vmem>>) dst(%dma_wait3A_36 : memref<640x32xf32, #tpu.memory_space<hbm>>)
      tpu.yield
    }) : () -> ()
    return
  }
}

#map = affine_map<(d0, d1) -> (0, 0)>
#map1 = affine_map<(d0, d1) -> (0, 0, 0)>
module attributes {stable_mosaic.version = 14 : i64} {
  func.func @_sc_gather(%arg0: i32, %arg1: i32, %arg2: memref<10000x32xf32, #tpu.memory_space<hbm>>, %arg3: memref<32x40x128xi32, #tpu.memory_space<hbm>>, %arg4: memref<163840x32xf32, #tpu.memory_space<hbm>>, %arg5: memref<40x128xi32, #tpu.memory_space<vmem>>, %arg6: memref<128x32xf32, #tpu.memory_space<vmem>>, %arg7: memref<128x32xf32, #tpu.memory_space<vmem>>, %arg8: memref<!tpu.dma_semaphore, #tpu.memory_space<semaphore_mem>>, %arg9: memref<!tpu.dma_semaphore, #tpu.memory_space<semaphore_mem>>) attributes {dimension_semantics = [#tpu.dimension_semantics<core_parallel>, #tpu.dimension_semantics<subcore_parallel>], iteration_bounds = array<i64: 2, 16>, scalar_prefetch = 0 : i64, scratch_operands = 5 : i64, tpu.core_type = #tpu.core_type<sc_vector_subcore>, window_params = [{transform_indices = #map}, {transform_indices = #map1}, {transform_indices = #map}]} {
    %mul3A = arith.constant 2 : i32
    %mul3A_0 = arith.muli %arg1, %mul3A : i32
    %add3A = arith.addi %mul3A_0, %arg0 : i32
    %mul3A_1 = arith.constant 5120 : i32
    %mul3A_2 = arith.muli %add3A, %mul3A_1 : i32
    "tpu.region"() ({
      %run_scoped3A = tpu.sem_alloc : memref<!tpu.dma_semaphore, #tpu.memory_space<semaphore_mem>>
      %dma_start3A_14 = arith.constant 0 : i32
      %dma_start3A_15 = arith.constant 0 : i32
      %dma_start3A_16 = tpu.memref_slice %arg3[%add3A, %dma_start3A_14, %dma_start3A_15] : memref<32x40x128xi32, #tpu.memory_space<hbm>> -> memref<1x40x128xi32, #tpu.memory_space<hbm>>
      %dma_start3A_17 = tpu.memref_squeeze %dma_start3A_16 : memref<1x40x128xi32, #tpu.memory_space<hbm>> -> memref<40x128xi32, #tpu.memory_space<hbm>>
      %dma_start3A_18 = arith.constant 0 : i32
      %dma_start3A_19 = arith.constant 0 : i32
      %dma_start3A_20 = tpu.memref_slice %arg3[%add3A, %dma_start3A_18, %dma_start3A_19] : memref<32x40x128xi32, #tpu.memory_space<hbm>> -> memref<1x40x128xi32, #tpu.memory_space<hbm>>
      %dma_start3A_21 = tpu.memref_squeeze %dma_start3A_20 : memref<1x40x128xi32, #tpu.memory_space<hbm>> -> memref<40x128xi32, #tpu.memory_space<hbm>>
      tpu.enqueue_dma source(%dma_start3A_21 : memref<40x128xi32, #tpu.memory_space<hbm>>) target(%arg5 : memref<40x128xi32, #tpu.memory_space<vmem>>) target_semaphore(%run_scoped3A : memref<!tpu.dma_semaphore, #tpu.memory_space<semaphore_mem>>)
      %dma_wait3A = arith.constant 0 : i32
      %dma_wait3A_22 = arith.constant 0 : i32
      %dma_wait3A_23 = tpu.memref_slice %arg3[%add3A, %dma_wait3A, %dma_wait3A_22] : memref<32x40x128xi32, #tpu.memory_space<hbm>> -> memref<1x40x128xi32, #tpu.memory_space<hbm>>
      %dma_wait3A_24 = tpu.memref_squeeze %dma_wait3A_23 : memref<1x40x128xi32, #tpu.memory_space<hbm>> -> memref<40x128xi32, #tpu.memory_space<hbm>>
      %dma_wait3A_25 = arith.constant 0 : i32
      %dma_wait3A_26 = arith.constant 0 : i32
      %dma_wait3A_27 = tpu.memref_slice %arg3[%add3A, %dma_wait3A_25, %dma_wait3A_26] : memref<32x40x128xi32, #tpu.memory_space<hbm>> -> memref<1x40x128xi32, #tpu.memory_space<hbm>>
      %dma_wait3A_28 = tpu.memref_squeeze %dma_wait3A_27 : memref<1x40x128xi32, #tpu.memory_space<hbm>> -> memref<40x128xi32, #tpu.memory_space<hbm>>
      tpu.wait_dma2 semaphore(%run_scoped3A : memref<!tpu.dma_semaphore, #tpu.memory_space<semaphore_mem>>) src(%dma_wait3A_28 : memref<40x128xi32, #tpu.memory_space<hbm>>) dst(%arg5 : memref<40x128xi32, #tpu.memory_space<vmem>>)
      tpu.yield
    }) : () -> ()
    %dma_start3A = arith.constant 0 : i32
    %dma_start3A_3 = arith.constant 0 : i32
    %dma_start3A_4 = tpu.memref_slice %arg5[%dma_start3A, %dma_start3A_3] : memref<40x128xi32, #tpu.memory_space<vmem>> -> memref<1x128xi32, #tpu.memory_space<vmem>>
    %dma_start3A_5 = tpu.memref_squeeze %dma_start3A_4 : memref<1x128xi32, #tpu.memory_space<vmem>> -> memref<128xi32, #tpu.memory_space<vmem>>
    %dma_start3A_6 = arith.constant 0 : i32
    %dma_start3A_7 = arith.constant 0 : i32
    %dma_start3A_8 = tpu.memref_slice %arg2[%dma_start3A_6, %dma_start3A_7] : memref<10000x32xf32, #tpu.memory_space<hbm>> -> memref<10000x32xf32, #tpu.memory_space<hbm>>
    tpu.enqueue_indirect_dma source(%dma_start3A_8 : memref<10000x32xf32, #tpu.memory_space<hbm>>) target(%arg6 : memref<128x32xf32, #tpu.memory_space<vmem>>) offsets(%dma_start3A_5 : memref<128xi32, #tpu.memory_space<vmem>>) semaphore(%arg8 : memref<!tpu.dma_semaphore, #tpu.memory_space<semaphore_mem>>)
    %scan3A = arith.constant 0 : i32
    %scan3A_9 = arith.constant 0 : i32
    %scan3A_10 = arith.constant 20 : i32
    %scan3A_11 = arith.addi %scan3A_9, %scan3A_10 : i32
    %scan3A_12 = arith.constant 1 : i32
    scf.for %scan3A_14 = %scan3A_9 to %scan3A_11 step %scan3A_12  : i32 {
      %mul3A_15 = arith.constant 2 : i32
      %mul3A_16 = arith.muli %mul3A_15, %scan3A_14 : i32
      %add3A_17 = arith.constant 1 : i32
      %add3A_18 = arith.addi %mul3A_16, %add3A_17 : i32
      %dma_start3A_19 = arith.constant 0 : i32
      %dma_start3A_20 = tpu.memref_slice %arg5[%add3A_18, %dma_start3A_19] : memref<40x128xi32, #tpu.memory_space<vmem>> -> memref<1x128xi32, #tpu.memory_space<vmem>>
      %dma_start3A_21 = tpu.memref_squeeze %dma_start3A_20 : memref<1x128xi32, #tpu.memory_space<vmem>> -> memref<128xi32, #tpu.memory_space<vmem>>
      %dma_start3A_22 = arith.constant 0 : i32
      %dma_start3A_23 = arith.constant 0 : i32
      %dma_start3A_24 = tpu.memref_slice %arg2[%dma_start3A_22, %dma_start3A_23] : memref<10000x32xf32, #tpu.memory_space<hbm>> -> memref<10000x32xf32, #tpu.memory_space<hbm>>
      tpu.enqueue_indirect_dma source(%dma_start3A_24 : memref<10000x32xf32, #tpu.memory_space<hbm>>) target(%arg7 : memref<128x32xf32, #tpu.memory_space<vmem>>) offsets(%dma_start3A_21 : memref<128xi32, #tpu.memory_space<vmem>>) semaphore(%arg9 : memref<!tpu.dma_semaphore, #tpu.memory_space<semaphore_mem>>)
      %dma_wait3A = arith.constant 0 : i32
      %dma_wait3A_25 = arith.constant 0 : i32
      %dma_wait3A_26 = tpu.memref_slice %arg2[%dma_wait3A, %dma_wait3A_25] : memref<10000x32xf32, #tpu.memory_space<hbm>> -> memref<128x32xf32, #tpu.memory_space<hbm>>
      %dma_wait3A_27 = arith.constant 0 : i32
      %dma_wait3A_28 = arith.constant 0 : i32
      %dma_wait3A_29 = tpu.memref_slice %arg2[%dma_wait3A_27, %dma_wait3A_28] : memref<10000x32xf32, #tpu.memory_space<hbm>> -> memref<128x32xf32, #tpu.memory_space<hbm>>
      tpu.wait_dma2 semaphore(%arg8 : memref<!tpu.dma_semaphore, #tpu.memory_space<semaphore_mem>>) src(%dma_wait3A_29 : memref<128x32xf32, #tpu.memory_space<hbm>>) dst(%arg6 : memref<128x32xf32, #tpu.memory_space<vmem>>)
      %mul3A_30 = arith.constant 128 : i32
      %mul3A_31 = arith.muli %mul3A_16, %mul3A_30 : i32
      %add3A_32 = arith.addi %mul3A_2, %mul3A_31 : i32
      "tpu.region"() ({
        %run_scoped3A = tpu.sem_alloc : memref<!tpu.dma_semaphore, #tpu.memory_space<semaphore_mem>>
        %dma_start3A_48 = arith.constant 0 : i32
        %dma_start3A_49 = tpu.memref_slice %arg4[%add3A_32, %dma_start3A_48] : memref<163840x32xf32, #tpu.memory_space<hbm>> -> memref<128x32xf32, #tpu.memory_space<hbm>>
        %dma_start3A_50 = arith.constant 0 : i32
        %dma_start3A_51 = tpu.memref_slice %arg4[%add3A_32, %dma_start3A_50] : memref<163840x32xf32, #tpu.memory_space<hbm>> -> memref<128x32xf32, #tpu.memory_space<hbm>>
        tpu.enqueue_dma source(%arg6 : memref<128x32xf32, #tpu.memory_space<vmem>>) target(%dma_start3A_51 : memref<128x32xf32, #tpu.memory_space<hbm>>) target_semaphore(%run_scoped3A : memref<!tpu.dma_semaphore, #tpu.memory_space<semaphore_mem>>)
        %dma_wait3A_52 = arith.constant 0 : i32
        %dma_wait3A_53 = tpu.memref_slice %arg4[%add3A_32, %dma_wait3A_52] : memref<163840x32xf32, #tpu.memory_space<hbm>> -> memref<128x32xf32, #tpu.memory_space<hbm>>
        %dma_wait3A_54 = arith.constant 0 : i32
        %dma_wait3A_55 = tpu.memref_slice %arg4[%add3A_32, %dma_wait3A_54] : memref<163840x32xf32, #tpu.memory_space<hbm>> -> memref<128x32xf32, #tpu.memory_space<hbm>>
        tpu.wait_dma2 semaphore(%run_scoped3A : memref<!tpu.dma_semaphore, #tpu.memory_space<semaphore_mem>>) src(%arg6 : memref<128x32xf32, #tpu.memory_space<vmem>>) dst(%dma_wait3A_55 : memref<128x32xf32, #tpu.memory_space<hbm>>)
        tpu.yield
      }) : () -> ()
      %add3A_33 = arith.constant 2 : i32
      %add3A_34 = arith.addi %mul3A_16, %add3A_33 : i32
      %lt3A = arith.constant 40 : i32
      %lt3A_35 = arith.cmpi slt, %add3A_34, %lt3A : i32
      %convert_element_type3A = arith.extui %lt3A_35 : i1 to i32
      %cond3A = arith.constant 0 : i32
      %cond3A_36 = arith.cmpi ne, %convert_element_type3A, %cond3A : i32
      scf.if %cond3A_36 {
        %add3A_48 = arith.constant 2 : i32
        %add3A_49 = arith.addi %mul3A_16, %add3A_48 : i32
        %dma_start3A_50 = arith.constant 0 : i32
        %dma_start3A_51 = tpu.memref_slice %arg5[%add3A_49, %dma_start3A_50] : memref<40x128xi32, #tpu.memory_space<vmem>> -> memref<1x128xi32, #tpu.memory_space<vmem>>
        %dma_start3A_52 = tpu.memref_squeeze %dma_start3A_51 : memref<1x128xi32, #tpu.memory_space<vmem>> -> memref<128xi32, #tpu.memory_space<vmem>>
        %dma_start3A_53 = arith.constant 0 : i32
        %dma_start3A_54 = arith.constant 0 : i32
        %dma_start3A_55 = tpu.memref_slice %arg2[%dma_start3A_53, %dma_start3A_54] : memref<10000x32xf32, #tpu.memory_space<hbm>> -> memref<10000x32xf32, #tpu.memory_space<hbm>>
        tpu.enqueue_indirect_dma source(%dma_start3A_55 : memref<10000x32xf32, #tpu.memory_space<hbm>>) target(%arg6 : memref<128x32xf32, #tpu.memory_space<vmem>>) offsets(%dma_start3A_52 : memref<128xi32, #tpu.memory_space<vmem>>) semaphore(%arg8 : memref<!tpu.dma_semaphore, #tpu.memory_space<semaphore_mem>>)
      } else {
      }
      %dma_wait3A_37 = arith.constant 0 : i32
      %dma_wait3A_38 = tpu.memref_slice %arg5[%add3A_18, %dma_wait3A_37] : memref<40x128xi32, #tpu.memory_space<vmem>> -> memref<1x128xi32, #tpu.memory_space<vmem>>
      %dma_wait3A_39 = tpu.memref_squeeze %dma_wait3A_38 : memref<1x128xi32, #tpu.memory_space<vmem>> -> memref<128xi32, #tpu.memory_space<vmem>>
      %dma_wait3A_40 = arith.constant 0 : i32
      %dma_wait3A_41 = arith.constant 0 : i32
      %dma_wait3A_42 = tpu.memref_slice %arg2[%dma_wait3A_40, %dma_wait3A_41] : memref<10000x32xf32, #tpu.memory_space<hbm>> -> memref<10000x32xf32, #tpu.memory_space<hbm>>
      tpu.wait_indirect_dma semaphore(%arg9 : memref<!tpu.dma_semaphore, #tpu.memory_space<semaphore_mem>>) src(%dma_wait3A_42 : memref<10000x32xf32, #tpu.memory_space<hbm>>) dst(%arg7 : memref<128x32xf32, #tpu.memory_space<vmem>>)
      %add3A_43 = arith.constant 1 : i32
      %add3A_44 = arith.addi %mul3A_16, %add3A_43 : i32
      %mul3A_45 = arith.constant 128 : i32
      %mul3A_46 = arith.muli %add3A_44, %mul3A_45 : i32
      %add3A_47 = arith.addi %mul3A_2, %mul3A_46 : i32
      "tpu.region"() ({
        %run_scoped3A = tpu.sem_alloc : memref<!tpu.dma_semaphore, #tpu.memory_space<semaphore_mem>>
        %dma_start3A_48 = arith.constant 0 : i32
        %dma_start3A_49 = tpu.memref_slice %arg4[%add3A_47, %dma_start3A_48] : memref<163840x32xf32, #tpu.memory_space<hbm>> -> memref<128x32xf32, #tpu.memory_space<hbm>>
        %dma_start3A_50 = arith.constant 0 : i32
        %dma_start3A_51 = tpu.memref_slice %arg4[%add3A_47, %dma_start3A_50] : memref<163840x32xf32, #tpu.memory_space<hbm>> -> memref<128x32xf32, #tpu.memory_space<hbm>>
        tpu.enqueue_dma source(%arg7 : memref<128x32xf32, #tpu.memory_space<vmem>>) target(%dma_start3A_51 : memref<128x32xf32, #tpu.memory_space<hbm>>) target_semaphore(%run_scoped3A : memref<!tpu.dma_semaphore, #tpu.memory_space<semaphore_mem>>)
        %dma_wait3A_52 = arith.constant 0 : i32
        %dma_wait3A_53 = tpu.memref_slice %arg4[%add3A_47, %dma_wait3A_52] : memref<163840x32xf32, #tpu.memory_space<hbm>> -> memref<128x32xf32, #tpu.memory_space<hbm>>
        %dma_wait3A_54 = arith.constant 0 : i32
        %dma_wait3A_55 = tpu.memref_slice %arg4[%add3A_47, %dma_wait3A_54] : memref<163840x32xf32, #tpu.memory_space<hbm>> -> memref<128x32xf32, #tpu.memory_space<hbm>>
        tpu.wait_dma2 semaphore(%run_scoped3A : memref<!tpu.dma_semaphore, #tpu.memory_space<semaphore_mem>>) src(%arg7 : memref<128x32xf32, #tpu.memory_space<vmem>>) dst(%dma_wait3A_55 : memref<128x32xf32, #tpu.memory_space<hbm>>)
        tpu.yield
      }) : () -> ()
    }
    %scan3A_13 = arith.constant 20 : i32
    return
  }
}

#map = affine_map<(d0, d1) -> (0, 0)>
#map1 = affine_map<(d0, d1) -> (0, 0, 0)>
module attributes {stable_mosaic.version = 14 : i64} {
  func.func @_sc_scatter(%arg0: i32, %arg1: i32, %arg2: memref<163840x32xf32, #tpu.memory_space<hbm>>, %arg3: memref<32x40x128xi32, #tpu.memory_space<hbm>>, %arg4: memref<10240x32xf32, #tpu.memory_space<hbm>>, %arg5: memref<2x10240x32xf32, #tpu.memory_space<hbm>>, %arg6: memref<40x128xi32, #tpu.memory_space<vmem>>, %arg7: memref<128x32xf32, #tpu.memory_space<vmem>>, %arg8: memref<128x32xf32, #tpu.memory_space<vmem>>, %arg9: memref<640x32xf32, #tpu.memory_space<vmem>>, %arg10: memref<!tpu.dma_semaphore, #tpu.memory_space<semaphore_mem>>, %arg11: memref<!tpu.dma_semaphore, #tpu.memory_space<semaphore_mem>>, %arg12: memref<10240x32xf32, #tpu.memory_space<vmem_shared>>) attributes {dimension_semantics = [#tpu.dimension_semantics<core_parallel>, #tpu.dimension_semantics<subcore_parallel>], iteration_bounds = array<i64: 2, 16>, scalar_prefetch = 0 : i64, scratch_operands = 7 : i64, tpu.core_type = #tpu.core_type<sc_vector_subcore>, window_params = [{transform_indices = #map}, {transform_indices = #map1}, {transform_indices = #map}, {transform_indices = #map1}]} {
    %mul3A = arith.constant 2 : i32
    %mul3A_0 = arith.muli %arg1, %mul3A : i32
    %add3A = arith.addi %mul3A_0, %arg0 : i32
    %mul3A_1 = arith.constant 5120 : i32
    %mul3A_2 = arith.muli %add3A, %mul3A_1 : i32
    %mul3A_3 = arith.constant 640 : i32
    %mul3A_4 = arith.muli %arg1, %mul3A_3 : i32
    "tpu.region"() ({
      %run_scoped3A = tpu.sem_alloc : memref<!tpu.dma_semaphore, #tpu.memory_space<semaphore_mem>>
      %dma_start3A_14 = arith.constant 0 : i32
      %dma_start3A_15 = arith.constant 0 : i32
      %dma_start3A_16 = tpu.memref_slice %arg3[%add3A, %dma_start3A_14, %dma_start3A_15] : memref<32x40x128xi32, #tpu.memory_space<hbm>> -> memref<1x40x128xi32, #tpu.memory_space<hbm>>
      %dma_start3A_17 = tpu.memref_squeeze %dma_start3A_16 : memref<1x40x128xi32, #tpu.memory_space<hbm>> -> memref<40x128xi32, #tpu.memory_space<hbm>>
      %dma_start3A_18 = arith.constant 0 : i32
      %dma_start3A_19 = arith.constant 0 : i32
      %dma_start3A_20 = tpu.memref_slice %arg3[%add3A, %dma_start3A_18, %dma_start3A_19] : memref<32x40x128xi32, #tpu.memory_space<hbm>> -> memref<1x40x128xi32, #tpu.memory_space<hbm>>
      %dma_start3A_21 = tpu.memref_squeeze %dma_start3A_20 : memref<1x40x128xi32, #tpu.memory_space<hbm>> -> memref<40x128xi32, #tpu.memory_space<hbm>>
      tpu.enqueue_dma source(%dma_start3A_21 : memref<40x128xi32, #tpu.memory_space<hbm>>) target(%arg6 : memref<40x128xi32, #tpu.memory_space<vmem>>) target_semaphore(%run_scoped3A : memref<!tpu.dma_semaphore, #tpu.memory_space<semaphore_mem>>)
      %dma_wait3A = arith.constant 0 : i32
      %dma_wait3A_22 = arith.constant 0 : i32
      %dma_wait3A_23 = tpu.memref_slice %arg3[%add3A, %dma_wait3A, %dma_wait3A_22] : memref<32x40x128xi32, #tpu.memory_space<hbm>> -> memref<1x40x128xi32, #tpu.memory_space<hbm>>
      %dma_wait3A_24 = tpu.memref_squeeze %dma_wait3A_23 : memref<1x40x128xi32, #tpu.memory_space<hbm>> -> memref<40x128xi32, #tpu.memory_space<hbm>>
      %dma_wait3A_25 = arith.constant 0 : i32
      %dma_wait3A_26 = arith.constant 0 : i32
      %dma_wait3A_27 = tpu.memref_slice %arg3[%add3A, %dma_wait3A_25, %dma_wait3A_26] : memref<32x40x128xi32, #tpu.memory_space<hbm>> -> memref<1x40x128xi32, #tpu.memory_space<hbm>>
      %dma_wait3A_28 = tpu.memref_squeeze %dma_wait3A_27 : memref<1x40x128xi32, #tpu.memory_space<hbm>> -> memref<40x128xi32, #tpu.memory_space<hbm>>
      tpu.wait_dma2 semaphore(%run_scoped3A : memref<!tpu.dma_semaphore, #tpu.memory_space<semaphore_mem>>) src(%dma_wait3A_28 : memref<40x128xi32, #tpu.memory_space<hbm>>) dst(%arg6 : memref<40x128xi32, #tpu.memory_space<vmem>>)
      tpu.yield
    }) : () -> ()
    "tpu.region"() ({
      %run_scoped3A = tpu.sem_alloc : memref<!tpu.dma_semaphore, #tpu.memory_space<semaphore_mem>>
      %dma_start3A_14 = arith.constant 0 : i32
      %dma_start3A_15 = tpu.memref_slice %arg12[%mul3A_4, %dma_start3A_14] : memref<10240x32xf32, #tpu.memory_space<vmem_shared>> -> memref<640x32xf32, #tpu.memory_space<vmem_shared>>
      %dma_start3A_16 = arith.constant 0 : i32
      %dma_start3A_17 = tpu.memref_slice %arg4[%mul3A_4, %dma_start3A_16] : memref<10240x32xf32, #tpu.memory_space<hbm>> -> memref<640x32xf32, #tpu.memory_space<hbm>>
      tpu.enqueue_dma source(%dma_start3A_17 : memref<640x32xf32, #tpu.memory_space<hbm>>) target(%dma_start3A_15 : memref<640x32xf32, #tpu.memory_space<vmem_shared>>) target_semaphore(%run_scoped3A : memref<!tpu.dma_semaphore, #tpu.memory_space<semaphore_mem>>)
      %dma_wait3A = arith.constant 0 : i32
      %dma_wait3A_18 = tpu.memref_slice %arg12[%mul3A_4, %dma_wait3A] : memref<10240x32xf32, #tpu.memory_space<vmem_shared>> -> memref<640x32xf32, #tpu.memory_space<vmem_shared>>
      %dma_wait3A_19 = arith.constant 0 : i32
      %dma_wait3A_20 = tpu.memref_slice %arg4[%mul3A_4, %dma_wait3A_19] : memref<10240x32xf32, #tpu.memory_space<hbm>> -> memref<640x32xf32, #tpu.memory_space<hbm>>
      tpu.wait_dma2 semaphore(%run_scoped3A : memref<!tpu.dma_semaphore, #tpu.memory_space<semaphore_mem>>) src(%dma_wait3A_20 : memref<640x32xf32, #tpu.memory_space<hbm>>) dst(%dma_wait3A_18 : memref<640x32xf32, #tpu.memory_space<vmem_shared>>)
      tpu.yield
    }) : () -> ()
    %barrier3A = arith.constant 0 : index
    tpu.barrier barrier_id(%barrier3A)
    %dma_start3A = arith.constant 0 : i32
    %dma_start3A_5 = tpu.memref_slice %arg2[%mul3A_2, %dma_start3A] : memref<163840x32xf32, #tpu.memory_space<hbm>> -> memref<128x32xf32, #tpu.memory_space<hbm>>
    %dma_start3A_6 = arith.constant 0 : i32
    %dma_start3A_7 = tpu.memref_slice %arg2[%mul3A_2, %dma_start3A_6] : memref<163840x32xf32, #tpu.memory_space<hbm>> -> memref<128x32xf32, #tpu.memory_space<hbm>>
    tpu.enqueue_dma source(%dma_start3A_7 : memref<128x32xf32, #tpu.memory_space<hbm>>) target(%arg7 : memref<128x32xf32, #tpu.memory_space<vmem>>) target_semaphore(%arg10 : memref<!tpu.dma_semaphore, #tpu.memory_space<semaphore_mem>>)
    %scan3A = arith.constant 0 : i32
    %scan3A_8 = arith.constant 0 : i32
    %scan3A_9 = arith.constant 20 : i32
    %scan3A_10 = arith.addi %scan3A_8, %scan3A_9 : i32
    %scan3A_11 = arith.constant 1 : i32
    scf.for %scan3A_14 = %scan3A_8 to %scan3A_10 step %scan3A_11  : i32 {
      %mul3A_15 = arith.constant 2 : i32
      %mul3A_16 = arith.muli %mul3A_15, %scan3A_14 : i32
      %add3A_17 = arith.constant 1 : i32
      %add3A_18 = arith.addi %mul3A_16, %add3A_17 : i32
      %mul3A_19 = arith.constant 128 : i32
      %mul3A_20 = arith.muli %add3A_18, %mul3A_19 : i32
      %add3A_21 = arith.addi %mul3A_2, %mul3A_20 : i32
      %dma_start3A_22 = arith.constant 0 : i32
      %dma_start3A_23 = tpu.memref_slice %arg2[%add3A_21, %dma_start3A_22] : memref<163840x32xf32, #tpu.memory_space<hbm>> -> memref<128x32xf32, #tpu.memory_space<hbm>>
      %dma_start3A_24 = arith.constant 0 : i32
      %dma_start3A_25 = tpu.memref_slice %arg2[%add3A_21, %dma_start3A_24] : memref<163840x32xf32, #tpu.memory_space<hbm>> -> memref<128x32xf32, #tpu.memory_space<hbm>>
      tpu.enqueue_dma source(%dma_start3A_25 : memref<128x32xf32, #tpu.memory_space<hbm>>) target(%arg8 : memref<128x32xf32, #tpu.memory_space<vmem>>) target_semaphore(%arg11 : memref<!tpu.dma_semaphore, #tpu.memory_space<semaphore_mem>>)
      %dma_wait3A = arith.constant 0 : i32
      %dma_wait3A_26 = arith.constant 0 : i32
      %dma_wait3A_27 = tpu.memref_slice %arg2[%dma_wait3A, %dma_wait3A_26] : memref<163840x32xf32, #tpu.memory_space<hbm>> -> memref<128x32xf32, #tpu.memory_space<hbm>>
      %dma_wait3A_28 = arith.constant 0 : i32
      %dma_wait3A_29 = arith.constant 0 : i32
      %dma_wait3A_30 = tpu.memref_slice %arg2[%dma_wait3A_28, %dma_wait3A_29] : memref<163840x32xf32, #tpu.memory_space<hbm>> -> memref<128x32xf32, #tpu.memory_space<hbm>>
      tpu.wait_dma2 semaphore(%arg10 : memref<!tpu.dma_semaphore, #tpu.memory_space<semaphore_mem>>) src(%dma_wait3A_30 : memref<128x32xf32, #tpu.memory_space<hbm>>) dst(%arg7 : memref<128x32xf32, #tpu.memory_space<vmem>>)
      "tpu.region"() ({
        %run_scoped3A = tpu.sem_alloc : memref<!tpu.dma_semaphore, #tpu.memory_space<semaphore_mem>>
        %dma_start3A_41 = arith.constant 0 : i32
        %dma_start3A_42 = tpu.memref_slice %arg6[%mul3A_16, %dma_start3A_41] : memref<40x128xi32, #tpu.memory_space<vmem>> -> memref<1x128xi32, #tpu.memory_space<vmem>>
        %dma_start3A_43 = tpu.memref_squeeze %dma_start3A_42 : memref<1x128xi32, #tpu.memory_space<vmem>> -> memref<128xi32, #tpu.memory_space<vmem>>
        %dma_start3A_44 = arith.constant 0 : i32
        %dma_start3A_45 = arith.constant 0 : i32
        %dma_start3A_46 = tpu.memref_slice %arg12[%dma_start3A_44, %dma_start3A_45] : memref<10240x32xf32, #tpu.memory_space<vmem_shared>> -> memref<10240x32xf32, #tpu.memory_space<vmem_shared>>
        tpu.enqueue_indirect_dma source(%arg7 : memref<128x32xf32, #tpu.memory_space<vmem>>) target(%dma_start3A_46 : memref<10240x32xf32, #tpu.memory_space<vmem_shared>>) offsets(%dma_start3A_43 : memref<128xi32, #tpu.memory_space<vmem>>) semaphore(%run_scoped3A : memref<!tpu.dma_semaphore, #tpu.memory_space<semaphore_mem>>) {add = true}
        %dma_wait3A_47 = arith.constant 0 : i32
        %dma_wait3A_48 = tpu.memref_slice %arg6[%mul3A_16, %dma_wait3A_47] : memref<40x128xi32, #tpu.memory_space<vmem>> -> memref<1x128xi32, #tpu.memory_space<vmem>>
        %dma_wait3A_49 = tpu.memref_squeeze %dma_wait3A_48 : memref<1x128xi32, #tpu.memory_space<vmem>> -> memref<128xi32, #tpu.memory_space<vmem>>
        %dma_wait3A_50 = arith.constant 0 : i32
        %dma_wait3A_51 = arith.constant 0 : i32
        %dma_wait3A_52 = tpu.memref_slice %arg12[%dma_wait3A_50, %dma_wait3A_51] : memref<10240x32xf32, #tpu.memory_space<vmem_shared>> -> memref<10240x32xf32, #tpu.memory_space<vmem_shared>>
        tpu.wait_indirect_dma semaphore(%run_scoped3A : memref<!tpu.dma_semaphore, #tpu.memory_space<semaphore_mem>>) src(%arg7 : memref<128x32xf32, #tpu.memory_space<vmem>>) dst(%dma_wait3A_52 : memref<10240x32xf32, #tpu.memory_space<vmem_shared>>)
        tpu.yield
      }) : () -> ()
      %add3A_31 = arith.constant 2 : i32
      %add3A_32 = arith.addi %mul3A_16, %add3A_31 : i32
      %lt3A = arith.constant 40 : i32
      %lt3A_33 = arith.cmpi slt, %add3A_32, %lt3A : i32
      %convert_element_type3A = arith.extui %lt3A_33 : i1 to i32
      %cond3A = arith.constant 0 : i32
      %cond3A_34 = arith.cmpi ne, %convert_element_type3A, %cond3A : i32
      scf.if %cond3A_34 {
        %add3A_41 = arith.constant 2 : i32
        %add3A_42 = arith.addi %mul3A_16, %add3A_41 : i32
        %mul3A_43 = arith.constant 128 : i32
        %mul3A_44 = arith.muli %add3A_42, %mul3A_43 : i32
        %add3A_45 = arith.addi %mul3A_2, %mul3A_44 : i32
        %dma_start3A_46 = arith.constant 0 : i32
        %dma_start3A_47 = tpu.memref_slice %arg2[%add3A_45, %dma_start3A_46] : memref<163840x32xf32, #tpu.memory_space<hbm>> -> memref<128x32xf32, #tpu.memory_space<hbm>>
        %dma_start3A_48 = arith.constant 0 : i32
        %dma_start3A_49 = tpu.memref_slice %arg2[%add3A_45, %dma_start3A_48] : memref<163840x32xf32, #tpu.memory_space<hbm>> -> memref<128x32xf32, #tpu.memory_space<hbm>>
        tpu.enqueue_dma source(%dma_start3A_49 : memref<128x32xf32, #tpu.memory_space<hbm>>) target(%arg7 : memref<128x32xf32, #tpu.memory_space<vmem>>) target_semaphore(%arg10 : memref<!tpu.dma_semaphore, #tpu.memory_space<semaphore_mem>>)
      } else {
      }
      %dma_wait3A_35 = arith.constant 0 : i32
      %dma_wait3A_36 = tpu.memref_slice %arg2[%add3A_21, %dma_wait3A_35] : memref<163840x32xf32, #tpu.memory_space<hbm>> -> memref<128x32xf32, #tpu.memory_space<hbm>>
      %dma_wait3A_37 = arith.constant 0 : i32
      %dma_wait3A_38 = tpu.memref_slice %arg2[%add3A_21, %dma_wait3A_37] : memref<163840x32xf32, #tpu.memory_space<hbm>> -> memref<128x32xf32, #tpu.memory_space<hbm>>
      tpu.wait_dma2 semaphore(%arg11 : memref<!tpu.dma_semaphore, #tpu.memory_space<semaphore_mem>>) src(%dma_wait3A_38 : memref<128x32xf32, #tpu.memory_space<hbm>>) dst(%arg8 : memref<128x32xf32, #tpu.memory_space<vmem>>)
      %add3A_39 = arith.constant 1 : i32
      %add3A_40 = arith.addi %mul3A_16, %add3A_39 : i32
      "tpu.region"() ({
        %run_scoped3A = tpu.sem_alloc : memref<!tpu.dma_semaphore, #tpu.memory_space<semaphore_mem>>
        %dma_start3A_41 = arith.constant 0 : i32
        %dma_start3A_42 = tpu.memref_slice %arg6[%add3A_40, %dma_start3A_41] : memref<40x128xi32, #tpu.memory_space<vmem>> -> memref<1x128xi32, #tpu.memory_space<vmem>>
        %dma_start3A_43 = tpu.memref_squeeze %dma_start3A_42 : memref<1x128xi32, #tpu.memory_space<vmem>> -> memref<128xi32, #tpu.memory_space<vmem>>
        %dma_start3A_44 = arith.constant 0 : i32
        %dma_start3A_45 = arith.constant 0 : i32
        %dma_start3A_46 = tpu.memref_slice %arg12[%dma_start3A_44, %dma_start3A_45] : memref<10240x32xf32, #tpu.memory_space<vmem_shared>> -> memref<10240x32xf32, #tpu.memory_space<vmem_shared>>
        tpu.enqueue_indirect_dma source(%arg8 : memref<128x32xf32, #tpu.memory_space<vmem>>) target(%dma_start3A_46 : memref<10240x32xf32, #tpu.memory_space<vmem_shared>>) offsets(%dma_start3A_43 : memref<128xi32, #tpu.memory_space<vmem>>) semaphore(%run_scoped3A : memref<!tpu.dma_semaphore, #tpu.memory_space<semaphore_mem>>) {add = true}
        %dma_wait3A_47 = arith.constant 0 : i32
        %dma_wait3A_48 = tpu.memref_slice %arg6[%add3A_40, %dma_wait3A_47] : memref<40x128xi32, #tpu.memory_space<vmem>> -> memref<1x128xi32, #tpu.memory_space<vmem>>
        %dma_wait3A_49 = tpu.memref_squeeze %dma_wait3A_48 : memref<1x128xi32, #tpu.memory_space<vmem>> -> memref<128xi32, #tpu.memory_space<vmem>>
        %dma_wait3A_50 = arith.constant 0 : i32
        %dma_wait3A_51 = arith.constant 0 : i32
        %dma_wait3A_52 = tpu.memref_slice %arg12[%dma_wait3A_50, %dma_wait3A_51] : memref<10240x32xf32, #tpu.memory_space<vmem_shared>> -> memref<10240x32xf32, #tpu.memory_space<vmem_shared>>
        tpu.wait_indirect_dma semaphore(%run_scoped3A : memref<!tpu.dma_semaphore, #tpu.memory_space<semaphore_mem>>) src(%arg8 : memref<128x32xf32, #tpu.memory_space<vmem>>) dst(%dma_wait3A_52 : memref<10240x32xf32, #tpu.memory_space<vmem_shared>>)
        tpu.yield
      }) : () -> ()
    }
    %scan3A_12 = arith.constant 20 : i32
    %barrier3A_13 = arith.constant 0 : index
    tpu.barrier barrier_id(%barrier3A_13)
    "tpu.region"() ({
      %run_scoped3A = tpu.sem_alloc : memref<!tpu.dma_semaphore, #tpu.memory_space<semaphore_mem>>
      %dma_start3A_14 = arith.constant 0 : i32
      %dma_start3A_15 = tpu.memref_slice %arg12[%mul3A_4, %dma_start3A_14] : memref<10240x32xf32, #tpu.memory_space<vmem_shared>> -> memref<640x32xf32, #tpu.memory_space<vmem_shared>>
      %dma_start3A_16 = arith.constant 0 : i32
      %dma_start3A_17 = tpu.memref_slice %arg12[%mul3A_4, %dma_start3A_16] : memref<10240x32xf32, #tpu.memory_space<vmem_shared>> -> memref<640x32xf32, #tpu.memory_space<vmem_shared>>
      tpu.enqueue_dma source(%dma_start3A_17 : memref<640x32xf32, #tpu.memory_space<vmem_shared>>) target(%arg9 : memref<640x32xf32, #tpu.memory_space<vmem>>) target_semaphore(%run_scoped3A : memref<!tpu.dma_semaphore, #tpu.memory_space<semaphore_mem>>)
      %dma_wait3A = arith.constant 0 : i32
      %dma_wait3A_18 = tpu.memref_slice %arg12[%mul3A_4, %dma_wait3A] : memref<10240x32xf32, #tpu.memory_space<vmem_shared>> -> memref<640x32xf32, #tpu.memory_space<vmem_shared>>
      %dma_wait3A_19 = arith.constant 0 : i32
      %dma_wait3A_20 = tpu.memref_slice %arg12[%mul3A_4, %dma_wait3A_19] : memref<10240x32xf32, #tpu.memory_space<vmem_shared>> -> memref<640x32xf32, #tpu.memory_space<vmem_shared>>
      tpu.wait_dma2 semaphore(%run_scoped3A : memref<!tpu.dma_semaphore, #tpu.memory_space<semaphore_mem>>) src(%dma_wait3A_20 : memref<640x32xf32, #tpu.memory_space<vmem_shared>>) dst(%arg9 : memref<640x32xf32, #tpu.memory_space<vmem>>)
      tpu.yield
    }) : () -> ()
    "tpu.region"() ({
      %run_scoped3A = tpu.sem_alloc : memref<!tpu.dma_semaphore, #tpu.memory_space<semaphore_mem>>
      %dma_start3A_14 = arith.constant 0 : i32
      %dma_start3A_15 = arith.constant 0 : i32
      %dma_start3A_16 = tpu.memref_slice %arg5[%arg0, %dma_start3A_14, %dma_start3A_15] : memref<2x10240x32xf32, #tpu.memory_space<hbm>> -> memref<1x10240x32xf32, #tpu.memory_space<hbm>>
      %dma_start3A_17 = tpu.memref_squeeze %dma_start3A_16 : memref<1x10240x32xf32, #tpu.memory_space<hbm>> -> memref<10240x32xf32, #tpu.memory_space<hbm>>
      %dma_start3A_18 = arith.constant 0 : i32
      %dma_start3A_19 = tpu.memref_slice %dma_start3A_17[%mul3A_4, %dma_start3A_18] : memref<10240x32xf32, #tpu.memory_space<hbm>> -> memref<640x32xf32, #tpu.memory_space<hbm>>
      %dma_start3A_20 = arith.constant 0 : i32
      %dma_start3A_21 = arith.constant 0 : i32
      %dma_start3A_22 = tpu.memref_slice %arg5[%arg0, %dma_start3A_20, %dma_start3A_21] : memref<2x10240x32xf32, #tpu.memory_space<hbm>> -> memref<1x10240x32xf32, #tpu.memory_space<hbm>>
      %dma_start3A_23 = tpu.memref_squeeze %dma_start3A_22 : memref<1x10240x32xf32, #tpu.memory_space<hbm>> -> memref<10240x32xf32, #tpu.memory_space<hbm>>
      %dma_start3A_24 = arith.constant 0 : i32
      %dma_start3A_25 = tpu.memref_slice %dma_start3A_23[%mul3A_4, %dma_start3A_24] : memref<10240x32xf32, #tpu.memory_space<hbm>> -> memref<640x32xf32, #tpu.memory_space<hbm>>
      tpu.enqueue_dma source(%arg9 : memref<640x32xf32, #tpu.memory_space<vmem>>) target(%dma_start3A_25 : memref<640x32xf32, #tpu.memory_space<hbm>>) target_semaphore(%run_scoped3A : memref<!tpu.dma_semaphore, #tpu.memory_space<semaphore_mem>>)
      %dma_wait3A = arith.constant 0 : i32
      %dma_wait3A_26 = arith.constant 0 : i32
      %dma_wait3A_27 = tpu.memref_slice %arg5[%arg0, %dma_wait3A, %dma_wait3A_26] : memref<2x10240x32xf32, #tpu.memory_space<hbm>> -> memref<1x10240x32xf32, #tpu.memory_space<hbm>>
      %dma_wait3A_28 = tpu.memref_squeeze %dma_wait3A_27 : memref<1x10240x32xf32, #tpu.memory_space<hbm>> -> memref<10240x32xf32, #tpu.memory_space<hbm>>
      %dma_wait3A_29 = arith.constant 0 : i32
      %dma_wait3A_30 = tpu.memref_slice %dma_wait3A_28[%mul3A_4, %dma_wait3A_29] : memref<10240x32xf32, #tpu.memory_space<hbm>> -> memref<640x32xf32, #tpu.memory_space<hbm>>
      %dma_wait3A_31 = arith.constant 0 : i32
      %dma_wait3A_32 = arith.constant 0 : i32
      %dma_wait3A_33 = tpu.memref_slice %arg5[%arg0, %dma_wait3A_31, %dma_wait3A_32] : memref<2x10240x32xf32, #tpu.memory_space<hbm>> -> memref<1x10240x32xf32, #tpu.memory_space<hbm>>
      %dma_wait3A_34 = tpu.memref_squeeze %dma_wait3A_33 : memref<1x10240x32xf32, #tpu.memory_space<hbm>> -> memref<10240x32xf32, #tpu.memory_space<hbm>>
      %dma_wait3A_35 = arith.constant 0 : i32
      %dma_wait3A_36 = tpu.memref_slice %dma_wait3A_34[%mul3A_4, %dma_wait3A_35] : memref<10240x32xf32, #tpu.memory_space<hbm>> -> memref<640x32xf32, #tpu.memory_space<hbm>>
      tpu.wait_dma2 semaphore(%run_scoped3A : memref<!tpu.dma_semaphore, #tpu.memory_space<semaphore_mem>>) src(%arg9 : memref<640x32xf32, #tpu.memory_space<vmem>>) dst(%dma_wait3A_36 : memref<640x32xf32, #tpu.memory_space<hbm>>)
      tpu.yield
    }) : () -> ()
    return
  }
}

#map = affine_map<(d0, d1) -> (0, 0)>
#map1 = affine_map<(d0, d1) -> (0, 0, 0)>
module attributes {stable_mosaic.version = 14 : i64} {
  func.func @_sc_gather(%arg0: i32, %arg1: i32, %arg2: memref<10000x32xf32, #tpu.memory_space<hbm>>, %arg3: memref<32x40x128xi32, #tpu.memory_space<hbm>>, %arg4: memref<163840x32xf32, #tpu.memory_space<hbm>>, %arg5: memref<40x128xi32, #tpu.memory_space<vmem>>, %arg6: memref<128x32xf32, #tpu.memory_space<vmem>>, %arg7: memref<128x32xf32, #tpu.memory_space<vmem>>, %arg8: memref<!tpu.dma_semaphore, #tpu.memory_space<semaphore_mem>>, %arg9: memref<!tpu.dma_semaphore, #tpu.memory_space<semaphore_mem>>) attributes {dimension_semantics = [#tpu.dimension_semantics<core_parallel>, #tpu.dimension_semantics<subcore_parallel>], iteration_bounds = array<i64: 2, 16>, scalar_prefetch = 0 : i64, scratch_operands = 5 : i64, tpu.core_type = #tpu.core_type<sc_vector_subcore>, window_params = [{transform_indices = #map}, {transform_indices = #map1}, {transform_indices = #map}]} {
    %mul3A = arith.constant 2 : i32
    %mul3A_0 = arith.muli %arg1, %mul3A : i32
    %add3A = arith.addi %mul3A_0, %arg0 : i32
    %mul3A_1 = arith.constant 5120 : i32
    %mul3A_2 = arith.muli %add3A, %mul3A_1 : i32
    "tpu.region"() ({
      %run_scoped3A = tpu.sem_alloc : memref<!tpu.dma_semaphore, #tpu.memory_space<semaphore_mem>>
      %dma_start3A_14 = arith.constant 0 : i32
      %dma_start3A_15 = arith.constant 0 : i32
      %dma_start3A_16 = tpu.memref_slice %arg3[%add3A, %dma_start3A_14, %dma_start3A_15] : memref<32x40x128xi32, #tpu.memory_space<hbm>> -> memref<1x40x128xi32, #tpu.memory_space<hbm>>
      %dma_start3A_17 = tpu.memref_squeeze %dma_start3A_16 : memref<1x40x128xi32, #tpu.memory_space<hbm>> -> memref<40x128xi32, #tpu.memory_space<hbm>>
      %dma_start3A_18 = arith.constant 0 : i32
      %dma_start3A_19 = arith.constant 0 : i32
      %dma_start3A_20 = tpu.memref_slice %arg3[%add3A, %dma_start3A_18, %dma_start3A_19] : memref<32x40x128xi32, #tpu.memory_space<hbm>> -> memref<1x40x128xi32, #tpu.memory_space<hbm>>
      %dma_start3A_21 = tpu.memref_squeeze %dma_start3A_20 : memref<1x40x128xi32, #tpu.memory_space<hbm>> -> memref<40x128xi32, #tpu.memory_space<hbm>>
      tpu.enqueue_dma source(%dma_start3A_21 : memref<40x128xi32, #tpu.memory_space<hbm>>) target(%arg5 : memref<40x128xi32, #tpu.memory_space<vmem>>) target_semaphore(%run_scoped3A : memref<!tpu.dma_semaphore, #tpu.memory_space<semaphore_mem>>)
      %dma_wait3A = arith.constant 0 : i32
      %dma_wait3A_22 = arith.constant 0 : i32
      %dma_wait3A_23 = tpu.memref_slice %arg3[%add3A, %dma_wait3A, %dma_wait3A_22] : memref<32x40x128xi32, #tpu.memory_space<hbm>> -> memref<1x40x128xi32, #tpu.memory_space<hbm>>
      %dma_wait3A_24 = tpu.memref_squeeze %dma_wait3A_23 : memref<1x40x128xi32, #tpu.memory_space<hbm>> -> memref<40x128xi32, #tpu.memory_space<hbm>>
      %dma_wait3A_25 = arith.constant 0 : i32
      %dma_wait3A_26 = arith.constant 0 : i32
      %dma_wait3A_27 = tpu.memref_slice %arg3[%add3A, %dma_wait3A_25, %dma_wait3A_26] : memref<32x40x128xi32, #tpu.memory_space<hbm>> -> memref<1x40x128xi32, #tpu.memory_space<hbm>>
      %dma_wait3A_28 = tpu.memref_squeeze %dma_wait3A_27 : memref<1x40x128xi32, #tpu.memory_space<hbm>> -> memref<40x128xi32, #tpu.memory_space<hbm>>
      tpu.wait_dma2 semaphore(%run_scoped3A : memref<!tpu.dma_semaphore, #tpu.memory_space<semaphore_mem>>) src(%dma_wait3A_28 : memref<40x128xi32, #tpu.memory_space<hbm>>) dst(%arg5 : memref<40x128xi32, #tpu.memory_space<vmem>>)
      tpu.yield
    }) : () -> ()
    %dma_start3A = arith.constant 0 : i32
    %dma_start3A_3 = arith.constant 0 : i32
    %dma_start3A_4 = tpu.memref_slice %arg5[%dma_start3A, %dma_start3A_3] : memref<40x128xi32, #tpu.memory_space<vmem>> -> memref<1x128xi32, #tpu.memory_space<vmem>>
    %dma_start3A_5 = tpu.memref_squeeze %dma_start3A_4 : memref<1x128xi32, #tpu.memory_space<vmem>> -> memref<128xi32, #tpu.memory_space<vmem>>
    %dma_start3A_6 = arith.constant 0 : i32
    %dma_start3A_7 = arith.constant 0 : i32
    %dma_start3A_8 = tpu.memref_slice %arg2[%dma_start3A_6, %dma_start3A_7] : memref<10000x32xf32, #tpu.memory_space<hbm>> -> memref<10000x32xf32, #tpu.memory_space<hbm>>
    tpu.enqueue_indirect_dma source(%dma_start3A_8 : memref<10000x32xf32, #tpu.memory_space<hbm>>) target(%arg6 : memref<128x32xf32, #tpu.memory_space<vmem>>) offsets(%dma_start3A_5 : memref<128xi32, #tpu.memory_space<vmem>>) semaphore(%arg8 : memref<!tpu.dma_semaphore, #tpu.memory_space<semaphore_mem>>)
    %scan3A = arith.constant 0 : i32
    %scan3A_9 = arith.constant 0 : i32
    %scan3A_10 = arith.constant 20 : i32
    %scan3A_11 = arith.addi %scan3A_9, %scan3A_10 : i32
    %scan3A_12 = arith.constant 1 : i32
    scf.for %scan3A_14 = %scan3A_9 to %scan3A_11 step %scan3A_12  : i32 {
      %mul3A_15 = arith.constant 2 : i32
      %mul3A_16 = arith.muli %mul3A_15, %scan3A_14 : i32
      %add3A_17 = arith.constant 1 : i32
      %add3A_18 = arith.addi %mul3A_16, %add3A_17 : i32
      %dma_start3A_19 = arith.constant 0 : i32
      %dma_start3A_20 = tpu.memref_slice %arg5[%add3A_18, %dma_start3A_19] : memref<40x128xi32, #tpu.memory_space<vmem>> -> memref<1x128xi32, #tpu.memory_space<vmem>>
      %dma_start3A_21 = tpu.memref_squeeze %dma_start3A_20 : memref<1x128xi32, #tpu.memory_space<vmem>> -> memref<128xi32, #tpu.memory_space<vmem>>
      %dma_start3A_22 = arith.constant 0 : i32
      %dma_start3A_23 = arith.constant 0 : i32
      %dma_start3A_24 = tpu.memref_slice %arg2[%dma_start3A_22, %dma_start3A_23] : memref<10000x32xf32, #tpu.memory_space<hbm>> -> memref<10000x32xf32, #tpu.memory_space<hbm>>
      tpu.enqueue_indirect_dma source(%dma_start3A_24 : memref<10000x32xf32, #tpu.memory_space<hbm>>) target(%arg7 : memref<128x32xf32, #tpu.memory_space<vmem>>) offsets(%dma_start3A_21 : memref<128xi32, #tpu.memory_space<vmem>>) semaphore(%arg9 : memref<!tpu.dma_semaphore, #tpu.memory_space<semaphore_mem>>)
      %dma_wait3A = arith.constant 0 : i32
      %dma_wait3A_25 = arith.constant 0 : i32
      %dma_wait3A_26 = tpu.memref_slice %arg2[%dma_wait3A, %dma_wait3A_25] : memref<10000x32xf32, #tpu.memory_space<hbm>> -> memref<128x32xf32, #tpu.memory_space<hbm>>
      %dma_wait3A_27 = arith.constant 0 : i32
      %dma_wait3A_28 = arith.constant 0 : i32
      %dma_wait3A_29 = tpu.memref_slice %arg2[%dma_wait3A_27, %dma_wait3A_28] : memref<10000x32xf32, #tpu.memory_space<hbm>> -> memref<128x32xf32, #tpu.memory_space<hbm>>
      tpu.wait_dma2 semaphore(%arg8 : memref<!tpu.dma_semaphore, #tpu.memory_space<semaphore_mem>>) src(%dma_wait3A_29 : memref<128x32xf32, #tpu.memory_space<hbm>>) dst(%arg6 : memref<128x32xf32, #tpu.memory_space<vmem>>)
      %mul3A_30 = arith.constant 128 : i32
      %mul3A_31 = arith.muli %mul3A_16, %mul3A_30 : i32
      %add3A_32 = arith.addi %mul3A_2, %mul3A_31 : i32
      "tpu.region"() ({
        %run_scoped3A = tpu.sem_alloc : memref<!tpu.dma_semaphore, #tpu.memory_space<semaphore_mem>>
        %dma_start3A_48 = arith.constant 0 : i32
        %dma_start3A_49 = tpu.memref_slice %arg4[%add3A_32, %dma_start3A_48] : memref<163840x32xf32, #tpu.memory_space<hbm>> -> memref<128x32xf32, #tpu.memory_space<hbm>>
        %dma_start3A_50 = arith.constant 0 : i32
        %dma_start3A_51 = tpu.memref_slice %arg4[%add3A_32, %dma_start3A_50] : memref<163840x32xf32, #tpu.memory_space<hbm>> -> memref<128x32xf32, #tpu.memory_space<hbm>>
        tpu.enqueue_dma source(%arg6 : memref<128x32xf32, #tpu.memory_space<vmem>>) target(%dma_start3A_51 : memref<128x32xf32, #tpu.memory_space<hbm>>) target_semaphore(%run_scoped3A : memref<!tpu.dma_semaphore, #tpu.memory_space<semaphore_mem>>)
        %dma_wait3A_52 = arith.constant 0 : i32
        %dma_wait3A_53 = tpu.memref_slice %arg4[%add3A_32, %dma_wait3A_52] : memref<163840x32xf32, #tpu.memory_space<hbm>> -> memref<128x32xf32, #tpu.memory_space<hbm>>
        %dma_wait3A_54 = arith.constant 0 : i32
        %dma_wait3A_55 = tpu.memref_slice %arg4[%add3A_32, %dma_wait3A_54] : memref<163840x32xf32, #tpu.memory_space<hbm>> -> memref<128x32xf32, #tpu.memory_space<hbm>>
        tpu.wait_dma2 semaphore(%run_scoped3A : memref<!tpu.dma_semaphore, #tpu.memory_space<semaphore_mem>>) src(%arg6 : memref<128x32xf32, #tpu.memory_space<vmem>>) dst(%dma_wait3A_55 : memref<128x32xf32, #tpu.memory_space<hbm>>)
        tpu.yield
      }) : () -> ()
      %add3A_33 = arith.constant 2 : i32
      %add3A_34 = arith.addi %mul3A_16, %add3A_33 : i32
      %lt3A = arith.constant 40 : i32
      %lt3A_35 = arith.cmpi slt, %add3A_34, %lt3A : i32
      %convert_element_type3A = arith.extui %lt3A_35 : i1 to i32
      %cond3A = arith.constant 0 : i32
      %cond3A_36 = arith.cmpi ne, %convert_element_type3A, %cond3A : i32
      scf.if %cond3A_36 {
        %add3A_48 = arith.constant 2 : i32
        %add3A_49 = arith.addi %mul3A_16, %add3A_48 : i32
        %dma_start3A_50 = arith.constant 0 : i32
        %dma_start3A_51 = tpu.memref_slice %arg5[%add3A_49, %dma_start3A_50] : memref<40x128xi32, #tpu.memory_space<vmem>> -> memref<1x128xi32, #tpu.memory_space<vmem>>
        %dma_start3A_52 = tpu.memref_squeeze %dma_start3A_51 : memref<1x128xi32, #tpu.memory_space<vmem>> -> memref<128xi32, #tpu.memory_space<vmem>>
        %dma_start3A_53 = arith.constant 0 : i32
        %dma_start3A_54 = arith.constant 0 : i32
        %dma_start3A_55 = tpu.memref_slice %arg2[%dma_start3A_53, %dma_start3A_54] : memref<10000x32xf32, #tpu.memory_space<hbm>> -> memref<10000x32xf32, #tpu.memory_space<hbm>>
        tpu.enqueue_indirect_dma source(%dma_start3A_55 : memref<10000x32xf32, #tpu.memory_space<hbm>>) target(%arg6 : memref<128x32xf32, #tpu.memory_space<vmem>>) offsets(%dma_start3A_52 : memref<128xi32, #tpu.memory_space<vmem>>) semaphore(%arg8 : memref<!tpu.dma_semaphore, #tpu.memory_space<semaphore_mem>>)
      } else {
      }
      %dma_wait3A_37 = arith.constant 0 : i32
      %dma_wait3A_38 = tpu.memref_slice %arg5[%add3A_18, %dma_wait3A_37] : memref<40x128xi32, #tpu.memory_space<vmem>> -> memref<1x128xi32, #tpu.memory_space<vmem>>
      %dma_wait3A_39 = tpu.memref_squeeze %dma_wait3A_38 : memref<1x128xi32, #tpu.memory_space<vmem>> -> memref<128xi32, #tpu.memory_space<vmem>>
      %dma_wait3A_40 = arith.constant 0 : i32
      %dma_wait3A_41 = arith.constant 0 : i32
      %dma_wait3A_42 = tpu.memref_slice %arg2[%dma_wait3A_40, %dma_wait3A_41] : memref<10000x32xf32, #tpu.memory_space<hbm>> -> memref<10000x32xf32, #tpu.memory_space<hbm>>
      tpu.wait_indirect_dma semaphore(%arg9 : memref<!tpu.dma_semaphore, #tpu.memory_space<semaphore_mem>>) src(%dma_wait3A_42 : memref<10000x32xf32, #tpu.memory_space<hbm>>) dst(%arg7 : memref<128x32xf32, #tpu.memory_space<vmem>>)
      %add3A_43 = arith.constant 1 : i32
      %add3A_44 = arith.addi %mul3A_16, %add3A_43 : i32
      %mul3A_45 = arith.constant 128 : i32
      %mul3A_46 = arith.muli %add3A_44, %mul3A_45 : i32
      %add3A_47 = arith.addi %mul3A_2, %mul3A_46 : i32
      "tpu.region"() ({
        %run_scoped3A = tpu.sem_alloc : memref<!tpu.dma_semaphore, #tpu.memory_space<semaphore_mem>>
        %dma_start3A_48 = arith.constant 0 : i32
        %dma_start3A_49 = tpu.memref_slice %arg4[%add3A_47, %dma_start3A_48] : memref<163840x32xf32, #tpu.memory_space<hbm>> -> memref<128x32xf32, #tpu.memory_space<hbm>>
        %dma_start3A_50 = arith.constant 0 : i32
        %dma_start3A_51 = tpu.memref_slice %arg4[%add3A_47, %dma_start3A_50] : memref<163840x32xf32, #tpu.memory_space<hbm>> -> memref<128x32xf32, #tpu.memory_space<hbm>>
        tpu.enqueue_dma source(%arg7 : memref<128x32xf32, #tpu.memory_space<vmem>>) target(%dma_start3A_51 : memref<128x32xf32, #tpu.memory_space<hbm>>) target_semaphore(%run_scoped3A : memref<!tpu.dma_semaphore, #tpu.memory_space<semaphore_mem>>)
        %dma_wait3A_52 = arith.constant 0 : i32
        %dma_wait3A_53 = tpu.memref_slice %arg4[%add3A_47, %dma_wait3A_52] : memref<163840x32xf32, #tpu.memory_space<hbm>> -> memref<128x32xf32, #tpu.memory_space<hbm>>
        %dma_wait3A_54 = arith.constant 0 : i32
        %dma_wait3A_55 = tpu.memref_slice %arg4[%add3A_47, %dma_wait3A_54] : memref<163840x32xf32, #tpu.memory_space<hbm>> -> memref<128x32xf32, #tpu.memory_space<hbm>>
        tpu.wait_dma2 semaphore(%run_scoped3A : memref<!tpu.dma_semaphore, #tpu.memory_space<semaphore_mem>>) src(%arg7 : memref<128x32xf32, #tpu.memory_space<vmem>>) dst(%dma_wait3A_55 : memref<128x32xf32, #tpu.memory_space<hbm>>)
        tpu.yield
      }) : () -> ()
    }
    %scan3A_13 = arith.constant 20 : i32
    return
  }
}

#map = affine_map<(d0, d1) -> (0, 0)>
#map1 = affine_map<(d0, d1) -> (0, 0, 0)>
module attributes {stable_mosaic.version = 14 : i64} {
  func.func @_sc_scatter(%arg0: i32, %arg1: i32, %arg2: memref<163840x32xf32, #tpu.memory_space<hbm>>, %arg3: memref<32x40x128xi32, #tpu.memory_space<hbm>>, %arg4: memref<10240x32xf32, #tpu.memory_space<hbm>>, %arg5: memref<2x10240x32xf32, #tpu.memory_space<hbm>>, %arg6: memref<40x128xi32, #tpu.memory_space<vmem>>, %arg7: memref<128x32xf32, #tpu.memory_space<vmem>>, %arg8: memref<128x32xf32, #tpu.memory_space<vmem>>, %arg9: memref<640x32xf32, #tpu.memory_space<vmem>>, %arg10: memref<!tpu.dma_semaphore, #tpu.memory_space<semaphore_mem>>, %arg11: memref<!tpu.dma_semaphore, #tpu.memory_space<semaphore_mem>>, %arg12: memref<10240x32xf32, #tpu.memory_space<vmem_shared>>) attributes {dimension_semantics = [#tpu.dimension_semantics<core_parallel>, #tpu.dimension_semantics<subcore_parallel>], iteration_bounds = array<i64: 2, 16>, scalar_prefetch = 0 : i64, scratch_operands = 7 : i64, tpu.core_type = #tpu.core_type<sc_vector_subcore>, window_params = [{transform_indices = #map}, {transform_indices = #map1}, {transform_indices = #map}, {transform_indices = #map1}]} {
    %mul3A = arith.constant 2 : i32
    %mul3A_0 = arith.muli %arg1, %mul3A : i32
    %add3A = arith.addi %mul3A_0, %arg0 : i32
    %mul3A_1 = arith.constant 5120 : i32
    %mul3A_2 = arith.muli %add3A, %mul3A_1 : i32
    %mul3A_3 = arith.constant 640 : i32
    %mul3A_4 = arith.muli %arg1, %mul3A_3 : i32
    "tpu.region"() ({
      %run_scoped3A = tpu.sem_alloc : memref<!tpu.dma_semaphore, #tpu.memory_space<semaphore_mem>>
      %dma_start3A_14 = arith.constant 0 : i32
      %dma_start3A_15 = arith.constant 0 : i32
      %dma_start3A_16 = tpu.memref_slice %arg3[%add3A, %dma_start3A_14, %dma_start3A_15] : memref<32x40x128xi32, #tpu.memory_space<hbm>> -> memref<1x40x128xi32, #tpu.memory_space<hbm>>
      %dma_start3A_17 = tpu.memref_squeeze %dma_start3A_16 : memref<1x40x128xi32, #tpu.memory_space<hbm>> -> memref<40x128xi32, #tpu.memory_space<hbm>>
      %dma_start3A_18 = arith.constant 0 : i32
      %dma_start3A_19 = arith.constant 0 : i32
      %dma_start3A_20 = tpu.memref_slice %arg3[%add3A, %dma_start3A_18, %dma_start3A_19] : memref<32x40x128xi32, #tpu.memory_space<hbm>> -> memref<1x40x128xi32, #tpu.memory_space<hbm>>
      %dma_start3A_21 = tpu.memref_squeeze %dma_start3A_20 : memref<1x40x128xi32, #tpu.memory_space<hbm>> -> memref<40x128xi32, #tpu.memory_space<hbm>>
      tpu.enqueue_dma source(%dma_start3A_21 : memref<40x128xi32, #tpu.memory_space<hbm>>) target(%arg6 : memref<40x128xi32, #tpu.memory_space<vmem>>) target_semaphore(%run_scoped3A : memref<!tpu.dma_semaphore, #tpu.memory_space<semaphore_mem>>)
      %dma_wait3A = arith.constant 0 : i32
      %dma_wait3A_22 = arith.constant 0 : i32
      %dma_wait3A_23 = tpu.memref_slice %arg3[%add3A, %dma_wait3A, %dma_wait3A_22] : memref<32x40x128xi32, #tpu.memory_space<hbm>> -> memref<1x40x128xi32, #tpu.memory_space<hbm>>
      %dma_wait3A_24 = tpu.memref_squeeze %dma_wait3A_23 : memref<1x40x128xi32, #tpu.memory_space<hbm>> -> memref<40x128xi32, #tpu.memory_space<hbm>>
      %dma_wait3A_25 = arith.constant 0 : i32
      %dma_wait3A_26 = arith.constant 0 : i32
      %dma_wait3A_27 = tpu.memref_slice %arg3[%add3A, %dma_wait3A_25, %dma_wait3A_26] : memref<32x40x128xi32, #tpu.memory_space<hbm>> -> memref<1x40x128xi32, #tpu.memory_space<hbm>>
      %dma_wait3A_28 = tpu.memref_squeeze %dma_wait3A_27 : memref<1x40x128xi32, #tpu.memory_space<hbm>> -> memref<40x128xi32, #tpu.memory_space<hbm>>
      tpu.wait_dma2 semaphore(%run_scoped3A : memref<!tpu.dma_semaphore, #tpu.memory_space<semaphore_mem>>) src(%dma_wait3A_28 : memref<40x128xi32, #tpu.memory_space<hbm>>) dst(%arg6 : memref<40x128xi32, #tpu.memory_space<vmem>>)
      tpu.yield
    }) : () -> ()
    "tpu.region"() ({
      %run_scoped3A = tpu.sem_alloc : memref<!tpu.dma_semaphore, #tpu.memory_space<semaphore_mem>>
      %dma_start3A_14 = arith.constant 0 : i32
      %dma_start3A_15 = tpu.memref_slice %arg12[%mul3A_4, %dma_start3A_14] : memref<10240x32xf32, #tpu.memory_space<vmem_shared>> -> memref<640x32xf32, #tpu.memory_space<vmem_shared>>
      %dma_start3A_16 = arith.constant 0 : i32
      %dma_start3A_17 = tpu.memref_slice %arg4[%mul3A_4, %dma_start3A_16] : memref<10240x32xf32, #tpu.memory_space<hbm>> -> memref<640x32xf32, #tpu.memory_space<hbm>>
      tpu.enqueue_dma source(%dma_start3A_17 : memref<640x32xf32, #tpu.memory_space<hbm>>) target(%dma_start3A_15 : memref<640x32xf32, #tpu.memory_space<vmem_shared>>) target_semaphore(%run_scoped3A : memref<!tpu.dma_semaphore, #tpu.memory_space<semaphore_mem>>)
      %dma_wait3A = arith.constant 0 : i32
      %dma_wait3A_18 = tpu.memref_slice %arg12[%mul3A_4, %dma_wait3A] : memref<10240x32xf32, #tpu.memory_space<vmem_shared>> -> memref<640x32xf32, #tpu.memory_space<vmem_shared>>
      %dma_wait3A_19 = arith.constant 0 : i32
      %dma_wait3A_20 = tpu.memref_slice %arg4[%mul3A_4, %dma_wait3A_19] : memref<10240x32xf32, #tpu.memory_space<hbm>> -> memref<640x32xf32, #tpu.memory_space<hbm>>
      tpu.wait_dma2 semaphore(%run_scoped3A : memref<!tpu.dma_semaphore, #tpu.memory_space<semaphore_mem>>) src(%dma_wait3A_20 : memref<640x32xf32, #tpu.memory_space<hbm>>) dst(%dma_wait3A_18 : memref<640x32xf32, #tpu.memory_space<vmem_shared>>)
      tpu.yield
    }) : () -> ()
    %barrier3A = arith.constant 0 : index
    tpu.barrier barrier_id(%barrier3A)
    %dma_start3A = arith.constant 0 : i32
    %dma_start3A_5 = tpu.memref_slice %arg2[%mul3A_2, %dma_start3A] : memref<163840x32xf32, #tpu.memory_space<hbm>> -> memref<128x32xf32, #tpu.memory_space<hbm>>
    %dma_start3A_6 = arith.constant 0 : i32
    %dma_start3A_7 = tpu.memref_slice %arg2[%mul3A_2, %dma_start3A_6] : memref<163840x32xf32, #tpu.memory_space<hbm>> -> memref<128x32xf32, #tpu.memory_space<hbm>>
    tpu.enqueue_dma source(%dma_start3A_7 : memref<128x32xf32, #tpu.memory_space<hbm>>) target(%arg7 : memref<128x32xf32, #tpu.memory_space<vmem>>) target_semaphore(%arg10 : memref<!tpu.dma_semaphore, #tpu.memory_space<semaphore_mem>>)
    %scan3A = arith.constant 0 : i32
    %scan3A_8 = arith.constant 0 : i32
    %scan3A_9 = arith.constant 20 : i32
    %scan3A_10 = arith.addi %scan3A_8, %scan3A_9 : i32
    %scan3A_11 = arith.constant 1 : i32
    scf.for %scan3A_14 = %scan3A_8 to %scan3A_10 step %scan3A_11  : i32 {
      %mul3A_15 = arith.constant 2 : i32
      %mul3A_16 = arith.muli %mul3A_15, %scan3A_14 : i32
      %add3A_17 = arith.constant 1 : i32
      %add3A_18 = arith.addi %mul3A_16, %add3A_17 : i32
      %mul3A_19 = arith.constant 128 : i32
      %mul3A_20 = arith.muli %add3A_18, %mul3A_19 : i32
      %add3A_21 = arith.addi %mul3A_2, %mul3A_20 : i32
      %dma_start3A_22 = arith.constant 0 : i32
      %dma_start3A_23 = tpu.memref_slice %arg2[%add3A_21, %dma_start3A_22] : memref<163840x32xf32, #tpu.memory_space<hbm>> -> memref<128x32xf32, #tpu.memory_space<hbm>>
      %dma_start3A_24 = arith.constant 0 : i32
      %dma_start3A_25 = tpu.memref_slice %arg2[%add3A_21, %dma_start3A_24] : memref<163840x32xf32, #tpu.memory_space<hbm>> -> memref<128x32xf32, #tpu.memory_space<hbm>>
      tpu.enqueue_dma source(%dma_start3A_25 : memref<128x32xf32, #tpu.memory_space<hbm>>) target(%arg8 : memref<128x32xf32, #tpu.memory_space<vmem>>) target_semaphore(%arg11 : memref<!tpu.dma_semaphore, #tpu.memory_space<semaphore_mem>>)
      %dma_wait3A = arith.constant 0 : i32
      %dma_wait3A_26 = arith.constant 0 : i32
      %dma_wait3A_27 = tpu.memref_slice %arg2[%dma_wait3A, %dma_wait3A_26] : memref<163840x32xf32, #tpu.memory_space<hbm>> -> memref<128x32xf32, #tpu.memory_space<hbm>>
      %dma_wait3A_28 = arith.constant 0 : i32
      %dma_wait3A_29 = arith.constant 0 : i32
      %dma_wait3A_30 = tpu.memref_slice %arg2[%dma_wait3A_28, %dma_wait3A_29] : memref<163840x32xf32, #tpu.memory_space<hbm>> -> memref<128x32xf32, #tpu.memory_space<hbm>>
      tpu.wait_dma2 semaphore(%arg10 : memref<!tpu.dma_semaphore, #tpu.memory_space<semaphore_mem>>) src(%dma_wait3A_30 : memref<128x32xf32, #tpu.memory_space<hbm>>) dst(%arg7 : memref<128x32xf32, #tpu.memory_space<vmem>>)
      "tpu.region"() ({
        %run_scoped3A = tpu.sem_alloc : memref<!tpu.dma_semaphore, #tpu.memory_space<semaphore_mem>>
        %dma_start3A_41 = arith.constant 0 : i32
        %dma_start3A_42 = tpu.memref_slice %arg6[%mul3A_16, %dma_start3A_41] : memref<40x128xi32, #tpu.memory_space<vmem>> -> memref<1x128xi32, #tpu.memory_space<vmem>>
        %dma_start3A_43 = tpu.memref_squeeze %dma_start3A_42 : memref<1x128xi32, #tpu.memory_space<vmem>> -> memref<128xi32, #tpu.memory_space<vmem>>
        %dma_start3A_44 = arith.constant 0 : i32
        %dma_start3A_45 = arith.constant 0 : i32
        %dma_start3A_46 = tpu.memref_slice %arg12[%dma_start3A_44, %dma_start3A_45] : memref<10240x32xf32, #tpu.memory_space<vmem_shared>> -> memref<10240x32xf32, #tpu.memory_space<vmem_shared>>
        tpu.enqueue_indirect_dma source(%arg7 : memref<128x32xf32, #tpu.memory_space<vmem>>) target(%dma_start3A_46 : memref<10240x32xf32, #tpu.memory_space<vmem_shared>>) offsets(%dma_start3A_43 : memref<128xi32, #tpu.memory_space<vmem>>) semaphore(%run_scoped3A : memref<!tpu.dma_semaphore, #tpu.memory_space<semaphore_mem>>) {add = true}
        %dma_wait3A_47 = arith.constant 0 : i32
        %dma_wait3A_48 = tpu.memref_slice %arg6[%mul3A_16, %dma_wait3A_47] : memref<40x128xi32, #tpu.memory_space<vmem>> -> memref<1x128xi32, #tpu.memory_space<vmem>>
        %dma_wait3A_49 = tpu.memref_squeeze %dma_wait3A_48 : memref<1x128xi32, #tpu.memory_space<vmem>> -> memref<128xi32, #tpu.memory_space<vmem>>
        %dma_wait3A_50 = arith.constant 0 : i32
        %dma_wait3A_51 = arith.constant 0 : i32
        %dma_wait3A_52 = tpu.memref_slice %arg12[%dma_wait3A_50, %dma_wait3A_51] : memref<10240x32xf32, #tpu.memory_space<vmem_shared>> -> memref<10240x32xf32, #tpu.memory_space<vmem_shared>>
        tpu.wait_indirect_dma semaphore(%run_scoped3A : memref<!tpu.dma_semaphore, #tpu.memory_space<semaphore_mem>>) src(%arg7 : memref<128x32xf32, #tpu.memory_space<vmem>>) dst(%dma_wait3A_52 : memref<10240x32xf32, #tpu.memory_space<vmem_shared>>)
        tpu.yield
      }) : () -> ()
      %add3A_31 = arith.constant 2 : i32
      %add3A_32 = arith.addi %mul3A_16, %add3A_31 : i32
      %lt3A = arith.constant 40 : i32
      %lt3A_33 = arith.cmpi slt, %add3A_32, %lt3A : i32
      %convert_element_type3A = arith.extui %lt3A_33 : i1 to i32
      %cond3A = arith.constant 0 : i32
      %cond3A_34 = arith.cmpi ne, %convert_element_type3A, %cond3A : i32
      scf.if %cond3A_34 {
        %add3A_41 = arith.constant 2 : i32
        %add3A_42 = arith.addi %mul3A_16, %add3A_41 : i32
        %mul3A_43 = arith.constant 128 : i32
        %mul3A_44 = arith.muli %add3A_42, %mul3A_43 : i32
        %add3A_45 = arith.addi %mul3A_2, %mul3A_44 : i32
        %dma_start3A_46 = arith.constant 0 : i32
        %dma_start3A_47 = tpu.memref_slice %arg2[%add3A_45, %dma_start3A_46] : memref<163840x32xf32, #tpu.memory_space<hbm>> -> memref<128x32xf32, #tpu.memory_space<hbm>>
        %dma_start3A_48 = arith.constant 0 : i32
        %dma_start3A_49 = tpu.memref_slice %arg2[%add3A_45, %dma_start3A_48] : memref<163840x32xf32, #tpu.memory_space<hbm>> -> memref<128x32xf32, #tpu.memory_space<hbm>>
        tpu.enqueue_dma source(%dma_start3A_49 : memref<128x32xf32, #tpu.memory_space<hbm>>) target(%arg7 : memref<128x32xf32, #tpu.memory_space<vmem>>) target_semaphore(%arg10 : memref<!tpu.dma_semaphore, #tpu.memory_space<semaphore_mem>>)
      } else {
      }
      %dma_wait3A_35 = arith.constant 0 : i32
      %dma_wait3A_36 = tpu.memref_slice %arg2[%add3A_21, %dma_wait3A_35] : memref<163840x32xf32, #tpu.memory_space<hbm>> -> memref<128x32xf32, #tpu.memory_space<hbm>>
      %dma_wait3A_37 = arith.constant 0 : i32
      %dma_wait3A_38 = tpu.memref_slice %arg2[%add3A_21, %dma_wait3A_37] : memref<163840x32xf32, #tpu.memory_space<hbm>> -> memref<128x32xf32, #tpu.memory_space<hbm>>
      tpu.wait_dma2 semaphore(%arg11 : memref<!tpu.dma_semaphore, #tpu.memory_space<semaphore_mem>>) src(%dma_wait3A_38 : memref<128x32xf32, #tpu.memory_space<hbm>>) dst(%arg8 : memref<128x32xf32, #tpu.memory_space<vmem>>)
      %add3A_39 = arith.constant 1 : i32
      %add3A_40 = arith.addi %mul3A_16, %add3A_39 : i32
      "tpu.region"() ({
        %run_scoped3A = tpu.sem_alloc : memref<!tpu.dma_semaphore, #tpu.memory_space<semaphore_mem>>
        %dma_start3A_41 = arith.constant 0 : i32
        %dma_start3A_42 = tpu.memref_slice %arg6[%add3A_40, %dma_start3A_41] : memref<40x128xi32, #tpu.memory_space<vmem>> -> memref<1x128xi32, #tpu.memory_space<vmem>>
        %dma_start3A_43 = tpu.memref_squeeze %dma_start3A_42 : memref<1x128xi32, #tpu.memory_space<vmem>> -> memref<128xi32, #tpu.memory_space<vmem>>
        %dma_start3A_44 = arith.constant 0 : i32
        %dma_start3A_45 = arith.constant 0 : i32
        %dma_start3A_46 = tpu.memref_slice %arg12[%dma_start3A_44, %dma_start3A_45] : memref<10240x32xf32, #tpu.memory_space<vmem_shared>> -> memref<10240x32xf32, #tpu.memory_space<vmem_shared>>
        tpu.enqueue_indirect_dma source(%arg8 : memref<128x32xf32, #tpu.memory_space<vmem>>) target(%dma_start3A_46 : memref<10240x32xf32, #tpu.memory_space<vmem_shared>>) offsets(%dma_start3A_43 : memref<128xi32, #tpu.memory_space<vmem>>) semaphore(%run_scoped3A : memref<!tpu.dma_semaphore, #tpu.memory_space<semaphore_mem>>) {add = true}
        %dma_wait3A_47 = arith.constant 0 : i32
        %dma_wait3A_48 = tpu.memref_slice %arg6[%add3A_40, %dma_wait3A_47] : memref<40x128xi32, #tpu.memory_space<vmem>> -> memref<1x128xi32, #tpu.memory_space<vmem>>
        %dma_wait3A_49 = tpu.memref_squeeze %dma_wait3A_48 : memref<1x128xi32, #tpu.memory_space<vmem>> -> memref<128xi32, #tpu.memory_space<vmem>>
        %dma_wait3A_50 = arith.constant 0 : i32
        %dma_wait3A_51 = arith.constant 0 : i32
        %dma_wait3A_52 = tpu.memref_slice %arg12[%dma_wait3A_50, %dma_wait3A_51] : memref<10240x32xf32, #tpu.memory_space<vmem_shared>> -> memref<10240x32xf32, #tpu.memory_space<vmem_shared>>
        tpu.wait_indirect_dma semaphore(%run_scoped3A : memref<!tpu.dma_semaphore, #tpu.memory_space<semaphore_mem>>) src(%arg8 : memref<128x32xf32, #tpu.memory_space<vmem>>) dst(%dma_wait3A_52 : memref<10240x32xf32, #tpu.memory_space<vmem_shared>>)
        tpu.yield
      }) : () -> ()
    }
    %scan3A_12 = arith.constant 20 : i32
    %barrier3A_13 = arith.constant 0 : index
    tpu.barrier barrier_id(%barrier3A_13)
    "tpu.region"() ({
      %run_scoped3A = tpu.sem_alloc : memref<!tpu.dma_semaphore, #tpu.memory_space<semaphore_mem>>
      %dma_start3A_14 = arith.constant 0 : i32
      %dma_start3A_15 = tpu.memref_slice %arg12[%mul3A_4, %dma_start3A_14] : memref<10240x32xf32, #tpu.memory_space<vmem_shared>> -> memref<640x32xf32, #tpu.memory_space<vmem_shared>>
      %dma_start3A_16 = arith.constant 0 : i32
      %dma_start3A_17 = tpu.memref_slice %arg12[%mul3A_4, %dma_start3A_16] : memref<10240x32xf32, #tpu.memory_space<vmem_shared>> -> memref<640x32xf32, #tpu.memory_space<vmem_shared>>
      tpu.enqueue_dma source(%dma_start3A_17 : memref<640x32xf32, #tpu.memory_space<vmem_shared>>) target(%arg9 : memref<640x32xf32, #tpu.memory_space<vmem>>) target_semaphore(%run_scoped3A : memref<!tpu.dma_semaphore, #tpu.memory_space<semaphore_mem>>)
      %dma_wait3A = arith.constant 0 : i32
      %dma_wait3A_18 = tpu.memref_slice %arg12[%mul3A_4, %dma_wait3A] : memref<10240x32xf32, #tpu.memory_space<vmem_shared>> -> memref<640x32xf32, #tpu.memory_space<vmem_shared>>
      %dma_wait3A_19 = arith.constant 0 : i32
      %dma_wait3A_20 = tpu.memref_slice %arg12[%mul3A_4, %dma_wait3A_19] : memref<10240x32xf32, #tpu.memory_space<vmem_shared>> -> memref<640x32xf32, #tpu.memory_space<vmem_shared>>
      tpu.wait_dma2 semaphore(%run_scoped3A : memref<!tpu.dma_semaphore, #tpu.memory_space<semaphore_mem>>) src(%dma_wait3A_20 : memref<640x32xf32, #tpu.memory_space<vmem_shared>>) dst(%arg9 : memref<640x32xf32, #tpu.memory_space<vmem>>)
      tpu.yield
    }) : () -> ()
    "tpu.region"() ({
      %run_scoped3A = tpu.sem_alloc : memref<!tpu.dma_semaphore, #tpu.memory_space<semaphore_mem>>
      %dma_start3A_14 = arith.constant 0 : i32
      %dma_start3A_15 = arith.constant 0 : i32
      %dma_start3A_16 = tpu.memref_slice %arg5[%arg0, %dma_start3A_14, %dma_start3A_15] : memref<2x10240x32xf32, #tpu.memory_space<hbm>> -> memref<1x10240x32xf32, #tpu.memory_space<hbm>>
      %dma_start3A_17 = tpu.memref_squeeze %dma_start3A_16 : memref<1x10240x32xf32, #tpu.memory_space<hbm>> -> memref<10240x32xf32, #tpu.memory_space<hbm>>
      %dma_start3A_18 = arith.constant 0 : i32
      %dma_start3A_19 = tpu.memref_slice %dma_start3A_17[%mul3A_4, %dma_start3A_18] : memref<10240x32xf32, #tpu.memory_space<hbm>> -> memref<640x32xf32, #tpu.memory_space<hbm>>
      %dma_start3A_20 = arith.constant 0 : i32
      %dma_start3A_21 = arith.constant 0 : i32
      %dma_start3A_22 = tpu.memref_slice %arg5[%arg0, %dma_start3A_20, %dma_start3A_21] : memref<2x10240x32xf32, #tpu.memory_space<hbm>> -> memref<1x10240x32xf32, #tpu.memory_space<hbm>>
      %dma_start3A_23 = tpu.memref_squeeze %dma_start3A_22 : memref<1x10240x32xf32, #tpu.memory_space<hbm>> -> memref<10240x32xf32, #tpu.memory_space<hbm>>
      %dma_start3A_24 = arith.constant 0 : i32
      %dma_start3A_25 = tpu.memref_slice %dma_start3A_23[%mul3A_4, %dma_start3A_24] : memref<10240x32xf32, #tpu.memory_space<hbm>> -> memref<640x32xf32, #tpu.memory_space<hbm>>
      tpu.enqueue_dma source(%arg9 : memref<640x32xf32, #tpu.memory_space<vmem>>) target(%dma_start3A_25 : memref<640x32xf32, #tpu.memory_space<hbm>>) target_semaphore(%run_scoped3A : memref<!tpu.dma_semaphore, #tpu.memory_space<semaphore_mem>>)
      %dma_wait3A = arith.constant 0 : i32
      %dma_wait3A_26 = arith.constant 0 : i32
      %dma_wait3A_27 = tpu.memref_slice %arg5[%arg0, %dma_wait3A, %dma_wait3A_26] : memref<2x10240x32xf32, #tpu.memory_space<hbm>> -> memref<1x10240x32xf32, #tpu.memory_space<hbm>>
      %dma_wait3A_28 = tpu.memref_squeeze %dma_wait3A_27 : memref<1x10240x32xf32, #tpu.memory_space<hbm>> -> memref<10240x32xf32, #tpu.memory_space<hbm>>
      %dma_wait3A_29 = arith.constant 0 : i32
      %dma_wait3A_30 = tpu.memref_slice %dma_wait3A_28[%mul3A_4, %dma_wait3A_29] : memref<10240x32xf32, #tpu.memory_space<hbm>> -> memref<640x32xf32, #tpu.memory_space<hbm>>
      %dma_wait3A_31 = arith.constant 0 : i32
      %dma_wait3A_32 = arith.constant 0 : i32
      %dma_wait3A_33 = tpu.memref_slice %arg5[%arg0, %dma_wait3A_31, %dma_wait3A_32] : memref<2x10240x32xf32, #tpu.memory_space<hbm>> -> memref<1x10240x32xf32, #tpu.memory_space<hbm>>
      %dma_wait3A_34 = tpu.memref_squeeze %dma_wait3A_33 : memref<1x10240x32xf32, #tpu.memory_space<hbm>> -> memref<10240x32xf32, #tpu.memory_space<hbm>>
      %dma_wait3A_35 = arith.constant 0 : i32
      %dma_wait3A_36 = tpu.memref_slice %dma_wait3A_34[%mul3A_4, %dma_wait3A_35] : memref<10240x32xf32, #tpu.memory_space<hbm>> -> memref<640x32xf32, #tpu.memory_space<hbm>>
      tpu.wait_dma2 semaphore(%run_scoped3A : memref<!tpu.dma_semaphore, #tpu.memory_space<semaphore_mem>>) src(%arg9 : memref<640x32xf32, #tpu.memory_space<vmem>>) dst(%dma_wait3A_36 : memref<640x32xf32, #tpu.memory_space<hbm>>)
      tpu.yield
    }) : () -> ()
    return
  }
}

#map = affine_map<(d0, d1) -> (0, 0)>
#map1 = affine_map<(d0, d1) -> (0, 0, 0)>
module attributes {stable_mosaic.version = 14 : i64} {
  func.func @_sc_gather(%arg0: i32, %arg1: i32, %arg2: memref<10000x32xf32, #tpu.memory_space<hbm>>, %arg3: memref<32x40x128xi32, #tpu.memory_space<hbm>>, %arg4: memref<163840x32xf32, #tpu.memory_space<hbm>>, %arg5: memref<40x128xi32, #tpu.memory_space<vmem>>, %arg6: memref<128x32xf32, #tpu.memory_space<vmem>>, %arg7: memref<128x32xf32, #tpu.memory_space<vmem>>, %arg8: memref<!tpu.dma_semaphore, #tpu.memory_space<semaphore_mem>>, %arg9: memref<!tpu.dma_semaphore, #tpu.memory_space<semaphore_mem>>) attributes {dimension_semantics = [#tpu.dimension_semantics<core_parallel>, #tpu.dimension_semantics<subcore_parallel>], iteration_bounds = array<i64: 2, 16>, scalar_prefetch = 0 : i64, scratch_operands = 5 : i64, tpu.core_type = #tpu.core_type<sc_vector_subcore>, window_params = [{transform_indices = #map}, {transform_indices = #map1}, {transform_indices = #map}]} {
    %mul3A = arith.constant 2 : i32
    %mul3A_0 = arith.muli %arg1, %mul3A : i32
    %add3A = arith.addi %mul3A_0, %arg0 : i32
    %mul3A_1 = arith.constant 5120 : i32
    %mul3A_2 = arith.muli %add3A, %mul3A_1 : i32
    "tpu.region"() ({
      %run_scoped3A = tpu.sem_alloc : memref<!tpu.dma_semaphore, #tpu.memory_space<semaphore_mem>>
      %dma_start3A_14 = arith.constant 0 : i32
      %dma_start3A_15 = arith.constant 0 : i32
      %dma_start3A_16 = tpu.memref_slice %arg3[%add3A, %dma_start3A_14, %dma_start3A_15] : memref<32x40x128xi32, #tpu.memory_space<hbm>> -> memref<1x40x128xi32, #tpu.memory_space<hbm>>
      %dma_start3A_17 = tpu.memref_squeeze %dma_start3A_16 : memref<1x40x128xi32, #tpu.memory_space<hbm>> -> memref<40x128xi32, #tpu.memory_space<hbm>>
      %dma_start3A_18 = arith.constant 0 : i32
      %dma_start3A_19 = arith.constant 0 : i32
      %dma_start3A_20 = tpu.memref_slice %arg3[%add3A, %dma_start3A_18, %dma_start3A_19] : memref<32x40x128xi32, #tpu.memory_space<hbm>> -> memref<1x40x128xi32, #tpu.memory_space<hbm>>
      %dma_start3A_21 = tpu.memref_squeeze %dma_start3A_20 : memref<1x40x128xi32, #tpu.memory_space<hbm>> -> memref<40x128xi32, #tpu.memory_space<hbm>>
      tpu.enqueue_dma source(%dma_start3A_21 : memref<40x128xi32, #tpu.memory_space<hbm>>) target(%arg5 : memref<40x128xi32, #tpu.memory_space<vmem>>) target_semaphore(%run_scoped3A : memref<!tpu.dma_semaphore, #tpu.memory_space<semaphore_mem>>)
      %dma_wait3A = arith.constant 0 : i32
      %dma_wait3A_22 = arith.constant 0 : i32
      %dma_wait3A_23 = tpu.memref_slice %arg3[%add3A, %dma_wait3A, %dma_wait3A_22] : memref<32x40x128xi32, #tpu.memory_space<hbm>> -> memref<1x40x128xi32, #tpu.memory_space<hbm>>
      %dma_wait3A_24 = tpu.memref_squeeze %dma_wait3A_23 : memref<1x40x128xi32, #tpu.memory_space<hbm>> -> memref<40x128xi32, #tpu.memory_space<hbm>>
      %dma_wait3A_25 = arith.constant 0 : i32
      %dma_wait3A_26 = arith.constant 0 : i32
      %dma_wait3A_27 = tpu.memref_slice %arg3[%add3A, %dma_wait3A_25, %dma_wait3A_26] : memref<32x40x128xi32, #tpu.memory_space<hbm>> -> memref<1x40x128xi32, #tpu.memory_space<hbm>>
      %dma_wait3A_28 = tpu.memref_squeeze %dma_wait3A_27 : memref<1x40x128xi32, #tpu.memory_space<hbm>> -> memref<40x128xi32, #tpu.memory_space<hbm>>
      tpu.wait_dma2 semaphore(%run_scoped3A : memref<!tpu.dma_semaphore, #tpu.memory_space<semaphore_mem>>) src(%dma_wait3A_28 : memref<40x128xi32, #tpu.memory_space<hbm>>) dst(%arg5 : memref<40x128xi32, #tpu.memory_space<vmem>>)
      tpu.yield
    }) : () -> ()
    %dma_start3A = arith.constant 0 : i32
    %dma_start3A_3 = arith.constant 0 : i32
    %dma_start3A_4 = tpu.memref_slice %arg5[%dma_start3A, %dma_start3A_3] : memref<40x128xi32, #tpu.memory_space<vmem>> -> memref<1x128xi32, #tpu.memory_space<vmem>>
    %dma_start3A_5 = tpu.memref_squeeze %dma_start3A_4 : memref<1x128xi32, #tpu.memory_space<vmem>> -> memref<128xi32, #tpu.memory_space<vmem>>
    %dma_start3A_6 = arith.constant 0 : i32
    %dma_start3A_7 = arith.constant 0 : i32
    %dma_start3A_8 = tpu.memref_slice %arg2[%dma_start3A_6, %dma_start3A_7] : memref<10000x32xf32, #tpu.memory_space<hbm>> -> memref<10000x32xf32, #tpu.memory_space<hbm>>
    tpu.enqueue_indirect_dma source(%dma_start3A_8 : memref<10000x32xf32, #tpu.memory_space<hbm>>) target(%arg6 : memref<128x32xf32, #tpu.memory_space<vmem>>) offsets(%dma_start3A_5 : memref<128xi32, #tpu.memory_space<vmem>>) semaphore(%arg8 : memref<!tpu.dma_semaphore, #tpu.memory_space<semaphore_mem>>)
    %scan3A = arith.constant 0 : i32
    %scan3A_9 = arith.constant 0 : i32
    %scan3A_10 = arith.constant 20 : i32
    %scan3A_11 = arith.addi %scan3A_9, %scan3A_10 : i32
    %scan3A_12 = arith.constant 1 : i32
    scf.for %scan3A_14 = %scan3A_9 to %scan3A_11 step %scan3A_12  : i32 {
      %mul3A_15 = arith.constant 2 : i32
      %mul3A_16 = arith.muli %mul3A_15, %scan3A_14 : i32
      %add3A_17 = arith.constant 1 : i32
      %add3A_18 = arith.addi %mul3A_16, %add3A_17 : i32
      %dma_start3A_19 = arith.constant 0 : i32
      %dma_start3A_20 = tpu.memref_slice %arg5[%add3A_18, %dma_start3A_19] : memref<40x128xi32, #tpu.memory_space<vmem>> -> memref<1x128xi32, #tpu.memory_space<vmem>>
      %dma_start3A_21 = tpu.memref_squeeze %dma_start3A_20 : memref<1x128xi32, #tpu.memory_space<vmem>> -> memref<128xi32, #tpu.memory_space<vmem>>
      %dma_start3A_22 = arith.constant 0 : i32
      %dma_start3A_23 = arith.constant 0 : i32
      %dma_start3A_24 = tpu.memref_slice %arg2[%dma_start3A_22, %dma_start3A_23] : memref<10000x32xf32, #tpu.memory_space<hbm>> -> memref<10000x32xf32, #tpu.memory_space<hbm>>
      tpu.enqueue_indirect_dma source(%dma_start3A_24 : memref<10000x32xf32, #tpu.memory_space<hbm>>) target(%arg7 : memref<128x32xf32, #tpu.memory_space<vmem>>) offsets(%dma_start3A_21 : memref<128xi32, #tpu.memory_space<vmem>>) semaphore(%arg9 : memref<!tpu.dma_semaphore, #tpu.memory_space<semaphore_mem>>)
      %dma_wait3A = arith.constant 0 : i32
      %dma_wait3A_25 = arith.constant 0 : i32
      %dma_wait3A_26 = tpu.memref_slice %arg2[%dma_wait3A, %dma_wait3A_25] : memref<10000x32xf32, #tpu.memory_space<hbm>> -> memref<128x32xf32, #tpu.memory_space<hbm>>
      %dma_wait3A_27 = arith.constant 0 : i32
      %dma_wait3A_28 = arith.constant 0 : i32
      %dma_wait3A_29 = tpu.memref_slice %arg2[%dma_wait3A_27, %dma_wait3A_28] : memref<10000x32xf32, #tpu.memory_space<hbm>> -> memref<128x32xf32, #tpu.memory_space<hbm>>
      tpu.wait_dma2 semaphore(%arg8 : memref<!tpu.dma_semaphore, #tpu.memory_space<semaphore_mem>>) src(%dma_wait3A_29 : memref<128x32xf32, #tpu.memory_space<hbm>>) dst(%arg6 : memref<128x32xf32, #tpu.memory_space<vmem>>)
      %mul3A_30 = arith.constant 128 : i32
      %mul3A_31 = arith.muli %mul3A_16, %mul3A_30 : i32
      %add3A_32 = arith.addi %mul3A_2, %mul3A_31 : i32
      "tpu.region"() ({
        %run_scoped3A = tpu.sem_alloc : memref<!tpu.dma_semaphore, #tpu.memory_space<semaphore_mem>>
        %dma_start3A_48 = arith.constant 0 : i32
        %dma_start3A_49 = tpu.memref_slice %arg4[%add3A_32, %dma_start3A_48] : memref<163840x32xf32, #tpu.memory_space<hbm>> -> memref<128x32xf32, #tpu.memory_space<hbm>>
        %dma_start3A_50 = arith.constant 0 : i32
        %dma_start3A_51 = tpu.memref_slice %arg4[%add3A_32, %dma_start3A_50] : memref<163840x32xf32, #tpu.memory_space<hbm>> -> memref<128x32xf32, #tpu.memory_space<hbm>>
        tpu.enqueue_dma source(%arg6 : memref<128x32xf32, #tpu.memory_space<vmem>>) target(%dma_start3A_51 : memref<128x32xf32, #tpu.memory_space<hbm>>) target_semaphore(%run_scoped3A : memref<!tpu.dma_semaphore, #tpu.memory_space<semaphore_mem>>)
        %dma_wait3A_52 = arith.constant 0 : i32
        %dma_wait3A_53 = tpu.memref_slice %arg4[%add3A_32, %dma_wait3A_52] : memref<163840x32xf32, #tpu.memory_space<hbm>> -> memref<128x32xf32, #tpu.memory_space<hbm>>
        %dma_wait3A_54 = arith.constant 0 : i32
        %dma_wait3A_55 = tpu.memref_slice %arg4[%add3A_32, %dma_wait3A_54] : memref<163840x32xf32, #tpu.memory_space<hbm>> -> memref<128x32xf32, #tpu.memory_space<hbm>>
        tpu.wait_dma2 semaphore(%run_scoped3A : memref<!tpu.dma_semaphore, #tpu.memory_space<semaphore_mem>>) src(%arg6 : memref<128x32xf32, #tpu.memory_space<vmem>>) dst(%dma_wait3A_55 : memref<128x32xf32, #tpu.memory_space<hbm>>)
        tpu.yield
      }) : () -> ()
      %add3A_33 = arith.constant 2 : i32
      %add3A_34 = arith.addi %mul3A_16, %add3A_33 : i32
      %lt3A = arith.constant 40 : i32
      %lt3A_35 = arith.cmpi slt, %add3A_34, %lt3A : i32
      %convert_element_type3A = arith.extui %lt3A_35 : i1 to i32
      %cond3A = arith.constant 0 : i32
      %cond3A_36 = arith.cmpi ne, %convert_element_type3A, %cond3A : i32
      scf.if %cond3A_36 {
        %add3A_48 = arith.constant 2 : i32
        %add3A_49 = arith.addi %mul3A_16, %add3A_48 : i32
        %dma_start3A_50 = arith.constant 0 : i32
        %dma_start3A_51 = tpu.memref_slice %arg5[%add3A_49, %dma_start3A_50] : memref<40x128xi32, #tpu.memory_space<vmem>> -> memref<1x128xi32, #tpu.memory_space<vmem>>
        %dma_start3A_52 = tpu.memref_squeeze %dma_start3A_51 : memref<1x128xi32, #tpu.memory_space<vmem>> -> memref<128xi32, #tpu.memory_space<vmem>>
        %dma_start3A_53 = arith.constant 0 : i32
        %dma_start3A_54 = arith.constant 0 : i32
        %dma_start3A_55 = tpu.memref_slice %arg2[%dma_start3A_53, %dma_start3A_54] : memref<10000x32xf32, #tpu.memory_space<hbm>> -> memref<10000x32xf32, #tpu.memory_space<hbm>>
        tpu.enqueue_indirect_dma source(%dma_start3A_55 : memref<10000x32xf32, #tpu.memory_space<hbm>>) target(%arg6 : memref<128x32xf32, #tpu.memory_space<vmem>>) offsets(%dma_start3A_52 : memref<128xi32, #tpu.memory_space<vmem>>) semaphore(%arg8 : memref<!tpu.dma_semaphore, #tpu.memory_space<semaphore_mem>>)
      } else {
      }
      %dma_wait3A_37 = arith.constant 0 : i32
      %dma_wait3A_38 = tpu.memref_slice %arg5[%add3A_18, %dma_wait3A_37] : memref<40x128xi32, #tpu.memory_space<vmem>> -> memref<1x128xi32, #tpu.memory_space<vmem>>
      %dma_wait3A_39 = tpu.memref_squeeze %dma_wait3A_38 : memref<1x128xi32, #tpu.memory_space<vmem>> -> memref<128xi32, #tpu.memory_space<vmem>>
      %dma_wait3A_40 = arith.constant 0 : i32
      %dma_wait3A_41 = arith.constant 0 : i32
      %dma_wait3A_42 = tpu.memref_slice %arg2[%dma_wait3A_40, %dma_wait3A_41] : memref<10000x32xf32, #tpu.memory_space<hbm>> -> memref<10000x32xf32, #tpu.memory_space<hbm>>
      tpu.wait_indirect_dma semaphore(%arg9 : memref<!tpu.dma_semaphore, #tpu.memory_space<semaphore_mem>>) src(%dma_wait3A_42 : memref<10000x32xf32, #tpu.memory_space<hbm>>) dst(%arg7 : memref<128x32xf32, #tpu.memory_space<vmem>>)
      %add3A_43 = arith.constant 1 : i32
      %add3A_44 = arith.addi %mul3A_16, %add3A_43 : i32
      %mul3A_45 = arith.constant 128 : i32
      %mul3A_46 = arith.muli %add3A_44, %mul3A_45 : i32
      %add3A_47 = arith.addi %mul3A_2, %mul3A_46 : i32
      "tpu.region"() ({
        %run_scoped3A = tpu.sem_alloc : memref<!tpu.dma_semaphore, #tpu.memory_space<semaphore_mem>>
        %dma_start3A_48 = arith.constant 0 : i32
        %dma_start3A_49 = tpu.memref_slice %arg4[%add3A_47, %dma_start3A_48] : memref<163840x32xf32, #tpu.memory_space<hbm>> -> memref<128x32xf32, #tpu.memory_space<hbm>>
        %dma_start3A_50 = arith.constant 0 : i32
        %dma_start3A_51 = tpu.memref_slice %arg4[%add3A_47, %dma_start3A_50] : memref<163840x32xf32, #tpu.memory_space<hbm>> -> memref<128x32xf32, #tpu.memory_space<hbm>>
        tpu.enqueue_dma source(%arg7 : memref<128x32xf32, #tpu.memory_space<vmem>>) target(%dma_start3A_51 : memref<128x32xf32, #tpu.memory_space<hbm>>) target_semaphore(%run_scoped3A : memref<!tpu.dma_semaphore, #tpu.memory_space<semaphore_mem>>)
        %dma_wait3A_52 = arith.constant 0 : i32
        %dma_wait3A_53 = tpu.memref_slice %arg4[%add3A_47, %dma_wait3A_52] : memref<163840x32xf32, #tpu.memory_space<hbm>> -> memref<128x32xf32, #tpu.memory_space<hbm>>
        %dma_wait3A_54 = arith.constant 0 : i32
        %dma_wait3A_55 = tpu.memref_slice %arg4[%add3A_47, %dma_wait3A_54] : memref<163840x32xf32, #tpu.memory_space<hbm>> -> memref<128x32xf32, #tpu.memory_space<hbm>>
        tpu.wait_dma2 semaphore(%run_scoped3A : memref<!tpu.dma_semaphore, #tpu.memory_space<semaphore_mem>>) src(%arg7 : memref<128x32xf32, #tpu.memory_space<vmem>>) dst(%dma_wait3A_55 : memref<128x32xf32, #tpu.memory_space<hbm>>)
        tpu.yield
      }) : () -> ()
    }
    %scan3A_13 = arith.constant 20 : i32
    return
  }
}

#map = affine_map<(d0, d1) -> (0, 0)>
#map1 = affine_map<(d0, d1) -> (0, 0, 0)>
module attributes {stable_mosaic.version = 14 : i64} {
  func.func @_sc_scatter(%arg0: i32, %arg1: i32, %arg2: memref<163840x32xf32, #tpu.memory_space<hbm>>, %arg3: memref<32x40x128xi32, #tpu.memory_space<hbm>>, %arg4: memref<10240x32xf32, #tpu.memory_space<hbm>>, %arg5: memref<2x10240x32xf32, #tpu.memory_space<hbm>>, %arg6: memref<40x128xi32, #tpu.memory_space<vmem>>, %arg7: memref<128x32xf32, #tpu.memory_space<vmem>>, %arg8: memref<128x32xf32, #tpu.memory_space<vmem>>, %arg9: memref<640x32xf32, #tpu.memory_space<vmem>>, %arg10: memref<!tpu.dma_semaphore, #tpu.memory_space<semaphore_mem>>, %arg11: memref<!tpu.dma_semaphore, #tpu.memory_space<semaphore_mem>>, %arg12: memref<10240x32xf32, #tpu.memory_space<vmem_shared>>) attributes {dimension_semantics = [#tpu.dimension_semantics<core_parallel>, #tpu.dimension_semantics<subcore_parallel>], iteration_bounds = array<i64: 2, 16>, scalar_prefetch = 0 : i64, scratch_operands = 7 : i64, tpu.core_type = #tpu.core_type<sc_vector_subcore>, window_params = [{transform_indices = #map}, {transform_indices = #map1}, {transform_indices = #map}, {transform_indices = #map1}]} {
    %mul3A = arith.constant 2 : i32
    %mul3A_0 = arith.muli %arg1, %mul3A : i32
    %add3A = arith.addi %mul3A_0, %arg0 : i32
    %mul3A_1 = arith.constant 5120 : i32
    %mul3A_2 = arith.muli %add3A, %mul3A_1 : i32
    %mul3A_3 = arith.constant 640 : i32
    %mul3A_4 = arith.muli %arg1, %mul3A_3 : i32
    "tpu.region"() ({
      %run_scoped3A = tpu.sem_alloc : memref<!tpu.dma_semaphore, #tpu.memory_space<semaphore_mem>>
      %dma_start3A_14 = arith.constant 0 : i32
      %dma_start3A_15 = arith.constant 0 : i32
      %dma_start3A_16 = tpu.memref_slice %arg3[%add3A, %dma_start3A_14, %dma_start3A_15] : memref<32x40x128xi32, #tpu.memory_space<hbm>> -> memref<1x40x128xi32, #tpu.memory_space<hbm>>
      %dma_start3A_17 = tpu.memref_squeeze %dma_start3A_16 : memref<1x40x128xi32, #tpu.memory_space<hbm>> -> memref<40x128xi32, #tpu.memory_space<hbm>>
      %dma_start3A_18 = arith.constant 0 : i32
      %dma_start3A_19 = arith.constant 0 : i32
      %dma_start3A_20 = tpu.memref_slice %arg3[%add3A, %dma_start3A_18, %dma_start3A_19] : memref<32x40x128xi32, #tpu.memory_space<hbm>> -> memref<1x40x128xi32, #tpu.memory_space<hbm>>
      %dma_start3A_21 = tpu.memref_squeeze %dma_start3A_20 : memref<1x40x128xi32, #tpu.memory_space<hbm>> -> memref<40x128xi32, #tpu.memory_space<hbm>>
      tpu.enqueue_dma source(%dma_start3A_21 : memref<40x128xi32, #tpu.memory_space<hbm>>) target(%arg6 : memref<40x128xi32, #tpu.memory_space<vmem>>) target_semaphore(%run_scoped3A : memref<!tpu.dma_semaphore, #tpu.memory_space<semaphore_mem>>)
      %dma_wait3A = arith.constant 0 : i32
      %dma_wait3A_22 = arith.constant 0 : i32
      %dma_wait3A_23 = tpu.memref_slice %arg3[%add3A, %dma_wait3A, %dma_wait3A_22] : memref<32x40x128xi32, #tpu.memory_space<hbm>> -> memref<1x40x128xi32, #tpu.memory_space<hbm>>
      %dma_wait3A_24 = tpu.memref_squeeze %dma_wait3A_23 : memref<1x40x128xi32, #tpu.memory_space<hbm>> -> memref<40x128xi32, #tpu.memory_space<hbm>>
      %dma_wait3A_25 = arith.constant 0 : i32
      %dma_wait3A_26 = arith.constant 0 : i32
      %dma_wait3A_27 = tpu.memref_slice %arg3[%add3A, %dma_wait3A_25, %dma_wait3A_26] : memref<32x40x128xi32, #tpu.memory_space<hbm>> -> memref<1x40x128xi32, #tpu.memory_space<hbm>>
      %dma_wait3A_28 = tpu.memref_squeeze %dma_wait3A_27 : memref<1x40x128xi32, #tpu.memory_space<hbm>> -> memref<40x128xi32, #tpu.memory_space<hbm>>
      tpu.wait_dma2 semaphore(%run_scoped3A : memref<!tpu.dma_semaphore, #tpu.memory_space<semaphore_mem>>) src(%dma_wait3A_28 : memref<40x128xi32, #tpu.memory_space<hbm>>) dst(%arg6 : memref<40x128xi32, #tpu.memory_space<vmem>>)
      tpu.yield
    }) : () -> ()
    "tpu.region"() ({
      %run_scoped3A = tpu.sem_alloc : memref<!tpu.dma_semaphore, #tpu.memory_space<semaphore_mem>>
      %dma_start3A_14 = arith.constant 0 : i32
      %dma_start3A_15 = tpu.memref_slice %arg12[%mul3A_4, %dma_start3A_14] : memref<10240x32xf32, #tpu.memory_space<vmem_shared>> -> memref<640x32xf32, #tpu.memory_space<vmem_shared>>
      %dma_start3A_16 = arith.constant 0 : i32
      %dma_start3A_17 = tpu.memref_slice %arg4[%mul3A_4, %dma_start3A_16] : memref<10240x32xf32, #tpu.memory_space<hbm>> -> memref<640x32xf32, #tpu.memory_space<hbm>>
      tpu.enqueue_dma source(%dma_start3A_17 : memref<640x32xf32, #tpu.memory_space<hbm>>) target(%dma_start3A_15 : memref<640x32xf32, #tpu.memory_space<vmem_shared>>) target_semaphore(%run_scoped3A : memref<!tpu.dma_semaphore, #tpu.memory_space<semaphore_mem>>)
      %dma_wait3A = arith.constant 0 : i32
      %dma_wait3A_18 = tpu.memref_slice %arg12[%mul3A_4, %dma_wait3A] : memref<10240x32xf32, #tpu.memory_space<vmem_shared>> -> memref<640x32xf32, #tpu.memory_space<vmem_shared>>
      %dma_wait3A_19 = arith.constant 0 : i32
      %dma_wait3A_20 = tpu.memref_slice %arg4[%mul3A_4, %dma_wait3A_19] : memref<10240x32xf32, #tpu.memory_space<hbm>> -> memref<640x32xf32, #tpu.memory_space<hbm>>
      tpu.wait_dma2 semaphore(%run_scoped3A : memref<!tpu.dma_semaphore, #tpu.memory_space<semaphore_mem>>) src(%dma_wait3A_20 : memref<640x32xf32, #tpu.memory_space<hbm>>) dst(%dma_wait3A_18 : memref<640x32xf32, #tpu.memory_space<vmem_shared>>)
      tpu.yield
    }) : () -> ()
    %barrier3A = arith.constant 0 : index
    tpu.barrier barrier_id(%barrier3A)
    %dma_start3A = arith.constant 0 : i32
    %dma_start3A_5 = tpu.memref_slice %arg2[%mul3A_2, %dma_start3A] : memref<163840x32xf32, #tpu.memory_space<hbm>> -> memref<128x32xf32, #tpu.memory_space<hbm>>
    %dma_start3A_6 = arith.constant 0 : i32
    %dma_start3A_7 = tpu.memref_slice %arg2[%mul3A_2, %dma_start3A_6] : memref<163840x32xf32, #tpu.memory_space<hbm>> -> memref<128x32xf32, #tpu.memory_space<hbm>>
    tpu.enqueue_dma source(%dma_start3A_7 : memref<128x32xf32, #tpu.memory_space<hbm>>) target(%arg7 : memref<128x32xf32, #tpu.memory_space<vmem>>) target_semaphore(%arg10 : memref<!tpu.dma_semaphore, #tpu.memory_space<semaphore_mem>>)
    %scan3A = arith.constant 0 : i32
    %scan3A_8 = arith.constant 0 : i32
    %scan3A_9 = arith.constant 20 : i32
    %scan3A_10 = arith.addi %scan3A_8, %scan3A_9 : i32
    %scan3A_11 = arith.constant 1 : i32
    scf.for %scan3A_14 = %scan3A_8 to %scan3A_10 step %scan3A_11  : i32 {
      %mul3A_15 = arith.constant 2 : i32
      %mul3A_16 = arith.muli %mul3A_15, %scan3A_14 : i32
      %add3A_17 = arith.constant 1 : i32
      %add3A_18 = arith.addi %mul3A_16, %add3A_17 : i32
      %mul3A_19 = arith.constant 128 : i32
      %mul3A_20 = arith.muli %add3A_18, %mul3A_19 : i32
      %add3A_21 = arith.addi %mul3A_2, %mul3A_20 : i32
      %dma_start3A_22 = arith.constant 0 : i32
      %dma_start3A_23 = tpu.memref_slice %arg2[%add3A_21, %dma_start3A_22] : memref<163840x32xf32, #tpu.memory_space<hbm>> -> memref<128x32xf32, #tpu.memory_space<hbm>>
      %dma_start3A_24 = arith.constant 0 : i32
      %dma_start3A_25 = tpu.memref_slice %arg2[%add3A_21, %dma_start3A_24] : memref<163840x32xf32, #tpu.memory_space<hbm>> -> memref<128x32xf32, #tpu.memory_space<hbm>>
      tpu.enqueue_dma source(%dma_start3A_25 : memref<128x32xf32, #tpu.memory_space<hbm>>) target(%arg8 : memref<128x32xf32, #tpu.memory_space<vmem>>) target_semaphore(%arg11 : memref<!tpu.dma_semaphore, #tpu.memory_space<semaphore_mem>>)
      %dma_wait3A = arith.constant 0 : i32
      %dma_wait3A_26 = arith.constant 0 : i32
      %dma_wait3A_27 = tpu.memref_slice %arg2[%dma_wait3A, %dma_wait3A_26] : memref<163840x32xf32, #tpu.memory_space<hbm>> -> memref<128x32xf32, #tpu.memory_space<hbm>>
      %dma_wait3A_28 = arith.constant 0 : i32
      %dma_wait3A_29 = arith.constant 0 : i32
      %dma_wait3A_30 = tpu.memref_slice %arg2[%dma_wait3A_28, %dma_wait3A_29] : memref<163840x32xf32, #tpu.memory_space<hbm>> -> memref<128x32xf32, #tpu.memory_space<hbm>>
      tpu.wait_dma2 semaphore(%arg10 : memref<!tpu.dma_semaphore, #tpu.memory_space<semaphore_mem>>) src(%dma_wait3A_30 : memref<128x32xf32, #tpu.memory_space<hbm>>) dst(%arg7 : memref<128x32xf32, #tpu.memory_space<vmem>>)
      "tpu.region"() ({
        %run_scoped3A = tpu.sem_alloc : memref<!tpu.dma_semaphore, #tpu.memory_space<semaphore_mem>>
        %dma_start3A_41 = arith.constant 0 : i32
        %dma_start3A_42 = tpu.memref_slice %arg6[%mul3A_16, %dma_start3A_41] : memref<40x128xi32, #tpu.memory_space<vmem>> -> memref<1x128xi32, #tpu.memory_space<vmem>>
        %dma_start3A_43 = tpu.memref_squeeze %dma_start3A_42 : memref<1x128xi32, #tpu.memory_space<vmem>> -> memref<128xi32, #tpu.memory_space<vmem>>
        %dma_start3A_44 = arith.constant 0 : i32
        %dma_start3A_45 = arith.constant 0 : i32
        %dma_start3A_46 = tpu.memref_slice %arg12[%dma_start3A_44, %dma_start3A_45] : memref<10240x32xf32, #tpu.memory_space<vmem_shared>> -> memref<10240x32xf32, #tpu.memory_space<vmem_shared>>
        tpu.enqueue_indirect_dma source(%arg7 : memref<128x32xf32, #tpu.memory_space<vmem>>) target(%dma_start3A_46 : memref<10240x32xf32, #tpu.memory_space<vmem_shared>>) offsets(%dma_start3A_43 : memref<128xi32, #tpu.memory_space<vmem>>) semaphore(%run_scoped3A : memref<!tpu.dma_semaphore, #tpu.memory_space<semaphore_mem>>) {add = true}
        %dma_wait3A_47 = arith.constant 0 : i32
        %dma_wait3A_48 = tpu.memref_slice %arg6[%mul3A_16, %dma_wait3A_47] : memref<40x128xi32, #tpu.memory_space<vmem>> -> memref<1x128xi32, #tpu.memory_space<vmem>>
        %dma_wait3A_49 = tpu.memref_squeeze %dma_wait3A_48 : memref<1x128xi32, #tpu.memory_space<vmem>> -> memref<128xi32, #tpu.memory_space<vmem>>
        %dma_wait3A_50 = arith.constant 0 : i32
        %dma_wait3A_51 = arith.constant 0 : i32
        %dma_wait3A_52 = tpu.memref_slice %arg12[%dma_wait3A_50, %dma_wait3A_51] : memref<10240x32xf32, #tpu.memory_space<vmem_shared>> -> memref<10240x32xf32, #tpu.memory_space<vmem_shared>>
        tpu.wait_indirect_dma semaphore(%run_scoped3A : memref<!tpu.dma_semaphore, #tpu.memory_space<semaphore_mem>>) src(%arg7 : memref<128x32xf32, #tpu.memory_space<vmem>>) dst(%dma_wait3A_52 : memref<10240x32xf32, #tpu.memory_space<vmem_shared>>)
        tpu.yield
      }) : () -> ()
      %add3A_31 = arith.constant 2 : i32
      %add3A_32 = arith.addi %mul3A_16, %add3A_31 : i32
      %lt3A = arith.constant 40 : i32
      %lt3A_33 = arith.cmpi slt, %add3A_32, %lt3A : i32
      %convert_element_type3A = arith.extui %lt3A_33 : i1 to i32
      %cond3A = arith.constant 0 : i32
      %cond3A_34 = arith.cmpi ne, %convert_element_type3A, %cond3A : i32
      scf.if %cond3A_34 {
        %add3A_41 = arith.constant 2 : i32
        %add3A_42 = arith.addi %mul3A_16, %add3A_41 : i32
        %mul3A_43 = arith.constant 128 : i32
        %mul3A_44 = arith.muli %add3A_42, %mul3A_43 : i32
        %add3A_45 = arith.addi %mul3A_2, %mul3A_44 : i32
        %dma_start3A_46 = arith.constant 0 : i32
        %dma_start3A_47 = tpu.memref_slice %arg2[%add3A_45, %dma_start3A_46] : memref<163840x32xf32, #tpu.memory_space<hbm>> -> memref<128x32xf32, #tpu.memory_space<hbm>>
        %dma_start3A_48 = arith.constant 0 : i32
        %dma_start3A_49 = tpu.memref_slice %arg2[%add3A_45, %dma_start3A_48] : memref<163840x32xf32, #tpu.memory_space<hbm>> -> memref<128x32xf32, #tpu.memory_space<hbm>>
        tpu.enqueue_dma source(%dma_start3A_49 : memref<128x32xf32, #tpu.memory_space<hbm>>) target(%arg7 : memref<128x32xf32, #tpu.memory_space<vmem>>) target_semaphore(%arg10 : memref<!tpu.dma_semaphore, #tpu.memory_space<semaphore_mem>>)
      } else {
      }
      %dma_wait3A_35 = arith.constant 0 : i32
      %dma_wait3A_36 = tpu.memref_slice %arg2[%add3A_21, %dma_wait3A_35] : memref<163840x32xf32, #tpu.memory_space<hbm>> -> memref<128x32xf32, #tpu.memory_space<hbm>>
      %dma_wait3A_37 = arith.constant 0 : i32
      %dma_wait3A_38 = tpu.memref_slice %arg2[%add3A_21, %dma_wait3A_37] : memref<163840x32xf32, #tpu.memory_space<hbm>> -> memref<128x32xf32, #tpu.memory_space<hbm>>
      tpu.wait_dma2 semaphore(%arg11 : memref<!tpu.dma_semaphore, #tpu.memory_space<semaphore_mem>>) src(%dma_wait3A_38 : memref<128x32xf32, #tpu.memory_space<hbm>>) dst(%arg8 : memref<128x32xf32, #tpu.memory_space<vmem>>)
      %add3A_39 = arith.constant 1 : i32
      %add3A_40 = arith.addi %mul3A_16, %add3A_39 : i32
      "tpu.region"() ({
        %run_scoped3A = tpu.sem_alloc : memref<!tpu.dma_semaphore, #tpu.memory_space<semaphore_mem>>
        %dma_start3A_41 = arith.constant 0 : i32
        %dma_start3A_42 = tpu.memref_slice %arg6[%add3A_40, %dma_start3A_41] : memref<40x128xi32, #tpu.memory_space<vmem>> -> memref<1x128xi32, #tpu.memory_space<vmem>>
        %dma_start3A_43 = tpu.memref_squeeze %dma_start3A_42 : memref<1x128xi32, #tpu.memory_space<vmem>> -> memref<128xi32, #tpu.memory_space<vmem>>
        %dma_start3A_44 = arith.constant 0 : i32
        %dma_start3A_45 = arith.constant 0 : i32
        %dma_start3A_46 = tpu.memref_slice %arg12[%dma_start3A_44, %dma_start3A_45] : memref<10240x32xf32, #tpu.memory_space<vmem_shared>> -> memref<10240x32xf32, #tpu.memory_space<vmem_shared>>
        tpu.enqueue_indirect_dma source(%arg8 : memref<128x32xf32, #tpu.memory_space<vmem>>) target(%dma_start3A_46 : memref<10240x32xf32, #tpu.memory_space<vmem_shared>>) offsets(%dma_start3A_43 : memref<128xi32, #tpu.memory_space<vmem>>) semaphore(%run_scoped3A : memref<!tpu.dma_semaphore, #tpu.memory_space<semaphore_mem>>) {add = true}
        %dma_wait3A_47 = arith.constant 0 : i32
        %dma_wait3A_48 = tpu.memref_slice %arg6[%add3A_40, %dma_wait3A_47] : memref<40x128xi32, #tpu.memory_space<vmem>> -> memref<1x128xi32, #tpu.memory_space<vmem>>
        %dma_wait3A_49 = tpu.memref_squeeze %dma_wait3A_48 : memref<1x128xi32, #tpu.memory_space<vmem>> -> memref<128xi32, #tpu.memory_space<vmem>>
        %dma_wait3A_50 = arith.constant 0 : i32
        %dma_wait3A_51 = arith.constant 0 : i32
        %dma_wait3A_52 = tpu.memref_slice %arg12[%dma_wait3A_50, %dma_wait3A_51] : memref<10240x32xf32, #tpu.memory_space<vmem_shared>> -> memref<10240x32xf32, #tpu.memory_space<vmem_shared>>
        tpu.wait_indirect_dma semaphore(%run_scoped3A : memref<!tpu.dma_semaphore, #tpu.memory_space<semaphore_mem>>) src(%arg8 : memref<128x32xf32, #tpu.memory_space<vmem>>) dst(%dma_wait3A_52 : memref<10240x32xf32, #tpu.memory_space<vmem_shared>>)
        tpu.yield
      }) : () -> ()
    }
    %scan3A_12 = arith.constant 20 : i32
    %barrier3A_13 = arith.constant 0 : index
    tpu.barrier barrier_id(%barrier3A_13)
    "tpu.region"() ({
      %run_scoped3A = tpu.sem_alloc : memref<!tpu.dma_semaphore, #tpu.memory_space<semaphore_mem>>
      %dma_start3A_14 = arith.constant 0 : i32
      %dma_start3A_15 = tpu.memref_slice %arg12[%mul3A_4, %dma_start3A_14] : memref<10240x32xf32, #tpu.memory_space<vmem_shared>> -> memref<640x32xf32, #tpu.memory_space<vmem_shared>>
      %dma_start3A_16 = arith.constant 0 : i32
      %dma_start3A_17 = tpu.memref_slice %arg12[%mul3A_4, %dma_start3A_16] : memref<10240x32xf32, #tpu.memory_space<vmem_shared>> -> memref<640x32xf32, #tpu.memory_space<vmem_shared>>
      tpu.enqueue_dma source(%dma_start3A_17 : memref<640x32xf32, #tpu.memory_space<vmem_shared>>) target(%arg9 : memref<640x32xf32, #tpu.memory_space<vmem>>) target_semaphore(%run_scoped3A : memref<!tpu.dma_semaphore, #tpu.memory_space<semaphore_mem>>)
      %dma_wait3A = arith.constant 0 : i32
      %dma_wait3A_18 = tpu.memref_slice %arg12[%mul3A_4, %dma_wait3A] : memref<10240x32xf32, #tpu.memory_space<vmem_shared>> -> memref<640x32xf32, #tpu.memory_space<vmem_shared>>
      %dma_wait3A_19 = arith.constant 0 : i32
      %dma_wait3A_20 = tpu.memref_slice %arg12[%mul3A_4, %dma_wait3A_19] : memref<10240x32xf32, #tpu.memory_space<vmem_shared>> -> memref<640x32xf32, #tpu.memory_space<vmem_shared>>
      tpu.wait_dma2 semaphore(%run_scoped3A : memref<!tpu.dma_semaphore, #tpu.memory_space<semaphore_mem>>) src(%dma_wait3A_20 : memref<640x32xf32, #tpu.memory_space<vmem_shared>>) dst(%arg9 : memref<640x32xf32, #tpu.memory_space<vmem>>)
      tpu.yield
    }) : () -> ()
    "tpu.region"() ({
      %run_scoped3A = tpu.sem_alloc : memref<!tpu.dma_semaphore, #tpu.memory_space<semaphore_mem>>
      %dma_start3A_14 = arith.constant 0 : i32
      %dma_start3A_15 = arith.constant 0 : i32
      %dma_start3A_16 = tpu.memref_slice %arg5[%arg0, %dma_start3A_14, %dma_start3A_15] : memref<2x10240x32xf32, #tpu.memory_space<hbm>> -> memref<1x10240x32xf32, #tpu.memory_space<hbm>>
      %dma_start3A_17 = tpu.memref_squeeze %dma_start3A_16 : memref<1x10240x32xf32, #tpu.memory_space<hbm>> -> memref<10240x32xf32, #tpu.memory_space<hbm>>
      %dma_start3A_18 = arith.constant 0 : i32
      %dma_start3A_19 = tpu.memref_slice %dma_start3A_17[%mul3A_4, %dma_start3A_18] : memref<10240x32xf32, #tpu.memory_space<hbm>> -> memref<640x32xf32, #tpu.memory_space<hbm>>
      %dma_start3A_20 = arith.constant 0 : i32
      %dma_start3A_21 = arith.constant 0 : i32
      %dma_start3A_22 = tpu.memref_slice %arg5[%arg0, %dma_start3A_20, %dma_start3A_21] : memref<2x10240x32xf32, #tpu.memory_space<hbm>> -> memref<1x10240x32xf32, #tpu.memory_space<hbm>>
      %dma_start3A_23 = tpu.memref_squeeze %dma_start3A_22 : memref<1x10240x32xf32, #tpu.memory_space<hbm>> -> memref<10240x32xf32, #tpu.memory_space<hbm>>
      %dma_start3A_24 = arith.constant 0 : i32
      %dma_start3A_25 = tpu.memref_slice %dma_start3A_23[%mul3A_4, %dma_start3A_24] : memref<10240x32xf32, #tpu.memory_space<hbm>> -> memref<640x32xf32, #tpu.memory_space<hbm>>
      tpu.enqueue_dma source(%arg9 : memref<640x32xf32, #tpu.memory_space<vmem>>) target(%dma_start3A_25 : memref<640x32xf32, #tpu.memory_space<hbm>>) target_semaphore(%run_scoped3A : memref<!tpu.dma_semaphore, #tpu.memory_space<semaphore_mem>>)
      %dma_wait3A = arith.constant 0 : i32
      %dma_wait3A_26 = arith.constant 0 : i32
      %dma_wait3A_27 = tpu.memref_slice %arg5[%arg0, %dma_wait3A, %dma_wait3A_26] : memref<2x10240x32xf32, #tpu.memory_space<hbm>> -> memref<1x10240x32xf32, #tpu.memory_space<hbm>>
      %dma_wait3A_28 = tpu.memref_squeeze %dma_wait3A_27 : memref<1x10240x32xf32, #tpu.memory_space<hbm>> -> memref<10240x32xf32, #tpu.memory_space<hbm>>
      %dma_wait3A_29 = arith.constant 0 : i32
      %dma_wait3A_30 = tpu.memref_slice %dma_wait3A_28[%mul3A_4, %dma_wait3A_29] : memref<10240x32xf32, #tpu.memory_space<hbm>> -> memref<640x32xf32, #tpu.memory_space<hbm>>
      %dma_wait3A_31 = arith.constant 0 : i32
      %dma_wait3A_32 = arith.constant 0 : i32
      %dma_wait3A_33 = tpu.memref_slice %arg5[%arg0, %dma_wait3A_31, %dma_wait3A_32] : memref<2x10240x32xf32, #tpu.memory_space<hbm>> -> memref<1x10240x32xf32, #tpu.memory_space<hbm>>
      %dma_wait3A_34 = tpu.memref_squeeze %dma_wait3A_33 : memref<1x10240x32xf32, #tpu.memory_space<hbm>> -> memref<10240x32xf32, #tpu.memory_space<hbm>>
      %dma_wait3A_35 = arith.constant 0 : i32
      %dma_wait3A_36 = tpu.memref_slice %dma_wait3A_34[%mul3A_4, %dma_wait3A_35] : memref<10240x32xf32, #tpu.memory_space<hbm>> -> memref<640x32xf32, #tpu.memory_space<hbm>>
      tpu.wait_dma2 semaphore(%run_scoped3A : memref<!tpu.dma_semaphore, #tpu.memory_space<semaphore_mem>>) src(%arg9 : memref<640x32xf32, #tpu.memory_space<vmem>>) dst(%dma_wait3A_36 : memref<640x32xf32, #tpu.memory_space<hbm>>)
      tpu.yield
    }) : () -> ()
    return
  }
}

module attributes {stable_mosaic.version = 14 : i64} {
  func.func @_prep_nodes_body(%arg0: i32, %arg1: memref<2000x8xf32, #tpu.memory_space<vmem>>, %arg2: memref<8x32xf32, #tpu.memory_space<vmem>>, %arg3: memref<1x32xf32, #tpu.memory_space<vmem>>, %arg4: memref<2000x32xf32, #tpu.memory_space<vmem>>) attributes {dimension_semantics = [#tpu.dimension_semantics<arbitrary>], iteration_bounds = array<i64: 5>, scalar_prefetch = 0 : i64, scratch_operands = 0 : i64, tpu.core_type = #tpu.core_type<tc>, window_params = [{transform_indices = @transform_0, window_bounds = array<i64: 2000, 8>}, {pipeline_mode = #tpu.pipeline_mode<synchronous>, transform_indices = @transform_1, window_bounds = array<i64: 8, 32>}, {pipeline_mode = #tpu.pipeline_mode<synchronous>, transform_indices = @transform_2, window_bounds = array<i64: 1, 32>}, {transform_indices = @transform_3, window_bounds = array<i64: 2000, 32>}]} {
    %get3A = arith.constant 0 : index
    %get3A_0 = arith.constant 0 : index
    %get3A_1 = vector.load %arg1[%get3A, %get3A_0] : memref<2000x8xf32, #tpu.memory_space<vmem>>, vector<2000x8xf32>
    %get3A_2 = arith.constant 0 : index
    %get3A_3 = arith.constant 0 : index
    %get3A_4 = vector.load %arg2[%get3A_2, %get3A_3] : memref<8x32xf32, #tpu.memory_space<vmem>>, vector<8x32xf32>
    %dot_general3A = arith.constant dense<0.000000e+00> : vector<2000x32xf32>
    %dot_general3A_5 = tpu.matmul %get3A_1, %get3A_4, %dot_general3A {dimension_numbers = #tpu.dot_dimension_numbers<[1], [0], [0], [1], [0, 0, 1, 1], [], []>, transpose_lhs_hint = false} : vector<2000x8xf32>, vector<8x32xf32>, vector<2000x32xf32> -> vector<2000x32xf32>
    %get3A_6 = arith.constant 0 : index
    %get3A_7 = arith.constant 0 : index
    %get3A_8 = vector.load %arg3[%get3A_6, %get3A_7] : memref<1x32xf32, #tpu.memory_space<vmem>>, vector<1x32xf32>
    %add3A = vector.broadcast %get3A_8 : vector<1x32xf32> to vector<2000x32xf32>
    %add3A_9 = arith.addf %dot_general3A_5, %add3A : vector<2000x32xf32>
    %max3A = arith.constant 0.000000e+00 : f32
    %max3A_10 = vector.broadcast %max3A : f32 to vector<2000x32xf32>
    %max3A_11 = arith.maximumf %add3A_9, %max3A_10 : vector<2000x32xf32>
    %swap3A = arith.constant 0 : index
    %swap3A_12 = arith.constant 0 : index
    %swap3A_13 = vector.load %arg4[%swap3A, %swap3A_12] : memref<2000x32xf32, #tpu.memory_space<vmem>>, vector<2000x32xf32>
    tpu.vector_store %arg4[%swap3A, %swap3A_12], %max3A_11 {strides = array<i32>} : memref<2000x32xf32, #tpu.memory_space<vmem>>, vector<2000x32xf32>,
    return
  }
  func.func @transform_0(%arg0: i32) -> (i32, i32) {
    %c0_i32 = arith.constant 0 : i32
    %c0_i32_0 = arith.constant 0 : i32
    return %arg0, %c0_i32 : i32, i32
  }
  func.func @transform_1(%arg0: i32) -> (i32, i32) {
    %c0_i32 = arith.constant 0 : i32
    %c0_i32_0 = arith.constant 0 : i32
    %c0_i32_1 = arith.constant 0 : i32
    return %c0_i32, %c0_i32_0 : i32, i32
  }
  func.func @transform_2(%arg0: i32) -> (i32, i32) {
    %c0_i32 = arith.constant 0 : i32
    %c0_i32_0 = arith.constant 0 : i32
    %c0_i32_1 = arith.constant 0 : i32
    return %c0_i32, %c0_i32_0 : i32, i32
  }
  func.func @transform_3(%arg0: i32) -> (i32, i32) {
    %c0_i32 = arith.constant 0 : i32
    %c0_i32_0 = arith.constant 0 : i32
    return %arg0, %c0_i32 : i32, i32
  }
}

module attributes {stable_mosaic.version = 14 : i64} {
  func.func @_prep_edges_body(%arg0: i32, %arg1: memref<4096x16xf32, #tpu.memory_space<vmem>>, %arg2: memref<16x32xf32, #tpu.memory_space<vmem>>, %arg3: memref<1x32xf32, #tpu.memory_space<vmem>>, %arg4: memref<4096x32xf32, #tpu.memory_space<vmem>>) attributes {dimension_semantics = [#tpu.dimension_semantics<arbitrary>], iteration_bounds = array<i64: 40>, scalar_prefetch = 0 : i64, scratch_operands = 0 : i64, tpu.core_type = #tpu.core_type<tc>, window_params = [{transform_indices = @transform_0, window_bounds = array<i64: 4096, 16>}, {pipeline_mode = #tpu.pipeline_mode<synchronous>, transform_indices = @transform_1, window_bounds = array<i64: 16, 32>}, {pipeline_mode = #tpu.pipeline_mode<synchronous>, transform_indices = @transform_2, window_bounds = array<i64: 1, 32>}, {transform_indices = @transform_3, window_bounds = array<i64: 4096, 32>}]} {
    %get3A = arith.constant 0 : index
    %get3A_0 = arith.constant 0 : index
    %get3A_1 = vector.load %arg1[%get3A, %get3A_0] : memref<4096x16xf32, #tpu.memory_space<vmem>>, vector<4096x16xf32>
    %get3A_2 = arith.constant 0 : index
    %get3A_3 = arith.constant 0 : index
    %get3A_4 = vector.load %arg2[%get3A_2, %get3A_3] : memref<16x32xf32, #tpu.memory_space<vmem>>, vector<16x32xf32>
    %dot_general3A = arith.constant dense<0.000000e+00> : vector<4096x32xf32>
    %dot_general3A_5 = tpu.matmul %get3A_1, %get3A_4, %dot_general3A {dimension_numbers = #tpu.dot_dimension_numbers<[1], [0], [0], [1], [0, 0, 1, 1], [], []>, transpose_lhs_hint = false} : vector<4096x16xf32>, vector<16x32xf32>, vector<4096x32xf32> -> vector<4096x32xf32>
    %get3A_6 = arith.constant 0 : index
    %get3A_7 = arith.constant 0 : index
    %get3A_8 = vector.load %arg3[%get3A_6, %get3A_7] : memref<1x32xf32, #tpu.memory_space<vmem>>, vector<1x32xf32>
    %add3A = vector.broadcast %get3A_8 : vector<1x32xf32> to vector<4096x32xf32>
    %add3A_9 = arith.addf %dot_general3A_5, %add3A : vector<4096x32xf32>
    %max3A = arith.constant 0.000000e+00 : f32
    %max3A_10 = vector.broadcast %max3A : f32 to vector<4096x32xf32>
    %max3A_11 = arith.maximumf %add3A_9, %max3A_10 : vector<4096x32xf32>
    %swap3A = arith.constant 0 : index
    %swap3A_12 = arith.constant 0 : index
    %swap3A_13 = vector.load %arg4[%swap3A, %swap3A_12] : memref<4096x32xf32, #tpu.memory_space<vmem>>, vector<4096x32xf32>
    tpu.vector_store %arg4[%swap3A, %swap3A_12], %max3A_11 {strides = array<i32>} : memref<4096x32xf32, #tpu.memory_space<vmem>>, vector<4096x32xf32>,
    return
  }
  func.func @transform_0(%arg0: i32) -> (i32, i32) {
    %c0_i32 = arith.constant 0 : i32
    %c0_i32_0 = arith.constant 0 : i32
    return %arg0, %c0_i32 : i32, i32
  }
  func.func @transform_1(%arg0: i32) -> (i32, i32) {
    %c0_i32 = arith.constant 0 : i32
    %c0_i32_0 = arith.constant 0 : i32
    %c0_i32_1 = arith.constant 0 : i32
    return %c0_i32, %c0_i32_0 : i32, i32
  }
  func.func @transform_2(%arg0: i32) -> (i32, i32) {
    %c0_i32 = arith.constant 0 : i32
    %c0_i32_0 = arith.constant 0 : i32
    %c0_i32_1 = arith.constant 0 : i32
    return %c0_i32, %c0_i32_0 : i32, i32
  }
  func.func @transform_3(%arg0: i32) -> (i32, i32) {
    %c0_i32 = arith.constant 0 : i32
    %c0_i32_0 = arith.constant 0 : i32
    return %arg0, %c0_i32 : i32, i32
  }
}

module attributes {stable_mosaic.version = 14 : i64} {
  func.func @_msg_body(%arg0: i32, %arg1: memref<4096x32xf32, #tpu.memory_space<vmem>>, %arg2: memref<4096x32xbf16, #tpu.memory_space<vmem>>, %arg3: memref<32x1024xbf16, #tpu.memory_space<vmem>>, %arg4: memref<32x1024xbf16, #tpu.memory_space<vmem>>, %arg5: memref<1x1024xf32, #tpu.memory_space<vmem>>, %arg6: memref<4096x32xf32, #tpu.memory_space<vmem>>) attributes {dimension_semantics = [#tpu.dimension_semantics<arbitrary>], iteration_bounds = array<i64: 40>, scalar_prefetch = 0 : i64, scratch_operands = 0 : i64, tpu.core_type = #tpu.core_type<tc>, window_params = [{transform_indices = @transform_0, window_bounds = array<i64: 4096, 32>}, {transform_indices = @transform_1, window_bounds = array<i64: 4096, 32>}, {pipeline_mode = #tpu.pipeline_mode<synchronous>, transform_indices = @transform_2, window_bounds = array<i64: 32, 1024>}, {pipeline_mode = #tpu.pipeline_mode<synchronous>, transform_indices = @transform_3, window_bounds = array<i64: 32, 1024>}, {pipeline_mode = #tpu.pipeline_mode<synchronous>, transform_indices = @transform_4, window_bounds = array<i64: 1, 1024>}, {transform_indices = @transform_5, window_bounds = array<i64: 4096, 32>}]} {
    %get3A = arith.constant 0 : index
    %get3A_0 = arith.constant 0 : index
    %get3A_1 = vector.load %arg1[%get3A, %get3A_0] : memref<4096x32xf32, #tpu.memory_space<vmem>>, vector<4096x32xf32>
    %convert_element_type3A = arith.truncf %get3A_1 : vector<4096x32xf32> to vector<4096x32xbf16>
    %get3A_2 = arith.constant 0 : index
    %get3A_3 = arith.constant 0 : index
    %get3A_4 = vector.load %arg4[%get3A_2, %get3A_3] : memref<32x1024xbf16, #tpu.memory_space<vmem>>, vector<32x1024xbf16>
    %dot_general3A = arith.constant dense<0.000000e+00> : vector<4096x1024xf32>
    %dot_general3A_5 = tpu.matmul %convert_element_type3A, %get3A_4, %dot_general3A {dimension_numbers = #tpu.dot_dimension_numbers<[1], [0], [0], [1], [0, 0, 1, 1], [], []>, transpose_lhs_hint = false} : vector<4096x32xbf16>, vector<32x1024xbf16>, vector<4096x1024xf32> -> vector<4096x1024xf32>
    %get3A_6 = arith.constant 0 : index
    %get3A_7 = arith.constant 0 : index
    %get3A_8 = vector.load %arg2[%get3A_6, %get3A_7] : memref<4096x32xbf16, #tpu.memory_space<vmem>>, vector<4096x32xbf16>
    %get3A_9 = arith.constant 0 : index
    %get3A_10 = arith.constant 0 : index
    %get3A_11 = vector.load %arg3[%get3A_9, %get3A_10] : memref<32x1024xbf16, #tpu.memory_space<vmem>>, vector<32x1024xbf16>
    %dot_general3A_12 = arith.constant dense<0.000000e+00> : vector<4096x1024xf32>
    %dot_general3A_13 = tpu.matmul %get3A_8, %get3A_11, %dot_general3A_12 {dimension_numbers = #tpu.dot_dimension_numbers<[1], [0], [0], [1], [0, 0, 1, 1], [], []>, transpose_lhs_hint = false} : vector<4096x32xbf16>, vector<32x1024xbf16>, vector<4096x1024xf32> -> vector<4096x1024xf32>
    %get3A_14 = arith.constant 0 : index
    %get3A_15 = arith.constant 0 : index
    %get3A_16 = vector.load %arg5[%get3A_14, %get3A_15] : memref<1x1024xf32, #tpu.memory_space<vmem>>, vector<1x1024xf32>
    %add3A = vector.broadcast %get3A_16 : vector<1x1024xf32> to vector<4096x1024xf32>
    %add3A_17 = arith.addf %dot_general3A_13, %add3A : vector<4096x1024xf32>
    %mul3A = arith.mulf %add3A_17, %dot_general3A_5 : vector<4096x1024xf32>
    %slice3A = vector.extract_strided_slice %mul3A {offsets = [0, 0], sizes = [4096, 128], strides = [1, 1]} : vector<4096x1024xf32> to vector<4096x128xf32>
    %slice3A_18 = vector.extract_strided_slice %mul3A {offsets = [0, 128], sizes = [4096, 128], strides = [1, 1]} : vector<4096x1024xf32> to vector<4096x128xf32>
    %add3A_19 = arith.addf %slice3A, %slice3A_18 : vector<4096x128xf32>
    %slice3A_20 = vector.extract_strided_slice %mul3A {offsets = [0, 256], sizes = [4096, 128], strides = [1, 1]} : vector<4096x1024xf32> to vector<4096x128xf32>
    %add3A_21 = arith.addf %add3A_19, %slice3A_20 : vector<4096x128xf32>
    %slice3A_22 = vector.extract_strided_slice %mul3A {offsets = [0, 384], sizes = [4096, 128], strides = [1, 1]} : vector<4096x1024xf32> to vector<4096x128xf32>
    %add3A_23 = arith.addf %add3A_21, %slice3A_22 : vector<4096x128xf32>
    %slice3A_24 = vector.extract_strided_slice %mul3A {offsets = [0, 512], sizes = [4096, 128], strides = [1, 1]} : vector<4096x1024xf32> to vector<4096x128xf32>
    %add3A_25 = arith.addf %add3A_23, %slice3A_24 : vector<4096x128xf32>
    %slice3A_26 = vector.extract_strided_slice %mul3A {offsets = [0, 640], sizes = [4096, 128], strides = [1, 1]} : vector<4096x1024xf32> to vector<4096x128xf32>
    %add3A_27 = arith.addf %add3A_25, %slice3A_26 : vector<4096x128xf32>
    %slice3A_28 = vector.extract_strided_slice %mul3A {offsets = [0, 768], sizes = [4096, 128], strides = [1, 1]} : vector<4096x1024xf32> to vector<4096x128xf32>
    %add3A_29 = arith.addf %add3A_27, %slice3A_28 : vector<4096x128xf32>
    %slice3A_30 = vector.extract_strided_slice %mul3A {offsets = [0, 896], sizes = [4096, 128], strides = [1, 1]} : vector<4096x1024xf32> to vector<4096x128xf32>
    %add3A_31 = arith.addf %add3A_29, %slice3A_30 : vector<4096x128xf32>
    %slice3A_32 = vector.extract_strided_slice %add3A_31 {offsets = [0, 0], sizes = [4096, 32], strides = [1, 1]} : vector<4096x128xf32> to vector<4096x32xf32>
    %slice3A_33 = vector.extract_strided_slice %add3A_31 {offsets = [0, 32], sizes = [4096, 32], strides = [1, 1]} : vector<4096x128xf32> to vector<4096x32xf32>
    %add3A_34 = arith.addf %slice3A_32, %slice3A_33 : vector<4096x32xf32>
    %slice3A_35 = vector.extract_strided_slice %add3A_31 {offsets = [0, 64], sizes = [4096, 32], strides = [1, 1]} : vector<4096x128xf32> to vector<4096x32xf32>
    %add3A_36 = arith.addf %add3A_34, %slice3A_35 : vector<4096x32xf32>
    %slice3A_37 = vector.extract_strided_slice %add3A_31 {offsets = [0, 96], sizes = [4096, 32], strides = [1, 1]} : vector<4096x128xf32> to vector<4096x32xf32>
    %add3A_38 = arith.addf %add3A_36, %slice3A_37 : vector<4096x32xf32>
    %swap3A = arith.constant 0 : index
    %swap3A_39 = arith.constant 0 : index
    %swap3A_40 = vector.load %arg6[%swap3A, %swap3A_39] : memref<4096x32xf32, #tpu.memory_space<vmem>>, vector<4096x32xf32>
    tpu.vector_store %arg6[%swap3A, %swap3A_39], %add3A_38 {strides = array<i32>} : memref<4096x32xf32, #tpu.memory_space<vmem>>, vector<4096x32xf32>,
    return
  }
  func.func @transform_0(%arg0: i32) -> (i32, i32) {
    %c0_i32 = arith.constant 0 : i32
    %c0_i32_0 = arith.constant 0 : i32
    return %arg0, %c0_i32 : i32, i32
  }
  func.func @transform_1(%arg0: i32) -> (i32, i32) {
    %c0_i32 = arith.constant 0 : i32
    %c0_i32_0 = arith.constant 0 : i32
    return %arg0, %c0_i32 : i32, i32
  }
  func.func @transform_2(%arg0: i32) -> (i32, i32) {
    %c0_i32 = arith.constant 0 : i32
    %c0_i32_0 = arith.constant 0 : i32
    %c0_i32_1 = arith.constant 0 : i32
    return %c0_i32, %c0_i32_0 : i32, i32
  }
  func.func @transform_3(%arg0: i32) -> (i32, i32) {
    %c0_i32 = arith.constant 0 : i32
    %c0_i32_0 = arith.constant 0 : i32
    %c0_i32_1 = arith.constant 0 : i32
    return %c0_i32, %c0_i32_0 : i32, i32
  }
  func.func @transform_4(%arg0: i32) -> (i32, i32) {
    %c0_i32 = arith.constant 0 : i32
    %c0_i32_0 = arith.constant 0 : i32
    %c0_i32_1 = arith.constant 0 : i32
    return %c0_i32, %c0_i32_0 : i32, i32
  }
  func.func @transform_5(%arg0: i32) -> (i32, i32) {
    %c0_i32 = arith.constant 0 : i32
    %c0_i32_0 = arith.constant 0 : i32
    return %arg0, %c0_i32 : i32, i32
  }
}

module attributes {stable_mosaic.version = 14 : i64} {
  func.func @_update_body(%arg0: i32, %arg1: memref<1x2000x32xf32, #tpu.memory_space<vmem>>, %arg2: memref<1x2000x32xf32, #tpu.memory_space<vmem>>, %arg3: memref<2000x1xf32, #tpu.memory_space<vmem>>, %arg4: memref<2000x32xf32, #tpu.memory_space<vmem>>, %arg5: memref<32x32xbf16, #tpu.memory_space<vmem>>, %arg6: memref<1x32xf32, #tpu.memory_space<vmem>>, %arg7: memref<32x96xbf16, #tpu.memory_space<vmem>>, %arg8: memref<32x96xbf16, #tpu.memory_space<vmem>>, %arg9: memref<1x96xf32, #tpu.memory_space<vmem>>, %arg10: memref<1x96xf32, #tpu.memory_space<vmem>>, %arg11: memref<2000x32xf32, #tpu.memory_space<vmem>>) attributes {dimension_semantics = [#tpu.dimension_semantics<arbitrary>], iteration_bounds = array<i64: 5>, scalar_prefetch = 0 : i64, scratch_operands = 0 : i64, tpu.core_type = #tpu.core_type<tc>, window_params = [{transform_indices = @transform_0, window_bounds = array<i64: 1, 2000, 32>}, {transform_indices = @transform_1, window_bounds = array<i64: 1, 2000, 32>}, {transform_indices = @transform_2, window_bounds = array<i64: 2000, 1>}, {transform_indices = @transform_3, window_bounds = array<i64: 2000, 32>}, {pipeline_mode = #tpu.pipeline_mode<synchronous>, transform_indices = @transform_4, window_bounds = array<i64: 32, 32>}, {pipeline_mode = #tpu.pipeline_mode<synchronous>, transform_indices = @transform_5, window_bounds = array<i64: 1, 32>}, {pipeline_mode = #tpu.pipeline_mode<synchronous>, transform_indices = @transform_6, window_bounds = array<i64: 32, 96>}, {pipeline_mode = #tpu.pipeline_mode<synchronous>, transform_indices = @transform_7, window_bounds = array<i64: 32, 96>}, {pipeline_mode = #tpu.pipeline_mode<synchronous>, transform_indices = @transform_8, window_bounds = array<i64: 1, 96>}, {pipeline_mode = #tpu.pipeline_mode<synchronous>, transform_indices = @transform_9, window_bounds = array<i64: 1, 96>}, {transform_indices = @transform_10, window_bounds = array<i64: 2000, 32>}]} {
    %get3A = arith.constant 0 : index
    %get3A_0 = arith.constant 0 : index
    %get3A_1 = vector.load %arg3[%get3A, %get3A_0] : memref<2000x1xf32, #tpu.memory_space<vmem>>, vector<2000x1xf32>
    %max3A = arith.constant 1.000000e+00 : f32
    %max3A_2 = vector.broadcast %max3A : f32 to vector<2000x1xf32>
    %max3A_3 = arith.maximumf %get3A_1, %max3A_2 : vector<2000x1xf32>
    %get3A_4 = arith.constant 0 : index
    %get3A_5 = arith.constant 0 : index
    %get3A_6 = arith.constant 0 : index
    %get3A_7 = vector.load %arg1[%get3A_4, %get3A_5, %get3A_6] : memref<1x2000x32xf32, #tpu.memory_space<vmem>>, vector<1x2000x32xf32>
    %get3A_8 = vector.shape_cast %get3A_7 : vector<1x2000x32xf32> to vector<2000x32xf32>
    %get3A_9 = arith.constant 0 : index
    %get3A_10 = arith.constant 0 : index
    %get3A_11 = arith.constant 0 : index
    %get3A_12 = vector.load %arg2[%get3A_9, %get3A_10, %get3A_11] : memref<1x2000x32xf32, #tpu.memory_space<vmem>>, vector<1x2000x32xf32>
    %get3A_13 = vector.shape_cast %get3A_12 : vector<1x2000x32xf32> to vector<2000x32xf32>
    %add3A = arith.addf %get3A_8, %get3A_13 : vector<2000x32xf32>
    %div3A = vector.broadcast %max3A_3 : vector<2000x1xf32> to vector<2000x32xf32>
    %div3A_14 = arith.divf %add3A, %div3A : vector<2000x32xf32>
    %get3A_15 = arith.constant 0 : index
    %get3A_16 = arith.constant 0 : index
    %get3A_17 = vector.load %arg4[%get3A_15, %get3A_16] : memref<2000x32xf32, #tpu.memory_space<vmem>>, vector<2000x32xf32>
    %convert_element_type3A = arith.truncf %get3A_17 : vector<2000x32xf32> to vector<2000x32xbf16>
    %get3A_18 = arith.constant 0 : index
    %get3A_19 = arith.constant 0 : index
    %get3A_20 = vector.load %arg5[%get3A_18, %get3A_19] : memref<32x32xbf16, #tpu.memory_space<vmem>>, vector<32x32xbf16>
    %dot_general3A = arith.constant dense<0.000000e+00> : vector<2000x32xf32>
    %dot_general3A_21 = tpu.matmul %convert_element_type3A, %get3A_20, %dot_general3A {dimension_numbers = #tpu.dot_dimension_numbers<[1], [0], [0], [1], [0, 0, 1, 1], [], []>, transpose_lhs_hint = false} : vector<2000x32xbf16>, vector<32x32xbf16>, vector<2000x32xf32> -> vector<2000x32xf32>
    %add3A_22 = arith.addf %div3A_14, %dot_general3A_21 : vector<2000x32xf32>
    %get3A_23 = arith.constant 0 : index
    %get3A_24 = arith.constant 0 : index
    %get3A_25 = vector.load %arg6[%get3A_23, %get3A_24] : memref<1x32xf32, #tpu.memory_space<vmem>>, vector<1x32xf32>
    %add3A_26 = vector.broadcast %get3A_25 : vector<1x32xf32> to vector<2000x32xf32>
    %add3A_27 = arith.addf %add3A_22, %add3A_26 : vector<2000x32xf32>
    %max3A_28 = arith.constant 0.000000e+00 : f32
    %max3A_29 = vector.broadcast %max3A_28 : f32 to vector<2000x32xf32>
    %max3A_30 = arith.maximumf %add3A_27, %max3A_29 : vector<2000x32xf32>
    %convert_element_type3A_31 = arith.truncf %max3A_30 : vector<2000x32xf32> to vector<2000x32xbf16>
    %get3A_32 = arith.constant 0 : index
    %get3A_33 = arith.constant 0 : index
    %get3A_34 = vector.load %arg7[%get3A_32, %get3A_33] : memref<32x96xbf16, #tpu.memory_space<vmem>>, vector<32x96xbf16>
    %dot_general3A_35 = arith.constant dense<0.000000e+00> : vector<2000x96xf32>
    %dot_general3A_36 = tpu.matmul %convert_element_type3A_31, %get3A_34, %dot_general3A_35 {dimension_numbers = #tpu.dot_dimension_numbers<[1], [0], [0], [1], [0, 0, 1, 1], [], []>, transpose_lhs_hint = false} : vector<2000x32xbf16>, vector<32x96xbf16>, vector<2000x96xf32> -> vector<2000x96xf32>
    %get3A_37 = arith.constant 0 : index
    %get3A_38 = arith.constant 0 : index
    %get3A_39 = vector.load %arg9[%get3A_37, %get3A_38] : memref<1x96xf32, #tpu.memory_space<vmem>>, vector<1x96xf32>
    %add3A_40 = vector.broadcast %get3A_39 : vector<1x96xf32> to vector<2000x96xf32>
    %add3A_41 = arith.addf %dot_general3A_36, %add3A_40 : vector<2000x96xf32>
    %get3A_42 = arith.constant 0 : index
    %get3A_43 = arith.constant 0 : index
    %get3A_44 = vector.load %arg8[%get3A_42, %get3A_43] : memref<32x96xbf16, #tpu.memory_space<vmem>>, vector<32x96xbf16>
    %dot_general3A_45 = arith.constant dense<0.000000e+00> : vector<2000x96xf32>
    %dot_general3A_46 = tpu.matmul %convert_element_type3A, %get3A_44, %dot_general3A_45 {dimension_numbers = #tpu.dot_dimension_numbers<[1], [0], [0], [1], [0, 0, 1, 1], [], []>, transpose_lhs_hint = false} : vector<2000x32xbf16>, vector<32x96xbf16>, vector<2000x96xf32> -> vector<2000x96xf32>
    %get3A_47 = arith.constant 0 : index
    %get3A_48 = arith.constant 0 : index
    %get3A_49 = vector.load %arg10[%get3A_47, %get3A_48] : memref<1x96xf32, #tpu.memory_space<vmem>>, vector<1x96xf32>
    %add3A_50 = vector.broadcast %get3A_49 : vector<1x96xf32> to vector<2000x96xf32>
    %add3A_51 = arith.addf %dot_general3A_46, %add3A_50 : vector<2000x96xf32>
    %slice3A = vector.extract_strided_slice %add3A_41 {offsets = [0, 0], sizes = [2000, 32], strides = [1, 1]} : vector<2000x96xf32> to vector<2000x32xf32>
    %slice3A_52 = vector.extract_strided_slice %add3A_51 {offsets = [0, 0], sizes = [2000, 32], strides = [1, 1]} : vector<2000x96xf32> to vector<2000x32xf32>
    %add3A_53 = arith.addf %slice3A, %slice3A_52 : vector<2000x32xf32>
    %logistic3A = arith.negf %add3A_53 : vector<2000x32xf32>
    %logistic3A_54 = math.exp %logistic3A : vector<2000x32xf32>
    %logistic3A_55 = arith.constant 1.000000e+00 : f32
    %logistic3A_56 = vector.broadcast %logistic3A_55 : f32 to vector<2000x32xf32>
    %logistic3A_57 = arith.addf %logistic3A_56, %logistic3A_54 : vector<2000x32xf32>
    %logistic3A_58 = arith.divf %logistic3A_56, %logistic3A_57 : vector<2000x32xf32>
    %slice3A_59 = vector.extract_strided_slice %add3A_41 {offsets = [0, 32], sizes = [2000, 32], strides = [1, 1]} : vector<2000x96xf32> to vector<2000x32xf32>
    %slice3A_60 = vector.extract_strided_slice %add3A_51 {offsets = [0, 32], sizes = [2000, 32], strides = [1, 1]} : vector<2000x96xf32> to vector<2000x32xf32>
    %add3A_61 = arith.addf %slice3A_59, %slice3A_60 : vector<2000x32xf32>
    %logistic3A_62 = arith.negf %add3A_61 : vector<2000x32xf32>
    %logistic3A_63 = math.exp %logistic3A_62 : vector<2000x32xf32>
    %logistic3A_64 = arith.constant 1.000000e+00 : f32
    %logistic3A_65 = vector.broadcast %logistic3A_64 : f32 to vector<2000x32xf32>
    %logistic3A_66 = arith.addf %logistic3A_65, %logistic3A_63 : vector<2000x32xf32>
    %logistic3A_67 = arith.divf %logistic3A_65, %logistic3A_66 : vector<2000x32xf32>
    %slice3A_68 = vector.extract_strided_slice %add3A_41 {offsets = [0, 64], sizes = [2000, 32], strides = [1, 1]} : vector<2000x96xf32> to vector<2000x32xf32>
    %slice3A_69 = vector.extract_strided_slice %add3A_51 {offsets = [0, 64], sizes = [2000, 32], strides = [1, 1]} : vector<2000x96xf32> to vector<2000x32xf32>
    %mul3A = arith.mulf %logistic3A_58, %slice3A_69 : vector<2000x32xf32>
    %add3A_70 = arith.addf %slice3A_68, %mul3A : vector<2000x32xf32>
    %tanh3A = math.tanh %add3A_70 : vector<2000x32xf32>
    %sub3A = arith.constant 1.000000e+00 : f32
    %sub3A_71 = vector.broadcast %sub3A : f32 to vector<2000x32xf32>
    %sub3A_72 = arith.subf %sub3A_71, %logistic3A_67 : vector<2000x32xf32>
    %mul3A_73 = arith.mulf %sub3A_72, %tanh3A : vector<2000x32xf32>
    %mul3A_74 = arith.mulf %logistic3A_67, %get3A_17 : vector<2000x32xf32>
    %add3A_75 = arith.addf %mul3A_73, %mul3A_74 : vector<2000x32xf32>
    %swap3A = arith.constant 0 : index
    %swap3A_76 = arith.constant 0 : index
    %swap3A_77 = vector.load %arg11[%swap3A, %swap3A_76] : memref<2000x32xf32, #tpu.memory_space<vmem>>, vector<2000x32xf32>
    tpu.vector_store %arg11[%swap3A, %swap3A_76], %add3A_75 {strides = array<i32>} : memref<2000x32xf32, #tpu.memory_space<vmem>>, vector<2000x32xf32>,
    return
  }
  func.func @transform_0(%arg0: i32) -> (i32, i32, i32) {
    %c0_i32 = arith.constant 0 : i32
    %c0_i32_0 = arith.constant 0 : i32
    %c0_i32_1 = arith.constant 0 : i32
    return %c0_i32, %arg0, %c0_i32_0 : i32, i32, i32
  }
  func.func @transform_1(%arg0: i32) -> (i32, i32, i32) {
    %c1_i32 = arith.constant 1 : i32
    %c0_i32 = arith.constant 0 : i32
    %c0_i32_0 = arith.constant 0 : i32
    return %c1_i32, %arg0, %c0_i32 : i32, i32, i32
  }
  func.func @transform_2(%arg0: i32) -> (i32, i32) {
    %c0_i32 = arith.constant 0 : i32
    %c0_i32_0 = arith.constant 0 : i32
    return %arg0, %c0_i32 : i32, i32
  }
  func.func @transform_3(%arg0: i32) -> (i32, i32) {
    %c0_i32 = arith.constant 0 : i32
    %c0_i32_0 = arith.constant 0 : i32
    return %arg0, %c0_i32 : i32, i32
  }
  func.func @transform_4(%arg0: i32) -> (i32, i32) {
    %c0_i32 = arith.constant 0 : i32
    %c0_i32_0 = arith.constant 0 : i32
    %c0_i32_1 = arith.constant 0 : i32
    return %c0_i32, %c0_i32_0 : i32, i32
  }
  func.func @transform_5(%arg0: i32) -> (i32, i32) {
    %c0_i32 = arith.constant 0 : i32
    %c0_i32_0 = arith.constant 0 : i32
    %c0_i32_1 = arith.constant 0 : i32
    return %c0_i32, %c0_i32_0 : i32, i32
  }
  func.func @transform_6(%arg0: i32) -> (i32, i32) {
    %c0_i32 = arith.constant 0 : i32
    %c0_i32_0 = arith.constant 0 : i32
    %c0_i32_1 = arith.constant 0 : i32
    return %c0_i32, %c0_i32_0 : i32, i32
  }
  func.func @transform_7(%arg0: i32) -> (i32, i32) {
    %c0_i32 = arith.constant 0 : i32
    %c0_i32_0 = arith.constant 0 : i32
    %c0_i32_1 = arith.constant 0 : i32
    return %c0_i32, %c0_i32_0 : i32, i32
  }
  func.func @transform_8(%arg0: i32) -> (i32, i32) {
    %c0_i32 = arith.constant 0 : i32
    %c0_i32_0 = arith.constant 0 : i32
    %c0_i32_1 = arith.constant 0 : i32
    return %c0_i32, %c0_i32_0 : i32, i32
  }
  func.func @transform_9(%arg0: i32) -> (i32, i32) {
    %c0_i32 = arith.constant 0 : i32
    %c0_i32_0 = arith.constant 0 : i32
    %c0_i32_1 = arith.constant 0 : i32
    return %c0_i32, %c0_i32_0 : i32, i32
  }
  func.func @transform_10(%arg0: i32) -> (i32, i32) {
    %c0_i32 = arith.constant 0 : i32
    %c0_i32_0 = arith.constant 0 : i32
    return %arg0, %c0_i32 : i32, i32
  }
}

</mosaic_0001>

<sc_bundles>
// kernel: kernel.29.cloned.1.call-start
scs
__scs_entry_jumppad:
0x0: {  	(pc) =	sbr.rel $0x88, $3  }
0x1: {  	(tag) =	ssettag $0x0;
	lr =	simm.s32 $0x1  }
0x2: {  	[smem:$0x3F92] =	sst lr;
	_ =	strace $0xD0000000  }
0x3: {  	_ = 	snop  }
0x4: {  	_ = 	snop  }
0x5: {  	_ = 	snop  }
0x6: {  	_ = 	snop  }
0x7: {  	_ = 	snop  }
__scs_overlays_trampoline_lowered:
0x8: {  	[smem:$0x3FA1] =	sst s0  }
0x9: {  	[smem:$0x3FA2] =	sst s1  }
0xa: {  	[smem:$0x3FA3] =	sst s2  }
0xb: {  	[smem:$0x3FA4] =	sst s3  }
0xc: {  	[smem:$0x3FA5] =	sst s4  }
0xd: {  	[smem:$0x3FA6] =	sst s5  }
0xe: {  	[smem:$0x3FA7] =	sst s6  }
0xf: {  	[smem:$0x3FA8] =	sst s7  }
0x10: {  	[smem:$0x3FA9] =	sst s8  }
0x11: {  	[smem:$0x3FAA] =	sst s9;
	s0 =	simm.s32 @!p0 $0x0  }
0x12: {  	s1 =	sld [smem:$0x3F90];
	s0 =	simm.s32 @p0 $0x1  }
0x13: {  	[smem:$0x3FAB] =	sst s0;
	s0 =	simm.s32 @!p1 $0x0  }
0x14: {  	s2 =	sld [smem:$0x3F8F];
	s0 =	simm.s32 @p1 $0x1  }
0x15: {  	[smem:$0x3FAC] =	sst s0;
	s0 =	simm.s32 @!p2 $0x0  }
0x16: {  	s3 =	sld [smem:$0x3FDB];
	s0 =	simm.s32 @p2 $0x1  }
0x17: {  	s4 =	simm.s32 $0x1BF5;
	[smem:$0x3FAE] =	sst s0  }
0x18: {  	s0 =	sld [smem:$0x3F91];
	_ =	swait.ge [sflag:s4], $0x0  }
0x19: {  	s7 =	sld [smem:$0x3F92]  }
0x1a: {  	s8 =	sadd.s32 $0xFFFFE003, lr  }
0x1b: {  	s9 =	sadd.s32 $0xFFFFFEF7, lr;
	s5 =	simm.s32 $0xFFFFFFFF;
	p2 =	slt.u32 s8, $0xFFFFF086  }
0x1c: {  	p1 =	slt.u32 s9, $0xF7A;
	s5 =	simm.s32 @!p2 $0x0  }
0x1d: {  	s5 =	simm.s32 @p1 $0x1;
	p0 =	seq.s32 s7, s2  }
0x1e: {  	s7 =	smul.u32 @!p0 $0xF7A, s2;
	p2 =	seq.s32 @!p0 s5, $0x0  }
0x1f: {  	s9 =	smul.u32 $0xF7A, s1;
	s8 =	simm.s32 @!p0 $0x1BF5;
	p2 =	por !p2, p0  }
0x20: {  	[sflag:s8] =	ssyncset.s32 @!p0 $0xFFFFF086;
	s6 =	sadd.s32 @!p0 s3, s7;
	s7 =	simm.s32 @!p0 $0x108  }
0x21: {  	s3 =	sadd.s32 s3, s9;
	s6 =	sadd.s32 @!p0 $0x88, s6;
	s7 =	simm.s32 @p2 $0x1082  }
0x22: {  	[simem:s7], [sflag:s8] =	dma.local @!p0 [hbm:s6], $0xF7A  }
0x23: {  	s9 =	sor.u32 $0xD0000000, s2;
	s6 =	simm.s32 $0x108;
	_ =	swait.ge @!p0 [sflag:s8], $0x0  }
0x24: {  	s3 =	sadd.s32 $0x88, s3;
	s6 =	simm.s32 @!p1 $0x1082;
	[sflag:s4] =	ssyncset.s32 $0xFFFFF086  }
0x25: {  	[simem:s6], [sflag:s4] =	dma.local [hbm:s3], $0xF7A  }
0x26: {  	[smem:$0x3F92] =	sst s1;
	(tag) =	ssettag s2;
	_ =	strace s9  }
0x27: {  	s1 =	sld [smem:$0x3FA2]  }
0x28: {  	s2 =	sld [smem:$0x3FA3]  }
0x29: {  	s4 =	sld [smem:$0x3FA5]  }
0x2a: {  	p0 =	seq.s32 s5, $0x0;
	s5 =	sld [smem:$0x3FA6]  }
0x2b: {  	s6 =	sld [smem:$0x3FA7]  }
0x2c: {  	s7 =	sld [smem:$0x3FA8]  }
0x2d: {  	s3 =	simm.s32 $0x108;
	s8 =	sld [smem:$0x3FA9]  }
0x2e: {  	s3 =	simm.s32 @!p0 $0x1082;
	s9 =	sld [smem:$0x3FAA]  }
0x2f: {  	lr =	sadd.s32 s0, s3;
	s0 =	sld [smem:$0x3FA1]  }
0x30: {  	s3 =	sld [smem:$0x3FA4]  }
0x31: {  	[smem:$0x3FAD] =	sst s10  }
0x32: {  	s10 =	sld [smem:$0x3FAB];
	_ =	sdelay $0x3  }
0x33: {  	p0 =	seq.s32 s10, $0x1;
	s10 =	sld [smem:$0x3FAD];
	_ =	sdelay $0x3  }
0x34: {  	[smem:$0x3FAD] =	sst s10  }
0x35: {  	s10 =	sld [smem:$0x3FAC];
	_ =	sdelay $0x3  }
0x36: {  	p1 =	seq.s32 s10, $0x1;
	s10 =	sld [smem:$0x3FAD];
	_ =	sdelay $0x3  }
0x37: {  	[smem:$0x3FAD] =	sst s10  }
0x38: {  	s10 =	sld [smem:$0x3FAE]  }
0x39: {  	_ = 	snop;
	(pc) =	sbr.ind lr, $3  }
0x3a: {  	_ = 	snop  }
0x3b: {  	_ = 	snop  }
0x3c: {  	p2 =	seq.s32 s10, $0x1;
	s10 =	sld [smem:$0x3FAD]  }
0x3d: {  	_ =	shalt  }
0x3e: {  	_ =	shalt  }
0x3f: {  	_ =	shalt  }
0x40: {  	_ =	shalt  }
0x41: {  	_ =	shalt  }
0x42: {  	_ =	shalt  }
0x43: {  	_ =	shalt  }
0x44: {  	_ =	shalt  }
0x45: {  	_ =	shalt  }
0x46: {  	_ =	shalt  }
0x47: {  	_ =	shalt  }
0x48: {  	_ =	shalt  }
0x49: {  	_ =	shalt  }
0x4a: {  	_ =	shalt  }
0x4b: {  	_ =	shalt  }
0x4c: {  	_ =	shalt  }
0x4d: {  	_ =	shalt  }
0x4e: {  	_ =	shalt  }
0x4f: {  	_ =	shalt  }
0x50: {  	_ =	shalt  }
0x51: {  	_ =	shalt  }
0x52: {  	_ =	shalt  }
0x53: {  	_ =	shalt  }
0x54: {  	_ =	shalt  }
0x55: {  	_ =	shalt  }
0x56: {  	_ =	shalt  }
0x57: {  	_ =	shalt  }
0x58: {  	_ =	shalt  }
0x59: {  	_ =	shalt  }
0x5a: {  	_ =	shalt  }
0x5b: {  	_ =	shalt  }
0x5c: {  	_ =	shalt  }
0x5d: {  	_ =	shalt  }
0x5e: {  	_ =	shalt  }
0x5f: {  	_ =	shalt  }
0x60: {  	_ =	shalt  }
0x61: {  	_ =	shalt  }
0x62: {  	_ =	shalt  }
0x63: {  	_ =	shalt  }
0x64: {  	_ =	shalt  }
0x65: {  	_ =	shalt  }
0x66: {  	_ =	shalt  }
0x67: {  	_ =	shalt  }
0x68: {  	_ =	shalt  }
0x69: {  	_ =	shalt  }
0x6a: {  	_ =	shalt  }
0x6b: {  	_ =	shalt  }
0x6c: {  	_ =	shalt  }
0x6d: {  	_ =	shalt  }
0x6e: {  	_ =	shalt  }
0x6f: {  	_ =	shalt  }
0x70: {  	_ =	shalt  }
0x71: {  	_ =	shalt  }
0x72: {  	_ =	shalt  }
0x73: {  	_ =	shalt  }
0x74: {  	_ =	shalt  }
0x75: {  	_ =	shalt  }
0x76: {  	_ =	shalt  }
0x77: {  	_ =	shalt  }
0x78: {  	_ =	shalt  }
0x79: {  	_ =	shalt  }
0x7a: {  	_ =	shalt  }
0x7b: {  	_ =	shalt  }
0x7c: {  	_ =	shalt  }
0x7d: {  	_ =	shalt  }
0x7e: {  	_ =	shalt  }
0x7f: {  	_ =	shalt  }
0x80: {  	_ =	shalt  }
0x81: {  	_ =	shalt  }
0x82: {  	_ =	shalt  }
0x83: {  	_ =	shalt  }
0x84: {  	_ =	shalt  }
0x85: {  	_ =	shalt  }
0x86: {  	_ =	shalt  }
0x87: {  	_ =	shalt  }
.Lfunc_end0:
.L_simem_size_0:
called_computation_lowered:
.L_overlay_start_0:
0x88: {  	s2 =	sld [smem:$0x3FD9]  }
0x89: {  	s3 =	sld [smem:$0x3FFE];
	_ =	sdelay $0x1  }
0x8a: {  	s1 =	srdreg.scid  }
0x8b: {  	s0 =	sand.u32 $0x1, s1  }
0x8c: {  	s17 =	sshll.u32 s0, $0xA;
	s2 =	sadd.s32 s3, s2  }
0x8d: {  	s2 =	sadd.s32 s2, s17  }
0x8e: {  	[smem:$0x3FB9] =	sst s2  }
0x8f: {  	_ = 	snop  }
0x90: {  	(tm) =	ssettm $0x1  }
0x91: {  	s18 =	sld [smem:$0x3FFB];
	_ =	sdelay $0x3  }
0x92: {  	_ =	strace s18  }
0x93: {  	s2 =	sld [smem:$0x3FFC];
	_ =	sdelay $0x3  }
0x94: {  	_ =	strace s2  }
0x95: {  	s2 =	sld [smem:$0x3FFD];
	_ =	sdelay $0x3  }
0x96: {  	_ =	strace s2  }
0x97: {  	_ =	strace $0x8FFFFFFF  }
0x98: {  	s19 =	sld [smem:$0x3FDB];
	_ =	sdelay $0x1  }
0x99: {  	s20 =	simm.s32 $_scs_section_size  }
0x9a: {  	s4 =	simm.s32 $_size__tile_overlayer_lowered;
	s5 =	simm.s32 $_tile_overlayer_lowered  }
0x9b: {  	s6 =	simm.s32 $0x1BFF;
	s21 =	sshll.u32 s5, $0x1;
	s3 =	sadd.s32 s20, s19  }
0x9c: {  	s22 =	simm.s32 $0x0;
	s4 =	sshll.u32 s4, $0x1;
	s5 =	sadd.s32 s21, s3  }
0x9d: {  	[timem:s22], [sflag:s6] =	dma.local [hbm:s5], s4  }
0x9e: {  	_ =	swait.ge [sflag:s6], s4  }
0x9f: {  	s4 =	ssub.s32 $0x0, s4;
	[sflag:s6] =	ssyncset.done $0x0  }
0xa0: {  	[sflag:s6] =	ssyncadd.s32 s4;
	_ =	sdelay $0x1  }
0xa1: {  	s23 =	simm.s32 $0x1B8B  }
0xa2: {  	_ =	swait.ge [sflag:s23], $0x1  }
0xa3: {  	[sflag:s23] =	ssyncset.done $0x0  }
0xa4: {  	[sflag:s23] =	ssyncadd.s32 $0xFFFFFFFF  }
0xa5: {  	s4 =	sld [smem:$0x0]  }
0xa6: {  	s5 =	sand.u32 $0xFFFFFFFE, s1  }
0xa7: {  	p0 =	sne.s32 s1, s5  }
0xa8: {  	s5 =	sshll.u32 @p0 s5, $0xE  }
0xa9: {  	s5 =	sadd.s32 @p0 $0x11B8D, s5;
	s6 =	sshll.u32 @p0 s4, $0x11  }
0xaa: {  	s5 =	sor.u32 @p0 s6, s5  }
0xab: {  	[sflag:s5] =	ssyncadd.remote.s32 @p0 $0x1;
	_ =	sdelay $0x1  }
0xac: {  	s5 =	simm.s32 @p0 $0x1B8D  }
0xad: {  	_ =	swait.eq @p0 [sflag:s5], $0x1  }
0xae: {  	[sflag:s5] =	ssyncadd.s32 @p0 $0xFFFFFFFF  }
0xaf: {  	s6 =	sshll.u32 @!p0 s1, $0xE  }
0xb0: {  	s6 =	sor.u32 @!p0 $0x4000, s6;
	s5 =	simm.s32 @!p0 $0x1B8D  }
0xb1: {  	s4 =	sshll.u32 @!p0 s4, $0x11;
	s6 =	sadd.s32 @!p0 $0x11B8D, s6;
	_ =	swait.eq @!p0 [sflag:s5], $0x1  }
0xb2: {  	s4 =	sor.u32 @!p0 s4, s6;
	[sflag:s5] =	ssyncadd.s32 @!p0 $0xFFFFFFFF  }
0xb3: {  	s25 =	simm.s32 $0x1B8E;
	s24 =	sld [smem:$0x3FFE];
	[sflag:s4] =	ssyncadd.remote.s32 @!p0 $0x1  }
0xb4: {  	s26 =	simm.s32 $execute0_lowered;
	[smem:$0x3FD2] =	sst s25  }
0xb5: {  	s5 =	sshll.u32 s26, $0x1;
	_ =	strace $0x80000049;
	[dreg:$0x1] =	wrdreg $0xFFFFFFFF  }
0xb6: {  	s28 =	simm.s32 $_size_execute0_lowered;
	s3 =	sadd.s32 s3, s5;
	[dreg:$0x0] =	wrdreg $0x0  }
0xb7: {  	s5 =	sshll.u32 s28, $0x1;
	[dreg:$0x2] =	wrdreg s3  }
0xb8: {  	[dreg:$0x3] =	wrdreg s5  }
0xb9: {  	[dreg:$0x4] =	wrdreg $0xC0  }
0xba: {  	_ =	task [dreg:s22], $0x5FFFF  }
0xbb: {  	[dreg:$0x1] =	wrdreg $0xFFFFFFFF  }
0xbc: {  	[dreg:$0x0] =	wrdreg $0x60  }
0xbd: {  	[dreg:$0x2] =	wrdreg s24  }
0xbe: {  	[dreg:$0x3] =	wrdreg $0x84000  }
0xbf: {  	[dreg:$0x4] =	wrdreg $0x9  }
0xc0: {  	_ =	task.clear_ibuf [dreg:s22], $0x5FFFF;
	_ =	strace $0x90000049  }
0xc1: {  	s29 =	simm.s32 $0x9;
	_ =	strace $0x8000004B  }
0xc2: {  	_ =	swait.ge [sflag:s29], $0x1  }
0xc3: {  	[sflag:s29] =	ssyncadd.s32 $0xFFFFFFFF  }
0xc4: {  	_ =	strace $0x9000004B  }
0xc5: {  	_ =	sfence  }
0xc6: {  	s30 =	sld [smem:$0x0];
	_ =	sdelay $0x2  }
0xc7: {  	s31 =	sshll.u32 s1, $0xD;
	s1 =	sshrl.u32 s1, $0x2  }
0xc8: {  	s4 =	sand.u32 $0x4000, s31;
	s1 =	sadd.s32 s1, s30  }
0xc9: {  	s0 =	sor.u32 s4, s0;
	s1 =	sshll.u32 s1, $0x11  }
0xca: {  	s0 =	sor.u32 s1, s0  }
0xcb: {  	s0 =	sadd.s32 $0x8F2B, s0  }
0xcc: {  	[sflag:s0] =	ssyncadd.remote.s32 $0x1  }
0xcd: {  	_ =	sfence.sel $0xFFFF  }
0xce: {  	[dreg:$0x0] =	wrdreg $0xFFFFFFFF;
	(pc) =	sbr.abs _section_cstart, $3  }
0xcf: {  	[dreg:$0x1] =	wrdreg $0xFFFFFFFF  }
0xd0: {  	_ =	task.clear_ibuf [dreg:s22], $0x2FFFF;
	_ =	strace $0x9FFFFFFF  }
0xd1: {  	(tm) =	ssettm $0x7FFFFFFF  }
tec
execute0_lowered:
.L_overlay_start_1:
0x0: {  	(tag) =	ssettag $0x1  }
0x1: {  	s1 =	srdreg.scid  }
0x2: {  	s0 =	stileid.u32;
	s4 =	rddreg [dreg:$0x0]  }
0x3: {  	s2 =	rddreg [dreg:$0x1];
	s3 =	simm.s32 $0x0;
	s8 =	smul.u32 $0x5000, s0  }
0x4: {  	s17 =	simm.s32 $0x1;
	s18 =	simm.s32 $0x80;
	s12 =	smul.u32 $0x50000, s0  }
0x5: {  	s19 =	simm.s32 $0x2;
	s6 =	sand.u32 $0x1, s1;
	s16 =	smul.u32 $0x2800, s0  }
0x6: {  	s20 =	sshll.u32 s0, $0x1;
	s1 =	rddreg [dreg:$0x2];
	s9 =	smul.u32 $0xA000, s6  }
0x7: {  	[smem:$0x7FF] =	sst s3;
	s11 =	sadd.s32 $0xEAC00, s4;
	s15 =	smul.u32 $0x28000, s6  }
0x8: {  	s31 =	sshll.u32 s0, $0x6;
	s5 =	sor.u32 s6, s20;
	s22 =	smul.u32 $0x1400, s6  }
0x9: {  	_ =	strace $0x8000004A;
	s21 =	ssub.s32 $0x2, s6;
	s7 =	smul.u32 $0x1400, s5  }
0xa: {  	s20 =	simm.s32 $0x1300;
	s10 =	smul.u32 $0x5000, s5;
	s23 =	sshrl.u32 s8, $0x3  }
0xb: {  	s14 =	sshrl.u32 s21, $0x1;
	s5 =	sadd.s32 s8, s2;
	s13 =	sadd.s32 s23, s4  }
0xc: {  	s9 =	sadd.s32 s9, s4;
	s14 =	ssub.s32 s21, s14;
	s25 =	sadd.s32 s15, s12  }
0xd: {  	s28 =	sadd.s32 s22, s16;
	s12 =	simm.s32 $0x3;
	s15 =	simm.s32 $0x1400  }
0xe: {  	s16 =	simm.s32 $0x2400;
	s21 =	simm.s32 $0x1380;
	s22 =	simm.s32 $0x3400  }
0xf: {  	s7 =	sshrl.u32 s7, $0x3;
	s6 =	sadd.s32 $0xE0C00, s13;
	s24 =	sadd.s32 $0x18AC00, s9  }
0x10: {  	s26 =	sor.u32 $0x2000, s25;
	s8 =	smax.u32 s14, $0x1;
	s30 =	sshll.u32 s28, $0x2  }
0x11: {  	s13 =	sor.u32 $0x1C03, s31;
	s14 =	sshrl.u32 s5, $0x3;
	s7 =	sadd.s32 s7, s4  }
0x12: {  	s29 =	sshrl.u32 s26, $0x3;
	s23 =	sadd.s32 s23, s24;
	s4 =	sadd.s32 $0xDBC00, s7  }
0x13: {  	s7 =	sadd.s32 s11, s10;
	s10 =	sadd.s32 s29, s11;
	s11 =	sadd.s32 s30, s11  }
0x14: {  	s24 =	simm.s32 $0x0;
	s9 =	sadd.s32 $0x4E00, s7;
	s11 =	sadd.s32 $0x200, s11  }
.LBB2_1:
0x15: {  	[tilespmem:s3], [sflag:$0x3] =	stream.linear.gather [hbm4b:s4+s3], $0x1400, $0x38;
	[tilespmem:$0xD400] =	vst v63  }
0x16: {  	_ =	swait.ge [sflag:s12], $0x1400  }
0x17: {  	[sflag:s12] =	ssyncset.done $0x0  }
0x18: {  	[sflag:s12] =	ssyncadd.s32 $0xFFFFEC00  }
0x19: {  	[spmem:s14], [sflag:s13] =	dma.local [hbm:s6], $0xA00  }
0x1a: {  	_ =	swait.ge [sflag:s12], $0xA00  }
0x1b: {  	[sflag:s12] =	ssyncset.done $0x0  }
0x1c: {  	[sflag:s12] =	ssyncadd.s32 $0xFFFFF600  }
0x1d: {  	[bflag:$0x0] =	sbarrier.arrive $0xFFFF  }
0x1e: {  	[tilespmem:s15], [sflag:$0x1] =	stream.linear.gather [hbm4b:s7+s3], $0x1000, $0x38;
	[tilespmem:$0xD400] =	vst v63  }
0x1f: {  	s25 =	sadd.s32 $0x0, s11  }
0x20: {  	[tilespmem:s16], [sflag:$0x2] =	stream.linear.gather [hbm4b:s25+s3], $0x1000, $0x38;
	[tilespmem:$0xD400] =	vst v63  }
0x21: {  	_ =	swait.ge [sflag:s17], $0x1000  }
0x22: {  	[sflag:s17] =	ssyncset.done $0x0  }
0x23: {  	s29 =	simm.s32 $0x0;
	[sflag:s17] =	ssyncadd.s32 $0xFFFFF000  }
0x24: {  	[spmem:s2] =	stream.indirect.scatter.add.f32 [tilespmem:s15], [sflag:$0x3], $0x20, s29, s18, $0xb8;
	[tilespmem:$0xD400] =	vst v63  }
0x25: {  	_ =	swait.ge [sflag:s12], $0x1000  }
0x26: {  	[sflag:s12] =	ssyncset.done $0x0  }
0x27: {  	s30 =	sadd.s32 $0x0, s10;
	[sflag:s12] =	ssyncadd.s32 $0xFFFFF000  }
0x28: {  	[tilespmem:s15], [sflag:$0x1] =	stream.linear.gather [hbm4b:s30+s3], $0x1000, $0x38;
	[tilespmem:$0xD400] =	vst v63  }
0x29: {  	_ =	swait.ge [sflag:s19], $0x1000  }
0x2a: {  	[sflag:s19] =	ssyncset.done $0x0  }
0x2b: {  	s31 =	simm.s32 $0x80;
	[sflag:s19] =	ssyncadd.s32 $0xFFFFF000  }
0x2c: {  	[spmem:s2] =	stream.indirect.scatter.add.f32 [tilespmem:s16], [sflag:$0x3], $0x20, s31, s18, $0xb8;
	[tilespmem:$0xD400] =	vst v63  }
0x2d: {  	_ =	swait.ge [sflag:s12], $0x1000  }
0x2e: {  	s26 =	simm.s32 $0x800;
	s25 =	simm.s32 $0x400;
	[sflag:s12] =	ssyncset.done $0x0  }
.LBB2_2:
0x2f: {  	s28 =	sadd.s32 s25, s11  }
0x30: {  	[sflag:s12] =	ssyncadd.s32 $0xFFFFF000;
	s29 =	smov.u32 s26;
	s30 =	sadd.s32 $0x400, s26  }
0x31: {  	[tilespmem:s16], [sflag:$0x2] =	stream.linear.gather [hbm4b:s28+s3], $0x1000, $0x38;
	[tilespmem:$0xD400] =	vst v63  }
0x32: {  	p0 =	sne.s32 s26, $0x4800;
	_ =	swait.ge [sflag:s17], $0x1000  }
0x33: {  	[sflag:s17] =	ssyncset.done $0x0  }
0x34: {  	s26 =	sshra.s32 s25, $0x2;
	[sflag:s17] =	ssyncadd.s32 $0xFFFFF000  }
0x35: {  	[spmem:s2] =	stream.indirect.scatter.add.f32 [tilespmem:s15], [sflag:$0x3], $0x20, s26, s18, $0xb8;
	[tilespmem:$0xD400] =	vst v63  }
0x36: {  	_ =	swait.ge [sflag:s12], $0x1000  }
0x37: {  	[sflag:s12] =	ssyncset.done $0x0  }
0x38: {  	s28 =	sadd.s32 s25, s10;
	s25 =	smov.u32 s29;
	[sflag:s12] =	ssyncadd.s32 $0xFFFFF000  }
0x39: {  	[tilespmem:s15], [sflag:$0x1] =	stream.linear.gather [hbm4b:s28+s3], $0x1000, $0x38;
	[tilespmem:$0xD400] =	vst v63  }
0x3a: {  	_ =	swait.ge [sflag:s19], $0x1000  }
.Ltmp0:
0x3b: {  	[sflag:s19] =	ssyncset.done $0x0;
	(pc) =	sbr.rel @p0 .LBB2_2-.Ltmp0, $4  }
0x3c: {  	s26 =	sadd.s32 $0x80, s26;
	[sflag:s19] =	ssyncadd.s32 $0xFFFFF000  }
0x3d: {  	[spmem:s2] =	stream.indirect.scatter.add.f32 [tilespmem:s16], [sflag:$0x3], $0x20, s26, s18, $0xb8;
	[tilespmem:$0xD400] =	vst v63  }
0x3e: {  	_ =	swait.ge [sflag:s12], $0x1000  }
0x3f: {  	s26 =	smov.u32 s30;
	[sflag:s12] =	ssyncset.done $0x0  }
0x40: {  	s26 =	sadd.s32 s25, s11;
	[sflag:s12] =	ssyncadd.s32 $0xFFFFF000  }
0x41: {  	[tilespmem:s16], [sflag:$0x2] =	stream.linear.gather [hbm4b:s26+s3], $0x1000, $0x38;
	[tilespmem:$0xD400] =	vst v63  }
0x42: {  	_ =	swait.ge [sflag:s17], $0x1000  }
0x43: {  	[sflag:s17] =	ssyncset.done $0x0  }
0x44: {  	s29 =	sshra.s32 s25, $0x2;
	[sflag:s17] =	ssyncadd.s32 $0xFFFFF000  }
0x45: {  	[spmem:s2] =	stream.indirect.scatter.add.f32 [tilespmem:s15], [sflag:$0x3], $0x20, s29, s18, $0xb8;
	[tilespmem:$0xD400] =	vst v63  }
0x46: {  	_ =	swait.ge [sflag:s12], $0x1000  }
0x47: {  	[sflag:s12] =	ssyncset.done $0x0  }
0x48: {  	s30 =	sadd.s32 s25, s10;
	[sflag:s12] =	ssyncadd.s32 $0xFFFFF000  }
0x49: {  	[tilespmem:s15], [sflag:$0x1] =	stream.linear.gather [hbm4b:s30+s3], $0x1000, $0x38;
	[tilespmem:$0xD400] =	vst v63  }
0x4a: {  	_ =	swait.ge [sflag:s19], $0x1000  }
0x4b: {  	[sflag:s19] =	ssyncset.done $0x0  }
0x4c: {  	s31 =	sadd.s32 $0x80, s29;
	[sflag:s19] =	ssyncadd.s32 $0xFFFFF000  }
0x4d: {  	[spmem:s2] =	stream.indirect.scatter.add.f32 [tilespmem:s16], [sflag:$0x3], $0x20, s31, s18, $0xb8;
	[tilespmem:$0xD400] =	vst v63  }
0x4e: {  	_ =	swait.ge [sflag:s12], $0x1000  }
0x4f: {  	[sflag:s12] =	ssyncset.done $0x0  }
0x50: {  	[sflag:s12] =	ssyncadd.s32 $0xFFFFF000  }
0x51: {  	[tilespmem:s16], [sflag:$0x2] =	stream.linear.gather [hbm4b:s9+s3], $0x1000, $0x38;
	[tilespmem:$0xD400] =	vst v63  }
0x52: {  	_ =	swait.ge [sflag:s17], $0x1000  }
0x53: {  	[sflag:s17] =	ssyncset.done $0x0  }
0x54: {  	[sflag:s17] =	ssyncadd.s32 $0xFFFFF000  }
0x55: {  	[spmem:s2] =	stream.indirect.scatter.add.f32 [tilespmem:s15], [sflag:$0x3], $0x20, s20, s18, $0xb8;
	[tilespmem:$0xD400] =	vst v63  }
0x56: {  	_ =	swait.ge [sflag:s12], $0x1000  }
0x57: {  	[sflag:s12] =	ssyncset.done $0x0  }
0x58: {  	[sflag:s12] =	ssyncadd.s32 $0xFFFFF000  }
0x59: {  	_ =	swait.ge [sflag:s19], $0x1000  }
0x5a: {  	[sflag:s19] =	ssyncset.done $0x0  }
0x5b: {  	[sflag:s19] =	ssyncadd.s32 $0xFFFFF000  }
0x5c: {  	[spmem:s2] =	stream.indirect.scatter.add.f32 [tilespmem:s16], [sflag:$0x3], $0x20, s21, s18, $0xb8;
	[tilespmem:$0xD400] =	vst v63  }
0x5d: {  	_ =	swait.ge [sflag:s12], $0x1000  }
0x5e: {  	[sflag:s12] =	ssyncset.done $0x0  }
0x5f: {  	[sflag:s12] =	ssyncadd.s32 $0xFFFFF000  }
0x60: {  	[bflag:$0x0] =	sbarrier.arrive $0xFFFF  }
0x61: {  	[tilespmem:s22], [sflag:$0x3] =	stream.linear.gather [spmem:s5], $0x5000, $0x38;
	[tilespmem:$0xD400] =	vst v63  }
0x62: {  	s24 =	sadd.s32 $0x1, s24;
	_ =	swait.ge [sflag:s12], $0x5000  }
0x63: {  	p0 =	sne.s32 s24, s8;
	[sflag:s12] =	ssyncset.done $0x0  }
.Ltmp1:
0x64: {  	[sflag:s12] =	ssyncadd.s32 $0xFFFFB000;
	(pc) =	sbr.rel @p0 .LBB2_1-.Ltmp1, $4  }
0x65: {  	[hbm4b:s23+s3] =	stream.linear.scatter [tilespmem:s22], [sflag:$0x3], $0x5000, $0x38;
	[tilespmem:$0xD400] =	vst v63  }
0x66: {  	_ =	swait.ge [sflag:s12], $0x5000  }
0x67: {  	[sflag:s12] =	ssyncset.done $0x0  }
0x68: {  	[sflag:s12] =	ssyncadd.s32 $0xFFFFB000  }
0x69: {  	_ =	sfence.sel $0x180000  }
0x6a: {  	[bflag:$0x0] =	sbarrier.arrive $0xFFFF  }
0x6b: {  	p0 =	sne.s32 s0, $0x0;
	_ =	strace $0x9000004A  }
0x6c: {  	s0 =	sadd.s32 @!p0 $0x100000, s1;
	[bflag:$0x2] =	sbarrier.arrive $0xFFFF  }
0x6d: {  	[sflag:s0] =	ssyncadd.tile.s32 @!p0 $0x1;
	_ =	shalt  }
.Lfunc_end2:
_tile_overlayer_lowered:
.L_overlay_start_2:
0x6e: {  	(tag) =	ssettag $0x2  }
0x6f: {  	s0 =	rddreg [dreg:$0x0];
	s2 =	stileid.u32  }
0x70: {  	s1 =	rddreg [dreg:$0x1];
	p0 =	sne.s32 s2, $0x0  }
0x71: {  	s3 =	rddreg [dreg:$0x2];
	[bflag:$0x3] =	sbarrier.arrive $0xFFFF;
	s2 =	simm.s32 @!p0 $0x1C03  }
0x72: {  	[timem:s3], [sflag:s2] =	dma.local @!p0 [hbm:s0], s1  }
0x73: {  	s0 =	simm.s32 @!p0 $0x3  }
0x74: {  	_ =	swait.ge @!p0 [sflag:s0], s1  }
0x75: {  	s1 =	ssub.s32 @!p0 $0x0, s1;
	[sflag:s0] =	ssyncset.done @!p0 $0x0  }
0x76: {  	[sflag:s0] =	ssyncadd.s32 @!p0 s1  }
0x77: {  	[bflag:$0x3] =	sbarrier.arrive $0xFFFF  }
0x78: {  	_ =	shalt  }

// kernel: kernel.32.cloned.1.call-start
scs
__scs_entry_jumppad:
0x0: {  	(pc) =	sbr.rel $0x88, $3  }
0x1: {  	(tag) =	ssettag $0x0;
	lr =	simm.s32 $0x1  }
0x2: {  	[smem:$0x3F92] =	sst lr;
	_ =	strace $0xD0000000  }
0x3: {  	_ = 	snop  }
0x4: {  	_ = 	snop  }
0x5: {  	_ = 	snop  }
0x6: {  	_ = 	snop  }
0x7: {  	_ = 	snop  }
__scs_overlays_trampoline_lowered:
0x8: {  	[smem:$0x3FA1] =	sst s0  }
0x9: {  	[smem:$0x3FA2] =	sst s1  }
0xa: {  	[smem:$0x3FA3] =	sst s2  }
0xb: {  	[smem:$0x3FA4] =	sst s3  }
0xc: {  	[smem:$0x3FA5] =	sst s4  }
0xd: {  	[smem:$0x3FA6] =	sst s5  }
0xe: {  	[smem:$0x3FA7] =	sst s6  }
0xf: {  	[smem:$0x3FA8] =	sst s7  }
0x10: {  	[smem:$0x3FA9] =	sst s8  }
0x11: {  	[smem:$0x3FAA] =	sst s9;
	s0 =	simm.s32 @!p0 $0x0  }
0x12: {  	s1 =	sld [smem:$0x3F90];
	s0 =	simm.s32 @p0 $0x1  }
0x13: {  	[smem:$0x3FAB] =	sst s0;
	s0 =	simm.s32 @!p1 $0x0  }
0x14: {  	s2 =	sld [smem:$0x3F8F];
	s0 =	simm.s32 @p1 $0x1  }
0x15: {  	[smem:$0x3FAC] =	sst s0;
	s0 =	simm.s32 @!p2 $0x0  }
0x16: {  	s3 =	sld [smem:$0x3FDB];
	s0 =	simm.s32 @p2 $0x1  }
0x17: {  	s4 =	simm.s32 $0x1BF5;
	[smem:$0x3FAE] =	sst s0  }
0x18: {  	s0 =	sld [smem:$0x3F91];
	_ =	swait.ge [sflag:s4], $0x0  }
0x19: {  	s7 =	sld [smem:$0x3F92]  }
0x1a: {  	s8 =	sadd.s32 $0xFFFFE003, lr  }
0x1b: {  	s9 =	sadd.s32 $0xFFFFFEF7, lr;
	s5 =	simm.s32 $0xFFFFFFFF;
	p2 =	slt.u32 s8, $0xFFFFF086  }
0x1c: {  	p1 =	slt.u32 s9, $0xF7A;
	s5 =	simm.s32 @!p2 $0x0  }
0x1d: {  	s5 =	simm.s32 @p1 $0x1;
	p0 =	seq.s32 s7, s2  }
0x1e: {  	s7 =	smul.u32 @!p0 $0xF7A, s2;
	p2 =	seq.s32 @!p0 s5, $0x0  }
0x1f: {  	s9 =	smul.u32 $0xF7A, s1;
	s8 =	simm.s32 @!p0 $0x1BF5;
	p2 =	por !p2, p0  }
0x20: {  	[sflag:s8] =	ssyncset.s32 @!p0 $0xFFFFF086;
	s6 =	sadd.s32 @!p0 s3, s7;
	s7 =	simm.s32 @!p0 $0x108  }
0x21: {  	s3 =	sadd.s32 s3, s9;
	s6 =	sadd.s32 @!p0 $0x88, s6;
	s7 =	simm.s32 @p2 $0x1082  }
0x22: {  	[simem:s7], [sflag:s8] =	dma.local @!p0 [hbm:s6], $0xF7A  }
0x23: {  	s9 =	sor.u32 $0xD0000000, s2;
	s6 =	simm.s32 $0x108;
	_ =	swait.ge @!p0 [sflag:s8], $0x0  }
0x24: {  	s3 =	sadd.s32 $0x88, s3;
	s6 =	simm.s32 @!p1 $0x1082;
	[sflag:s4] =	ssyncset.s32 $0xFFFFF086  }
0x25: {  	[simem:s6], [sflag:s4] =	dma.local [hbm:s3], $0xF7A  }
0x26: {  	[smem:$0x3F92] =	sst s1;
	(tag) =	ssettag s2;
	_ =	strace s9  }
0x27: {  	s1 =	sld [smem:$0x3FA2]  }
0x28: {  	s2 =	sld [smem:$0x3FA3]  }
0x29: {  	s4 =	sld [smem:$0x3FA5]  }
0x2a: {  	p0 =	seq.s32 s5, $0x0;
	s5 =	sld [smem:$0x3FA6]  }
0x2b: {  	s6 =	sld [smem:$0x3FA7]  }
0x2c: {  	s7 =	sld [smem:$0x3FA8]  }
0x2d: {  	s3 =	simm.s32 $0x108;
	s8 =	sld [smem:$0x3FA9]  }
0x2e: {  	s3 =	simm.s32 @!p0 $0x1082;
	s9 =	sld [smem:$0x3FAA]  }
0x2f: {  	lr =	sadd.s32 s0, s3;
	s0 =	sld [smem:$0x3FA1]  }
0x30: {  	s3 =	sld [smem:$0x3FA4]  }
0x31: {  	[smem:$0x3FAD] =	sst s10  }
0x32: {  	s10 =	sld [smem:$0x3FAB];
	_ =	sdelay $0x3  }
0x33: {  	p0 =	seq.s32 s10, $0x1;
	s10 =	sld [smem:$0x3FAD];
	_ =	sdelay $0x3  }
0x34: {  	[smem:$0x3FAD] =	sst s10  }
0x35: {  	s10 =	sld [smem:$0x3FAC];
	_ =	sdelay $0x3  }
0x36: {  	p1 =	seq.s32 s10, $0x1;
	s10 =	sld [smem:$0x3FAD];
	_ =	sdelay $0x3  }
0x37: {  	[smem:$0x3FAD] =	sst s10  }
0x38: {  	s10 =	sld [smem:$0x3FAE]  }
0x39: {  	_ = 	snop;
	(pc) =	sbr.ind lr, $3  }
0x3a: {  	_ = 	snop  }
0x3b: {  	_ = 	snop  }
0x3c: {  	p2 =	seq.s32 s10, $0x1;
	s10 =	sld [smem:$0x3FAD]  }
0x3d: {  	_ =	shalt  }
0x3e: {  	_ =	shalt  }
0x3f: {  	_ =	shalt  }
0x40: {  	_ =	shalt  }
0x41: {  	_ =	shalt  }
0x42: {  	_ =	shalt  }
0x43: {  	_ =	shalt  }
0x44: {  	_ =	shalt  }
0x45: {  	_ =	shalt  }
0x46: {  	_ =	shalt  }
0x47: {  	_ =	shalt  }
0x48: {  	_ =	shalt  }
0x49: {  	_ =	shalt  }
0x4a: {  	_ =	shalt  }
0x4b: {  	_ =	shalt  }
0x4c: {  	_ =	shalt  }
0x4d: {  	_ =	shalt  }
0x4e: {  	_ =	shalt  }
0x4f: {  	_ =	shalt  }
0x50: {  	_ =	shalt  }
0x51: {  	_ =	shalt  }
0x52: {  	_ =	shalt  }
0x53: {  	_ =	shalt  }
0x54: {  	_ =	shalt  }
0x55: {  	_ =	shalt  }
0x56: {  	_ =	shalt  }
0x57: {  	_ =	shalt  }
0x58: {  	_ =	shalt  }
0x59: {  	_ =	shalt  }
0x5a: {  	_ =	shalt  }
0x5b: {  	_ =	shalt  }
0x5c: {  	_ =	shalt  }
0x5d: {  	_ =	shalt  }
0x5e: {  	_ =	shalt  }
0x5f: {  	_ =	shalt  }
0x60: {  	_ =	shalt  }
0x61: {  	_ =	shalt  }
0x62: {  	_ =	shalt  }
0x63: {  	_ =	shalt  }
0x64: {  	_ =	shalt  }
0x65: {  	_ =	shalt  }
0x66: {  	_ =	shalt  }
0x67: {  	_ =	shalt  }
0x68: {  	_ =	shalt  }
0x69: {  	_ =	shalt  }
0x6a: {  	_ =	shalt  }
0x6b: {  	_ =	shalt  }
0x6c: {  	_ =	shalt  }
0x6d: {  	_ =	shalt  }
0x6e: {  	_ =	shalt  }
0x6f: {  	_ =	shalt  }
0x70: {  	_ =	shalt  }
0x71: {  	_ =	shalt  }
0x72: {  	_ =	shalt  }
0x73: {  	_ =	shalt  }
0x74: {  	_ =	shalt  }
0x75: {  	_ =	shalt  }
0x76: {  	_ =	shalt  }
0x77: {  	_ =	shalt  }
0x78: {  	_ =	shalt  }
0x79: {  	_ =	shalt  }
0x7a: {  	_ =	shalt  }
0x7b: {  	_ =	shalt  }
0x7c: {  	_ =	shalt  }
0x7d: {  	_ =	shalt  }
0x7e: {  	_ =	shalt  }
0x7f: {  	_ =	shalt  }
0x80: {  	_ =	shalt  }
0x81: {  	_ =	shalt  }
0x82: {  	_ =	shalt  }
0x83: {  	_ =	shalt  }
0x84: {  	_ =	shalt  }
0x85: {  	_ =	shalt  }
0x86: {  	_ =	shalt  }
0x87: {  	_ =	shalt  }
.Lfunc_end0:
.L_simem_size_0:
called_computation.1_lowered:
.L_overlay_start_0:
0x88: {  	s2 =	sld [smem:$0x3FD9]  }
0x89: {  	s3 =	sld [smem:$0x3FFE];
	_ =	sdelay $0x1  }
0x8a: {  	s1 =	srdreg.scid  }
0x8b: {  	s0 =	sand.u32 $0x1, s1  }
0x8c: {  	s17 =	sshll.u32 s0, $0xA;
	s2 =	sadd.s32 s3, s2  }
0x8d: {  	s2 =	sadd.s32 s2, s17  }
0x8e: {  	[smem:$0x3FB9] =	sst s2  }
0x8f: {  	_ = 	snop  }
0x90: {  	s2 =	sld [smem:$0x3FD0];
	(tm) =	ssettm $0x1  }
0x91: {  	s18 =	sld [smem:$0x3FFB];
	_ =	sdelay $0x3  }
0x92: {  	_ =	strace s18  }
0x93: {  	s3 =	sld [smem:$0x3FFC];
	_ =	sdelay $0x3  }
0x94: {  	_ =	strace s3  }
0x95: {  	s3 =	sld [smem:$0x3FFD];
	_ =	sdelay $0x3  }
0x96: {  	_ =	strace s3  }
0x97: {  	_ =	strace $0x8FFFFFFF  }
0x98: {  	s19 =	sld [smem:$0x3FDB];
	_ =	sdelay $0x1  }
0x99: {  	s4 =	simm.s32 $_scs_section_size  }
0x9a: {  	s5 =	simm.s32 $_size__tile_overlayer_lowered;
	s6 =	simm.s32 $_tile_overlayer_lowered  }
0x9b: {  	s22 =	simm.s32 $0x1BFF;
	s21 =	sshll.u32 s6, $0x1;
	s3 =	sadd.s32 s4, s19  }
0x9c: {  	s7 =	simm.s32 $0x0;
	s20 =	sshll.u32 s5, $0x1;
	s5 =	sadd.s32 s21, s3  }
0x9d: {  	[timem:s7], [sflag:s22] =	dma.local [hbm:s5], s20  }
0x9e: {  	_ =	swait.ge [sflag:s22], s20  }
0x9f: {  	s4 =	ssub.s32 $0x0, s20;
	[sflag:s22] =	ssyncset.done $0x0  }
0xa0: {  	[sflag:s22] =	ssyncadd.s32 s4;
	_ =	sdelay $0x1  }
0xa1: {  	s23 =	simm.s32 $0x1B8B  }
0xa2: {  	_ =	swait.ge [sflag:s23], $0x1  }
0xa3: {  	[sflag:s23] =	ssyncset.done $0x0  }
0xa4: {  	s25 =	simm.s32 $0x1B8E;
	s24 =	sld [smem:$0x3FFE];
	[sflag:s23] =	ssyncadd.s32 $0xFFFFFFFF  }
0xa5: {  	s26 =	simm.s32 $execute0_lowered;
	[smem:$0x3FD2] =	sst s25  }
0xa6: {  	s5 =	sshll.u32 s26, $0x1;
	_ =	strace $0x80000046;
	[dreg:$0x1] =	wrdreg $0xFFFFFFFF  }
0xa7: {  	s28 =	simm.s32 $_size_execute0_lowered;
	s3 =	sadd.s32 s3, s5;
	[dreg:$0x0] =	wrdreg $0x0  }
0xa8: {  	s5 =	sshll.u32 s28, $0x1;
	[dreg:$0x2] =	wrdreg s3  }
0xa9: {  	[dreg:$0x3] =	wrdreg s5  }
0xaa: {  	[dreg:$0x4] =	wrdreg $0xC0  }
0xab: {  	_ =	task [dreg:s7], $0x5FFFF  }
0xac: {  	[dreg:$0x1] =	wrdreg $0xFFFFFFFF  }
0xad: {  	[dreg:$0x0] =	wrdreg $0x60  }
0xae: {  	[dreg:$0x2] =	wrdreg s2  }
0xaf: {  	[dreg:$0x3] =	wrdreg s24  }
0xb0: {  	[dreg:$0x4] =	wrdreg $0xA  }
0xb1: {  	_ =	task.clear_ibuf [dreg:s7], $0x5FFFF;
	_ =	strace $0x90000046  }
0xb2: {  	s29 =	simm.s32 $0xA;
	_ =	strace $0x80000048  }
0xb3: {  	_ =	swait.ge [sflag:s29], $0x1  }
0xb4: {  	[sflag:s29] =	ssyncadd.s32 $0xFFFFFFFF  }
0xb5: {  	_ =	strace $0x90000048  }
0xb6: {  	_ =	sfence  }
0xb7: {  	s30 =	sld [smem:$0x0];
	_ =	sdelay $0x2  }
0xb8: {  	s31 =	sshll.u32 s1, $0xD;
	s1 =	sshrl.u32 s1, $0x2  }
0xb9: {  	s3 =	sand.u32 $0x4000, s31;
	s1 =	sadd.s32 s1, s30  }
0xba: {  	s0 =	sor.u32 s3, s0;
	s1 =	sshll.u32 s1, $0x11  }
0xbb: {  	s0 =	sor.u32 s1, s0  }
0xbc: {  	s0 =	sadd.s32 $0x8F2B, s0  }
0xbd: {  	[sflag:s0] =	ssyncadd.remote.s32 $0x1  }
0xbe: {  	_ =	sfence.sel $0xFFFF  }
0xbf: {  	[dreg:$0x0] =	wrdreg $0xFFFFFFFF;
	(pc) =	sbr.abs _section_cstart, $3  }
0xc0: {  	[dreg:$0x1] =	wrdreg $0xFFFFFFFF  }
0xc1: {  	_ =	task.clear_ibuf [dreg:s7], $0x2FFFF;
	_ =	strace $0x9FFFFFFF  }
0xc2: {  	(tm) =	ssettm $0x7FFFFFFF  }
0xc3: {  	_ =	shalt  }
tec
execute0_lowered:
.L_overlay_start_1:
0x0: {  	(tag) =	ssettag $0x1  }
0x1: {  	s2 =	rddreg [dreg:$0x0];
	s1 =	srdreg.scid  }
0x2: {  	s0 =	stileid.u32;
	s4 =	rddreg [dreg:$0x1]  }
0x3: {  	s3 =	simm.s32 $0x0;
	s14 =	simm.s32 $0x1;
	s10 =	smul.u32 $0x50000, s0  }
0x4: {  	s15 =	simm.s32 $0x2;
	s5 =	sand.u32 $0x1, s1;
	s25 =	smul.u32 $0x2800, s0  }
0x5: {  	s16 =	simm.s32 $0x1380;
	s6 =	sshll.u32 s0, $0x1;
	s12 =	smul.u32 $0x28000, s5  }
0x6: {  	s1 =	rddreg [dreg:$0x2];
	s6 =	sor.u32 s5, s6;
	s28 =	smul.u32 $0x1400, s5  }
0x7: {  	s17 =	simm.s32 $0x0;
	[smem:$0x7FF] =	sst s3;
	s7 =	smul.u32 $0x1400, s6  }
0x8: {  	s13 =	sadd.s32 $0x3BC00, s4;
	s9 =	ssub.s32 $0x2, s5;
	s8 =	smul.u32 $0x28000, s6  }
0x9: {  	_ =	strace $0x80000047;
	s11 =	sshrl.u32 s9, $0x1;
	s29 =	smul.u32 $0x5000, s6  }
0xa: {  	s9 =	ssub.s32 s9, s11;
	s30 =	sadd.s32 s12, s10;
	s12 =	simm.s32 $0x1400  }
0xb: {  	s7 =	sshrl.u32 s7, $0x3;
	s26 =	sshrl.u32 s8, $0x3;
	s5 =	smax.u32 s9, $0x1  }
0xc: {  	s8 =	sadd.s32 s28, s25;
	s9 =	sadd.s32 s13, s29;
	s10 =	sshrl.u32 s30, $0x3  }
0xd: {  	s7 =	sadd.s32 s7, s4;
	s11 =	sshll.u32 s8, $0x2;
	s8 =	sadd.s32 s10, s13  }
0xe: {  	s10 =	simm.s32 $0x3;
	s4 =	sadd.s32 $0x36C00, s7;
	s7 =	sadd.s32 s13, s26  }
0xf: {  	s31 =	sadd.s32 s11, s13;
	s11 =	simm.s32 $0x80;
	s13 =	simm.s32 $0x2400  }
0x10: {  	s6 =	sadd.s32 $0x4C00, s7;
	s7 =	sadd.s32 $0x4E00, s9;
	s9 =	sadd.s32 $0x200, s31  }
.LBB2_1:
0x11: {  	[tilespmem:s3], [sflag:$0x3] =	stream.linear.gather [hbm4b:s4+s3], $0x1400, $0x38;
	[tilespmem:$0x3400] =	vst v63  }
0x12: {  	_ =	swait.ge [sflag:s10], $0x1400  }
0x13: {  	[sflag:s10] =	ssyncset.done $0x0  }
0x14: {  	[sflag:s10] =	ssyncadd.s32 $0xFFFFEC00  }
0x15: {  	[tilespmem:s12], [sflag:$0x1] =	stream.indirect.gather [hbm4b:s2+s11], $0x20, s3, s11, $0xb8;
	[tilespmem:$0x3400] =	vst v63  }
0x16: {  	s18 =	simm.s32 $0x80  }
0x17: {  	[tilespmem:s13], [sflag:$0x2] =	stream.indirect.gather [hbm4b:s2+s11], $0x20, s18, s11, $0xb8;
	[tilespmem:$0x3400] =	vst v63  }
0x18: {  	_ =	swait.ge [sflag:s14], $0x1000  }
0x19: {  	[sflag:s14] =	ssyncset.done $0x0  }
0x1a: {  	s29 =	sadd.s32 $0x0, s8;
	[sflag:s14] =	ssyncadd.s32 $0xFFFFF000  }
0x1b: {  	[hbm4b:s29+s3] =	stream.linear.scatter [tilespmem:s12], [sflag:$0x3], $0x1000, $0x38;
	[tilespmem:$0x3400] =	vst v63  }
0x1c: {  	_ =	swait.ge [sflag:s10], $0x1000  }
0x1d: {  	[sflag:s10] =	ssyncset.done $0x0  }
0x1e: {  	s30 =	simm.s32 $0x100;
	[sflag:s10] =	ssyncadd.s32 $0xFFFFF000  }
0x1f: {  	[tilespmem:s12], [sflag:$0x1] =	stream.indirect.gather [hbm4b:s2+s11], $0x20, s30, s11, $0xb8;
	[tilespmem:$0x3400] =	vst v63  }
0x20: {  	_ =	swait.ge [sflag:s15], $0x1000  }
0x21: {  	[sflag:s15] =	ssyncset.done $0x0  }
0x22: {  	s31 =	sadd.s32 $0x0, s9;
	[sflag:s15] =	ssyncadd.s32 $0xFFFFF000  }
0x23: {  	[hbm4b:s31+s3] =	stream.linear.scatter [tilespmem:s13], [sflag:$0x3], $0x1000, $0x38;
	[tilespmem:$0x3400] =	vst v63  }
0x24: {  	s20 =	simm.s32 $0x800;
	_ =	swait.ge [sflag:s10], $0x1000  }
0x25: {  	s19 =	simm.s32 $0x100;
	s18 =	simm.s32 $0x400;
	[sflag:s10] =	ssyncset.done $0x0  }
.LBB2_2:
0x26: {  	s21 =	sadd.s32 $0x80, s19  }
0x27: {  	[sflag:s10] =	ssyncadd.s32 $0xFFFFF000;
	s22 =	smov.u32 s20;
	s23 =	sadd.s32 $0x400, s20  }
0x28: {  	[tilespmem:s13], [sflag:$0x2] =	stream.indirect.gather [hbm4b:s2+s11], $0x20, s21, s11, $0xb8;
	[tilespmem:$0x3400] =	vst v63  }
0x29: {  	p0 =	sne.s32 s20, $0x4800;
	_ =	swait.ge [sflag:s14], $0x1000  }
0x2a: {  	[sflag:s14] =	ssyncset.done $0x0  }
0x2b: {  	s20 =	sadd.s32 s18, s8;
	[sflag:s14] =	ssyncadd.s32 $0xFFFFF000  }
0x2c: {  	[hbm4b:s20+s3] =	stream.linear.scatter [tilespmem:s12], [sflag:$0x3], $0x1000, $0x38;
	[tilespmem:$0x3400] =	vst v63  }
0x2d: {  	_ =	swait.ge [sflag:s10], $0x1000  }
0x2e: {  	[sflag:s10] =	ssyncset.done $0x0  }
0x2f: {  	s19 =	sadd.s32 $0x100, s19;
	[sflag:s10] =	ssyncadd.s32 $0xFFFFF000  }
0x30: {  	[tilespmem:s12], [sflag:$0x1] =	stream.indirect.gather [hbm4b:s2+s11], $0x20, s19, s11, $0xb8;
	[tilespmem:$0x3400] =	vst v63  }
0x31: {  	_ =	swait.ge [sflag:s15], $0x1000  }
.Ltmp0:
0x32: {  	[sflag:s15] =	ssyncset.done $0x0;
	(pc) =	sbr.rel @p0 .LBB2_2-.Ltmp0, $4  }
0x33: {  	s19 =	sadd.s32 s18, s9;
	s18 =	smov.u32 s22;
	[sflag:s15] =	ssyncadd.s32 $0xFFFFF000  }
0x34: {  	[hbm4b:s19+s3] =	stream.linear.scatter [tilespmem:s13], [sflag:$0x3], $0x1000, $0x38;
	[tilespmem:$0x3400] =	vst v63  }
0x35: {  	_ =	swait.ge [sflag:s10], $0x1000  }
0x36: {  	s20 =	smov.u32 s23;
	s19 =	sshra.s32 s18, $0x2;
	[sflag:s10] =	ssyncset.done $0x0  }
0x37: {  	s20 =	sadd.s32 $0x80, s19;
	[sflag:s10] =	ssyncadd.s32 $0xFFFFF000  }
0x38: {  	[tilespmem:s13], [sflag:$0x2] =	stream.indirect.gather [hbm4b:s2+s11], $0x20, s20, s11, $0xb8;
	[tilespmem:$0x3400] =	vst v63  }
0x39: {  	_ =	swait.ge [sflag:s14], $0x1000  }
0x3a: {  	[sflag:s14] =	ssyncset.done $0x0  }
0x3b: {  	s29 =	sadd.s32 s18, s8;
	[sflag:s14] =	ssyncadd.s32 $0xFFFFF000  }
0x3c: {  	[hbm4b:s29+s3] =	stream.linear.scatter [tilespmem:s12], [sflag:$0x3], $0x1000, $0x38;
	[tilespmem:$0x3400] =	vst v63  }
0x3d: {  	_ =	swait.ge [sflag:s10], $0x1000  }
0x3e: {  	[sflag:s10] =	ssyncset.done $0x0  }
0x3f: {  	s30 =	sadd.s32 $0x100, s19;
	[sflag:s10] =	ssyncadd.s32 $0xFFFFF000  }
0x40: {  	[tilespmem:s12], [sflag:$0x1] =	stream.indirect.gather [hbm4b:s2+s11], $0x20, s30, s11, $0xb8;
	[tilespmem:$0x3400] =	vst v63  }
0x41: {  	_ =	swait.ge [sflag:s15], $0x1000  }
0x42: {  	[sflag:s15] =	ssyncset.done $0x0  }
0x43: {  	s31 =	sadd.s32 s18, s9;
	[sflag:s15] =	ssyncadd.s32 $0xFFFFF000  }
0x44: {  	[hbm4b:s31+s3] =	stream.linear.scatter [tilespmem:s13], [sflag:$0x3], $0x1000, $0x38;
	[tilespmem:$0x3400] =	vst v63  }
0x45: {  	_ =	swait.ge [sflag:s10], $0x1000  }
0x46: {  	[sflag:s10] =	ssyncset.done $0x0  }
0x47: {  	[sflag:s10] =	ssyncadd.s32 $0xFFFFF000  }
0x48: {  	[tilespmem:s13], [sflag:$0x2] =	stream.indirect.gather [hbm4b:s2+s11], $0x20, s16, s11, $0xb8;
	[tilespmem:$0x3400] =	vst v63  }
0x49: {  	_ =	swait.ge [sflag:s14], $0x1000  }
0x4a: {  	[sflag:s14] =	ssyncset.done $0x0  }
0x4b: {  	[sflag:s14] =	ssyncadd.s32 $0xFFFFF000  }
0x4c: {  	[hbm4b:s6+s3] =	stream.linear.scatter [tilespmem:s12], [sflag:$0x3], $0x1000, $0x38;
	[tilespmem:$0x3400] =	vst v63  }
0x4d: {  	_ =	swait.ge [sflag:s10], $0x1000  }
0x4e: {  	[sflag:s10] =	ssyncset.done $0x0  }
0x4f: {  	[sflag:s10] =	ssyncadd.s32 $0xFFFFF000  }
0x50: {  	s17 =	sadd.s32 $0x1, s17;
	_ =	swait.ge [sflag:s15], $0x1000  }
0x51: {  	p0 =	sne.s32 s17, s5;
	[sflag:s15] =	ssyncset.done $0x0  }
.Ltmp1:
0x52: {  	[sflag:s15] =	ssyncadd.s32 $0xFFFFF000;
	(pc) =	sbr.rel @p0 .LBB2_1-.Ltmp1, $4  }
0x53: {  	[hbm4b:s7+s3] =	stream.linear.scatter [tilespmem:s13], [sflag:$0x3], $0x1000, $0x38;
	[tilespmem:$0x3400] =	vst v63  }
0x54: {  	_ =	swait.ge [sflag:s10], $0x1000  }
0x55: {  	[sflag:s10] =	ssyncset.done $0x0  }
0x56: {  	[sflag:s10] =	ssyncadd.s32 $0xFFFFF000  }
0x57: {  	_ =	sfence.sel $0x180000  }
0x58: {  	[bflag:$0x0] =	sbarrier.arrive $0xFFFF  }
0x59: {  	p0 =	sne.s32 s0, $0x0;
	_ =	strace $0x90000047  }
0x5a: {  	s0 =	sadd.s32 @!p0 $0x100000, s1;
	[bflag:$0x2] =	sbarrier.arrive $0xFFFF  }
0x5b: {  	[sflag:s0] =	ssyncadd.tile.s32 @!p0 $0x1;
	_ =	shalt  }
.Lfunc_end2:
_tile_overlayer_lowered:
.L_overlay_start_2:
0x5c: {  	(tag) =	ssettag $0x2  }
0x5d: {  	s0 =	rddreg [dreg:$0x0];
	s2 =	stileid.u32  }
0x5e: {  	s1 =	rddreg [dreg:$0x1];
	p0 =	sne.s32 s2, $0x0  }
0x5f: {  	s3 =	rddreg [dreg:$0x2];
	[bflag:$0x3] =	sbarrier.arrive $0xFFFF;
	s2 =	simm.s32 @!p0 $0x1C03  }
0x60: {  	[timem:s3], [sflag:s2] =	dma.local @!p0 [hbm:s0], s1  }
0x61: {  	s0 =	simm.s32 @!p0 $0x3  }
0x62: {  	_ =	swait.ge @!p0 [sflag:s0], s1  }
0x63: {  	s1 =	ssub.s32 @!p0 $0x0, s1;
	[sflag:s0] =	ssyncset.done @!p0 $0x0  }
0x64: {  	[sflag:s0] =	ssyncadd.s32 @!p0 s1  }
0x65: {  	[bflag:$0x3] =	sbarrier.arrive $0xFFFF  }
0x66: {  	_ =	shalt  }

// kernel: kernel.35.cloned.1.call-start
scs
__scs_entry_jumppad:
0x0: {  	(pc) =	sbr.rel $0x88, $3  }
0x1: {  	(tag) =	ssettag $0x0;
	lr =	simm.s32 $0x1  }
0x2: {  	[smem:$0x3F92] =	sst lr;
	_ =	strace $0xD0000000  }
0x3: {  	_ = 	snop  }
0x4: {  	_ = 	snop  }
0x5: {  	_ = 	snop  }
0x6: {  	_ = 	snop  }
0x7: {  	_ = 	snop  }
__scs_overlays_trampoline_lowered:
0x8: {  	[smem:$0x3FA1] =	sst s0  }
0x9: {  	[smem:$0x3FA2] =	sst s1  }
0xa: {  	[smem:$0x3FA3] =	sst s2  }
0xb: {  	[smem:$0x3FA4] =	sst s3  }
0xc: {  	[smem:$0x3FA5] =	sst s4  }
0xd: {  	[smem:$0x3FA6] =	sst s5  }
0xe: {  	[smem:$0x3FA7] =	sst s6  }
0xf: {  	[smem:$0x3FA8] =	sst s7  }
0x10: {  	[smem:$0x3FA9] =	sst s8  }
0x11: {  	[smem:$0x3FAA] =	sst s9;
	s0 =	simm.s32 @!p0 $0x0  }
0x12: {  	s1 =	sld [smem:$0x3F90];
	s0 =	simm.s32 @p0 $0x1  }
0x13: {  	[smem:$0x3FAB] =	sst s0;
	s0 =	simm.s32 @!p1 $0x0  }
0x14: {  	s2 =	sld [smem:$0x3F8F];
	s0 =	simm.s32 @p1 $0x1  }
0x15: {  	[smem:$0x3FAC] =	sst s0;
	s0 =	simm.s32 @!p2 $0x0  }
0x16: {  	s3 =	sld [smem:$0x3FDB];
	s0 =	simm.s32 @p2 $0x1  }
0x17: {  	s4 =	simm.s32 $0x1BF5;
	[smem:$0x3FAE] =	sst s0  }
0x18: {  	s0 =	sld [smem:$0x3F91];
	_ =	swait.ge [sflag:s4], $0x0  }
0x19: {  	s7 =	sld [smem:$0x3F92]  }
0x1a: {  	s8 =	sadd.s32 $0xFFFFE003, lr  }
0x1b: {  	s9 =	sadd.s32 $0xFFFFFEF7, lr;
	s5 =	simm.s32 $0xFFFFFFFF;
	p2 =	slt.u32 s8, $0xFFFFF086  }
0x1c: {  	p1 =	slt.u32 s9, $0xF7A;
	s5 =	simm.s32 @!p2 $0x0  }
0x1d: {  	s5 =	simm.s32 @p1 $0x1;
	p0 =	seq.s32 s7, s2  }
0x1e: {  	s7 =	smul.u32 @!p0 $0xF7A, s2;
	p2 =	seq.s32 @!p0 s5, $0x0  }
0x1f: {  	s9 =	smul.u32 $0xF7A, s1;
	s8 =	simm.s32 @!p0 $0x1BF5;
	p2 =	por !p2, p0  }
0x20: {  	[sflag:s8] =	ssyncset.s32 @!p0 $0xFFFFF086;
	s6 =	sadd.s32 @!p0 s3, s7;
	s7 =	simm.s32 @!p0 $0x108  }
0x21: {  	s3 =	sadd.s32 s3, s9;
	s6 =	sadd.s32 @!p0 $0x88, s6;
	s7 =	simm.s32 @p2 $0x1082  }
0x22: {  	[simem:s7], [sflag:s8] =	dma.local @!p0 [hbm:s6], $0xF7A  }
0x23: {  	s9 =	sor.u32 $0xD0000000, s2;
	s6 =	simm.s32 $0x108;
	_ =	swait.ge @!p0 [sflag:s8], $0x0  }
0x24: {  	s3 =	sadd.s32 $0x88, s3;
	s6 =	simm.s32 @!p1 $0x1082;
	[sflag:s4] =	ssyncset.s32 $0xFFFFF086  }
0x25: {  	[simem:s6], [sflag:s4] =	dma.local [hbm:s3], $0xF7A  }
0x26: {  	[smem:$0x3F92] =	sst s1;
	(tag) =	ssettag s2;
	_ =	strace s9  }
0x27: {  	s1 =	sld [smem:$0x3FA2]  }
0x28: {  	s2 =	sld [smem:$0x3FA3]  }
0x29: {  	s4 =	sld [smem:$0x3FA5]  }
0x2a: {  	p0 =	seq.s32 s5, $0x0;
	s5 =	sld [smem:$0x3FA6]  }
0x2b: {  	s6 =	sld [smem:$0x3FA7]  }
0x2c: {  	s7 =	sld [smem:$0x3FA8]  }
0x2d: {  	s3 =	simm.s32 $0x108;
	s8 =	sld [smem:$0x3FA9]  }
0x2e: {  	s3 =	simm.s32 @!p0 $0x1082;
	s9 =	sld [smem:$0x3FAA]  }
0x2f: {  	lr =	sadd.s32 s0, s3;
	s0 =	sld [smem:$0x3FA1]  }
0x30: {  	s3 =	sld [smem:$0x3FA4]  }
0x31: {  	[smem:$0x3FAD] =	sst s10  }
0x32: {  	s10 =	sld [smem:$0x3FAB];
	_ =	sdelay $0x3  }
0x33: {  	p0 =	seq.s32 s10, $0x1;
	s10 =	sld [smem:$0x3FAD];
	_ =	sdelay $0x3  }
0x34: {  	[smem:$0x3FAD] =	sst s10  }
0x35: {  	s10 =	sld [smem:$0x3FAC];
	_ =	sdelay $0x3  }
0x36: {  	p1 =	seq.s32 s10, $0x1;
	s10 =	sld [smem:$0x3FAD];
	_ =	sdelay $0x3  }
0x37: {  	[smem:$0x3FAD] =	sst s10  }
0x38: {  	s10 =	sld [smem:$0x3FAE]  }
0x39: {  	_ = 	snop;
	(pc) =	sbr.ind lr, $3  }
0x3a: {  	_ = 	snop  }
0x3b: {  	_ = 	snop  }
0x3c: {  	p2 =	seq.s32 s10, $0x1;
	s10 =	sld [smem:$0x3FAD]  }
0x3d: {  	_ =	shalt  }
0x3e: {  	_ =	shalt  }
0x3f: {  	_ =	shalt  }
0x40: {  	_ =	shalt  }
0x41: {  	_ =	shalt  }
0x42: {  	_ =	shalt  }
0x43: {  	_ =	shalt  }
0x44: {  	_ =	shalt  }
0x45: {  	_ =	shalt  }
0x46: {  	_ =	shalt  }
0x47: {  	_ =	shalt  }
0x48: {  	_ =	shalt  }
0x49: {  	_ =	shalt  }
0x4a: {  	_ =	shalt  }
0x4b: {  	_ =	shalt  }
0x4c: {  	_ =	shalt  }
0x4d: {  	_ =	shalt  }
0x4e: {  	_ =	shalt  }
0x4f: {  	_ =	shalt  }
0x50: {  	_ =	shalt  }
0x51: {  	_ =	shalt  }
0x52: {  	_ =	shalt  }
0x53: {  	_ =	shalt  }
0x54: {  	_ =	shalt  }
0x55: {  	_ =	shalt  }
0x56: {  	_ =	shalt  }
0x57: {  	_ =	shalt  }
0x58: {  	_ =	shalt  }
0x59: {  	_ =	shalt  }
0x5a: {  	_ =	shalt  }
0x5b: {  	_ =	shalt  }
0x5c: {  	_ =	shalt  }
0x5d: {  	_ =	shalt  }
0x5e: {  	_ =	shalt  }
0x5f: {  	_ =	shalt  }
0x60: {  	_ =	shalt  }
0x61: {  	_ =	shalt  }
0x62: {  	_ =	shalt  }
0x63: {  	_ =	shalt  }
0x64: {  	_ =	shalt  }
0x65: {  	_ =	shalt  }
0x66: {  	_ =	shalt  }
0x67: {  	_ =	shalt  }
0x68: {  	_ =	shalt  }
0x69: {  	_ =	shalt  }
0x6a: {  	_ =	shalt  }
0x6b: {  	_ =	shalt  }
0x6c: {  	_ =	shalt  }
0x6d: {  	_ =	shalt  }
0x6e: {  	_ =	shalt  }
0x6f: {  	_ =	shalt  }
0x70: {  	_ =	shalt  }
0x71: {  	_ =	shalt  }
0x72: {  	_ =	shalt  }
0x73: {  	_ =	shalt  }
0x74: {  	_ =	shalt  }
0x75: {  	_ =	shalt  }
0x76: {  	_ =	shalt  }
0x77: {  	_ =	shalt  }
0x78: {  	_ =	shalt  }
0x79: {  	_ =	shalt  }
0x7a: {  	_ =	shalt  }
0x7b: {  	_ =	shalt  }
0x7c: {  	_ =	shalt  }
0x7d: {  	_ =	shalt  }
0x7e: {  	_ =	shalt  }
0x7f: {  	_ =	shalt  }
0x80: {  	_ =	shalt  }
0x81: {  	_ =	shalt  }
0x82: {  	_ =	shalt  }
0x83: {  	_ =	shalt  }
0x84: {  	_ =	shalt  }
0x85: {  	_ =	shalt  }
0x86: {  	_ =	shalt  }
0x87: {  	_ =	shalt  }
.Lfunc_end0:
.L_simem_size_0:
called_computation.2_lowered:
.L_overlay_start_0:
0x88: {  	s2 =	sld [smem:$0x3FD9]  }
0x89: {  	s3 =	sld [smem:$0x3FFE];
	_ =	sdelay $0x1  }
0x8a: {  	s1 =	srdreg.scid  }
0x8b: {  	s0 =	sand.u32 $0x1, s1  }
0x8c: {  	s17 =	sshll.u32 s0, $0xA;
	s2 =	sadd.s32 s3, s2  }
0x8d: {  	s2 =	sadd.s32 s2, s17  }
0x8e: {  	[smem:$0x3FB9] =	sst s2  }
0x8f: {  	_ = 	snop  }
0x90: {  	(tm) =	ssettm $0x1  }
0x91: {  	s18 =	sld [smem:$0x3FFB];
	_ =	sdelay $0x3  }
0x92: {  	_ =	strace s18  }
0x93: {  	s2 =	sld [smem:$0x3FFC];
	_ =	sdelay $0x3  }
0x94: {  	_ =	strace s2  }
0x95: {  	s2 =	sld [smem:$0x3FFD];
	_ =	sdelay $0x3  }
0x96: {  	_ =	strace s2  }
0x97: {  	_ =	strace $0x8FFFFFFF  }
0x98: {  	s19 =	sld [smem:$0x3FDB];
	_ =	sdelay $0x1  }
0x99: {  	s20 =	simm.s32 $_scs_section_size  }
0x9a: {  	s4 =	simm.s32 $_size__tile_overlayer_lowered;
	s5 =	simm.s32 $_tile_overlayer_lowered  }
0x9b: {  	s6 =	simm.s32 $0x1BFF;
	s21 =	sshll.u32 s5, $0x1;
	s3 =	sadd.s32 s20, s19  }
0x9c: {  	s22 =	simm.s32 $0x0;
	s4 =	sshll.u32 s4, $0x1;
	s5 =	sadd.s32 s21, s3  }
0x9d: {  	[timem:s22], [sflag:s6] =	dma.local [hbm:s5], s4  }
0x9e: {  	_ =	swait.ge [sflag:s6], s4  }
0x9f: {  	s4 =	ssub.s32 $0x0, s4;
	[sflag:s6] =	ssyncset.done $0x0  }
0xa0: {  	[sflag:s6] =	ssyncadd.s32 s4;
	_ =	sdelay $0x1  }
0xa1: {  	s23 =	simm.s32 $0x1B8B  }
0xa2: {  	_ =	swait.ge [sflag:s23], $0x1  }
0xa3: {  	[sflag:s23] =	ssyncset.done $0x0  }
0xa4: {  	[sflag:s23] =	ssyncadd.s32 $0xFFFFFFFF  }
0xa5: {  	s4 =	sld [smem:$0x0]  }
0xa6: {  	s5 =	sand.u32 $0xFFFFFFFE, s1  }
0xa7: {  	p0 =	sne.s32 s1, s5  }
0xa8: {  	s5 =	sshll.u32 @p0 s5, $0xE  }
0xa9: {  	s5 =	sadd.s32 @p0 $0x11B8D, s5;
	s6 =	sshll.u32 @p0 s4, $0x11  }
0xaa: {  	s5 =	sor.u32 @p0 s6, s5  }
0xab: {  	[sflag:s5] =	ssyncadd.remote.s32 @p0 $0x1;
	_ =	sdelay $0x1  }
0xac: {  	s5 =	simm.s32 @p0 $0x1B8D  }
0xad: {  	_ =	swait.eq @p0 [sflag:s5], $0x1  }
0xae: {  	[sflag:s5] =	ssyncadd.s32 @p0 $0xFFFFFFFF  }
0xaf: {  	s6 =	sshll.u32 @!p0 s1, $0xE  }
0xb0: {  	s6 =	sor.u32 @!p0 $0x4000, s6;
	s5 =	simm.s32 @!p0 $0x1B8D  }
0xb1: {  	s4 =	sshll.u32 @!p0 s4, $0x11;
	s6 =	sadd.s32 @!p0 $0x11B8D, s6;
	_ =	swait.eq @!p0 [sflag:s5], $0x1  }
0xb2: {  	s4 =	sor.u32 @!p0 s4, s6;
	[sflag:s5] =	ssyncadd.s32 @!p0 $0xFFFFFFFF  }
0xb3: {  	s25 =	simm.s32 $0x1B8E;
	s24 =	sld [smem:$0x3FFE];
	[sflag:s4] =	ssyncadd.remote.s32 @!p0 $0x1  }
0xb4: {  	s26 =	simm.s32 $execute0_lowered;
	[smem:$0x3FD2] =	sst s25  }
0xb5: {  	s5 =	sshll.u32 s26, $0x1;
	_ =	strace $0x8000004C;
	[dreg:$0x1] =	wrdreg $0xFFFFFFFF  }
0xb6: {  	s28 =	simm.s32 $_size_execute0_lowered;
	s3 =	sadd.s32 s3, s5;
	[dreg:$0x0] =	wrdreg $0x0  }
0xb7: {  	s5 =	sshll.u32 s28, $0x1;
	[dreg:$0x2] =	wrdreg s3  }
0xb8: {  	[dreg:$0x3] =	wrdreg s5  }
0xb9: {  	[dreg:$0x4] =	wrdreg $0xC0  }
0xba: {  	_ =	task [dreg:s22], $0x5FFFF  }
0xbb: {  	[dreg:$0x1] =	wrdreg $0xFFFFFFFF  }
0xbc: {  	[dreg:$0x0] =	wrdreg $0x60  }
0xbd: {  	[dreg:$0x2] =	wrdreg s24  }
0xbe: {  	[dreg:$0x3] =	wrdreg $0x84000  }
0xbf: {  	[dreg:$0x4] =	wrdreg $0xA  }
0xc0: {  	_ =	task.clear_ibuf [dreg:s22], $0x5FFFF;
	_ =	strace $0x9000004C  }
0xc1: {  	s29 =	simm.s32 $0xA;
	_ =	strace $0x8000004E  }
0xc2: {  	_ =	swait.ge [sflag:s29], $0x1  }
0xc3: {  	[sflag:s29] =	ssyncadd.s32 $0xFFFFFFFF  }
0xc4: {  	_ =	strace $0x9000004E  }
0xc5: {  	_ =	sfence  }
0xc6: {  	s30 =	sld [smem:$0x0];
	_ =	sdelay $0x2  }
0xc7: {  	s31 =	sshll.u32 s1, $0xD;
	s1 =	sshrl.u32 s1, $0x2  }
0xc8: {  	s4 =	sand.u32 $0x4000, s31;
	s1 =	sadd.s32 s1, s30  }
0xc9: {  	s0 =	sor.u32 s4, s0;
	s1 =	sshll.u32 s1, $0x11  }
0xca: {  	s0 =	sor.u32 s1, s0  }
0xcb: {  	s0 =	sadd.s32 $0x8F2B, s0  }
0xcc: {  	[sflag:s0] =	ssyncadd.remote.s32 $0x1  }
0xcd: {  	_ =	sfence.sel $0xFFFF  }
0xce: {  	[dreg:$0x0] =	wrdreg $0xFFFFFFFF;
	(pc) =	sbr.abs _section_cstart, $3  }
0xcf: {  	[dreg:$0x1] =	wrdreg $0xFFFFFFFF  }
0xd0: {  	_ =	task.clear_ibuf [dreg:s22], $0x2FFFF;
	_ =	strace $0x9FFFFFFF  }
0xd1: {  	(tm) =	ssettm $0x7FFFFFFF  }
tec
execute0_lowered:
.L_overlay_start_1:
0x0: {  	(tag) =	ssettag $0x1  }
0x1: {  	s1 =	srdreg.scid  }
0x2: {  	s0 =	stileid.u32;
	s4 =	rddreg [dreg:$0x0]  }
0x3: {  	s2 =	rddreg [dreg:$0x1];
	s3 =	simm.s32 $0x0;
	s8 =	smul.u32 $0x5000, s0  }
0x4: {  	s17 =	simm.s32 $0x1;
	s18 =	simm.s32 $0x80;
	s12 =	smul.u32 $0x50000, s0  }
0x5: {  	s19 =	simm.s32 $0x2;
	s6 =	sand.u32 $0x1, s1;
	s16 =	smul.u32 $0x2800, s0  }
0x6: {  	s20 =	sshll.u32 s0, $0x1;
	s1 =	rddreg [dreg:$0x2];
	s9 =	smul.u32 $0xA000, s6  }
0x7: {  	[smem:$0x7FF] =	sst s3;
	s11 =	sadd.s32 $0x3BC00, s4;
	s15 =	smul.u32 $0x28000, s6  }
0x8: {  	s31 =	sshll.u32 s0, $0x6;
	s5 =	sor.u32 s6, s20;
	s22 =	smul.u32 $0x1400, s6  }
0x9: {  	_ =	strace $0x8000004D;
	s21 =	ssub.s32 $0x2, s6;
	s7 =	smul.u32 $0x1400, s5  }
0xa: {  	s20 =	simm.s32 $0x1300;
	s10 =	smul.u32 $0x5000, s5;
	s23 =	sshrl.u32 s8, $0x3  }
0xb: {  	s14 =	sshrl.u32 s21, $0x1;
	s5 =	sadd.s32 s8, s2;
	s13 =	sadd.s32 s23, s4  }
0xc: {  	s9 =	sadd.s32 s9, s4;
	s14 =	ssub.s32 s21, s14;
	s25 =	sadd.s32 s15, s12  }
0xd: {  	s28 =	sadd.s32 s22, s16;
	s12 =	simm.s32 $0x3;
	s15 =	simm.s32 $0x1400  }
0xe: {  	s16 =	simm.s32 $0x2400;
	s21 =	simm.s32 $0x1380;
	s22 =	simm.s32 $0x3400  }
0xf: {  	s7 =	sshrl.u32 s7, $0x3;
	s6 =	sadd.s32 $0xE0C00, s13;
	s24 =	sadd.s32 $0x2DEC00, s9  }
0x10: {  	s26 =	sor.u32 $0x2000, s25;
	s8 =	smax.u32 s14, $0x1;
	s30 =	sshll.u32 s28, $0x2  }
0x11: {  	s13 =	sor.u32 $0x1C03, s31;
	s14 =	sshrl.u32 s5, $0x3;
	s7 =	sadd.s32 s7, s4  }
0x12: {  	s29 =	sshrl.u32 s26, $0x3;
	s23 =	sadd.s32 s23, s24;
	s4 =	sadd.s32 $0xDBC00, s7  }
0x13: {  	s7 =	sadd.s32 s11, s10;
	s10 =	sadd.s32 s29, s11;
	s11 =	sadd.s32 s30, s11  }
0x14: {  	s24 =	simm.s32 $0x0;
	s9 =	sadd.s32 $0x4E00, s7;
	s11 =	sadd.s32 $0x200, s11  }
.LBB2_1:
0x15: {  	[tilespmem:s3], [sflag:$0x3] =	stream.linear.gather [hbm4b:s4+s3], $0x1400, $0x38;
	[tilespmem:$0xD400] =	vst v63  }
0x16: {  	_ =	swait.ge [sflag:s12], $0x1400  }
0x17: {  	[sflag:s12] =	ssyncset.done $0x0  }
0x18: {  	[sflag:s12] =	ssyncadd.s32 $0xFFFFEC00  }
0x19: {  	[spmem:s14], [sflag:s13] =	dma.local [hbm:s6], $0xA00  }
0x1a: {  	_ =	swait.ge [sflag:s12], $0xA00  }
0x1b: {  	[sflag:s12] =	ssyncset.done $0x0  }
0x1c: {  	[sflag:s12] =	ssyncadd.s32 $0xFFFFF600  }
0x1d: {  	[bflag:$0x0] =	sbarrier.arrive $0xFFFF  }
0x1e: {  	[tilespmem:s15], [sflag:$0x1] =	stream.linear.gather [hbm4b:s7+s3], $0x1000, $0x38;
	[tilespmem:$0xD400] =	vst v63  }
0x1f: {  	s25 =	sadd.s32 $0x0, s11  }
0x20: {  	[tilespmem:s16], [sflag:$0x2] =	stream.linear.gather [hbm4b:s25+s3], $0x1000, $0x38;
	[tilespmem:$0xD400] =	vst v63  }
0x21: {  	_ =	swait.ge [sflag:s17], $0x1000  }
0x22: {  	[sflag:s17] =	ssyncset.done $0x0  }
0x23: {  	s29 =	simm.s32 $0x0;
	[sflag:s17] =	ssyncadd.s32 $0xFFFFF000  }
0x24: {  	[spmem:s2] =	stream.indirect.scatter.add.f32 [tilespmem:s15], [sflag:$0x3], $0x20, s29, s18, $0xb8;
	[tilespmem:$0xD400] =	vst v63  }
0x25: {  	_ =	swait.ge [sflag:s12], $0x1000  }
0x26: {  	[sflag:s12] =	ssyncset.done $0x0  }
0x27: {  	s30 =	sadd.s32 $0x0, s10;
	[sflag:s12] =	ssyncadd.s32 $0xFFFFF000  }
0x28: {  	[tilespmem:s15], [sflag:$0x1] =	stream.linear.gather [hbm4b:s30+s3], $0x1000, $0x38;
	[tilespmem:$0xD400] =	vst v63  }
0x29: {  	_ =	swait.ge [sflag:s19], $0x1000  }
0x2a: {  	[sflag:s19] =	ssyncset.done $0x0  }
0x2b: {  	s31 =	simm.s32 $0x80;
	[sflag:s19] =	ssyncadd.s32 $0xFFFFF000  }
0x2c: {  	[spmem:s2] =	stream.indirect.scatter.add.f32 [tilespmem:s16], [sflag:$0x3], $0x20, s31, s18, $0xb8;
	[tilespmem:$0xD400] =	vst v63  }
0x2d: {  	_ =	swait.ge [sflag:s12], $0x1000  }
0x2e: {  	s26 =	simm.s32 $0x800;
	s25 =	simm.s32 $0x400;
	[sflag:s12] =	ssyncset.done $0x0  }
.LBB2_2:
0x2f: {  	s28 =	sadd.s32 s25, s11  }
0x30: {  	[sflag:s12] =	ssyncadd.s32 $0xFFFFF000;
	s29 =	smov.u32 s26;
	s30 =	sadd.s32 $0x400, s26  }
0x31: {  	[tilespmem:s16], [sflag:$0x2] =	stream.linear.gather [hbm4b:s28+s3], $0x1000, $0x38;
	[tilespmem:$0xD400] =	vst v63  }
0x32: {  	p0 =	sne.s32 s26, $0x4800;
	_ =	swait.ge [sflag:s17], $0x1000  }
0x33: {  	[sflag:s17] =	ssyncset.done $0x0  }
0x34: {  	s26 =	sshra.s32 s25, $0x2;
	[sflag:s17] =	ssyncadd.s32 $0xFFFFF000  }
0x35: {  	[spmem:s2] =	stream.indirect.scatter.add.f32 [tilespmem:s15], [sflag:$0x3], $0x20, s26, s18, $0xb8;
	[tilespmem:$0xD400] =	vst v63  }
0x36: {  	_ =	swait.ge [sflag:s12], $0x1000  }
0x37: {  	[sflag:s12] =	ssyncset.done $0x0  }
0x38: {  	s28 =	sadd.s32 s25, s10;
	s25 =	smov.u32 s29;
	[sflag:s12] =	ssyncadd.s32 $0xFFFFF000  }
0x39: {  	[tilespmem:s15], [sflag:$0x1] =	stream.linear.gather [hbm4b:s28+s3], $0x1000, $0x38;
	[tilespmem:$0xD400] =	vst v63  }
0x3a: {  	_ =	swait.ge [sflag:s19], $0x1000  }
.Ltmp0:
0x3b: {  	[sflag:s19] =	ssyncset.done $0x0;
	(pc) =	sbr.rel @p0 .LBB2_2-.Ltmp0, $4  }
0x3c: {  	s26 =	sadd.s32 $0x80, s26;
	[sflag:s19] =	ssyncadd.s32 $0xFFFFF000  }
0x3d: {  	[spmem:s2] =	stream.indirect.scatter.add.f32 [tilespmem:s16], [sflag:$0x3], $0x20, s26, s18, $0xb8;
	[tilespmem:$0xD400] =	vst v63  }
0x3e: {  	_ =	swait.ge [sflag:s12], $0x1000  }
0x3f: {  	s26 =	smov.u32 s30;
	[sflag:s12] =	ssyncset.done $0x0  }
0x40: {  	s26 =	sadd.s32 s25, s11;
	[sflag:s12] =	ssyncadd.s32 $0xFFFFF000  }
0x41: {  	[tilespmem:s16], [sflag:$0x2] =	stream.linear.gather [hbm4b:s26+s3], $0x1000, $0x38;
	[tilespmem:$0xD400] =	vst v63  }
0x42: {  	_ =	swait.ge [sflag:s17], $0x1000  }
0x43: {  	[sflag:s17] =	ssyncset.done $0x0  }
0x44: {  	s29 =	sshra.s32 s25, $0x2;
	[sflag:s17] =	ssyncadd.s32 $0xFFFFF000  }
0x45: {  	[spmem:s2] =	stream.indirect.scatter.add.f32 [tilespmem:s15], [sflag:$0x3], $0x20, s29, s18, $0xb8;
	[tilespmem:$0xD400] =	vst v63  }
0x46: {  	_ =	swait.ge [sflag:s12], $0x1000  }
0x47: {  	[sflag:s12] =	ssyncset.done $0x0  }
0x48: {  	s30 =	sadd.s32 s25, s10;
	[sflag:s12] =	ssyncadd.s32 $0xFFFFF000  }
0x49: {  	[tilespmem:s15], [sflag:$0x1] =	stream.linear.gather [hbm4b:s30+s3], $0x1000, $0x38;
	[tilespmem:$0xD400] =	vst v63  }
0x4a: {  	_ =	swait.ge [sflag:s19], $0x1000  }
0x4b: {  	[sflag:s19] =	ssyncset.done $0x0  }
0x4c: {  	s31 =	sadd.s32 $0x80, s29;
	[sflag:s19] =	ssyncadd.s32 $0xFFFFF000  }
0x4d: {  	[spmem:s2] =	stream.indirect.scatter.add.f32 [tilespmem:s16], [sflag:$0x3], $0x20, s31, s18, $0xb8;
	[tilespmem:$0xD400] =	vst v63  }
0x4e: {  	_ =	swait.ge [sflag:s12], $0x1000  }
0x4f: {  	[sflag:s12] =	ssyncset.done $0x0  }
0x50: {  	[sflag:s12] =	ssyncadd.s32 $0xFFFFF000  }
0x51: {  	[tilespmem:s16], [sflag:$0x2] =	stream.linear.gather [hbm4b:s9+s3], $0x1000, $0x38;
	[tilespmem:$0xD400] =	vst v63  }
0x52: {  	_ =	swait.ge [sflag:s17], $0x1000  }
0x53: {  	[sflag:s17] =	ssyncset.done $0x0  }
0x54: {  	[sflag:s17] =	ssyncadd.s32 $0xFFFFF000  }
0x55: {  	[spmem:s2] =	stream.indirect.scatter.add.f32 [tilespmem:s15], [sflag:$0x3], $0x20, s20, s18, $0xb8;
	[tilespmem:$0xD400] =	vst v63  }
0x56: {  	_ =	swait.ge [sflag:s12], $0x1000  }
0x57: {  	[sflag:s12] =	ssyncset.done $0x0  }
0x58: {  	[sflag:s12] =	ssyncadd.s32 $0xFFFFF000  }
0x59: {  	_ =	swait.ge [sflag:s19], $0x1000  }
0x5a: {  	[sflag:s19] =	ssyncset.done $0x0  }
0x5b: {  	[sflag:s19] =	ssyncadd.s32 $0xFFFFF000  }
0x5c: {  	[spmem:s2] =	stream.indirect.scatter.add.f32 [tilespmem:s16], [sflag:$0x3], $0x20, s21, s18, $0xb8;
	[tilespmem:$0xD400] =	vst v63  }
0x5d: {  	_ =	swait.ge [sflag:s12], $0x1000  }
0x5e: {  	[sflag:s12] =	ssyncset.done $0x0  }
0x5f: {  	[sflag:s12] =	ssyncadd.s32 $0xFFFFF000  }
0x60: {  	[bflag:$0x0] =	sbarrier.arrive $0xFFFF  }
0x61: {  	[tilespmem:s22], [sflag:$0x3] =	stream.linear.gather [spmem:s5], $0x5000, $0x38;
	[tilespmem:$0xD400] =	vst v63  }
0x62: {  	s24 =	sadd.s32 $0x1, s24;
	_ =	swait.ge [sflag:s12], $0x5000  }
0x63: {  	p0 =	sne.s32 s24, s8;
	[sflag:s12] =	ssyncset.done $0x0  }
.Ltmp1:
0x64: {  	[sflag:s12] =	ssyncadd.s32 $0xFFFFB000;
	(pc) =	sbr.rel @p0 .LBB2_1-.Ltmp1, $4  }
0x65: {  	[hbm4b:s23+s3] =	stream.linear.scatter [tilespmem:s22], [sflag:$0x3], $0x5000, $0x38;
	[tilespmem:$0xD400] =	vst v63  }
0x66: {  	_ =	swait.ge [sflag:s12], $0x5000  }
0x67: {  	[sflag:s12] =	ssyncset.done $0x0  }
0x68: {  	[sflag:s12] =	ssyncadd.s32 $0xFFFFB000  }
0x69: {  	_ =	sfence.sel $0x180000  }
0x6a: {  	[bflag:$0x0] =	sbarrier.arrive $0xFFFF  }
0x6b: {  	p0 =	sne.s32 s0, $0x0;
	_ =	strace $0x9000004D  }
0x6c: {  	s0 =	sadd.s32 @!p0 $0x100000, s1;
	[bflag:$0x2] =	sbarrier.arrive $0xFFFF  }
0x6d: {  	[sflag:s0] =	ssyncadd.tile.s32 @!p0 $0x1;
	_ =	shalt  }
.Lfunc_end2:
_tile_overlayer_lowered:
.L_overlay_start_2:
0x6e: {  	(tag) =	ssettag $0x2  }
0x6f: {  	s0 =	rddreg [dreg:$0x0];
	s2 =	stileid.u32  }
0x70: {  	s1 =	rddreg [dreg:$0x1];
	p0 =	sne.s32 s2, $0x0  }
0x71: {  	s3 =	rddreg [dreg:$0x2];
	[bflag:$0x3] =	sbarrier.arrive $0xFFFF;
	s2 =	simm.s32 @!p0 $0x1C03  }
0x72: {  	[timem:s3], [sflag:s2] =	dma.local @!p0 [hbm:s0], s1  }
0x73: {  	s0 =	simm.s32 @!p0 $0x3  }
0x74: {  	_ =	swait.ge @!p0 [sflag:s0], s1  }
0x75: {  	s1 =	ssub.s32 @!p0 $0x0, s1;
	[sflag:s0] =	ssyncset.done @!p0 $0x0  }
0x76: {  	[sflag:s0] =	ssyncadd.s32 @!p0 s1  }
0x77: {  	[bflag:$0x3] =	sbarrier.arrive $0xFFFF  }
0x78: {  	_ =	shalt  }

// kernel: kernel.38.cloned.1.call-start
scs
__scs_entry_jumppad:
0x0: {  	(pc) =	sbr.rel $0x88, $3  }
0x1: {  	(tag) =	ssettag $0x0;
	lr =	simm.s32 $0x1  }
0x2: {  	[smem:$0x3F92] =	sst lr;
	_ =	strace $0xD0000000  }
0x3: {  	_ = 	snop  }
0x4: {  	_ = 	snop  }
0x5: {  	_ = 	snop  }
0x6: {  	_ = 	snop  }
0x7: {  	_ = 	snop  }
__scs_overlays_trampoline_lowered:
0x8: {  	[smem:$0x3FA1] =	sst s0  }
0x9: {  	[smem:$0x3FA2] =	sst s1  }
0xa: {  	[smem:$0x3FA3] =	sst s2  }
0xb: {  	[smem:$0x3FA4] =	sst s3  }
0xc: {  	[smem:$0x3FA5] =	sst s4  }
0xd: {  	[smem:$0x3FA6] =	sst s5  }
0xe: {  	[smem:$0x3FA7] =	sst s6  }
0xf: {  	[smem:$0x3FA8] =	sst s7  }
0x10: {  	[smem:$0x3FA9] =	sst s8  }
0x11: {  	[smem:$0x3FAA] =	sst s9;
	s0 =	simm.s32 @!p0 $0x0  }
0x12: {  	s1 =	sld [smem:$0x3F90];
	s0 =	simm.s32 @p0 $0x1  }
0x13: {  	[smem:$0x3FAB] =	sst s0;
	s0 =	simm.s32 @!p1 $0x0  }
0x14: {  	s2 =	sld [smem:$0x3F8F];
	s0 =	simm.s32 @p1 $0x1  }
0x15: {  	[smem:$0x3FAC] =	sst s0;
	s0 =	simm.s32 @!p2 $0x0  }
0x16: {  	s3 =	sld [smem:$0x3FDB];
	s0 =	simm.s32 @p2 $0x1  }
0x17: {  	s4 =	simm.s32 $0x1BF5;
	[smem:$0x3FAE] =	sst s0  }
0x18: {  	s0 =	sld [smem:$0x3F91];
	_ =	swait.ge [sflag:s4], $0x0  }
0x19: {  	s7 =	sld [smem:$0x3F92]  }
0x1a: {  	s8 =	sadd.s32 $0xFFFFE003, lr  }
0x1b: {  	s9 =	sadd.s32 $0xFFFFFEF7, lr;
	s5 =	simm.s32 $0xFFFFFFFF;
	p2 =	slt.u32 s8, $0xFFFFF086  }
0x1c: {  	p1 =	slt.u32 s9, $0xF7A;
	s5 =	simm.s32 @!p2 $0x0  }
0x1d: {  	s5 =	simm.s32 @p1 $0x1;
	p0 =	seq.s32 s7, s2  }
0x1e: {  	s7 =	smul.u32 @!p0 $0xF7A, s2;
	p2 =	seq.s32 @!p0 s5, $0x0  }
0x1f: {  	s9 =	smul.u32 $0xF7A, s1;
	s8 =	simm.s32 @!p0 $0x1BF5;
	p2 =	por !p2, p0  }
0x20: {  	[sflag:s8] =	ssyncset.s32 @!p0 $0xFFFFF086;
	s6 =	sadd.s32 @!p0 s3, s7;
	s7 =	simm.s32 @!p0 $0x108  }
0x21: {  	s3 =	sadd.s32 s3, s9;
	s6 =	sadd.s32 @!p0 $0x88, s6;
	s7 =	simm.s32 @p2 $0x1082  }
0x22: {  	[simem:s7], [sflag:s8] =	dma.local @!p0 [hbm:s6], $0xF7A  }
0x23: {  	s9 =	sor.u32 $0xD0000000, s2;
	s6 =	simm.s32 $0x108;
	_ =	swait.ge @!p0 [sflag:s8], $0x0  }
0x24: {  	s3 =	sadd.s32 $0x88, s3;
	s6 =	simm.s32 @!p1 $0x1082;
	[sflag:s4] =	ssyncset.s32 $0xFFFFF086  }
0x25: {  	[simem:s6], [sflag:s4] =	dma.local [hbm:s3], $0xF7A  }
0x26: {  	[smem:$0x3F92] =	sst s1;
	(tag) =	ssettag s2;
	_ =	strace s9  }
0x27: {  	s1 =	sld [smem:$0x3FA2]  }
0x28: {  	s2 =	sld [smem:$0x3FA3]  }
0x29: {  	s4 =	sld [smem:$0x3FA5]  }
0x2a: {  	p0 =	seq.s32 s5, $0x0;
	s5 =	sld [smem:$0x3FA6]  }
0x2b: {  	s6 =	sld [smem:$0x3FA7]  }
0x2c: {  	s7 =	sld [smem:$0x3FA8]  }
0x2d: {  	s3 =	simm.s32 $0x108;
	s8 =	sld [smem:$0x3FA9]  }
0x2e: {  	s3 =	simm.s32 @!p0 $0x1082;
	s9 =	sld [smem:$0x3FAA]  }
0x2f: {  	lr =	sadd.s32 s0, s3;
	s0 =	sld [smem:$0x3FA1]  }
0x30: {  	s3 =	sld [smem:$0x3FA4]  }
0x31: {  	[smem:$0x3FAD] =	sst s10  }
0x32: {  	s10 =	sld [smem:$0x3FAB];
	_ =	sdelay $0x3  }
0x33: {  	p0 =	seq.s32 s10, $0x1;
	s10 =	sld [smem:$0x3FAD];
	_ =	sdelay $0x3  }
0x34: {  	[smem:$0x3FAD] =	sst s10  }
0x35: {  	s10 =	sld [smem:$0x3FAC];
	_ =	sdelay $0x3  }
0x36: {  	p1 =	seq.s32 s10, $0x1;
	s10 =	sld [smem:$0x3FAD];
	_ =	sdelay $0x3  }
0x37: {  	[smem:$0x3FAD] =	sst s10  }
0x38: {  	s10 =	sld [smem:$0x3FAE]  }
0x39: {  	_ = 	snop;
	(pc) =	sbr.ind lr, $3  }
0x3a: {  	_ = 	snop  }
0x3b: {  	_ = 	snop  }
0x3c: {  	p2 =	seq.s32 s10, $0x1;
	s10 =	sld [smem:$0x3FAD]  }
0x3d: {  	_ =	shalt  }
0x3e: {  	_ =	shalt  }
0x3f: {  	_ =	shalt  }
0x40: {  	_ =	shalt  }
0x41: {  	_ =	shalt  }
0x42: {  	_ =	shalt  }
0x43: {  	_ =	shalt  }
0x44: {  	_ =	shalt  }
0x45: {  	_ =	shalt  }
0x46: {  	_ =	shalt  }
0x47: {  	_ =	shalt  }
0x48: {  	_ =	shalt  }
0x49: {  	_ =	shalt  }
0x4a: {  	_ =	shalt  }
0x4b: {  	_ =	shalt  }
0x4c: {  	_ =	shalt  }
0x4d: {  	_ =	shalt  }
0x4e: {  	_ =	shalt  }
0x4f: {  	_ =	shalt  }
0x50: {  	_ =	shalt  }
0x51: {  	_ =	shalt  }
0x52: {  	_ =	shalt  }
0x53: {  	_ =	shalt  }
0x54: {  	_ =	shalt  }
0x55: {  	_ =	shalt  }
0x56: {  	_ =	shalt  }
0x57: {  	_ =	shalt  }
0x58: {  	_ =	shalt  }
0x59: {  	_ =	shalt  }
0x5a: {  	_ =	shalt  }
0x5b: {  	_ =	shalt  }
0x5c: {  	_ =	shalt  }
0x5d: {  	_ =	shalt  }
0x5e: {  	_ =	shalt  }
0x5f: {  	_ =	shalt  }
0x60: {  	_ =	shalt  }
0x61: {  	_ =	shalt  }
0x62: {  	_ =	shalt  }
0x63: {  	_ =	shalt  }
0x64: {  	_ =	shalt  }
0x65: {  	_ =	shalt  }
0x66: {  	_ =	shalt  }
0x67: {  	_ =	shalt  }
0x68: {  	_ =	shalt  }
0x69: {  	_ =	shalt  }
0x6a: {  	_ =	shalt  }
0x6b: {  	_ =	shalt  }
0x6c: {  	_ =	shalt  }
0x6d: {  	_ =	shalt  }
0x6e: {  	_ =	shalt  }
0x6f: {  	_ =	shalt  }
0x70: {  	_ =	shalt  }
0x71: {  	_ =	shalt  }
0x72: {  	_ =	shalt  }
0x73: {  	_ =	shalt  }
0x74: {  	_ =	shalt  }
0x75: {  	_ =	shalt  }
0x76: {  	_ =	shalt  }
0x77: {  	_ =	shalt  }
0x78: {  	_ =	shalt  }
0x79: {  	_ =	shalt  }
0x7a: {  	_ =	shalt  }
0x7b: {  	_ =	shalt  }
0x7c: {  	_ =	shalt  }
0x7d: {  	_ =	shalt  }
0x7e: {  	_ =	shalt  }
0x7f: {  	_ =	shalt  }
0x80: {  	_ =	shalt  }
0x81: {  	_ =	shalt  }
0x82: {  	_ =	shalt  }
0x83: {  	_ =	shalt  }
0x84: {  	_ =	shalt  }
0x85: {  	_ =	shalt  }
0x86: {  	_ =	shalt  }
0x87: {  	_ =	shalt  }
.Lfunc_end0:
.L_simem_size_0:
called_computation.3_lowered:
.L_overlay_start_0:
0x88: {  	s2 =	sld [smem:$0x3FD9]  }
0x89: {  	s3 =	sld [smem:$0x3FFE];
	_ =	sdelay $0x1  }
0x8a: {  	s1 =	srdreg.scid  }
0x8b: {  	s0 =	sand.u32 $0x1, s1  }
0x8c: {  	s17 =	sshll.u32 s0, $0xA;
	s2 =	sadd.s32 s3, s2  }
0x8d: {  	s2 =	sadd.s32 s2, s17  }
0x8e: {  	[smem:$0x3FB9] =	sst s2  }
0x8f: {  	_ = 	snop  }
0x90: {  	s2 =	sld [smem:$0x3FD0];
	(tm) =	ssettm $0x1  }
0x91: {  	s18 =	sld [smem:$0x3FFB];
	_ =	sdelay $0x3  }
0x92: {  	_ =	strace s18  }
0x93: {  	s3 =	sld [smem:$0x3FFC];
	_ =	sdelay $0x3  }
0x94: {  	_ =	strace s3  }
0x95: {  	s3 =	sld [smem:$0x3FFD];
	_ =	sdelay $0x3  }
0x96: {  	_ =	strace s3  }
0x97: {  	_ =	strace $0x8FFFFFFF  }
0x98: {  	s19 =	sld [smem:$0x3FDB];
	_ =	sdelay $0x1  }
0x99: {  	s4 =	simm.s32 $_scs_section_size  }
0x9a: {  	s5 =	simm.s32 $_size__tile_overlayer_lowered;
	s6 =	simm.s32 $_tile_overlayer_lowered  }
0x9b: {  	s22 =	simm.s32 $0x1BFF;
	s21 =	sshll.u32 s6, $0x1;
	s3 =	sadd.s32 s4, s19  }
0x9c: {  	s7 =	simm.s32 $0x0;
	s20 =	sshll.u32 s5, $0x1;
	s5 =	sadd.s32 s21, s3  }
0x9d: {  	[timem:s7], [sflag:s22] =	dma.local [hbm:s5], s20  }
0x9e: {  	_ =	swait.ge [sflag:s22], s20  }
0x9f: {  	s4 =	ssub.s32 $0x0, s20;
	[sflag:s22] =	ssyncset.done $0x0  }
0xa0: {  	[sflag:s22] =	ssyncadd.s32 s4;
	_ =	sdelay $0x1  }
0xa1: {  	s23 =	simm.s32 $0x1B8B  }
0xa2: {  	_ =	swait.ge [sflag:s23], $0x1  }
0xa3: {  	[sflag:s23] =	ssyncset.done $0x0  }
0xa4: {  	s25 =	simm.s32 $0x1B8E;
	s24 =	sld [smem:$0x3FFE];
	[sflag:s23] =	ssyncadd.s32 $0xFFFFFFFF  }
0xa5: {  	s26 =	simm.s32 $execute0_lowered;
	[smem:$0x3FD2] =	sst s25  }
0xa6: {  	s5 =	sshll.u32 s26, $0x1;
	_ =	strace $0x8000004F;
	[dreg:$0x1] =	wrdreg $0xFFFFFFFF  }
0xa7: {  	s28 =	simm.s32 $_size_execute0_lowered;
	s3 =	sadd.s32 s3, s5;
	[dreg:$0x0] =	wrdreg $0x0  }
0xa8: {  	s5 =	sshll.u32 s28, $0x1;
	[dreg:$0x2] =	wrdreg s3  }
0xa9: {  	[dreg:$0x3] =	wrdreg s5  }
0xaa: {  	[dreg:$0x4] =	wrdreg $0xC0  }
0xab: {  	_ =	task [dreg:s7], $0x5FFFF  }
0xac: {  	[dreg:$0x1] =	wrdreg $0xFFFFFFFF  }
0xad: {  	[dreg:$0x0] =	wrdreg $0x60  }
0xae: {  	[dreg:$0x2] =	wrdreg s2  }
0xaf: {  	[dreg:$0x3] =	wrdreg s24  }
0xb0: {  	[dreg:$0x4] =	wrdreg $0x9  }
0xb1: {  	_ =	task.clear_ibuf [dreg:s7], $0x5FFFF;
	_ =	strace $0x9000004F  }
0xb2: {  	s29 =	simm.s32 $0x9;
	_ =	strace $0x80000051  }
0xb3: {  	_ =	swait.ge [sflag:s29], $0x1  }
0xb4: {  	[sflag:s29] =	ssyncadd.s32 $0xFFFFFFFF  }
0xb5: {  	_ =	strace $0x90000051  }
0xb6: {  	_ =	sfence  }
0xb7: {  	s30 =	sld [smem:$0x0];
	_ =	sdelay $0x2  }
0xb8: {  	s31 =	sshll.u32 s1, $0xD;
	s1 =	sshrl.u32 s1, $0x2  }
0xb9: {  	s3 =	sand.u32 $0x4000, s31;
	s1 =	sadd.s32 s1, s30  }
0xba: {  	s0 =	sor.u32 s3, s0;
	s1 =	sshll.u32 s1, $0x11  }
0xbb: {  	s0 =	sor.u32 s1, s0  }
0xbc: {  	s0 =	sadd.s32 $0x8F2B, s0  }
0xbd: {  	[sflag:s0] =	ssyncadd.remote.s32 $0x1  }
0xbe: {  	_ =	sfence.sel $0xFFFF  }
0xbf: {  	[dreg:$0x0] =	wrdreg $0xFFFFFFFF;
	(pc) =	sbr.abs _section_cstart, $3  }
0xc0: {  	[dreg:$0x1] =	wrdreg $0xFFFFFFFF  }
0xc1: {  	_ =	task.clear_ibuf [dreg:s7], $0x2FFFF;
	_ =	strace $0x9FFFFFFF  }
0xc2: {  	(tm) =	ssettm $0x7FFFFFFF  }
0xc3: {  	_ =	shalt  }
tec
execute0_lowered:
.L_overlay_start_1:
0x0: {  	(tag) =	ssettag $0x1  }
0x1: {  	s2 =	rddreg [dreg:$0x0];
	s1 =	srdreg.scid  }
0x2: {  	s0 =	stileid.u32;
	s4 =	rddreg [dreg:$0x1]  }
0x3: {  	s3 =	simm.s32 $0x0;
	s14 =	simm.s32 $0x1;
	s10 =	smul.u32 $0x50000, s0  }
0x4: {  	s15 =	simm.s32 $0x2;
	s5 =	sand.u32 $0x1, s1;
	s25 =	smul.u32 $0x2800, s0  }
0x5: {  	s16 =	simm.s32 $0x1380;
	s6 =	sshll.u32 s0, $0x1;
	s12 =	smul.u32 $0x28000, s5  }
0x6: {  	s1 =	rddreg [dreg:$0x2];
	s6 =	sor.u32 s5, s6;
	s28 =	smul.u32 $0x1400, s5  }
0x7: {  	s17 =	simm.s32 $0x0;
	[smem:$0x7FF] =	sst s3;
	s7 =	smul.u32 $0x1400, s6  }
0x8: {  	s13 =	sadd.s32 $0x3BC00, s4;
	s9 =	ssub.s32 $0x2, s5;
	s8 =	smul.u32 $0x28000, s6  }
0x9: {  	_ =	strace $0x80000050;
	s11 =	sshrl.u32 s9, $0x1;
	s29 =	smul.u32 $0x5000, s6  }
0xa: {  	s9 =	ssub.s32 s9, s11;
	s30 =	sadd.s32 s12, s10;
	s12 =	simm.s32 $0x1400  }
0xb: {  	s7 =	sshrl.u32 s7, $0x3;
	s26 =	sshrl.u32 s8, $0x3;
	s5 =	smax.u32 s9, $0x1  }
0xc: {  	s8 =	sadd.s32 s28, s25;
	s9 =	sadd.s32 s13, s29;
	s10 =	sshrl.u32 s30, $0x3  }
0xd: {  	s7 =	sadd.s32 s7, s4;
	s11 =	sshll.u32 s8, $0x2;
	s8 =	sadd.s32 s10, s13  }
0xe: {  	s10 =	simm.s32 $0x3;
	s4 =	sadd.s32 $0x36C00, s7;
	s7 =	sadd.s32 s13, s26  }
0xf: {  	s31 =	sadd.s32 s11, s13;
	s11 =	simm.s32 $0x80;
	s13 =	simm.s32 $0x2400  }
0x10: {  	s6 =	sadd.s32 $0x4C00, s7;
	s7 =	sadd.s32 $0x4E00, s9;
	s9 =	sadd.s32 $0x200, s31  }
.LBB2_1:
0x11: {  	[tilespmem:s3], [sflag:$0x3] =	stream.linear.gather [hbm4b:s4+s3], $0x1400, $0x38;
	[tilespmem:$0x3400] =	vst v63  }
0x12: {  	_ =	swait.ge [sflag:s10], $0x1400  }
0x13: {  	[sflag:s10] =	ssyncset.done $0x0  }
0x14: {  	[sflag:s10] =	ssyncadd.s32 $0xFFFFEC00  }
0x15: {  	[tilespmem:s12], [sflag:$0x1] =	stream.indirect.gather [hbm4b:s2+s11], $0x20, s3, s11, $0xb8;
	[tilespmem:$0x3400] =	vst v63  }
0x16: {  	s18 =	simm.s32 $0x80  }
0x17: {  	[tilespmem:s13], [sflag:$0x2] =	stream.indirect.gather [hbm4b:s2+s11], $0x20, s18, s11, $0xb8;
	[tilespmem:$0x3400] =	vst v63  }
0x18: {  	_ =	swait.ge [sflag:s14], $0x1000  }
0x19: {  	[sflag:s14] =	ssyncset.done $0x0  }
0x1a: {  	s29 =	sadd.s32 $0x0, s8;
	[sflag:s14] =	ssyncadd.s32 $0xFFFFF000  }
0x1b: {  	[hbm4b:s29+s3] =	stream.linear.scatter [tilespmem:s12], [sflag:$0x3], $0x1000, $0x38;
	[tilespmem:$0x3400] =	vst v63  }
0x1c: {  	_ =	swait.ge [sflag:s10], $0x1000  }
0x1d: {  	[sflag:s10] =	ssyncset.done $0x0  }
0x1e: {  	s30 =	simm.s32 $0x100;
	[sflag:s10] =	ssyncadd.s32 $0xFFFFF000  }
0x1f: {  	[tilespmem:s12], [sflag:$0x1] =	stream.indirect.gather [hbm4b:s2+s11], $0x20, s30, s11, $0xb8;
	[tilespmem:$0x3400] =	vst v63  }
0x20: {  	_ =	swait.ge [sflag:s15], $0x1000  }
0x21: {  	[sflag:s15] =	ssyncset.done $0x0  }
0x22: {  	s31 =	sadd.s32 $0x0, s9;
	[sflag:s15] =	ssyncadd.s32 $0xFFFFF000  }
0x23: {  	[hbm4b:s31+s3] =	stream.linear.scatter [tilespmem:s13], [sflag:$0x3], $0x1000, $0x38;
	[tilespmem:$0x3400] =	vst v63  }
0x24: {  	s20 =	simm.s32 $0x800;
	_ =	swait.ge [sflag:s10], $0x1000  }
0x25: {  	s19 =	simm.s32 $0x100;
	s18 =	simm.s32 $0x400;
	[sflag:s10] =	ssyncset.done $0x0  }
.LBB2_2:
0x26: {  	s21 =	sadd.s32 $0x80, s19  }
0x27: {  	[sflag:s10] =	ssyncadd.s32 $0xFFFFF000;
	s22 =	smov.u32 s20;
	s23 =	sadd.s32 $0x400, s20  }
0x28: {  	[tilespmem:s13], [sflag:$0x2] =	stream.indirect.gather [hbm4b:s2+s11], $0x20, s21, s11, $0xb8;
	[tilespmem:$0x3400] =	vst v63  }
0x29: {  	p0 =	sne.s32 s20, $0x4800;
	_ =	swait.ge [sflag:s14], $0x1000  }
0x2a: {  	[sflag:s14] =	ssyncset.done $0x0  }
0x2b: {  	s20 =	sadd.s32 s18, s8;
	[sflag:s14] =	ssyncadd.s32 $0xFFFFF000  }
0x2c: {  	[hbm4b:s20+s3] =	stream.linear.scatter [tilespmem:s12], [sflag:$0x3], $0x1000, $0x38;
	[tilespmem:$0x3400] =	vst v63  }
0x2d: {  	_ =	swait.ge [sflag:s10], $0x1000  }
0x2e: {  	[sflag:s10] =	ssyncset.done $0x0  }
0x2f: {  	s19 =	sadd.s32 $0x100, s19;
	[sflag:s10] =	ssyncadd.s32 $0xFFFFF000  }
0x30: {  	[tilespmem:s12], [sflag:$0x1] =	stream.indirect.gather [hbm4b:s2+s11], $0x20, s19, s11, $0xb8;
	[tilespmem:$0x3400] =	vst v63  }
0x31: {  	_ =	swait.ge [sflag:s15], $0x1000  }
.Ltmp0:
0x32: {  	[sflag:s15] =	ssyncset.done $0x0;
	(pc) =	sbr.rel @p0 .LBB2_2-.Ltmp0, $4  }
0x33: {  	s19 =	sadd.s32 s18, s9;
	s18 =	smov.u32 s22;
	[sflag:s15] =	ssyncadd.s32 $0xFFFFF000  }
0x34: {  	[hbm4b:s19+s3] =	stream.linear.scatter [tilespmem:s13], [sflag:$0x3], $0x1000, $0x38;
	[tilespmem:$0x3400] =	vst v63  }
0x35: {  	_ =	swait.ge [sflag:s10], $0x1000  }
0x36: {  	s20 =	smov.u32 s23;
	s19 =	sshra.s32 s18, $0x2;
	[sflag:s10] =	ssyncset.done $0x0  }
0x37: {  	s20 =	sadd.s32 $0x80, s19;
	[sflag:s10] =	ssyncadd.s32 $0xFFFFF000  }
0x38: {  	[tilespmem:s13], [sflag:$0x2] =	stream.indirect.gather [hbm4b:s2+s11], $0x20, s20, s11, $0xb8;
	[tilespmem:$0x3400] =	vst v63  }
0x39: {  	_ =	swait.ge [sflag:s14], $0x1000  }
0x3a: {  	[sflag:s14] =	ssyncset.done $0x0  }
0x3b: {  	s29 =	sadd.s32 s18, s8;
	[sflag:s14] =	ssyncadd.s32 $0xFFFFF000  }
0x3c: {  	[hbm4b:s29+s3] =	stream.linear.scatter [tilespmem:s12], [sflag:$0x3], $0x1000, $0x38;
	[tilespmem:$0x3400] =	vst v63  }
0x3d: {  	_ =	swait.ge [sflag:s10], $0x1000  }
0x3e: {  	[sflag:s10] =	ssyncset.done $0x0  }
0x3f: {  	s30 =	sadd.s32 $0x100, s19;
	[sflag:s10] =	ssyncadd.s32 $0xFFFFF000  }
0x40: {  	[tilespmem:s12], [sflag:$0x1] =	stream.indirect.gather [hbm4b:s2+s11], $0x20, s30, s11, $0xb8;
	[tilespmem:$0x3400] =	vst v63  }
0x41: {  	_ =	swait.ge [sflag:s15], $0x1000  }
0x42: {  	[sflag:s15] =	ssyncset.done $0x0  }
0x43: {  	s31 =	sadd.s32 s18, s9;
	[sflag:s15] =	ssyncadd.s32 $0xFFFFF000  }
0x44: {  	[hbm4b:s31+s3] =	stream.linear.scatter [tilespmem:s13], [sflag:$0x3], $0x1000, $0x38;
	[tilespmem:$0x3400] =	vst v63  }
0x45: {  	_ =	swait.ge [sflag:s10], $0x1000  }
0x46: {  	[sflag:s10] =	ssyncset.done $0x0  }
0x47: {  	[sflag:s10] =	ssyncadd.s32 $0xFFFFF000  }
0x48: {  	[tilespmem:s13], [sflag:$0x2] =	stream.indirect.gather [hbm4b:s2+s11], $0x20, s16, s11, $0xb8;
	[tilespmem:$0x3400] =	vst v63  }
0x49: {  	_ =	swait.ge [sflag:s14], $0x1000  }
0x4a: {  	[sflag:s14] =	ssyncset.done $0x0  }
0x4b: {  	[sflag:s14] =	ssyncadd.s32 $0xFFFFF000  }
0x4c: {  	[hbm4b:s6+s3] =	stream.linear.scatter [tilespmem:s12], [sflag:$0x3], $0x1000, $0x38;
	[tilespmem:$0x3400] =	vst v63  }
0x4d: {  	_ =	swait.ge [sflag:s10], $0x1000  }
0x4e: {  	[sflag:s10] =	ssyncset.done $0x0  }
0x4f: {  	[sflag:s10] =	ssyncadd.s32 $0xFFFFF000  }
0x50: {  	s17 =	sadd.s32 $0x1, s17;
	_ =	swait.ge [sflag:s15], $0x1000  }
0x51: {  	p0 =	sne.s32 s17, s5;
	[sflag:s15] =	ssyncset.done $0x0  }
.Ltmp1:
0x52: {  	[sflag:s15] =	ssyncadd.s32 $0xFFFFF000;
	(pc) =	sbr.rel @p0 .LBB2_1-.Ltmp1, $4  }
0x53: {  	[hbm4b:s7+s3] =	stream.linear.scatter [tilespmem:s13], [sflag:$0x3], $0x1000, $0x38;
	[tilespmem:$0x3400] =	vst v63  }
0x54: {  	_ =	swait.ge [sflag:s10], $0x1000  }
0x55: {  	[sflag:s10] =	ssyncset.done $0x0  }
0x56: {  	[sflag:s10] =	ssyncadd.s32 $0xFFFFF000  }
0x57: {  	_ =	sfence.sel $0x180000  }
0x58: {  	[bflag:$0x0] =	sbarrier.arrive $0xFFFF  }
0x59: {  	p0 =	sne.s32 s0, $0x0;
	_ =	strace $0x90000050  }
0x5a: {  	s0 =	sadd.s32 @!p0 $0x100000, s1;
	[bflag:$0x2] =	sbarrier.arrive $0xFFFF  }
0x5b: {  	[sflag:s0] =	ssyncadd.tile.s32 @!p0 $0x1;
	_ =	shalt  }
.Lfunc_end2:
_tile_overlayer_lowered:
.L_overlay_start_2:
0x5c: {  	(tag) =	ssettag $0x2  }
0x5d: {  	s0 =	rddreg [dreg:$0x0];
	s2 =	stileid.u32  }
0x5e: {  	s1 =	rddreg [dreg:$0x1];
	p0 =	sne.s32 s2, $0x0  }
0x5f: {  	s3 =	rddreg [dreg:$0x2];
	[bflag:$0x3] =	sbarrier.arrive $0xFFFF;
	s2 =	simm.s32 @!p0 $0x1C03  }
0x60: {  	[timem:s3], [sflag:s2] =	dma.local @!p0 [hbm:s0], s1  }
0x61: {  	s0 =	simm.s32 @!p0 $0x3  }
0x62: {  	_ =	swait.ge @!p0 [sflag:s0], s1  }
0x63: {  	s1 =	ssub.s32 @!p0 $0x0, s1;
	[sflag:s0] =	ssyncset.done @!p0 $0x0  }
0x64: {  	[sflag:s0] =	ssyncadd.s32 @!p0 s1  }
0x65: {  	[bflag:$0x3] =	sbarrier.arrive $0xFFFF  }
0x66: {  	_ =	shalt  }

// kernel: kernel.41.cloned.1.call-start
scs
__scs_entry_jumppad:
0x0: {  	(pc) =	sbr.rel $0x88, $3  }
0x1: {  	(tag) =	ssettag $0x0;
	lr =	simm.s32 $0x1  }
0x2: {  	[smem:$0x3F92] =	sst lr;
	_ =	strace $0xD0000000  }
0x3: {  	_ = 	snop  }
0x4: {  	_ = 	snop  }
0x5: {  	_ = 	snop  }
0x6: {  	_ = 	snop  }
0x7: {  	_ = 	snop  }
__scs_overlays_trampoline_lowered:
0x8: {  	[smem:$0x3FA1] =	sst s0  }
0x9: {  	[smem:$0x3FA2] =	sst s1  }
0xa: {  	[smem:$0x3FA3] =	sst s2  }
0xb: {  	[smem:$0x3FA4] =	sst s3  }
0xc: {  	[smem:$0x3FA5] =	sst s4  }
0xd: {  	[smem:$0x3FA6] =	sst s5  }
0xe: {  	[smem:$0x3FA7] =	sst s6  }
0xf: {  	[smem:$0x3FA8] =	sst s7  }
0x10: {  	[smem:$0x3FA9] =	sst s8  }
0x11: {  	[smem:$0x3FAA] =	sst s9;
	s0 =	simm.s32 @!p0 $0x0  }
0x12: {  	s1 =	sld [smem:$0x3F90];
	s0 =	simm.s32 @p0 $0x1  }
0x13: {  	[smem:$0x3FAB] =	sst s0;
	s0 =	simm.s32 @!p1 $0x0  }
0x14: {  	s2 =	sld [smem:$0x3F8F];
	s0 =	simm.s32 @p1 $0x1  }
0x15: {  	[smem:$0x3FAC] =	sst s0;
	s0 =	simm.s32 @!p2 $0x0  }
0x16: {  	s3 =	sld [smem:$0x3FDB];
	s0 =	simm.s32 @p2 $0x1  }
0x17: {  	s4 =	simm.s32 $0x1BF5;
	[smem:$0x3FAE] =	sst s0  }
0x18: {  	s0 =	sld [smem:$0x3F91];
	_ =	swait.ge [sflag:s4], $0x0  }
0x19: {  	s7 =	sld [smem:$0x3F92]  }
0x1a: {  	s8 =	sadd.s32 $0xFFFFE003, lr  }
0x1b: {  	s9 =	sadd.s32 $0xFFFFFEF7, lr;
	s5 =	simm.s32 $0xFFFFFFFF;
	p2 =	slt.u32 s8, $0xFFFFF086  }
0x1c: {  	p1 =	slt.u32 s9, $0xF7A;
	s5 =	simm.s32 @!p2 $0x0  }
0x1d: {  	s5 =	simm.s32 @p1 $0x1;
	p0 =	seq.s32 s7, s2  }
0x1e: {  	s7 =	smul.u32 @!p0 $0xF7A, s2;
	p2 =	seq.s32 @!p0 s5, $0x0  }
0x1f: {  	s9 =	smul.u32 $0xF7A, s1;
	s8 =	simm.s32 @!p0 $0x1BF5;
	p2 =	por !p2, p0  }
0x20: {  	[sflag:s8] =	ssyncset.s32 @!p0 $0xFFFFF086;
	s6 =	sadd.s32 @!p0 s3, s7;
	s7 =	simm.s32 @!p0 $0x108  }
0x21: {  	s3 =	sadd.s32 s3, s9;
	s6 =	sadd.s32 @!p0 $0x88, s6;
	s7 =	simm.s32 @p2 $0x1082  }
0x22: {  	[simem:s7], [sflag:s8] =	dma.local @!p0 [hbm:s6], $0xF7A  }
0x23: {  	s9 =	sor.u32 $0xD0000000, s2;
	s6 =	simm.s32 $0x108;
	_ =	swait.ge @!p0 [sflag:s8], $0x0  }
0x24: {  	s3 =	sadd.s32 $0x88, s3;
	s6 =	simm.s32 @!p1 $0x1082;
	[sflag:s4] =	ssyncset.s32 $0xFFFFF086  }
0x25: {  	[simem:s6], [sflag:s4] =	dma.local [hbm:s3], $0xF7A  }
0x26: {  	[smem:$0x3F92] =	sst s1;
	(tag) =	ssettag s2;
	_ =	strace s9  }
0x27: {  	s1 =	sld [smem:$0x3FA2]  }
0x28: {  	s2 =	sld [smem:$0x3FA3]  }
0x29: {  	s4 =	sld [smem:$0x3FA5]  }
0x2a: {  	p0 =	seq.s32 s5, $0x0;
	s5 =	sld [smem:$0x3FA6]  }
0x2b: {  	s6 =	sld [smem:$0x3FA7]  }
0x2c: {  	s7 =	sld [smem:$0x3FA8]  }
0x2d: {  	s3 =	simm.s32 $0x108;
	s8 =	sld [smem:$0x3FA9]  }
0x2e: {  	s3 =	simm.s32 @!p0 $0x1082;
	s9 =	sld [smem:$0x3FAA]  }
0x2f: {  	lr =	sadd.s32 s0, s3;
	s0 =	sld [smem:$0x3FA1]  }
0x30: {  	s3 =	sld [smem:$0x3FA4]  }
0x31: {  	[smem:$0x3FAD] =	sst s10  }
0x32: {  	s10 =	sld [smem:$0x3FAB];
	_ =	sdelay $0x3  }
0x33: {  	p0 =	seq.s32 s10, $0x1;
	s10 =	sld [smem:$0x3FAD];
	_ =	sdelay $0x3  }
0x34: {  	[smem:$0x3FAD] =	sst s10  }
0x35: {  	s10 =	sld [smem:$0x3FAC];
	_ =	sdelay $0x3  }
0x36: {  	p1 =	seq.s32 s10, $0x1;
	s10 =	sld [smem:$0x3FAD];
	_ =	sdelay $0x3  }
0x37: {  	[smem:$0x3FAD] =	sst s10  }
0x38: {  	s10 =	sld [smem:$0x3FAE]  }
0x39: {  	_ = 	snop;
	(pc) =	sbr.ind lr, $3  }
0x3a: {  	_ = 	snop  }
0x3b: {  	_ = 	snop  }
0x3c: {  	p2 =	seq.s32 s10, $0x1;
	s10 =	sld [smem:$0x3FAD]  }
0x3d: {  	_ =	shalt  }
0x3e: {  	_ =	shalt  }
0x3f: {  	_ =	shalt  }
0x40: {  	_ =	shalt  }
0x41: {  	_ =	shalt  }
0x42: {  	_ =	shalt  }
0x43: {  	_ =	shalt  }
0x44: {  	_ =	shalt  }
0x45: {  	_ =	shalt  }
0x46: {  	_ =	shalt  }
0x47: {  	_ =	shalt  }
0x48: {  	_ =	shalt  }
0x49: {  	_ =	shalt  }
0x4a: {  	_ =	shalt  }
0x4b: {  	_ =	shalt  }
0x4c: {  	_ =	shalt  }
0x4d: {  	_ =	shalt  }
0x4e: {  	_ =	shalt  }
0x4f: {  	_ =	shalt  }
0x50: {  	_ =	shalt  }
0x51: {  	_ =	shalt  }
0x52: {  	_ =	shalt  }
0x53: {  	_ =	shalt  }
0x54: {  	_ =	shalt  }
0x55: {  	_ =	shalt  }
0x56: {  	_ =	shalt  }
0x57: {  	_ =	shalt  }
0x58: {  	_ =	shalt  }
0x59: {  	_ =	shalt  }
0x5a: {  	_ =	shalt  }
0x5b: {  	_ =	shalt  }
0x5c: {  	_ =	shalt  }
0x5d: {  	_ =	shalt  }
0x5e: {  	_ =	shalt  }
0x5f: {  	_ =	shalt  }
0x60: {  	_ =	shalt  }
0x61: {  	_ =	shalt  }
0x62: {  	_ =	shalt  }
0x63: {  	_ =	shalt  }
0x64: {  	_ =	shalt  }
0x65: {  	_ =	shalt  }
0x66: {  	_ =	shalt  }
0x67: {  	_ =	shalt  }
0x68: {  	_ =	shalt  }
0x69: {  	_ =	shalt  }
0x6a: {  	_ =	shalt  }
0x6b: {  	_ =	shalt  }
0x6c: {  	_ =	shalt  }
0x6d: {  	_ =	shalt  }
0x6e: {  	_ =	shalt  }
0x6f: {  	_ =	shalt  }
0x70: {  	_ =	shalt  }
0x71: {  	_ =	shalt  }
0x72: {  	_ =	shalt  }
0x73: {  	_ =	shalt  }
0x74: {  	_ =	shalt  }
0x75: {  	_ =	shalt  }
0x76: {  	_ =	shalt  }
0x77: {  	_ =	shalt  }
0x78: {  	_ =	shalt  }
0x79: {  	_ =	shalt  }
0x7a: {  	_ =	shalt  }
0x7b: {  	_ =	shalt  }
0x7c: {  	_ =	shalt  }
0x7d: {  	_ =	shalt  }
0x7e: {  	_ =	shalt  }
0x7f: {  	_ =	shalt  }
0x80: {  	_ =	shalt  }
0x81: {  	_ =	shalt  }
0x82: {  	_ =	shalt  }
0x83: {  	_ =	shalt  }
0x84: {  	_ =	shalt  }
0x85: {  	_ =	shalt  }
0x86: {  	_ =	shalt  }
0x87: {  	_ =	shalt  }
.Lfunc_end0:
.L_simem_size_0:
called_computation.4_lowered:
.L_overlay_start_0:
0x88: {  	s2 =	sld [smem:$0x3FD9]  }
0x89: {  	s3 =	sld [smem:$0x3FFE];
	_ =	sdelay $0x1  }
0x8a: {  	s1 =	srdreg.scid  }
0x8b: {  	s0 =	sand.u32 $0x1, s1  }
0x8c: {  	s16 =	sshll.u32 s0, $0xA;
	s2 =	sadd.s32 s3, s2  }
0x8d: {  	s2 =	sadd.s32 s2, s16  }
0x8e: {  	[smem:$0x3FB9] =	sst s2  }
0x8f: {  	_ = 	snop  }
0x90: {  	(tm) =	ssettm $0x1  }
0x91: {  	s17 =	sld [smem:$0x3FFB];
	_ =	sdelay $0x3  }
0x92: {  	_ =	strace s17  }
0x93: {  	s2 =	sld [smem:$0x3FFC];
	_ =	sdelay $0x3  }
0x94: {  	_ =	strace s2  }
0x95: {  	s2 =	sld [smem:$0x3FFD];
	_ =	sdelay $0x3  }
0x96: {  	_ =	strace s2  }
0x97: {  	_ =	strace $0x8FFFFFFF  }
0x98: {  	s18 =	sld [smem:$0x3FDB];
	_ =	sdelay $0x1  }
0x99: {  	s19 =	simm.s32 $_scs_section_size  }
0x9a: {  	s4 =	simm.s32 $_size__tile_overlayer_lowered;
	s5 =	simm.s32 $_tile_overlayer_lowered  }
0x9b: {  	s22 =	simm.s32 $0x1BFF;
	s21 =	sshll.u32 s5, $0x1;
	s2 =	sadd.s32 s19, s18  }
0x9c: {  	s6 =	simm.s32 $0x0;
	s20 =	sshll.u32 s4, $0x1;
	s4 =	sadd.s32 s21, s2  }
0x9d: {  	[timem:s6], [sflag:s22] =	dma.local [hbm:s4], s20  }
0x9e: {  	_ =	swait.ge [sflag:s22], s20  }
0x9f: {  	s3 =	ssub.s32 $0x0, s20;
	[sflag:s22] =	ssyncset.done $0x0  }
0xa0: {  	[sflag:s22] =	ssyncadd.s32 s3;
	_ =	sdelay $0x1  }
0xa1: {  	s23 =	simm.s32 $0x1B8B  }
0xa2: {  	_ =	swait.ge [sflag:s23], $0x1  }
0xa3: {  	[sflag:s23] =	ssyncset.done $0x0  }
0xa4: {  	s25 =	simm.s32 $0x1B8E;
	s24 =	sld [smem:$0x3FFE];
	[sflag:s23] =	ssyncadd.s32 $0xFFFFFFFF  }
0xa5: {  	s26 =	simm.s32 $execute0_lowered;
	[smem:$0x3FD2] =	sst s25  }
0xa6: {  	s4 =	sshll.u32 s26, $0x1;
	_ =	strace $0x80000052;
	[dreg:$0x1] =	wrdreg $0xFFFFFFFF  }
0xa7: {  	s28 =	simm.s32 $_size_execute0_lowered;
	s2 =	sadd.s32 s2, s4;
	[dreg:$0x0] =	wrdreg $0x0  }
0xa8: {  	s4 =	sshll.u32 s28, $0x1;
	[dreg:$0x2] =	wrdreg s2  }
0xa9: {  	[dreg:$0x3] =	wrdreg s4  }
0xaa: {  	[dreg:$0x4] =	wrdreg $0xC0  }
0xab: {  	_ =	task [dreg:s6], $0x5FFFF  }
0xac: {  	[dreg:$0x1] =	wrdreg $0xFFFFFFFF  }
0xad: {  	[dreg:$0x0] =	wrdreg $0x60  }
0xae: {  	[dreg:$0x2] =	wrdreg s24  }
0xaf: {  	[dreg:$0x3] =	wrdreg $0x84000  }
0xb0: {  	[dreg:$0x4] =	wrdreg $0x9  }
0xb1: {  	_ =	task.clear_ibuf [dreg:s6], $0x5FFFF;
	_ =	strace $0x90000052  }
0xb2: {  	s29 =	simm.s32 $0x9;
	_ =	strace $0x80000054  }
0xb3: {  	_ =	swait.ge [sflag:s29], $0x1  }
0xb4: {  	[sflag:s29] =	ssyncadd.s32 $0xFFFFFFFF  }
0xb5: {  	_ =	strace $0x90000054  }
0xb6: {  	_ =	sfence  }
0xb7: {  	s30 =	sld [smem:$0x0];
	_ =	sdelay $0x2  }
0xb8: {  	s31 =	sshll.u32 s1, $0xD;
	s1 =	sshrl.u32 s1, $0x2  }
0xb9: {  	s3 =	sand.u32 $0x4000, s31;
	s1 =	sadd.s32 s1, s30  }
0xba: {  	s0 =	sor.u32 s3, s0;
	s1 =	sshll.u32 s1, $0x11  }
0xbb: {  	s0 =	sor.u32 s1, s0  }
0xbc: {  	s0 =	sadd.s32 $0x8F2B, s0  }
0xbd: {  	[sflag:s0] =	ssyncadd.remote.s32 $0x1  }
0xbe: {  	_ =	sfence.sel $0xFFFF  }
0xbf: {  	[dreg:$0x0] =	wrdreg $0xFFFFFFFF;
	(pc) =	sbr.abs _section_cstart, $3  }
0xc0: {  	[dreg:$0x1] =	wrdreg $0xFFFFFFFF  }
0xc1: {  	_ =	task.clear_ibuf [dreg:s6], $0x2FFFF;
	_ =	strace $0x9FFFFFFF  }
0xc2: {  	(tm) =	ssettm $0x7FFFFFFF  }
0xc3: {  	_ =	shalt  }
tec
execute0_lowered:
.L_overlay_start_1:
0x0: {  	(tag) =	ssettag $0x1  }
0x1: {  	s1 =	srdreg.scid  }
0x2: {  	s0 =	stileid.u32;
	s4 =	rddreg [dreg:$0x0]  }
0x3: {  	s2 =	rddreg [dreg:$0x1];
	s3 =	simm.s32 $0x0;
	s8 =	smul.u32 $0x5000, s0  }
0x4: {  	s17 =	simm.s32 $0x1;
	s18 =	simm.s32 $0x80;
	s12 =	smul.u32 $0x50000, s0  }
0x5: {  	s19 =	simm.s32 $0x2;
	s6 =	sand.u32 $0x1, s1;
	s16 =	smul.u32 $0x2800, s0  }
0x6: {  	s20 =	sshll.u32 s0, $0x1;
	s1 =	rddreg [dreg:$0x2];
	s9 =	smul.u32 $0xA000, s6  }
0x7: {  	[smem:$0x7FF] =	sst s3;
	s11 =	sadd.s32 $0x3BC00, s4;
	s15 =	smul.u32 $0x28000, s6  }
0x8: {  	s31 =	sshll.u32 s0, $0x6;
	s5 =	sor.u32 s6, s20;
	s22 =	smul.u32 $0x1400, s6  }
0x9: {  	_ =	strace $0x80000053;
	s21 =	ssub.s32 $0x2, s6;
	s7 =	smul.u32 $0x1400, s5  }
0xa: {  	s20 =	simm.s32 $0x1300;
	s10 =	smul.u32 $0x5000, s5;
	s23 =	sshrl.u32 s8, $0x3  }
0xb: {  	s14 =	sshrl.u32 s21, $0x1;
	s5 =	sadd.s32 s8, s2;
	s13 =	sadd.s32 s23, s4  }
0xc: {  	s9 =	sadd.s32 s9, s4;
	s14 =	ssub.s32 s21, s14;
	s25 =	sadd.s32 s15, s12  }
0xd: {  	s28 =	sadd.s32 s22, s16;
	s12 =	simm.s32 $0x3;
	s15 =	simm.s32 $0x1400  }
0xe: {  	s16 =	simm.s32 $0x2400;
	s21 =	simm.s32 $0x1380;
	s22 =	simm.s32 $0x3400  }
0xf: {  	s7 =	sshrl.u32 s7, $0x3;
	s6 =	sadd.s32 $0xE0C00, s13;
	s24 =	sadd.s32 $0x2DEC00, s9  }
0x10: {  	s26 =	sor.u32 $0x2000, s25;
	s8 =	smax.u32 s14, $0x1;
	s30 =	sshll.u32 s28, $0x2  }
0x11: {  	s13 =	sor.u32 $0x1C03, s31;
	s14 =	sshrl.u32 s5, $0x3;
	s7 =	sadd.s32 s7, s4  }
0x12: {  	s29 =	sshrl.u32 s26, $0x3;
	s23 =	sadd.s32 s23, s24;
	s4 =	sadd.s32 $0xDBC00, s7  }
0x13: {  	s7 =	sadd.s32 s11, s10;
	s10 =	sadd.s32 s29, s11;
	s11 =	sadd.s32 s30, s11  }
0x14: {  	s24 =	simm.s32 $0x0;
	s9 =	sadd.s32 $0x4E00, s7;
	s11 =	sadd.s32 $0x200, s11  }
.LBB2_1:
0x15: {  	[tilespmem:s3], [sflag:$0x3] =	stream.linear.gather [hbm4b:s4+s3], $0x1400, $0x38;
	[tilespmem:$0xD400] =	vst v63  }
0x16: {  	_ =	swait.ge [sflag:s12], $0x1400  }
0x17: {  	[sflag:s12] =	ssyncset.done $0x0  }
0x18: {  	[sflag:s12] =	ssyncadd.s32 $0xFFFFEC00  }
0x19: {  	[spmem:s14], [sflag:s13] =	dma.local [hbm:s6], $0xA00  }
0x1a: {  	_ =	swait.ge [sflag:s12], $0xA00  }
0x1b: {  	[sflag:s12] =	ssyncset.done $0x0  }
0x1c: {  	[sflag:s12] =	ssyncadd.s32 $0xFFFFF600  }
0x1d: {  	[bflag:$0x0] =	sbarrier.arrive $0xFFFF  }
0x1e: {  	[tilespmem:s15], [sflag:$0x1] =	stream.linear.gather [hbm4b:s7+s3], $0x1000, $0x38;
	[tilespmem:$0xD400] =	vst v63  }
0x1f: {  	s25 =	sadd.s32 $0x0, s11  }
0x20: {  	[tilespmem:s16], [sflag:$0x2] =	stream.linear.gather [hbm4b:s25+s3], $0x1000, $0x38;
	[tilespmem:$0xD400] =	vst v63  }
0x21: {  	_ =	swait.ge [sflag:s17], $0x1000  }
0x22: {  	[sflag:s17] =	ssyncset.done $0x0  }
0x23: {  	s29 =	simm.s32 $0x0;
	[sflag:s17] =	ssyncadd.s32 $0xFFFFF000  }
0x24: {  	[spmem:s2] =	stream.indirect.scatter.add.f32 [tilespmem:s15], [sflag:$0x3], $0x20, s29, s18, $0xb8;
	[tilespmem:$0xD400] =	vst v63  }
0x25: {  	_ =	swait.ge [sflag:s12], $0x1000  }
0x26: {  	[sflag:s12] =	ssyncset.done $0x0  }
0x27: {  	s30 =	sadd.s32 $0x0, s10;
	[sflag:s12] =	ssyncadd.s32 $0xFFFFF000  }
0x28: {  	[tilespmem:s15], [sflag:$0x1] =	stream.linear.gather [hbm4b:s30+s3], $0x1000, $0x38;
	[tilespmem:$0xD400] =	vst v63  }
0x29: {  	_ =	swait.ge [sflag:s19], $0x1000  }
0x2a: {  	[sflag:s19] =	ssyncset.done $0x0  }
0x2b: {  	s31 =	simm.s32 $0x80;
	[sflag:s19] =	ssyncadd.s32 $0xFFFFF000  }
0x2c: {  	[spmem:s2] =	stream.indirect.scatter.add.f32 [tilespmem:s16], [sflag:$0x3], $0x20, s31, s18, $0xb8;
	[tilespmem:$0xD400] =	vst v63  }
0x2d: {  	_ =	swait.ge [sflag:s12], $0x1000  }
0x2e: {  	s26 =	simm.s32 $0x800;
	s25 =	simm.s32 $0x400;
	[sflag:s12] =	ssyncset.done $0x0  }
.LBB2_2:
0x2f: {  	s28 =	sadd.s32 s25, s11  }
0x30: {  	[sflag:s12] =	ssyncadd.s32 $0xFFFFF000;
	s29 =	smov.u32 s26;
	s30 =	sadd.s32 $0x400, s26  }
0x31: {  	[tilespmem:s16], [sflag:$0x2] =	stream.linear.gather [hbm4b:s28+s3], $0x1000, $0x38;
	[tilespmem:$0xD400] =	vst v63  }
0x32: {  	p0 =	sne.s32 s26, $0x4800;
	_ =	swait.ge [sflag:s17], $0x1000  }
0x33: {  	[sflag:s17] =	ssyncset.done $0x0  }
0x34: {  	s26 =	sshra.s32 s25, $0x2;
	[sflag:s17] =	ssyncadd.s32 $0xFFFFF000  }
0x35: {  	[spmem:s2] =	stream.indirect.scatter.add.f32 [tilespmem:s15], [sflag:$0x3], $0x20, s26, s18, $0xb8;
	[tilespmem:$0xD400] =	vst v63  }
0x36: {  	_ =	swait.ge [sflag:s12], $0x1000  }
0x37: {  	[sflag:s12] =	ssyncset.done $0x0  }
0x38: {  	s28 =	sadd.s32 s25, s10;
	s25 =	smov.u32 s29;
	[sflag:s12] =	ssyncadd.s32 $0xFFFFF000  }
0x39: {  	[tilespmem:s15], [sflag:$0x1] =	stream.linear.gather [hbm4b:s28+s3], $0x1000, $0x38;
	[tilespmem:$0xD400] =	vst v63  }
0x3a: {  	_ =	swait.ge [sflag:s19], $0x1000  }
.Ltmp0:
0x3b: {  	[sflag:s19] =	ssyncset.done $0x0;
	(pc) =	sbr.rel @p0 .LBB2_2-.Ltmp0, $4  }
0x3c: {  	s26 =	sadd.s32 $0x80, s26;
	[sflag:s19] =	ssyncadd.s32 $0xFFFFF000  }
0x3d: {  	[spmem:s2] =	stream.indirect.scatter.add.f32 [tilespmem:s16], [sflag:$0x3], $0x20, s26, s18, $0xb8;
	[tilespmem:$0xD400] =	vst v63  }
0x3e: {  	_ =	swait.ge [sflag:s12], $0x1000  }
0x3f: {  	s26 =	smov.u32 s30;
	[sflag:s12] =	ssyncset.done $0x0  }
0x40: {  	s26 =	sadd.s32 s25, s11;
	[sflag:s12] =	ssyncadd.s32 $0xFFFFF000  }
0x41: {  	[tilespmem:s16], [sflag:$0x2] =	stream.linear.gather [hbm4b:s26+s3], $0x1000, $0x38;
	[tilespmem:$0xD400] =	vst v63  }
0x42: {  	_ =	swait.ge [sflag:s17], $0x1000  }
0x43: {  	[sflag:s17] =	ssyncset.done $0x0  }
0x44: {  	s29 =	sshra.s32 s25, $0x2;
	[sflag:s17] =	ssyncadd.s32 $0xFFFFF000  }
0x45: {  	[spmem:s2] =	stream.indirect.scatter.add.f32 [tilespmem:s15], [sflag:$0x3], $0x20, s29, s18, $0xb8;
	[tilespmem:$0xD400] =	vst v63  }
0x46: {  	_ =	swait.ge [sflag:s12], $0x1000  }
0x47: {  	[sflag:s12] =	ssyncset.done $0x0  }
0x48: {  	s30 =	sadd.s32 s25, s10;
	[sflag:s12] =	ssyncadd.s32 $0xFFFFF000  }
0x49: {  	[tilespmem:s15], [sflag:$0x1] =	stream.linear.gather [hbm4b:s30+s3], $0x1000, $0x38;
	[tilespmem:$0xD400] =	vst v63  }
0x4a: {  	_ =	swait.ge [sflag:s19], $0x1000  }
0x4b: {  	[sflag:s19] =	ssyncset.done $0x0  }
0x4c: {  	s31 =	sadd.s32 $0x80, s29;
	[sflag:s19] =	ssyncadd.s32 $0xFFFFF000  }
0x4d: {  	[spmem:s2] =	stream.indirect.scatter.add.f32 [tilespmem:s16], [sflag:$0x3], $0x20, s31, s18, $0xb8;
	[tilespmem:$0xD400] =	vst v63  }
0x4e: {  	_ =	swait.ge [sflag:s12], $0x1000  }
0x4f: {  	[sflag:s12] =	ssyncset.done $0x0  }
0x50: {  	[sflag:s12] =	ssyncadd.s32 $0xFFFFF000  }
0x51: {  	[tilespmem:s16], [sflag:$0x2] =	stream.linear.gather [hbm4b:s9+s3], $0x1000, $0x38;
	[tilespmem:$0xD400] =	vst v63  }
0x52: {  	_ =	swait.ge [sflag:s17], $0x1000  }
0x53: {  	[sflag:s17] =	ssyncset.done $0x0  }
0x54: {  	[sflag:s17] =	ssyncadd.s32 $0xFFFFF000  }
0x55: {  	[spmem:s2] =	stream.indirect.scatter.add.f32 [tilespmem:s15], [sflag:$0x3], $0x20, s20, s18, $0xb8;
	[tilespmem:$0xD400] =	vst v63  }
0x56: {  	_ =	swait.ge [sflag:s12], $0x1000  }
0x57: {  	[sflag:s12] =	ssyncset.done $0x0  }
0x58: {  	[sflag:s12] =	ssyncadd.s32 $0xFFFFF000  }
0x59: {  	_ =	swait.ge [sflag:s19], $0x1000  }
0x5a: {  	[sflag:s19] =	ssyncset.done $0x0  }
0x5b: {  	[sflag:s19] =	ssyncadd.s32 $0xFFFFF000  }
0x5c: {  	[spmem:s2] =	stream.indirect.scatter.add.f32 [tilespmem:s16], [sflag:$0x3], $0x20, s21, s18, $0xb8;
	[tilespmem:$0xD400] =	vst v63  }
0x5d: {  	_ =	swait.ge [sflag:s12], $0x1000  }
0x5e: {  	[sflag:s12] =	ssyncset.done $0x0  }
0x5f: {  	[sflag:s12] =	ssyncadd.s32 $0xFFFFF000  }
0x60: {  	[bflag:$0x0] =	sbarrier.arrive $0xFFFF  }
0x61: {  	[tilespmem:s22], [sflag:$0x3] =	stream.linear.gather [spmem:s5], $0x5000, $0x38;
	[tilespmem:$0xD400] =	vst v63  }
0x62: {  	s24 =	sadd.s32 $0x1, s24;
	_ =	swait.ge [sflag:s12], $0x5000  }
0x63: {  	p0 =	sne.s32 s24, s8;
	[sflag:s12] =	ssyncset.done $0x0  }
.Ltmp1:
0x64: {  	[sflag:s12] =	ssyncadd.s32 $0xFFFFB000;
	(pc) =	sbr.rel @p0 .LBB2_1-.Ltmp1, $4  }
0x65: {  	[hbm4b:s23+s3] =	stream.linear.scatter [tilespmem:s22], [sflag:$0x3], $0x5000, $0x38;
	[tilespmem:$0xD400] =	vst v63  }
0x66: {  	_ =	swait.ge [sflag:s12], $0x5000  }
0x67: {  	[sflag:s12] =	ssyncset.done $0x0  }
0x68: {  	[sflag:s12] =	ssyncadd.s32 $0xFFFFB000  }
0x69: {  	_ =	sfence.sel $0x180000  }
0x6a: {  	[bflag:$0x0] =	sbarrier.arrive $0xFFFF  }
0x6b: {  	p0 =	sne.s32 s0, $0x0;
	_ =	strace $0x90000053  }
0x6c: {  	s0 =	sadd.s32 @!p0 $0x100000, s1;
	[bflag:$0x2] =	sbarrier.arrive $0xFFFF  }
0x6d: {  	[sflag:s0] =	ssyncadd.tile.s32 @!p0 $0x1;
	_ =	shalt  }
.Lfunc_end2:
_tile_overlayer_lowered:
.L_overlay_start_2:
0x6e: {  	(tag) =	ssettag $0x2  }
0x6f: {  	s0 =	rddreg [dreg:$0x0];
	s2 =	stileid.u32  }
0x70: {  	s1 =	rddreg [dreg:$0x1];
	p0 =	sne.s32 s2, $0x0  }
0x71: {  	s3 =	rddreg [dreg:$0x2];
	[bflag:$0x3] =	sbarrier.arrive $0xFFFF;
	s2 =	simm.s32 @!p0 $0x1C03  }
0x72: {  	[timem:s3], [sflag:s2] =	dma.local @!p0 [hbm:s0], s1  }
0x73: {  	s0 =	simm.s32 @!p0 $0x3  }
0x74: {  	_ =	swait.ge @!p0 [sflag:s0], s1  }
0x75: {  	s1 =	ssub.s32 @!p0 $0x0, s1;
	[sflag:s0] =	ssyncset.done @!p0 $0x0  }
0x76: {  	[sflag:s0] =	ssyncadd.s32 @!p0 s1  }
0x77: {  	[bflag:$0x3] =	sbarrier.arrive $0xFFFF  }
0x78: {  	_ =	shalt  }

// kernel: kernel.44.cloned.1.call-start
scs
__scs_entry_jumppad:
0x0: {  	(pc) =	sbr.rel $0x88, $3  }
0x1: {  	(tag) =	ssettag $0x0;
	lr =	simm.s32 $0x1  }
0x2: {  	[smem:$0x3F92] =	sst lr;
	_ =	strace $0xD0000000  }
0x3: {  	_ = 	snop  }
0x4: {  	_ = 	snop  }
0x5: {  	_ = 	snop  }
0x6: {  	_ = 	snop  }
0x7: {  	_ = 	snop  }
__scs_overlays_trampoline_lowered:
0x8: {  	[smem:$0x3FA1] =	sst s0  }
0x9: {  	[smem:$0x3FA2] =	sst s1  }
0xa: {  	[smem:$0x3FA3] =	sst s2  }
0xb: {  	[smem:$0x3FA4] =	sst s3  }
0xc: {  	[smem:$0x3FA5] =	sst s4  }
0xd: {  	[smem:$0x3FA6] =	sst s5  }
0xe: {  	[smem:$0x3FA7] =	sst s6  }
0xf: {  	[smem:$0x3FA8] =	sst s7  }
0x10: {  	[smem:$0x3FA9] =	sst s8  }
0x11: {  	[smem:$0x3FAA] =	sst s9;
	s0 =	simm.s32 @!p0 $0x0  }
0x12: {  	s1 =	sld [smem:$0x3F90];
	s0 =	simm.s32 @p0 $0x1  }
0x13: {  	[smem:$0x3FAB] =	sst s0;
	s0 =	simm.s32 @!p1 $0x0  }
0x14: {  	s2 =	sld [smem:$0x3F8F];
	s0 =	simm.s32 @p1 $0x1  }
0x15: {  	[smem:$0x3FAC] =	sst s0;
	s0 =	simm.s32 @!p2 $0x0  }
0x16: {  	s3 =	sld [smem:$0x3FDB];
	s0 =	simm.s32 @p2 $0x1  }
0x17: {  	s4 =	simm.s32 $0x1BF5;
	[smem:$0x3FAE] =	sst s0  }
0x18: {  	s0 =	sld [smem:$0x3F91];
	_ =	swait.ge [sflag:s4], $0x0  }
0x19: {  	s7 =	sld [smem:$0x3F92]  }
0x1a: {  	s8 =	sadd.s32 $0xFFFFE003, lr  }
0x1b: {  	s9 =	sadd.s32 $0xFFFFFEF7, lr;
	s5 =	simm.s32 $0xFFFFFFFF;
	p2 =	slt.u32 s8, $0xFFFFF086  }
0x1c: {  	p1 =	slt.u32 s9, $0xF7A;
	s5 =	simm.s32 @!p2 $0x0  }
0x1d: {  	s5 =	simm.s32 @p1 $0x1;
	p0 =	seq.s32 s7, s2  }
0x1e: {  	s7 =	smul.u32 @!p0 $0xF7A, s2;
	p2 =	seq.s32 @!p0 s5, $0x0  }
0x1f: {  	s9 =	smul.u32 $0xF7A, s1;
	s8 =	simm.s32 @!p0 $0x1BF5;
	p2 =	por !p2, p0  }
0x20: {  	[sflag:s8] =	ssyncset.s32 @!p0 $0xFFFFF086;
	s6 =	sadd.s32 @!p0 s3, s7;
	s7 =	simm.s32 @!p0 $0x108  }
0x21: {  	s3 =	sadd.s32 s3, s9;
	s6 =	sadd.s32 @!p0 $0x88, s6;
	s7 =	simm.s32 @p2 $0x1082  }
0x22: {  	[simem:s7], [sflag:s8] =	dma.local @!p0 [hbm:s6], $0xF7A  }
0x23: {  	s9 =	sor.u32 $0xD0000000, s2;
	s6 =	simm.s32 $0x108;
	_ =	swait.ge @!p0 [sflag:s8], $0x0  }
0x24: {  	s3 =	sadd.s32 $0x88, s3;
	s6 =	simm.s32 @!p1 $0x1082;
	[sflag:s4] =	ssyncset.s32 $0xFFFFF086  }
0x25: {  	[simem:s6], [sflag:s4] =	dma.local [hbm:s3], $0xF7A  }
0x26: {  	[smem:$0x3F92] =	sst s1;
	(tag) =	ssettag s2;
	_ =	strace s9  }
0x27: {  	s1 =	sld [smem:$0x3FA2]  }
0x28: {  	s2 =	sld [smem:$0x3FA3]  }
0x29: {  	s4 =	sld [smem:$0x3FA5]  }
0x2a: {  	p0 =	seq.s32 s5, $0x0;
	s5 =	sld [smem:$0x3FA6]  }
0x2b: {  	s6 =	sld [smem:$0x3FA7]  }
0x2c: {  	s7 =	sld [smem:$0x3FA8]  }
0x2d: {  	s3 =	simm.s32 $0x108;
	s8 =	sld [smem:$0x3FA9]  }
0x2e: {  	s3 =	simm.s32 @!p0 $0x1082;
	s9 =	sld [smem:$0x3FAA]  }
0x2f: {  	lr =	sadd.s32 s0, s3;
	s0 =	sld [smem:$0x3FA1]  }
0x30: {  	s3 =	sld [smem:$0x3FA4]  }
0x31: {  	[smem:$0x3FAD] =	sst s10  }
0x32: {  	s10 =	sld [smem:$0x3FAB];
	_ =	sdelay $0x3  }
0x33: {  	p0 =	seq.s32 s10, $0x1;
	s10 =	sld [smem:$0x3FAD];
	_ =	sdelay $0x3  }
0x34: {  	[smem:$0x3FAD] =	sst s10  }
0x35: {  	s10 =	sld [smem:$0x3FAC];
	_ =	sdelay $0x3  }
0x36: {  	p1 =	seq.s32 s10, $0x1;
	s10 =	sld [smem:$0x3FAD];
	_ =	sdelay $0x3  }
0x37: {  	[smem:$0x3FAD] =	sst s10  }
0x38: {  	s10 =	sld [smem:$0x3FAE]  }
0x39: {  	_ = 	snop;
	(pc) =	sbr.ind lr, $3  }
0x3a: {  	_ = 	snop  }
0x3b: {  	_ = 	snop  }
0x3c: {  	p2 =	seq.s32 s10, $0x1;
	s10 =	sld [smem:$0x3FAD]  }
0x3d: {  	_ =	shalt  }
0x3e: {  	_ =	shalt  }
0x3f: {  	_ =	shalt  }
0x40: {  	_ =	shalt  }
0x41: {  	_ =	shalt  }
0x42: {  	_ =	shalt  }
0x43: {  	_ =	shalt  }
0x44: {  	_ =	shalt  }
0x45: {  	_ =	shalt  }
0x46: {  	_ =	shalt  }
0x47: {  	_ =	shalt  }
0x48: {  	_ =	shalt  }
0x49: {  	_ =	shalt  }
0x4a: {  	_ =	shalt  }
0x4b: {  	_ =	shalt  }
0x4c: {  	_ =	shalt  }
0x4d: {  	_ =	shalt  }
0x4e: {  	_ =	shalt  }
0x4f: {  	_ =	shalt  }
0x50: {  	_ =	shalt  }
0x51: {  	_ =	shalt  }
0x52: {  	_ =	shalt  }
0x53: {  	_ =	shalt  }
0x54: {  	_ =	shalt  }
0x55: {  	_ =	shalt  }
0x56: {  	_ =	shalt  }
0x57: {  	_ =	shalt  }
0x58: {  	_ =	shalt  }
0x59: {  	_ =	shalt  }
0x5a: {  	_ =	shalt  }
0x5b: {  	_ =	shalt  }
0x5c: {  	_ =	shalt  }
0x5d: {  	_ =	shalt  }
0x5e: {  	_ =	shalt  }
0x5f: {  	_ =	shalt  }
0x60: {  	_ =	shalt  }
0x61: {  	_ =	shalt  }
0x62: {  	_ =	shalt  }
0x63: {  	_ =	shalt  }
0x64: {  	_ =	shalt  }
0x65: {  	_ =	shalt  }
0x66: {  	_ =	shalt  }
0x67: {  	_ =	shalt  }
0x68: {  	_ =	shalt  }
0x69: {  	_ =	shalt  }
0x6a: {  	_ =	shalt  }
0x6b: {  	_ =	shalt  }
0x6c: {  	_ =	shalt  }
0x6d: {  	_ =	shalt  }
0x6e: {  	_ =	shalt  }
0x6f: {  	_ =	shalt  }
0x70: {  	_ =	shalt  }
0x71: {  	_ =	shalt  }
0x72: {  	_ =	shalt  }
0x73: {  	_ =	shalt  }
0x74: {  	_ =	shalt  }
0x75: {  	_ =	shalt  }
0x76: {  	_ =	shalt  }
0x77: {  	_ =	shalt  }
0x78: {  	_ =	shalt  }
0x79: {  	_ =	shalt  }
0x7a: {  	_ =	shalt  }
0x7b: {  	_ =	shalt  }
0x7c: {  	_ =	shalt  }
0x7d: {  	_ =	shalt  }
0x7e: {  	_ =	shalt  }
0x7f: {  	_ =	shalt  }
0x80: {  	_ =	shalt  }
0x81: {  	_ =	shalt  }
0x82: {  	_ =	shalt  }
0x83: {  	_ =	shalt  }
0x84: {  	_ =	shalt  }
0x85: {  	_ =	shalt  }
0x86: {  	_ =	shalt  }
0x87: {  	_ =	shalt  }
.Lfunc_end0:
.L_simem_size_0:
called_computation.5_lowered:
.L_overlay_start_0:
0x88: {  	s2 =	sld [smem:$0x3FD9]  }
0x89: {  	s3 =	sld [smem:$0x3FFE];
	_ =	sdelay $0x1  }
0x8a: {  	s1 =	srdreg.scid  }
0x8b: {  	s0 =	sand.u32 $0x1, s1  }
0x8c: {  	s17 =	sshll.u32 s0, $0xA;
	s2 =	sadd.s32 s3, s2  }
0x8d: {  	s2 =	sadd.s32 s2, s17  }
0x8e: {  	[smem:$0x3FB9] =	sst s2  }
0x8f: {  	_ = 	snop  }
0x90: {  	s2 =	sld [smem:$0x3FD0];
	(tm) =	ssettm $0x1  }
0x91: {  	s18 =	sld [smem:$0x3FFB];
	_ =	sdelay $0x3  }
0x92: {  	_ =	strace s18  }
0x93: {  	s3 =	sld [smem:$0x3FFC];
	_ =	sdelay $0x3  }
0x94: {  	_ =	strace s3  }
0x95: {  	s3 =	sld [smem:$0x3FFD];
	_ =	sdelay $0x3  }
0x96: {  	_ =	strace s3  }
0x97: {  	_ =	strace $0x8FFFFFFF  }
0x98: {  	s19 =	sld [smem:$0x3FDB];
	_ =	sdelay $0x1  }
0x99: {  	s4 =	simm.s32 $_scs_section_size  }
0x9a: {  	s5 =	simm.s32 $_size__tile_overlayer_lowered;
	s6 =	simm.s32 $_tile_overlayer_lowered  }
0x9b: {  	s22 =	simm.s32 $0x1BFF;
	s21 =	sshll.u32 s6, $0x1;
	s3 =	sadd.s32 s4, s19  }
0x9c: {  	s7 =	simm.s32 $0x0;
	s20 =	sshll.u32 s5, $0x1;
	s5 =	sadd.s32 s21, s3  }
0x9d: {  	[timem:s7], [sflag:s22] =	dma.local [hbm:s5], s20  }
0x9e: {  	_ =	swait.ge [sflag:s22], s20  }
0x9f: {  	s4 =	ssub.s32 $0x0, s20;
	[sflag:s22] =	ssyncset.done $0x0  }
0xa0: {  	[sflag:s22] =	ssyncadd.s32 s4;
	_ =	sdelay $0x1  }
0xa1: {  	s23 =	simm.s32 $0x1B8B  }
0xa2: {  	_ =	swait.ge [sflag:s23], $0x1  }
0xa3: {  	[sflag:s23] =	ssyncset.done $0x0  }
0xa4: {  	s25 =	simm.s32 $0x1B8E;
	s24 =	sld [smem:$0x3FFE];
	[sflag:s23] =	ssyncadd.s32 $0xFFFFFFFF  }
0xa5: {  	s26 =	simm.s32 $execute0_lowered;
	[smem:$0x3FD2] =	sst s25  }
0xa6: {  	s5 =	sshll.u32 s26, $0x1;
	_ =	strace $0x80000055;
	[dreg:$0x1] =	wrdreg $0xFFFFFFFF  }
0xa7: {  	s28 =	simm.s32 $_size_execute0_lowered;
	s3 =	sadd.s32 s3, s5;
	[dreg:$0x0] =	wrdreg $0x0  }
0xa8: {  	s5 =	sshll.u32 s28, $0x1;
	[dreg:$0x2] =	wrdreg s3  }
0xa9: {  	[dreg:$0x3] =	wrdreg s5  }
0xaa: {  	[dreg:$0x4] =	wrdreg $0xC0  }
0xab: {  	_ =	task [dreg:s7], $0x5FFFF  }
0xac: {  	[dreg:$0x1] =	wrdreg $0xFFFFFFFF  }
0xad: {  	[dreg:$0x0] =	wrdreg $0x60  }
0xae: {  	[dreg:$0x2] =	wrdreg s2  }
0xaf: {  	[dreg:$0x3] =	wrdreg s24  }
0xb0: {  	[dreg:$0x4] =	wrdreg $0x9  }
0xb1: {  	_ =	task.clear_ibuf [dreg:s7], $0x5FFFF;
	_ =	strace $0x90000055  }
0xb2: {  	s29 =	simm.s32 $0x9;
	_ =	strace $0x80000057  }
0xb3: {  	_ =	swait.ge [sflag:s29], $0x1  }
0xb4: {  	[sflag:s29] =	ssyncadd.s32 $0xFFFFFFFF  }
0xb5: {  	_ =	strace $0x90000057  }
0xb6: {  	_ =	sfence  }
0xb7: {  	s30 =	sld [smem:$0x0];
	_ =	sdelay $0x2  }
0xb8: {  	s31 =	sshll.u32 s1, $0xD;
	s1 =	sshrl.u32 s1, $0x2  }
0xb9: {  	s3 =	sand.u32 $0x4000, s31;
	s1 =	sadd.s32 s1, s30  }
0xba: {  	s0 =	sor.u32 s3, s0;
	s1 =	sshll.u32 s1, $0x11  }
0xbb: {  	s0 =	sor.u32 s1, s0  }
0xbc: {  	s0 =	sadd.s32 $0x8F2B, s0  }
0xbd: {  	[sflag:s0] =	ssyncadd.remote.s32 $0x1  }
0xbe: {  	_ =	sfence.sel $0xFFFF  }
0xbf: {  	[dreg:$0x0] =	wrdreg $0xFFFFFFFF;
	(pc) =	sbr.abs _section_cstart, $3  }
0xc0: {  	[dreg:$0x1] =	wrdreg $0xFFFFFFFF  }
0xc1: {  	_ =	task.clear_ibuf [dreg:s7], $0x2FFFF;
	_ =	strace $0x9FFFFFFF  }
0xc2: {  	(tm) =	ssettm $0x7FFFFFFF  }
0xc3: {  	_ =	shalt  }
tec
execute0_lowered:
.L_overlay_start_1:
0x0: {  	(tag) =	ssettag $0x1  }
0x1: {  	s2 =	rddreg [dreg:$0x0];
	s1 =	srdreg.scid  }
0x2: {  	s0 =	stileid.u32;
	s4 =	rddreg [dreg:$0x1]  }
0x3: {  	s3 =	simm.s32 $0x0;
	s14 =	simm.s32 $0x1;
	s10 =	smul.u32 $0x50000, s0  }
0x4: {  	s15 =	simm.s32 $0x2;
	s5 =	sand.u32 $0x1, s1;
	s25 =	smul.u32 $0x2800, s0  }
0x5: {  	s16 =	simm.s32 $0x1380;
	s6 =	sshll.u32 s0, $0x1;
	s12 =	smul.u32 $0x28000, s5  }
0x6: {  	s1 =	rddreg [dreg:$0x2];
	s6 =	sor.u32 s5, s6;
	s28 =	smul.u32 $0x1400, s5  }
0x7: {  	s17 =	simm.s32 $0x0;
	[smem:$0x7FF] =	sst s3;
	s7 =	smul.u32 $0x1400, s6  }
0x8: {  	s13 =	sadd.s32 $0x3BC00, s4;
	s9 =	ssub.s32 $0x2, s5;
	s8 =	smul.u32 $0x28000, s6  }
0x9: {  	_ =	strace $0x80000056;
	s11 =	sshrl.u32 s9, $0x1;
	s29 =	smul.u32 $0x5000, s6  }
0xa: {  	s9 =	ssub.s32 s9, s11;
	s30 =	sadd.s32 s12, s10;
	s12 =	simm.s32 $0x1400  }
0xb: {  	s7 =	sshrl.u32 s7, $0x3;
	s26 =	sshrl.u32 s8, $0x3;
	s5 =	smax.u32 s9, $0x1  }
0xc: {  	s8 =	sadd.s32 s28, s25;
	s9 =	sadd.s32 s13, s29;
	s10 =	sshrl.u32 s30, $0x3  }
0xd: {  	s7 =	sadd.s32 s7, s4;
	s11 =	sshll.u32 s8, $0x2;
	s8 =	sadd.s32 s10, s13  }
0xe: {  	s10 =	simm.s32 $0x3;
	s4 =	sadd.s32 $0x36C00, s7;
	s7 =	sadd.s32 s13, s26  }
0xf: {  	s31 =	sadd.s32 s11, s13;
	s11 =	simm.s32 $0x80;
	s13 =	simm.s32 $0x2400  }
0x10: {  	s6 =	sadd.s32 $0x4C00, s7;
	s7 =	sadd.s32 $0x4E00, s9;
	s9 =	sadd.s32 $0x200, s31  }
.LBB2_1:
0x11: {  	[tilespmem:s3], [sflag:$0x3] =	stream.linear.gather [hbm4b:s4+s3], $0x1400, $0x38;
	[tilespmem:$0x3400] =	vst v63  }
0x12: {  	_ =	swait.ge [sflag:s10], $0x1400  }
0x13: {  	[sflag:s10] =	ssyncset.done $0x0  }
0x14: {  	[sflag:s10] =	ssyncadd.s32 $0xFFFFEC00  }
0x15: {  	[tilespmem:s12], [sflag:$0x1] =	stream.indirect.gather [hbm4b:s2+s11], $0x20, s3, s11, $0xb8;
	[tilespmem:$0x3400] =	vst v63  }
0x16: {  	s18 =	simm.s32 $0x80  }
0x17: {  	[tilespmem:s13], [sflag:$0x2] =	stream.indirect.gather [hbm4b:s2+s11], $0x20, s18, s11, $0xb8;
	[tilespmem:$0x3400] =	vst v63  }
0x18: {  	_ =	swait.ge [sflag:s14], $0x1000  }
0x19: {  	[sflag:s14] =	ssyncset.done $0x0  }
0x1a: {  	s29 =	sadd.s32 $0x0, s8;
	[sflag:s14] =	ssyncadd.s32 $0xFFFFF000  }
0x1b: {  	[hbm4b:s29+s3] =	stream.linear.scatter [tilespmem:s12], [sflag:$0x3], $0x1000, $0x38;
	[tilespmem:$0x3400] =	vst v63  }
0x1c: {  	_ =	swait.ge [sflag:s10], $0x1000  }
0x1d: {  	[sflag:s10] =	ssyncset.done $0x0  }
0x1e: {  	s30 =	simm.s32 $0x100;
	[sflag:s10] =	ssyncadd.s32 $0xFFFFF000  }
0x1f: {  	[tilespmem:s12], [sflag:$0x1] =	stream.indirect.gather [hbm4b:s2+s11], $0x20, s30, s11, $0xb8;
	[tilespmem:$0x3400] =	vst v63  }
0x20: {  	_ =	swait.ge [sflag:s15], $0x1000  }
0x21: {  	[sflag:s15] =	ssyncset.done $0x0  }
0x22: {  	s31 =	sadd.s32 $0x0, s9;
	[sflag:s15] =	ssyncadd.s32 $0xFFFFF000  }
0x23: {  	[hbm4b:s31+s3] =	stream.linear.scatter [tilespmem:s13], [sflag:$0x3], $0x1000, $0x38;
	[tilespmem:$0x3400] =	vst v63  }
0x24: {  	s20 =	simm.s32 $0x800;
	_ =	swait.ge [sflag:s10], $0x1000  }
0x25: {  	s19 =	simm.s32 $0x100;
	s18 =	simm.s32 $0x400;
	[sflag:s10] =	ssyncset.done $0x0  }
.LBB2_2:
0x26: {  	s21 =	sadd.s32 $0x80, s19  }
0x27: {  	[sflag:s10] =	ssyncadd.s32 $0xFFFFF000;
	s22 =	smov.u32 s20;
	s23 =	sadd.s32 $0x400, s20  }
0x28: {  	[tilespmem:s13], [sflag:$0x2] =	stream.indirect.gather [hbm4b:s2+s11], $0x20, s21, s11, $0xb8;
	[tilespmem:$0x3400] =	vst v63  }
0x29: {  	p0 =	sne.s32 s20, $0x4800;
	_ =	swait.ge [sflag:s14], $0x1000  }
0x2a: {  	[sflag:s14] =	ssyncset.done $0x0  }
0x2b: {  	s20 =	sadd.s32 s18, s8;
	[sflag:s14] =	ssyncadd.s32 $0xFFFFF000  }
0x2c: {  	[hbm4b:s20+s3] =	stream.linear.scatter [tilespmem:s12], [sflag:$0x3], $0x1000, $0x38;
	[tilespmem:$0x3400] =	vst v63  }
0x2d: {  	_ =	swait.ge [sflag:s10], $0x1000  }
0x2e: {  	[sflag:s10] =	ssyncset.done $0x0  }
0x2f: {  	s19 =	sadd.s32 $0x100, s19;
	[sflag:s10] =	ssyncadd.s32 $0xFFFFF000  }
0x30: {  	[tilespmem:s12], [sflag:$0x1] =	stream.indirect.gather [hbm4b:s2+s11], $0x20, s19, s11, $0xb8;
	[tilespmem:$0x3400] =	vst v63  }
0x31: {  	_ =	swait.ge [sflag:s15], $0x1000  }
.Ltmp0:
0x32: {  	[sflag:s15] =	ssyncset.done $0x0;
	(pc) =	sbr.rel @p0 .LBB2_2-.Ltmp0, $4  }
0x33: {  	s19 =	sadd.s32 s18, s9;
	s18 =	smov.u32 s22;
	[sflag:s15] =	ssyncadd.s32 $0xFFFFF000  }
0x34: {  	[hbm4b:s19+s3] =	stream.linear.scatter [tilespmem:s13], [sflag:$0x3], $0x1000, $0x38;
	[tilespmem:$0x3400] =	vst v63  }
0x35: {  	_ =	swait.ge [sflag:s10], $0x1000  }
0x36: {  	s20 =	smov.u32 s23;
	s19 =	sshra.s32 s18, $0x2;
	[sflag:s10] =	ssyncset.done $0x0  }
0x37: {  	s20 =	sadd.s32 $0x80, s19;
	[sflag:s10] =	ssyncadd.s32 $0xFFFFF000  }
0x38: {  	[tilespmem:s13], [sflag:$0x2] =	stream.indirect.gather [hbm4b:s2+s11], $0x20, s20, s11, $0xb8;
	[tilespmem:$0x3400] =	vst v63  }
0x39: {  	_ =	swait.ge [sflag:s14], $0x1000  }
0x3a: {  	[sflag:s14] =	ssyncset.done $0x0  }
0x3b: {  	s29 =	sadd.s32 s18, s8;
	[sflag:s14] =	ssyncadd.s32 $0xFFFFF000  }
0x3c: {  	[hbm4b:s29+s3] =	stream.linear.scatter [tilespmem:s12], [sflag:$0x3], $0x1000, $0x38;
	[tilespmem:$0x3400] =	vst v63  }
0x3d: {  	_ =	swait.ge [sflag:s10], $0x1000  }
0x3e: {  	[sflag:s10] =	ssyncset.done $0x0  }
0x3f: {  	s30 =	sadd.s32 $0x100, s19;
	[sflag:s10] =	ssyncadd.s32 $0xFFFFF000  }
0x40: {  	[tilespmem:s12], [sflag:$0x1] =	stream.indirect.gather [hbm4b:s2+s11], $0x20, s30, s11, $0xb8;
	[tilespmem:$0x3400] =	vst v63  }
0x41: {  	_ =	swait.ge [sflag:s15], $0x1000  }
0x42: {  	[sflag:s15] =	ssyncset.done $0x0  }
0x43: {  	s31 =	sadd.s32 s18, s9;
	[sflag:s15] =	ssyncadd.s32 $0xFFFFF000  }
0x44: {  	[hbm4b:s31+s3] =	stream.linear.scatter [tilespmem:s13], [sflag:$0x3], $0x1000, $0x38;
	[tilespmem:$0x3400] =	vst v63  }
0x45: {  	_ =	swait.ge [sflag:s10], $0x1000  }
0x46: {  	[sflag:s10] =	ssyncset.done $0x0  }
0x47: {  	[sflag:s10] =	ssyncadd.s32 $0xFFFFF000  }
0x48: {  	[tilespmem:s13], [sflag:$0x2] =	stream.indirect.gather [hbm4b:s2+s11], $0x20, s16, s11, $0xb8;
	[tilespmem:$0x3400] =	vst v63  }
0x49: {  	_ =	swait.ge [sflag:s14], $0x1000  }
0x4a: {  	[sflag:s14] =	ssyncset.done $0x0  }
0x4b: {  	[sflag:s14] =	ssyncadd.s32 $0xFFFFF000  }
0x4c: {  	[hbm4b:s6+s3] =	stream.linear.scatter [tilespmem:s12], [sflag:$0x3], $0x1000, $0x38;
	[tilespmem:$0x3400] =	vst v63  }
0x4d: {  	_ =	swait.ge [sflag:s10], $0x1000  }
0x4e: {  	[sflag:s10] =	ssyncset.done $0x0  }
0x4f: {  	[sflag:s10] =	ssyncadd.s32 $0xFFFFF000  }
0x50: {  	s17 =	sadd.s32 $0x1, s17;
	_ =	swait.ge [sflag:s15], $0x1000  }
0x51: {  	p0 =	sne.s32 s17, s5;
	[sflag:s15] =	ssyncset.done $0x0  }
.Ltmp1:
0x52: {  	[sflag:s15] =	ssyncadd.s32 $0xFFFFF000;
	(pc) =	sbr.rel @p0 .LBB2_1-.Ltmp1, $4  }
0x53: {  	[hbm4b:s7+s3] =	stream.linear.scatter [tilespmem:s13], [sflag:$0x3], $0x1000, $0x38;
	[tilespmem:$0x3400] =	vst v63  }
0x54: {  	_ =	swait.ge [sflag:s10], $0x1000  }
0x55: {  	[sflag:s10] =	ssyncset.done $0x0  }
0x56: {  	[sflag:s10] =	ssyncadd.s32 $0xFFFFF000  }
0x57: {  	_ =	sfence.sel $0x180000  }
0x58: {  	[bflag:$0x0] =	sbarrier.arrive $0xFFFF  }
0x59: {  	p0 =	sne.s32 s0, $0x0;
	_ =	strace $0x90000056  }
0x5a: {  	s0 =	sadd.s32 @!p0 $0x100000, s1;
	[bflag:$0x2] =	sbarrier.arrive $0xFFFF  }
0x5b: {  	[sflag:s0] =	ssyncadd.tile.s32 @!p0 $0x1;
	_ =	shalt  }
.Lfunc_end2:
_tile_overlayer_lowered:
.L_overlay_start_2:
0x5c: {  	(tag) =	ssettag $0x2  }
0x5d: {  	s0 =	rddreg [dreg:$0x0];
	s2 =	stileid.u32  }
0x5e: {  	s1 =	rddreg [dreg:$0x1];
	p0 =	sne.s32 s2, $0x0  }
0x5f: {  	s3 =	rddreg [dreg:$0x2];
	[bflag:$0x3] =	sbarrier.arrive $0xFFFF;
	s2 =	simm.s32 @!p0 $0x1C03  }
0x60: {  	[timem:s3], [sflag:s2] =	dma.local @!p0 [hbm:s0], s1  }
0x61: {  	s0 =	simm.s32 @!p0 $0x3  }
0x62: {  	_ =	swait.ge @!p0 [sflag:s0], s1  }
0x63: {  	s1 =	ssub.s32 @!p0 $0x0, s1;
	[sflag:s0] =	ssyncset.done @!p0 $0x0  }
0x64: {  	[sflag:s0] =	ssyncadd.s32 @!p0 s1  }
0x65: {  	[bflag:$0x3] =	sbarrier.arrive $0xFFFF  }
0x66: {  	_ =	shalt  }

// kernel: kernel.47.cloned.1.call-start
scs
__scs_entry_jumppad:
0x0: {  	(pc) =	sbr.rel $0x88, $3  }
0x1: {  	(tag) =	ssettag $0x0;
	lr =	simm.s32 $0x1  }
0x2: {  	[smem:$0x3F92] =	sst lr;
	_ =	strace $0xD0000000  }
0x3: {  	_ = 	snop  }
0x4: {  	_ = 	snop  }
0x5: {  	_ = 	snop  }
0x6: {  	_ = 	snop  }
0x7: {  	_ = 	snop  }
__scs_overlays_trampoline_lowered:
0x8: {  	[smem:$0x3FA1] =	sst s0  }
0x9: {  	[smem:$0x3FA2] =	sst s1  }
0xa: {  	[smem:$0x3FA3] =	sst s2  }
0xb: {  	[smem:$0x3FA4] =	sst s3  }
0xc: {  	[smem:$0x3FA5] =	sst s4  }
0xd: {  	[smem:$0x3FA6] =	sst s5  }
0xe: {  	[smem:$0x3FA7] =	sst s6  }
0xf: {  	[smem:$0x3FA8] =	sst s7  }
0x10: {  	[smem:$0x3FA9] =	sst s8  }
0x11: {  	[smem:$0x3FAA] =	sst s9;
	s0 =	simm.s32 @!p0 $0x0  }
0x12: {  	s1 =	sld [smem:$0x3F90];
	s0 =	simm.s32 @p0 $0x1  }
0x13: {  	[smem:$0x3FAB] =	sst s0;
	s0 =	simm.s32 @!p1 $0x0  }
0x14: {  	s2 =	sld [smem:$0x3F8F];
	s0 =	simm.s32 @p1 $0x1  }
0x15: {  	[smem:$0x3FAC] =	sst s0;
	s0 =	simm.s32 @!p2 $0x0  }
0x16: {  	s3 =	sld [smem:$0x3FDB];
	s0 =	simm.s32 @p2 $0x1  }
0x17: {  	s4 =	simm.s32 $0x1BF5;
	[smem:$0x3FAE] =	sst s0  }
0x18: {  	s0 =	sld [smem:$0x3F91];
	_ =	swait.ge [sflag:s4], $0x0  }
0x19: {  	s7 =	sld [smem:$0x3F92]  }
0x1a: {  	s8 =	sadd.s32 $0xFFFFE003, lr  }
0x1b: {  	s9 =	sadd.s32 $0xFFFFFEF7, lr;
	s5 =	simm.s32 $0xFFFFFFFF;
	p2 =	slt.u32 s8, $0xFFFFF086  }
0x1c: {  	p1 =	slt.u32 s9, $0xF7A;
	s5 =	simm.s32 @!p2 $0x0  }
0x1d: {  	s5 =	simm.s32 @p1 $0x1;
	p0 =	seq.s32 s7, s2  }
0x1e: {  	s7 =	smul.u32 @!p0 $0xF7A, s2;
	p2 =	seq.s32 @!p0 s5, $0x0  }
0x1f: {  	s9 =	smul.u32 $0xF7A, s1;
	s8 =	simm.s32 @!p0 $0x1BF5;
	p2 =	por !p2, p0  }
0x20: {  	[sflag:s8] =	ssyncset.s32 @!p0 $0xFFFFF086;
	s6 =	sadd.s32 @!p0 s3, s7;
	s7 =	simm.s32 @!p0 $0x108  }
0x21: {  	s3 =	sadd.s32 s3, s9;
	s6 =	sadd.s32 @!p0 $0x88, s6;
	s7 =	simm.s32 @p2 $0x1082  }
0x22: {  	[simem:s7], [sflag:s8] =	dma.local @!p0 [hbm:s6], $0xF7A  }
0x23: {  	s9 =	sor.u32 $0xD0000000, s2;
	s6 =	simm.s32 $0x108;
	_ =	swait.ge @!p0 [sflag:s8], $0x0  }
0x24: {  	s3 =	sadd.s32 $0x88, s3;
	s6 =	simm.s32 @!p1 $0x1082;
	[sflag:s4] =	ssyncset.s32 $0xFFFFF086  }
0x25: {  	[simem:s6], [sflag:s4] =	dma.local [hbm:s3], $0xF7A  }
0x26: {  	[smem:$0x3F92] =	sst s1;
	(tag) =	ssettag s2;
	_ =	strace s9  }
0x27: {  	s1 =	sld [smem:$0x3FA2]  }
0x28: {  	s2 =	sld [smem:$0x3FA3]  }
0x29: {  	s4 =	sld [smem:$0x3FA5]  }
0x2a: {  	p0 =	seq.s32 s5, $0x0;
	s5 =	sld [smem:$0x3FA6]  }
0x2b: {  	s6 =	sld [smem:$0x3FA7]  }
0x2c: {  	s7 =	sld [smem:$0x3FA8]  }
0x2d: {  	s3 =	simm.s32 $0x108;
	s8 =	sld [smem:$0x3FA9]  }
0x2e: {  	s3 =	simm.s32 @!p0 $0x1082;
	s9 =	sld [smem:$0x3FAA]  }
0x2f: {  	lr =	sadd.s32 s0, s3;
	s0 =	sld [smem:$0x3FA1]  }
0x30: {  	s3 =	sld [smem:$0x3FA4]  }
0x31: {  	[smem:$0x3FAD] =	sst s10  }
0x32: {  	s10 =	sld [smem:$0x3FAB];
	_ =	sdelay $0x3  }
0x33: {  	p0 =	seq.s32 s10, $0x1;
	s10 =	sld [smem:$0x3FAD];
	_ =	sdelay $0x3  }
0x34: {  	[smem:$0x3FAD] =	sst s10  }
0x35: {  	s10 =	sld [smem:$0x3FAC];
	_ =	sdelay $0x3  }
0x36: {  	p1 =	seq.s32 s10, $0x1;
	s10 =	sld [smem:$0x3FAD];
	_ =	sdelay $0x3  }
0x37: {  	[smem:$0x3FAD] =	sst s10  }
0x38: {  	s10 =	sld [smem:$0x3FAE]  }
0x39: {  	_ = 	snop;
	(pc) =	sbr.ind lr, $3  }
0x3a: {  	_ = 	snop  }
0x3b: {  	_ = 	snop  }
0x3c: {  	p2 =	seq.s32 s10, $0x1;
	s10 =	sld [smem:$0x3FAD]  }
0x3d: {  	_ =	shalt  }
0x3e: {  	_ =	shalt  }
0x3f: {  	_ =	shalt  }
0x40: {  	_ =	shalt  }
0x41: {  	_ =	shalt  }
0x42: {  	_ =	shalt  }
0x43: {  	_ =	shalt  }
0x44: {  	_ =	shalt  }
0x45: {  	_ =	shalt  }
0x46: {  	_ =	shalt  }
0x47: {  	_ =	shalt  }
0x48: {  	_ =	shalt  }
0x49: {  	_ =	shalt  }
0x4a: {  	_ =	shalt  }
0x4b: {  	_ =	shalt  }
0x4c: {  	_ =	shalt  }
0x4d: {  	_ =	shalt  }
0x4e: {  	_ =	shalt  }
0x4f: {  	_ =	shalt  }
0x50: {  	_ =	shalt  }
0x51: {  	_ =	shalt  }
0x52: {  	_ =	shalt  }
0x53: {  	_ =	shalt  }
0x54: {  	_ =	shalt  }
0x55: {  	_ =	shalt  }
0x56: {  	_ =	shalt  }
0x57: {  	_ =	shalt  }
0x58: {  	_ =	shalt  }
0x59: {  	_ =	shalt  }
0x5a: {  	_ =	shalt  }
0x5b: {  	_ =	shalt  }
0x5c: {  	_ =	shalt  }
0x5d: {  	_ =	shalt  }
0x5e: {  	_ =	shalt  }
0x5f: {  	_ =	shalt  }
0x60: {  	_ =	shalt  }
0x61: {  	_ =	shalt  }
0x62: {  	_ =	shalt  }
0x63: {  	_ =	shalt  }
0x64: {  	_ =	shalt  }
0x65: {  	_ =	shalt  }
0x66: {  	_ =	shalt  }
0x67: {  	_ =	shalt  }
0x68: {  	_ =	shalt  }
0x69: {  	_ =	shalt  }
0x6a: {  	_ =	shalt  }
0x6b: {  	_ =	shalt  }
0x6c: {  	_ =	shalt  }
0x6d: {  	_ =	shalt  }
0x6e: {  	_ =	shalt  }
0x6f: {  	_ =	shalt  }
0x70: {  	_ =	shalt  }
0x71: {  	_ =	shalt  }
0x72: {  	_ =	shalt  }
0x73: {  	_ =	shalt  }
0x74: {  	_ =	shalt  }
0x75: {  	_ =	shalt  }
0x76: {  	_ =	shalt  }
0x77: {  	_ =	shalt  }
0x78: {  	_ =	shalt  }
0x79: {  	_ =	shalt  }
0x7a: {  	_ =	shalt  }
0x7b: {  	_ =	shalt  }
0x7c: {  	_ =	shalt  }
0x7d: {  	_ =	shalt  }
0x7e: {  	_ =	shalt  }
0x7f: {  	_ =	shalt  }
0x80: {  	_ =	shalt  }
0x81: {  	_ =	shalt  }
0x82: {  	_ =	shalt  }
0x83: {  	_ =	shalt  }
0x84: {  	_ =	shalt  }
0x85: {  	_ =	shalt  }
0x86: {  	_ =	shalt  }
0x87: {  	_ =	shalt  }
.Lfunc_end0:
.L_simem_size_0:
called_computation.6_lowered:
.L_overlay_start_0:
0x88: {  	s2 =	sld [smem:$0x3FD9]  }
0x89: {  	s3 =	sld [smem:$0x3FFE];
	_ =	sdelay $0x1  }
0x8a: {  	s1 =	srdreg.scid  }
0x8b: {  	s0 =	sand.u32 $0x1, s1  }
0x8c: {  	s16 =	sshll.u32 s0, $0xA;
	s2 =	sadd.s32 s3, s2  }
0x8d: {  	s2 =	sadd.s32 s2, s16  }
0x8e: {  	[smem:$0x3FB9] =	sst s2  }
0x8f: {  	_ = 	snop  }
0x90: {  	(tm) =	ssettm $0x1  }
0x91: {  	s17 =	sld [smem:$0x3FFB];
	_ =	sdelay $0x3  }
0x92: {  	_ =	strace s17  }
0x93: {  	s2 =	sld [smem:$0x3FFC];
	_ =	sdelay $0x3  }
0x94: {  	_ =	strace s2  }
0x95: {  	s2 =	sld [smem:$0x3FFD];
	_ =	sdelay $0x3  }
0x96: {  	_ =	strace s2  }
0x97: {  	_ =	strace $0x8FFFFFFF  }
0x98: {  	s18 =	sld [smem:$0x3FDB];
	_ =	sdelay $0x1  }
0x99: {  	s19 =	simm.s32 $_scs_section_size  }
0x9a: {  	s4 =	simm.s32 $_size__tile_overlayer_lowered;
	s5 =	simm.s32 $_tile_overlayer_lowered  }
0x9b: {  	s22 =	simm.s32 $0x1BFF;
	s21 =	sshll.u32 s5, $0x1;
	s2 =	sadd.s32 s19, s18  }
0x9c: {  	s6 =	simm.s32 $0x0;
	s20 =	sshll.u32 s4, $0x1;
	s4 =	sadd.s32 s21, s2  }
0x9d: {  	[timem:s6], [sflag:s22] =	dma.local [hbm:s4], s20  }
0x9e: {  	_ =	swait.ge [sflag:s22], s20  }
0x9f: {  	s3 =	ssub.s32 $0x0, s20;
	[sflag:s22] =	ssyncset.done $0x0  }
0xa0: {  	[sflag:s22] =	ssyncadd.s32 s3;
	_ =	sdelay $0x1  }
0xa1: {  	s23 =	simm.s32 $0x1B8B  }
0xa2: {  	_ =	swait.ge [sflag:s23], $0x1  }
0xa3: {  	[sflag:s23] =	ssyncset.done $0x0  }
0xa4: {  	s25 =	simm.s32 $0x1B8E;
	s24 =	sld [smem:$0x3FFE];
	[sflag:s23] =	ssyncadd.s32 $0xFFFFFFFF  }
0xa5: {  	s26 =	simm.s32 $execute0_lowered;
	[smem:$0x3FD2] =	sst s25  }
0xa6: {  	s4 =	sshll.u32 s26, $0x1;
	_ =	strace $0x80000058;
	[dreg:$0x1] =	wrdreg $0xFFFFFFFF  }
0xa7: {  	s28 =	simm.s32 $_size_execute0_lowered;
	s2 =	sadd.s32 s2, s4;
	[dreg:$0x0] =	wrdreg $0x0  }
0xa8: {  	s4 =	sshll.u32 s28, $0x1;
	[dreg:$0x2] =	wrdreg s2  }
0xa9: {  	[dreg:$0x3] =	wrdreg s4  }
0xaa: {  	[dreg:$0x4] =	wrdreg $0xC0  }
0xab: {  	_ =	task [dreg:s6], $0x5FFFF  }
0xac: {  	[dreg:$0x1] =	wrdreg $0xFFFFFFFF  }
0xad: {  	[dreg:$0x0] =	wrdreg $0x60  }
0xae: {  	[dreg:$0x2] =	wrdreg s24  }
0xaf: {  	[dreg:$0x3] =	wrdreg $0x84000  }
0xb0: {  	[dreg:$0x4] =	wrdreg $0x9  }
0xb1: {  	_ =	task.clear_ibuf [dreg:s6], $0x5FFFF;
	_ =	strace $0x90000058  }
0xb2: {  	s29 =	simm.s32 $0x9;
	_ =	strace $0x8000005A  }
0xb3: {  	_ =	swait.ge [sflag:s29], $0x1  }
0xb4: {  	[sflag:s29] =	ssyncadd.s32 $0xFFFFFFFF  }
0xb5: {  	_ =	strace $0x9000005A  }
0xb6: {  	_ =	sfence  }
0xb7: {  	s30 =	sld [smem:$0x0];
	_ =	sdelay $0x2  }
0xb8: {  	s31 =	sshll.u32 s1, $0xD;
	s1 =	sshrl.u32 s1, $0x2  }
0xb9: {  	s3 =	sand.u32 $0x4000, s31;
	s1 =	sadd.s32 s1, s30  }
0xba: {  	s0 =	sor.u32 s3, s0;
	s1 =	sshll.u32 s1, $0x11  }
0xbb: {  	s0 =	sor.u32 s1, s0  }
0xbc: {  	s0 =	sadd.s32 $0x8F2B, s0  }
0xbd: {  	[sflag:s0] =	ssyncadd.remote.s32 $0x1  }
0xbe: {  	_ =	sfence.sel $0xFFFF  }
0xbf: {  	[dreg:$0x0] =	wrdreg $0xFFFFFFFF;
	(pc) =	sbr.abs _section_cstart, $3  }
0xc0: {  	[dreg:$0x1] =	wrdreg $0xFFFFFFFF  }
0xc1: {  	_ =	task.clear_ibuf [dreg:s6], $0x2FFFF;
	_ =	strace $0x9FFFFFFF  }
0xc2: {  	(tm) =	ssettm $0x7FFFFFFF  }
0xc3: {  	_ =	shalt  }
tec
execute0_lowered:
.L_overlay_start_1:
0x0: {  	(tag) =	ssettag $0x1  }
0x1: {  	s1 =	srdreg.scid  }
0x2: {  	s0 =	stileid.u32;
	s4 =	rddreg [dreg:$0x0]  }
0x3: {  	s2 =	rddreg [dreg:$0x1];
	s3 =	simm.s32 $0x0;
	s8 =	smul.u32 $0x5000, s0  }
0x4: {  	s17 =	simm.s32 $0x1;
	s18 =	simm.s32 $0x80;
	s12 =	smul.u32 $0x50000, s0  }
0x5: {  	s19 =	simm.s32 $0x2;
	s6 =	sand.u32 $0x1, s1;
	s16 =	smul.u32 $0x2800, s0  }
0x6: {  	s20 =	sshll.u32 s0, $0x1;
	s1 =	rddreg [dreg:$0x2];
	s9 =	smul.u32 $0xA000, s6  }
0x7: {  	[smem:$0x7FF] =	sst s3;
	s11 =	sadd.s32 $0x3BC00, s4;
	s15 =	smul.u32 $0x28000, s6  }
0x8: {  	s31 =	sshll.u32 s0, $0x6;
	s5 =	sor.u32 s6, s20;
	s22 =	smul.u32 $0x1400, s6  }
0x9: {  	_ =	strace $0x80000059;
	s21 =	ssub.s32 $0x2, s6;
	s7 =	smul.u32 $0x1400, s5  }
0xa: {  	s20 =	simm.s32 $0x1300;
	s10 =	smul.u32 $0x5000, s5;
	s23 =	sshrl.u32 s8, $0x3  }
0xb: {  	s14 =	sshrl.u32 s21, $0x1;
	s5 =	sadd.s32 s8, s2;
	s13 =	sadd.s32 s23, s4  }
0xc: {  	s9 =	sadd.s32 s9, s4;
	s14 =	ssub.s32 s21, s14;
	s25 =	sadd.s32 s15, s12  }
0xd: {  	s28 =	sadd.s32 s22, s16;
	s12 =	simm.s32 $0x3;
	s15 =	simm.s32 $0x1400  }
0xe: {  	s16 =	simm.s32 $0x2400;
	s21 =	simm.s32 $0x1380;
	s22 =	simm.s32 $0x3400  }
0xf: {  	s7 =	sshrl.u32 s7, $0x3;
	s6 =	sadd.s32 $0xE0C00, s13;
	s24 =	sadd.s32 $0x2DEC00, s9  }
0x10: {  	s26 =	sor.u32 $0x2000, s25;
	s8 =	smax.u32 s14, $0x1;
	s30 =	sshll.u32 s28, $0x2  }
0x11: {  	s13 =	sor.u32 $0x1C03, s31;
	s14 =	sshrl.u32 s5, $0x3;
	s7 =	sadd.s32 s7, s4  }
0x12: {  	s29 =	sshrl.u32 s26, $0x3;
	s23 =	sadd.s32 s23, s24;
	s4 =	sadd.s32 $0xDBC00, s7  }
0x13: {  	s7 =	sadd.s32 s11, s10;
	s10 =	sadd.s32 s29, s11;
	s11 =	sadd.s32 s30, s11  }
0x14: {  	s24 =	simm.s32 $0x0;
	s9 =	sadd.s32 $0x4E00, s7;
	s11 =	sadd.s32 $0x200, s11  }
.LBB2_1:
0x15: {  	[tilespmem:s3], [sflag:$0x3] =	stream.linear.gather [hbm4b:s4+s3], $0x1400, $0x38;
	[tilespmem:$0xD400] =	vst v63  }
0x16: {  	_ =	swait.ge [sflag:s12], $0x1400  }
0x17: {  	[sflag:s12] =	ssyncset.done $0x0  }
0x18: {  	[sflag:s12] =	ssyncadd.s32 $0xFFFFEC00  }
0x19: {  	[spmem:s14], [sflag:s13] =	dma.local [hbm:s6], $0xA00  }
0x1a: {  	_ =	swait.ge [sflag:s12], $0xA00  }
0x1b: {  	[sflag:s12] =	ssyncset.done $0x0  }
0x1c: {  	[sflag:s12] =	ssyncadd.s32 $0xFFFFF600  }
0x1d: {  	[bflag:$0x0] =	sbarrier.arrive $0xFFFF  }
0x1e: {  	[tilespmem:s15], [sflag:$0x1] =	stream.linear.gather [hbm4b:s7+s3], $0x1000, $0x38;
	[tilespmem:$0xD400] =	vst v63  }
0x1f: {  	s25 =	sadd.s32 $0x0, s11  }
0x20: {  	[tilespmem:s16], [sflag:$0x2] =	stream.linear.gather [hbm4b:s25+s3], $0x1000, $0x38;
	[tilespmem:$0xD400] =	vst v63  }
0x21: {  	_ =	swait.ge [sflag:s17], $0x1000  }
0x22: {  	[sflag:s17] =	ssyncset.done $0x0  }
0x23: {  	s29 =	simm.s32 $0x0;
	[sflag:s17] =	ssyncadd.s32 $0xFFFFF000  }
0x24: {  	[spmem:s2] =	stream.indirect.scatter.add.f32 [tilespmem:s15], [sflag:$0x3], $0x20, s29, s18, $0xb8;
	[tilespmem:$0xD400] =	vst v63  }
0x25: {  	_ =	swait.ge [sflag:s12], $0x1000  }
0x26: {  	[sflag:s12] =	ssyncset.done $0x0  }
0x27: {  	s30 =	sadd.s32 $0x0, s10;
	[sflag:s12] =	ssyncadd.s32 $0xFFFFF000  }
0x28: {  	[tilespmem:s15], [sflag:$0x1] =	stream.linear.gather [hbm4b:s30+s3], $0x1000, $0x38;
	[tilespmem:$0xD400] =	vst v63  }
0x29: {  	_ =	swait.ge [sflag:s19], $0x1000  }
0x2a: {  	[sflag:s19] =	ssyncset.done $0x0  }
0x2b: {  	s31 =	simm.s32 $0x80;
	[sflag:s19] =	ssyncadd.s32 $0xFFFFF000  }
0x2c: {  	[spmem:s2] =	stream.indirect.scatter.add.f32 [tilespmem:s16], [sflag:$0x3], $0x20, s31, s18, $0xb8;
	[tilespmem:$0xD400] =	vst v63  }
0x2d: {  	_ =	swait.ge [sflag:s12], $0x1000  }
0x2e: {  	s26 =	simm.s32 $0x800;
	s25 =	simm.s32 $0x400;
	[sflag:s12] =	ssyncset.done $0x0  }
.LBB2_2:
0x2f: {  	s28 =	sadd.s32 s25, s11  }
0x30: {  	[sflag:s12] =	ssyncadd.s32 $0xFFFFF000;
	s29 =	smov.u32 s26;
	s30 =	sadd.s32 $0x400, s26  }
0x31: {  	[tilespmem:s16], [sflag:$0x2] =	stream.linear.gather [hbm4b:s28+s3], $0x1000, $0x38;
	[tilespmem:$0xD400] =	vst v63  }
0x32: {  	p0 =	sne.s32 s26, $0x4800;
	_ =	swait.ge [sflag:s17], $0x1000  }
0x33: {  	[sflag:s17] =	ssyncset.done $0x0  }
0x34: {  	s26 =	sshra.s32 s25, $0x2;
	[sflag:s17] =	ssyncadd.s32 $0xFFFFF000  }
0x35: {  	[spmem:s2] =	stream.indirect.scatter.add.f32 [tilespmem:s15], [sflag:$0x3], $0x20, s26, s18, $0xb8;
	[tilespmem:$0xD400] =	vst v63  }
0x36: {  	_ =	swait.ge [sflag:s12], $0x1000  }
0x37: {  	[sflag:s12] =	ssyncset.done $0x0  }
0x38: {  	s28 =	sadd.s32 s25, s10;
	s25 =	smov.u32 s29;
	[sflag:s12] =	ssyncadd.s32 $0xFFFFF000  }
0x39: {  	[tilespmem:s15], [sflag:$0x1] =	stream.linear.gather [hbm4b:s28+s3], $0x1000, $0x38;
	[tilespmem:$0xD400] =	vst v63  }
0x3a: {  	_ =	swait.ge [sflag:s19], $0x1000  }
.Ltmp0:
0x3b: {  	[sflag:s19] =	ssyncset.done $0x0;
	(pc) =	sbr.rel @p0 .LBB2_2-.Ltmp0, $4  }
0x3c: {  	s26 =	sadd.s32 $0x80, s26;
	[sflag:s19] =	ssyncadd.s32 $0xFFFFF000  }
0x3d: {  	[spmem:s2] =	stream.indirect.scatter.add.f32 [tilespmem:s16], [sflag:$0x3], $0x20, s26, s18, $0xb8;
	[tilespmem:$0xD400] =	vst v63  }
0x3e: {  	_ =	swait.ge [sflag:s12], $0x1000  }
0x3f: {  	s26 =	smov.u32 s30;
	[sflag:s12] =	ssyncset.done $0x0  }
0x40: {  	s26 =	sadd.s32 s25, s11;
	[sflag:s12] =	ssyncadd.s32 $0xFFFFF000  }
0x41: {  	[tilespmem:s16], [sflag:$0x2] =	stream.linear.gather [hbm4b:s26+s3], $0x1000, $0x38;
	[tilespmem:$0xD400] =	vst v63  }
0x42: {  	_ =	swait.ge [sflag:s17], $0x1000  }
0x43: {  	[sflag:s17] =	ssyncset.done $0x0  }
0x44: {  	s29 =	sshra.s32 s25, $0x2;
	[sflag:s17] =	ssyncadd.s32 $0xFFFFF000  }
0x45: {  	[spmem:s2] =	stream.indirect.scatter.add.f32 [tilespmem:s15], [sflag:$0x3], $0x20, s29, s18, $0xb8;
	[tilespmem:$0xD400] =	vst v63  }
0x46: {  	_ =	swait.ge [sflag:s12], $0x1000  }
0x47: {  	[sflag:s12] =	ssyncset.done $0x0  }
0x48: {  	s30 =	sadd.s32 s25, s10;
	[sflag:s12] =	ssyncadd.s32 $0xFFFFF000  }
0x49: {  	[tilespmem:s15], [sflag:$0x1] =	stream.linear.gather [hbm4b:s30+s3], $0x1000, $0x38;
	[tilespmem:$0xD400] =	vst v63  }
0x4a: {  	_ =	swait.ge [sflag:s19], $0x1000  }
0x4b: {  	[sflag:s19] =	ssyncset.done $0x0  }
0x4c: {  	s31 =	sadd.s32 $0x80, s29;
	[sflag:s19] =	ssyncadd.s32 $0xFFFFF000  }
0x4d: {  	[spmem:s2] =	stream.indirect.scatter.add.f32 [tilespmem:s16], [sflag:$0x3], $0x20, s31, s18, $0xb8;
	[tilespmem:$0xD400] =	vst v63  }
0x4e: {  	_ =	swait.ge [sflag:s12], $0x1000  }
0x4f: {  	[sflag:s12] =	ssyncset.done $0x0  }
0x50: {  	[sflag:s12] =	ssyncadd.s32 $0xFFFFF000  }
0x51: {  	[tilespmem:s16], [sflag:$0x2] =	stream.linear.gather [hbm4b:s9+s3], $0x1000, $0x38;
	[tilespmem:$0xD400] =	vst v63  }
0x52: {  	_ =	swait.ge [sflag:s17], $0x1000  }
0x53: {  	[sflag:s17] =	ssyncset.done $0x0  }
0x54: {  	[sflag:s17] =	ssyncadd.s32 $0xFFFFF000  }
0x55: {  	[spmem:s2] =	stream.indirect.scatter.add.f32 [tilespmem:s15], [sflag:$0x3], $0x20, s20, s18, $0xb8;
	[tilespmem:$0xD400] =	vst v63  }
0x56: {  	_ =	swait.ge [sflag:s12], $0x1000  }
0x57: {  	[sflag:s12] =	ssyncset.done $0x0  }
0x58: {  	[sflag:s12] =	ssyncadd.s32 $0xFFFFF000  }
0x59: {  	_ =	swait.ge [sflag:s19], $0x1000  }
0x5a: {  	[sflag:s19] =	ssyncset.done $0x0  }
0x5b: {  	[sflag:s19] =	ssyncadd.s32 $0xFFFFF000  }
0x5c: {  	[spmem:s2] =	stream.indirect.scatter.add.f32 [tilespmem:s16], [sflag:$0x3], $0x20, s21, s18, $0xb8;
	[tilespmem:$0xD400] =	vst v63  }
0x5d: {  	_ =	swait.ge [sflag:s12], $0x1000  }
0x5e: {  	[sflag:s12] =	ssyncset.done $0x0  }
0x5f: {  	[sflag:s12] =	ssyncadd.s32 $0xFFFFF000  }
0x60: {  	[bflag:$0x0] =	sbarrier.arrive $0xFFFF  }
0x61: {  	[tilespmem:s22], [sflag:$0x3] =	stream.linear.gather [spmem:s5], $0x5000, $0x38;
	[tilespmem:$0xD400] =	vst v63  }
0x62: {  	s24 =	sadd.s32 $0x1, s24;
	_ =	swait.ge [sflag:s12], $0x5000  }
0x63: {  	p0 =	sne.s32 s24, s8;
	[sflag:s12] =	ssyncset.done $0x0  }
.Ltmp1:
0x64: {  	[sflag:s12] =	ssyncadd.s32 $0xFFFFB000;
	(pc) =	sbr.rel @p0 .LBB2_1-.Ltmp1, $4  }
0x65: {  	[hbm4b:s23+s3] =	stream.linear.scatter [tilespmem:s22], [sflag:$0x3], $0x5000, $0x38;
	[tilespmem:$0xD400] =	vst v63  }
0x66: {  	_ =	swait.ge [sflag:s12], $0x5000  }
0x67: {  	[sflag:s12] =	ssyncset.done $0x0  }
0x68: {  	[sflag:s12] =	ssyncadd.s32 $0xFFFFB000  }
0x69: {  	_ =	sfence.sel $0x180000  }
0x6a: {  	[bflag:$0x0] =	sbarrier.arrive $0xFFFF  }
0x6b: {  	p0 =	sne.s32 s0, $0x0;
	_ =	strace $0x90000059  }
0x6c: {  	s0 =	sadd.s32 @!p0 $0x100000, s1;
	[bflag:$0x2] =	sbarrier.arrive $0xFFFF  }
0x6d: {  	[sflag:s0] =	ssyncadd.tile.s32 @!p0 $0x1;
	_ =	shalt  }
.Lfunc_end2:
_tile_overlayer_lowered:
.L_overlay_start_2:
0x6e: {  	(tag) =	ssettag $0x2  }
0x6f: {  	s0 =	rddreg [dreg:$0x0];
	s2 =	stileid.u32  }
0x70: {  	s1 =	rddreg [dreg:$0x1];
	p0 =	sne.s32 s2, $0x0  }
0x71: {  	s3 =	rddreg [dreg:$0x2];
	[bflag:$0x3] =	sbarrier.arrive $0xFFFF;
	s2 =	simm.s32 @!p0 $0x1C03  }
0x72: {  	[timem:s3], [sflag:s2] =	dma.local @!p0 [hbm:s0], s1  }
0x73: {  	s0 =	simm.s32 @!p0 $0x3  }
0x74: {  	_ =	swait.ge @!p0 [sflag:s0], s1  }
0x75: {  	s1 =	ssub.s32 @!p0 $0x0, s1;
	[sflag:s0] =	ssyncset.done @!p0 $0x0  }
0x76: {  	[sflag:s0] =	ssyncadd.s32 @!p0 s1  }
0x77: {  	[bflag:$0x3] =	sbarrier.arrive $0xFFFF  }
0x78: {  	_ =	shalt  }

// kernel: kernel.50.cloned.1.call-start
scs
__scs_entry_jumppad:
0x0: {  	(pc) =	sbr.rel $0x88, $3  }
0x1: {  	(tag) =	ssettag $0x0;
	lr =	simm.s32 $0x1  }
0x2: {  	[smem:$0x3F92] =	sst lr;
	_ =	strace $0xD0000000  }
0x3: {  	_ = 	snop  }
0x4: {  	_ = 	snop  }
0x5: {  	_ = 	snop  }
0x6: {  	_ = 	snop  }
0x7: {  	_ = 	snop  }
__scs_overlays_trampoline_lowered:
0x8: {  	[smem:$0x3FA1] =	sst s0  }
0x9: {  	[smem:$0x3FA2] =	sst s1  }
0xa: {  	[smem:$0x3FA3] =	sst s2  }
0xb: {  	[smem:$0x3FA4] =	sst s3  }
0xc: {  	[smem:$0x3FA5] =	sst s4  }
0xd: {  	[smem:$0x3FA6] =	sst s5  }
0xe: {  	[smem:$0x3FA7] =	sst s6  }
0xf: {  	[smem:$0x3FA8] =	sst s7  }
0x10: {  	[smem:$0x3FA9] =	sst s8  }
0x11: {  	[smem:$0x3FAA] =	sst s9;
	s0 =	simm.s32 @!p0 $0x0  }
0x12: {  	s1 =	sld [smem:$0x3F90];
	s0 =	simm.s32 @p0 $0x1  }
0x13: {  	[smem:$0x3FAB] =	sst s0;
	s0 =	simm.s32 @!p1 $0x0  }
0x14: {  	s2 =	sld [smem:$0x3F8F];
	s0 =	simm.s32 @p1 $0x1  }
0x15: {  	[smem:$0x3FAC] =	sst s0;
	s0 =	simm.s32 @!p2 $0x0  }
0x16: {  	s3 =	sld [smem:$0x3FDB];
	s0 =	simm.s32 @p2 $0x1  }
0x17: {  	s4 =	simm.s32 $0x1BF5;
	[smem:$0x3FAE] =	sst s0  }
0x18: {  	s0 =	sld [smem:$0x3F91];
	_ =	swait.ge [sflag:s4], $0x0  }
0x19: {  	s7 =	sld [smem:$0x3F92]  }
0x1a: {  	s8 =	sadd.s32 $0xFFFFE003, lr  }
0x1b: {  	s9 =	sadd.s32 $0xFFFFFEF7, lr;
	s5 =	simm.s32 $0xFFFFFFFF;
	p2 =	slt.u32 s8, $0xFFFFF086  }
0x1c: {  	p1 =	slt.u32 s9, $0xF7A;
	s5 =	simm.s32 @!p2 $0x0  }
0x1d: {  	s5 =	simm.s32 @p1 $0x1;
	p0 =	seq.s32 s7, s2  }
0x1e: {  	s7 =	smul.u32 @!p0 $0xF7A, s2;
	p2 =	seq.s32 @!p0 s5, $0x0  }
0x1f: {  	s9 =	smul.u32 $0xF7A, s1;
	s8 =	simm.s32 @!p0 $0x1BF5;
	p2 =	por !p2, p0  }
0x20: {  	[sflag:s8] =	ssyncset.s32 @!p0 $0xFFFFF086;
	s6 =	sadd.s32 @!p0 s3, s7;
	s7 =	simm.s32 @!p0 $0x108  }
0x21: {  	s3 =	sadd.s32 s3, s9;
	s6 =	sadd.s32 @!p0 $0x88, s6;
	s7 =	simm.s32 @p2 $0x1082  }
0x22: {  	[simem:s7], [sflag:s8] =	dma.local @!p0 [hbm:s6], $0xF7A  }
0x23: {  	s9 =	sor.u32 $0xD0000000, s2;
	s6 =	simm.s32 $0x108;
	_ =	swait.ge @!p0 [sflag:s8], $0x0  }
0x24: {  	s3 =	sadd.s32 $0x88, s3;
	s6 =	simm.s32 @!p1 $0x1082;
	[sflag:s4] =	ssyncset.s32 $0xFFFFF086  }
0x25: {  	[simem:s6], [sflag:s4] =	dma.local [hbm:s3], $0xF7A  }
0x26: {  	[smem:$0x3F92] =	sst s1;
	(tag) =	ssettag s2;
	_ =	strace s9  }
0x27: {  	s1 =	sld [smem:$0x3FA2]  }
0x28: {  	s2 =	sld [smem:$0x3FA3]  }
0x29: {  	s4 =	sld [smem:$0x3FA5]  }
0x2a: {  	p0 =	seq.s32 s5, $0x0;
	s5 =	sld [smem:$0x3FA6]  }
0x2b: {  	s6 =	sld [smem:$0x3FA7]  }
0x2c: {  	s7 =	sld [smem:$0x3FA8]  }
0x2d: {  	s3 =	simm.s32 $0x108;
	s8 =	sld [smem:$0x3FA9]  }
0x2e: {  	s3 =	simm.s32 @!p0 $0x1082;
	s9 =	sld [smem:$0x3FAA]  }
0x2f: {  	lr =	sadd.s32 s0, s3;
	s0 =	sld [smem:$0x3FA1]  }
0x30: {  	s3 =	sld [smem:$0x3FA4]  }
0x31: {  	[smem:$0x3FAD] =	sst s10  }
0x32: {  	s10 =	sld [smem:$0x3FAB];
	_ =	sdelay $0x3  }
0x33: {  	p0 =	seq.s32 s10, $0x1;
	s10 =	sld [smem:$0x3FAD];
	_ =	sdelay $0x3  }
0x34: {  	[smem:$0x3FAD] =	sst s10  }
0x35: {  	s10 =	sld [smem:$0x3FAC];
	_ =	sdelay $0x3  }
0x36: {  	p1 =	seq.s32 s10, $0x1;
	s10 =	sld [smem:$0x3FAD];
	_ =	sdelay $0x3  }
0x37: {  	[smem:$0x3FAD] =	sst s10  }
0x38: {  	s10 =	sld [smem:$0x3FAE]  }
0x39: {  	_ = 	snop;
	(pc) =	sbr.ind lr, $3  }
0x3a: {  	_ = 	snop  }
0x3b: {  	_ = 	snop  }
0x3c: {  	p2 =	seq.s32 s10, $0x1;
	s10 =	sld [smem:$0x3FAD]  }
0x3d: {  	_ =	shalt  }
0x3e: {  	_ =	shalt  }
0x3f: {  	_ =	shalt  }
0x40: {  	_ =	shalt  }
0x41: {  	_ =	shalt  }
0x42: {  	_ =	shalt  }
0x43: {  	_ =	shalt  }
0x44: {  	_ =	shalt  }
0x45: {  	_ =	shalt  }
0x46: {  	_ =	shalt  }
0x47: {  	_ =	shalt  }
0x48: {  	_ =	shalt  }
0x49: {  	_ =	shalt  }
0x4a: {  	_ =	shalt  }
0x4b: {  	_ =	shalt  }
0x4c: {  	_ =	shalt  }
0x4d: {  	_ =	shalt  }
0x4e: {  	_ =	shalt  }
0x4f: {  	_ =	shalt  }
0x50: {  	_ =	shalt  }
0x51: {  	_ =	shalt  }
0x52: {  	_ =	shalt  }
0x53: {  	_ =	shalt  }
0x54: {  	_ =	shalt  }
0x55: {  	_ =	shalt  }
0x56: {  	_ =	shalt  }
0x57: {  	_ =	shalt  }
0x58: {  	_ =	shalt  }
0x59: {  	_ =	shalt  }
0x5a: {  	_ =	shalt  }
0x5b: {  	_ =	shalt  }
0x5c: {  	_ =	shalt  }
0x5d: {  	_ =	shalt  }
0x5e: {  	_ =	shalt  }
0x5f: {  	_ =	shalt  }
0x60: {  	_ =	shalt  }
0x61: {  	_ =	shalt  }
0x62: {  	_ =	shalt  }
0x63: {  	_ =	shalt  }
0x64: {  	_ =	shalt  }
0x65: {  	_ =	shalt  }
0x66: {  	_ =	shalt  }
0x67: {  	_ =	shalt  }
0x68: {  	_ =	shalt  }
0x69: {  	_ =	shalt  }
0x6a: {  	_ =	shalt  }
0x6b: {  	_ =	shalt  }
0x6c: {  	_ =	shalt  }
0x6d: {  	_ =	shalt  }
0x6e: {  	_ =	shalt  }
0x6f: {  	_ =	shalt  }
0x70: {  	_ =	shalt  }
0x71: {  	_ =	shalt  }
0x72: {  	_ =	shalt  }
0x73: {  	_ =	shalt  }
0x74: {  	_ =	shalt  }
0x75: {  	_ =	shalt  }
0x76: {  	_ =	shalt  }
0x77: {  	_ =	shalt  }
0x78: {  	_ =	shalt  }
0x79: {  	_ =	shalt  }
0x7a: {  	_ =	shalt  }
0x7b: {  	_ =	shalt  }
0x7c: {  	_ =	shalt  }
0x7d: {  	_ =	shalt  }
0x7e: {  	_ =	shalt  }
0x7f: {  	_ =	shalt  }
0x80: {  	_ =	shalt  }
0x81: {  	_ =	shalt  }
0x82: {  	_ =	shalt  }
0x83: {  	_ =	shalt  }
0x84: {  	_ =	shalt  }
0x85: {  	_ =	shalt  }
0x86: {  	_ =	shalt  }
0x87: {  	_ =	shalt  }
.Lfunc_end0:
.L_simem_size_0:
called_computation.7_lowered:
.L_overlay_start_0:
0x88: {  	s2 =	sld [smem:$0x3FD9]  }
0x89: {  	s3 =	sld [smem:$0x3FFE];
	_ =	sdelay $0x1  }
0x8a: {  	s1 =	srdreg.scid  }
0x8b: {  	s0 =	sand.u32 $0x1, s1  }
0x8c: {  	s17 =	sshll.u32 s0, $0xA;
	s2 =	sadd.s32 s3, s2  }
0x8d: {  	s2 =	sadd.s32 s2, s17  }
0x8e: {  	[smem:$0x3FB9] =	sst s2  }
0x8f: {  	_ = 	snop  }
0x90: {  	s2 =	sld [smem:$0x3FD0];
	(tm) =	ssettm $0x1  }
0x91: {  	s18 =	sld [smem:$0x3FFB];
	_ =	sdelay $0x3  }
0x92: {  	_ =	strace s18  }
0x93: {  	s3 =	sld [smem:$0x3FFC];
	_ =	sdelay $0x3  }
0x94: {  	_ =	strace s3  }
0x95: {  	s3 =	sld [smem:$0x3FFD];
	_ =	sdelay $0x3  }
0x96: {  	_ =	strace s3  }
0x97: {  	_ =	strace $0x8FFFFFFF  }
0x98: {  	s19 =	sld [smem:$0x3FDB];
	_ =	sdelay $0x1  }
0x99: {  	s4 =	simm.s32 $_scs_section_size  }
0x9a: {  	s5 =	simm.s32 $_size__tile_overlayer_lowered;
	s6 =	simm.s32 $_tile_overlayer_lowered  }
0x9b: {  	s22 =	simm.s32 $0x1BFF;
	s21 =	sshll.u32 s6, $0x1;
	s3 =	sadd.s32 s4, s19  }
0x9c: {  	s7 =	simm.s32 $0x0;
	s20 =	sshll.u32 s5, $0x1;
	s5 =	sadd.s32 s21, s3  }
0x9d: {  	[timem:s7], [sflag:s22] =	dma.local [hbm:s5], s20  }
0x9e: {  	_ =	swait.ge [sflag:s22], s20  }
0x9f: {  	s4 =	ssub.s32 $0x0, s20;
	[sflag:s22] =	ssyncset.done $0x0  }
0xa0: {  	[sflag:s22] =	ssyncadd.s32 s4;
	_ =	sdelay $0x1  }
0xa1: {  	s23 =	simm.s32 $0x1B8B  }
0xa2: {  	_ =	swait.ge [sflag:s23], $0x1  }
0xa3: {  	[sflag:s23] =	ssyncset.done $0x0  }
0xa4: {  	s25 =	simm.s32 $0x1B8E;
	s24 =	sld [smem:$0x3FFE];
	[sflag:s23] =	ssyncadd.s32 $0xFFFFFFFF  }
0xa5: {  	s26 =	simm.s32 $execute0_lowered;
	[smem:$0x3FD2] =	sst s25  }
0xa6: {  	s5 =	sshll.u32 s26, $0x1;
	_ =	strace $0x8000005B;
	[dreg:$0x1] =	wrdreg $0xFFFFFFFF  }
0xa7: {  	s28 =	simm.s32 $_size_execute0_lowered;
	s3 =	sadd.s32 s3, s5;
	[dreg:$0x0] =	wrdreg $0x0  }
0xa8: {  	s5 =	sshll.u32 s28, $0x1;
	[dreg:$0x2] =	wrdreg s3  }
0xa9: {  	[dreg:$0x3] =	wrdreg s5  }
0xaa: {  	[dreg:$0x4] =	wrdreg $0xC0  }
0xab: {  	_ =	task [dreg:s7], $0x5FFFF  }
0xac: {  	[dreg:$0x1] =	wrdreg $0xFFFFFFFF  }
0xad: {  	[dreg:$0x0] =	wrdreg $0x60  }
0xae: {  	[dreg:$0x2] =	wrdreg s2  }
0xaf: {  	[dreg:$0x3] =	wrdreg s24  }
0xb0: {  	[dreg:$0x4] =	wrdreg $0x9  }
0xb1: {  	_ =	task.clear_ibuf [dreg:s7], $0x5FFFF;
	_ =	strace $0x9000005B  }
0xb2: {  	s29 =	simm.s32 $0x9;
	_ =	strace $0x8000005D  }
0xb3: {  	_ =	swait.ge [sflag:s29], $0x1  }
0xb4: {  	[sflag:s29] =	ssyncadd.s32 $0xFFFFFFFF  }
0xb5: {  	_ =	strace $0x9000005D  }
0xb6: {  	_ =	sfence  }
0xb7: {  	s30 =	sld [smem:$0x0];
	_ =	sdelay $0x2  }
0xb8: {  	s31 =	sshll.u32 s1, $0xD;
	s1 =	sshrl.u32 s1, $0x2  }
0xb9: {  	s3 =	sand.u32 $0x4000, s31;
	s1 =	sadd.s32 s1, s30  }
0xba: {  	s0 =	sor.u32 s3, s0;
	s1 =	sshll.u32 s1, $0x11  }
0xbb: {  	s0 =	sor.u32 s1, s0  }
0xbc: {  	s0 =	sadd.s32 $0x8F2B, s0  }
0xbd: {  	[sflag:s0] =	ssyncadd.remote.s32 $0x1  }
0xbe: {  	_ =	sfence.sel $0xFFFF  }
0xbf: {  	[dreg:$0x0] =	wrdreg $0xFFFFFFFF;
	(pc) =	sbr.abs _section_cstart, $3  }
0xc0: {  	[dreg:$0x1] =	wrdreg $0xFFFFFFFF  }
0xc1: {  	_ =	task.clear_ibuf [dreg:s7], $0x2FFFF;
	_ =	strace $0x9FFFFFFF  }
0xc2: {  	(tm) =	ssettm $0x7FFFFFFF  }
0xc3: {  	_ =	shalt  }
tec
execute0_lowered:
.L_overlay_start_1:
0x0: {  	(tag) =	ssettag $0x1  }
0x1: {  	s2 =	rddreg [dreg:$0x0];
	s1 =	srdreg.scid  }
0x2: {  	s0 =	stileid.u32;
	s4 =	rddreg [dreg:$0x1]  }
0x3: {  	s3 =	simm.s32 $0x0;
	s14 =	simm.s32 $0x1;
	s10 =	smul.u32 $0x50000, s0  }
0x4: {  	s15 =	simm.s32 $0x2;
	s5 =	sand.u32 $0x1, s1;
	s25 =	smul.u32 $0x2800, s0  }
0x5: {  	s16 =	simm.s32 $0x1380;
	s6 =	sshll.u32 s0, $0x1;
	s12 =	smul.u32 $0x28000, s5  }
0x6: {  	s1 =	rddreg [dreg:$0x2];
	s6 =	sor.u32 s5, s6;
	s28 =	smul.u32 $0x1400, s5  }
0x7: {  	s17 =	simm.s32 $0x0;
	[smem:$0x7FF] =	sst s3;
	s7 =	smul.u32 $0x1400, s6  }
0x8: {  	s13 =	sadd.s32 $0x3BC00, s4;
	s9 =	ssub.s32 $0x2, s5;
	s8 =	smul.u32 $0x28000, s6  }
0x9: {  	_ =	strace $0x8000005C;
	s11 =	sshrl.u32 s9, $0x1;
	s29 =	smul.u32 $0x5000, s6  }
0xa: {  	s9 =	ssub.s32 s9, s11;
	s30 =	sadd.s32 s12, s10;
	s12 =	simm.s32 $0x1400  }
0xb: {  	s7 =	sshrl.u32 s7, $0x3;
	s26 =	sshrl.u32 s8, $0x3;
	s5 =	smax.u32 s9, $0x1  }
0xc: {  	s8 =	sadd.s32 s28, s25;
	s9 =	sadd.s32 s13, s29;
	s10 =	sshrl.u32 s30, $0x3  }
0xd: {  	s7 =	sadd.s32 s7, s4;
	s11 =	sshll.u32 s8, $0x2;
	s8 =	sadd.s32 s10, s13  }
0xe: {  	s10 =	simm.s32 $0x3;
	s4 =	sadd.s32 $0x36C00, s7;
	s7 =	sadd.s32 s13, s26  }
0xf: {  	s31 =	sadd.s32 s11, s13;
	s11 =	simm.s32 $0x80;
	s13 =	simm.s32 $0x2400  }
0x10: {  	s6 =	sadd.s32 $0x4C00, s7;
	s7 =	sadd.s32 $0x4E00, s9;
	s9 =	sadd.s32 $0x200, s31  }
.LBB2_1:
0x11: {  	[tilespmem:s3], [sflag:$0x3] =	stream.linear.gather [hbm4b:s4+s3], $0x1400, $0x38;
	[tilespmem:$0x3400] =	vst v63  }
0x12: {  	_ =	swait.ge [sflag:s10], $0x1400  }
0x13: {  	[sflag:s10] =	ssyncset.done $0x0  }
0x14: {  	[sflag:s10] =	ssyncadd.s32 $0xFFFFEC00  }
0x15: {  	[tilespmem:s12], [sflag:$0x1] =	stream.indirect.gather [hbm4b:s2+s11], $0x20, s3, s11, $0xb8;
	[tilespmem:$0x3400] =	vst v63  }
0x16: {  	s18 =	simm.s32 $0x80  }
0x17: {  	[tilespmem:s13], [sflag:$0x2] =	stream.indirect.gather [hbm4b:s2+s11], $0x20, s18, s11, $0xb8;
	[tilespmem:$0x3400] =	vst v63  }
0x18: {  	_ =	swait.ge [sflag:s14], $0x1000  }
0x19: {  	[sflag:s14] =	ssyncset.done $0x0  }
0x1a: {  	s29 =	sadd.s32 $0x0, s8;
	[sflag:s14] =	ssyncadd.s32 $0xFFFFF000  }
0x1b: {  	[hbm4b:s29+s3] =	stream.linear.scatter [tilespmem:s12], [sflag:$0x3], $0x1000, $0x38;
	[tilespmem:$0x3400] =	vst v63  }
0x1c: {  	_ =	swait.ge [sflag:s10], $0x1000  }
0x1d: {  	[sflag:s10] =	ssyncset.done $0x0  }
0x1e: {  	s30 =	simm.s32 $0x100;
	[sflag:s10] =	ssyncadd.s32 $0xFFFFF000  }
0x1f: {  	[tilespmem:s12], [sflag:$0x1] =	stream.indirect.gather [hbm4b:s2+s11], $0x20, s30, s11, $0xb8;
	[tilespmem:$0x3400] =	vst v63  }
0x20: {  	_ =	swait.ge [sflag:s15], $0x1000  }
0x21: {  	[sflag:s15] =	ssyncset.done $0x0  }
0x22: {  	s31 =	sadd.s32 $0x0, s9;
	[sflag:s15] =	ssyncadd.s32 $0xFFFFF000  }
0x23: {  	[hbm4b:s31+s3] =	stream.linear.scatter [tilespmem:s13], [sflag:$0x3], $0x1000, $0x38;
	[tilespmem:$0x3400] =	vst v63  }
0x24: {  	s20 =	simm.s32 $0x800;
	_ =	swait.ge [sflag:s10], $0x1000  }
0x25: {  	s19 =	simm.s32 $0x100;
	s18 =	simm.s32 $0x400;
	[sflag:s10] =	ssyncset.done $0x0  }
.LBB2_2:
0x26: {  	s21 =	sadd.s32 $0x80, s19  }
0x27: {  	[sflag:s10] =	ssyncadd.s32 $0xFFFFF000;
	s22 =	smov.u32 s20;
	s23 =	sadd.s32 $0x400, s20  }
0x28: {  	[tilespmem:s13], [sflag:$0x2] =	stream.indirect.gather [hbm4b:s2+s11], $0x20, s21, s11, $0xb8;
	[tilespmem:$0x3400] =	vst v63  }
0x29: {  	p0 =	sne.s32 s20, $0x4800;
	_ =	swait.ge [sflag:s14], $0x1000  }
0x2a: {  	[sflag:s14] =	ssyncset.done $0x0  }
0x2b: {  	s20 =	sadd.s32 s18, s8;
	[sflag:s14] =	ssyncadd.s32 $0xFFFFF000  }
0x2c: {  	[hbm4b:s20+s3] =	stream.linear.scatter [tilespmem:s12], [sflag:$0x3], $0x1000, $0x38;
	[tilespmem:$0x3400] =	vst v63  }
0x2d: {  	_ =	swait.ge [sflag:s10], $0x1000  }
0x2e: {  	[sflag:s10] =	ssyncset.done $0x0  }
0x2f: {  	s19 =	sadd.s32 $0x100, s19;
	[sflag:s10] =	ssyncadd.s32 $0xFFFFF000  }
0x30: {  	[tilespmem:s12], [sflag:$0x1] =	stream.indirect.gather [hbm4b:s2+s11], $0x20, s19, s11, $0xb8;
	[tilespmem:$0x3400] =	vst v63  }
0x31: {  	_ =	swait.ge [sflag:s15], $0x1000  }
.Ltmp0:
0x32: {  	[sflag:s15] =	ssyncset.done $0x0;
	(pc) =	sbr.rel @p0 .LBB2_2-.Ltmp0, $4  }
0x33: {  	s19 =	sadd.s32 s18, s9;
	s18 =	smov.u32 s22;
	[sflag:s15] =	ssyncadd.s32 $0xFFFFF000  }
0x34: {  	[hbm4b:s19+s3] =	stream.linear.scatter [tilespmem:s13], [sflag:$0x3], $0x1000, $0x38;
	[tilespmem:$0x3400] =	vst v63  }
0x35: {  	_ =	swait.ge [sflag:s10], $0x1000  }
0x36: {  	s20 =	smov.u32 s23;
	s19 =	sshra.s32 s18, $0x2;
	[sflag:s10] =	ssyncset.done $0x0  }
0x37: {  	s20 =	sadd.s32 $0x80, s19;
	[sflag:s10] =	ssyncadd.s32 $0xFFFFF000  }
0x38: {  	[tilespmem:s13], [sflag:$0x2] =	stream.indirect.gather [hbm4b:s2+s11], $0x20, s20, s11, $0xb8;
	[tilespmem:$0x3400] =	vst v63  }
0x39: {  	_ =	swait.ge [sflag:s14], $0x1000  }
0x3a: {  	[sflag:s14] =	ssyncset.done $0x0  }
0x3b: {  	s29 =	sadd.s32 s18, s8;
	[sflag:s14] =	ssyncadd.s32 $0xFFFFF000  }
0x3c: {  	[hbm4b:s29+s3] =	stream.linear.scatter [tilespmem:s12], [sflag:$0x3], $0x1000, $0x38;
	[tilespmem:$0x3400] =	vst v63  }
0x3d: {  	_ =	swait.ge [sflag:s10], $0x1000  }
0x3e: {  	[sflag:s10] =	ssyncset.done $0x0  }
0x3f: {  	s30 =	sadd.s32 $0x100, s19;
	[sflag:s10] =	ssyncadd.s32 $0xFFFFF000  }
0x40: {  	[tilespmem:s12], [sflag:$0x1] =	stream.indirect.gather [hbm4b:s2+s11], $0x20, s30, s11, $0xb8;
	[tilespmem:$0x3400] =	vst v63  }
0x41: {  	_ =	swait.ge [sflag:s15], $0x1000  }
0x42: {  	[sflag:s15] =	ssyncset.done $0x0  }
0x43: {  	s31 =	sadd.s32 s18, s9;
	[sflag:s15] =	ssyncadd.s32 $0xFFFFF000  }
0x44: {  	[hbm4b:s31+s3] =	stream.linear.scatter [tilespmem:s13], [sflag:$0x3], $0x1000, $0x38;
	[tilespmem:$0x3400] =	vst v63  }
0x45: {  	_ =	swait.ge [sflag:s10], $0x1000  }
0x46: {  	[sflag:s10] =	ssyncset.done $0x0  }
0x47: {  	[sflag:s10] =	ssyncadd.s32 $0xFFFFF000  }
0x48: {  	[tilespmem:s13], [sflag:$0x2] =	stream.indirect.gather [hbm4b:s2+s11], $0x20, s16, s11, $0xb8;
	[tilespmem:$0x3400] =	vst v63  }
0x49: {  	_ =	swait.ge [sflag:s14], $0x1000  }
0x4a: {  	[sflag:s14] =	ssyncset.done $0x0  }
0x4b: {  	[sflag:s14] =	ssyncadd.s32 $0xFFFFF000  }
0x4c: {  	[hbm4b:s6+s3] =	stream.linear.scatter [tilespmem:s12], [sflag:$0x3], $0x1000, $0x38;
	[tilespmem:$0x3400] =	vst v63  }
0x4d: {  	_ =	swait.ge [sflag:s10], $0x1000  }
0x4e: {  	[sflag:s10] =	ssyncset.done $0x0  }
0x4f: {  	[sflag:s10] =	ssyncadd.s32 $0xFFFFF000  }
0x50: {  	s17 =	sadd.s32 $0x1, s17;
	_ =	swait.ge [sflag:s15], $0x1000  }
0x51: {  	p0 =	sne.s32 s17, s5;
	[sflag:s15] =	ssyncset.done $0x0  }
.Ltmp1:
0x52: {  	[sflag:s15] =	ssyncadd.s32 $0xFFFFF000;
	(pc) =	sbr.rel @p0 .LBB2_1-.Ltmp1, $4  }
0x53: {  	[hbm4b:s7+s3] =	stream.linear.scatter [tilespmem:s13], [sflag:$0x3], $0x1000, $0x38;
	[tilespmem:$0x3400] =	vst v63  }
0x54: {  	_ =	swait.ge [sflag:s10], $0x1000  }
0x55: {  	[sflag:s10] =	ssyncset.done $0x0  }
0x56: {  	[sflag:s10] =	ssyncadd.s32 $0xFFFFF000  }
0x57: {  	_ =	sfence.sel $0x180000  }
0x58: {  	[bflag:$0x0] =	sbarrier.arrive $0xFFFF  }
0x59: {  	p0 =	sne.s32 s0, $0x0;
	_ =	strace $0x9000005C  }
0x5a: {  	s0 =	sadd.s32 @!p0 $0x100000, s1;
	[bflag:$0x2] =	sbarrier.arrive $0xFFFF  }
0x5b: {  	[sflag:s0] =	ssyncadd.tile.s32 @!p0 $0x1;
	_ =	shalt  }
.Lfunc_end2:
_tile_overlayer_lowered:
.L_overlay_start_2:
0x5c: {  	(tag) =	ssettag $0x2  }
0x5d: {  	s0 =	rddreg [dreg:$0x0];
	s2 =	stileid.u32  }
0x5e: {  	s1 =	rddreg [dreg:$0x1];
	p0 =	sne.s32 s2, $0x0  }
0x5f: {  	s3 =	rddreg [dreg:$0x2];
	[bflag:$0x3] =	sbarrier.arrive $0xFFFF;
	s2 =	simm.s32 @!p0 $0x1C03  }
0x60: {  	[timem:s3], [sflag:s2] =	dma.local @!p0 [hbm:s0], s1  }
0x61: {  	s0 =	simm.s32 @!p0 $0x3  }
0x62: {  	_ =	swait.ge @!p0 [sflag:s0], s1  }
0x63: {  	s1 =	ssub.s32 @!p0 $0x0, s1;
	[sflag:s0] =	ssyncset.done @!p0 $0x0  }
0x64: {  	[sflag:s0] =	ssyncadd.s32 @!p0 s1  }
0x65: {  	[bflag:$0x3] =	sbarrier.arrive $0xFFFF  }
0x66: {  	_ =	shalt  }

// kernel: kernel.53.cloned.1.call-start
scs
__scs_entry_jumppad:
0x0: {  	(pc) =	sbr.rel $0x88, $3  }
0x1: {  	(tag) =	ssettag $0x0;
	lr =	simm.s32 $0x1  }
0x2: {  	[smem:$0x3F92] =	sst lr;
	_ =	strace $0xD0000000  }
0x3: {  	_ = 	snop  }
0x4: {  	_ = 	snop  }
0x5: {  	_ = 	snop  }
0x6: {  	_ = 	snop  }
0x7: {  	_ = 	snop  }
__scs_overlays_trampoline_lowered:
0x8: {  	[smem:$0x3FA1] =	sst s0  }
0x9: {  	[smem:$0x3FA2] =	sst s1  }
0xa: {  	[smem:$0x3FA3] =	sst s2  }
0xb: {  	[smem:$0x3FA4] =	sst s3  }
0xc: {  	[smem:$0x3FA5] =	sst s4  }
0xd: {  	[smem:$0x3FA6] =	sst s5  }
0xe: {  	[smem:$0x3FA7] =	sst s6  }
0xf: {  	[smem:$0x3FA8] =	sst s7  }
0x10: {  	[smem:$0x3FA9] =	sst s8  }
0x11: {  	[smem:$0x3FAA] =	sst s9;
	s0 =	simm.s32 @!p0 $0x0  }
0x12: {  	s1 =	sld [smem:$0x3F90];
	s0 =	simm.s32 @p0 $0x1  }
0x13: {  	[smem:$0x3FAB] =	sst s0;
	s0 =	simm.s32 @!p1 $0x0  }
0x14: {  	s2 =	sld [smem:$0x3F8F];
	s0 =	simm.s32 @p1 $0x1  }
0x15: {  	[smem:$0x3FAC] =	sst s0;
	s0 =	simm.s32 @!p2 $0x0  }
0x16: {  	s3 =	sld [smem:$0x3FDB];
	s0 =	simm.s32 @p2 $0x1  }
0x17: {  	s4 =	simm.s32 $0x1BF5;
	[smem:$0x3FAE] =	sst s0  }
0x18: {  	s0 =	sld [smem:$0x3F91];
	_ =	swait.ge [sflag:s4], $0x0  }
0x19: {  	s7 =	sld [smem:$0x3F92]  }
0x1a: {  	s8 =	sadd.s32 $0xFFFFE003, lr  }
0x1b: {  	s9 =	sadd.s32 $0xFFFFFEF7, lr;
	s5 =	simm.s32 $0xFFFFFFFF;
	p2 =	slt.u32 s8, $0xFFFFF086  }
0x1c: {  	p1 =	slt.u32 s9, $0xF7A;
	s5 =	simm.s32 @!p2 $0x0  }
0x1d: {  	s5 =	simm.s32 @p1 $0x1;
	p0 =	seq.s32 s7, s2  }
0x1e: {  	s7 =	smul.u32 @!p0 $0xF7A, s2;
	p2 =	seq.s32 @!p0 s5, $0x0  }
0x1f: {  	s9 =	smul.u32 $0xF7A, s1;
	s8 =	simm.s32 @!p0 $0x1BF5;
	p2 =	por !p2, p0  }
0x20: {  	[sflag:s8] =	ssyncset.s32 @!p0 $0xFFFFF086;
	s6 =	sadd.s32 @!p0 s3, s7;
	s7 =	simm.s32 @!p0 $0x108  }
0x21: {  	s3 =	sadd.s32 s3, s9;
	s6 =	sadd.s32 @!p0 $0x88, s6;
	s7 =	simm.s32 @p2 $0x1082  }
0x22: {  	[simem:s7], [sflag:s8] =	dma.local @!p0 [hbm:s6], $0xF7A  }
0x23: {  	s9 =	sor.u32 $0xD0000000, s2;
	s6 =	simm.s32 $0x108;
	_ =	swait.ge @!p0 [sflag:s8], $0x0  }
0x24: {  	s3 =	sadd.s32 $0x88, s3;
	s6 =	simm.s32 @!p1 $0x1082;
	[sflag:s4] =	ssyncset.s32 $0xFFFFF086  }
0x25: {  	[simem:s6], [sflag:s4] =	dma.local [hbm:s3], $0xF7A  }
0x26: {  	[smem:$0x3F92] =	sst s1;
	(tag) =	ssettag s2;
	_ =	strace s9  }
0x27: {  	s1 =	sld [smem:$0x3FA2]  }
0x28: {  	s2 =	sld [smem:$0x3FA3]  }
0x29: {  	s4 =	sld [smem:$0x3FA5]  }
0x2a: {  	p0 =	seq.s32 s5, $0x0;
	s5 =	sld [smem:$0x3FA6]  }
0x2b: {  	s6 =	sld [smem:$0x3FA7]  }
0x2c: {  	s7 =	sld [smem:$0x3FA8]  }
0x2d: {  	s3 =	simm.s32 $0x108;
	s8 =	sld [smem:$0x3FA9]  }
0x2e: {  	s3 =	simm.s32 @!p0 $0x1082;
	s9 =	sld [smem:$0x3FAA]  }
0x2f: {  	lr =	sadd.s32 s0, s3;
	s0 =	sld [smem:$0x3FA1]  }
0x30: {  	s3 =	sld [smem:$0x3FA4]  }
0x31: {  	[smem:$0x3FAD] =	sst s10  }
0x32: {  	s10 =	sld [smem:$0x3FAB];
	_ =	sdelay $0x3  }
0x33: {  	p0 =	seq.s32 s10, $0x1;
	s10 =	sld [smem:$0x3FAD];
	_ =	sdelay $0x3  }
0x34: {  	[smem:$0x3FAD] =	sst s10  }
0x35: {  	s10 =	sld [smem:$0x3FAC];
	_ =	sdelay $0x3  }
0x36: {  	p1 =	seq.s32 s10, $0x1;
	s10 =	sld [smem:$0x3FAD];
	_ =	sdelay $0x3  }
0x37: {  	[smem:$0x3FAD] =	sst s10  }
0x38: {  	s10 =	sld [smem:$0x3FAE]  }
0x39: {  	_ = 	snop;
	(pc) =	sbr.ind lr, $3  }
0x3a: {  	_ = 	snop  }
0x3b: {  	_ = 	snop  }
0x3c: {  	p2 =	seq.s32 s10, $0x1;
	s10 =	sld [smem:$0x3FAD]  }
0x3d: {  	_ =	shalt  }
0x3e: {  	_ =	shalt  }
0x3f: {  	_ =	shalt  }
0x40: {  	_ =	shalt  }
0x41: {  	_ =	shalt  }
0x42: {  	_ =	shalt  }
0x43: {  	_ =	shalt  }
0x44: {  	_ =	shalt  }
0x45: {  	_ =	shalt  }
0x46: {  	_ =	shalt  }
0x47: {  	_ =	shalt  }
0x48: {  	_ =	shalt  }
0x49: {  	_ =	shalt  }
0x4a: {  	_ =	shalt  }
0x4b: {  	_ =	shalt  }
0x4c: {  	_ =	shalt  }
0x4d: {  	_ =	shalt  }
0x4e: {  	_ =	shalt  }
0x4f: {  	_ =	shalt  }
0x50: {  	_ =	shalt  }
0x51: {  	_ =	shalt  }
0x52: {  	_ =	shalt  }
0x53: {  	_ =	shalt  }
0x54: {  	_ =	shalt  }
0x55: {  	_ =	shalt  }
0x56: {  	_ =	shalt  }
0x57: {  	_ =	shalt  }
0x58: {  	_ =	shalt  }
0x59: {  	_ =	shalt  }
0x5a: {  	_ =	shalt  }
0x5b: {  	_ =	shalt  }
0x5c: {  	_ =	shalt  }
0x5d: {  	_ =	shalt  }
0x5e: {  	_ =	shalt  }
0x5f: {  	_ =	shalt  }
0x60: {  	_ =	shalt  }
0x61: {  	_ =	shalt  }
0x62: {  	_ =	shalt  }
0x63: {  	_ =	shalt  }
0x64: {  	_ =	shalt  }
0x65: {  	_ =	shalt  }
0x66: {  	_ =	shalt  }
0x67: {  	_ =	shalt  }
0x68: {  	_ =	shalt  }
0x69: {  	_ =	shalt  }
0x6a: {  	_ =	shalt  }
0x6b: {  	_ =	shalt  }
0x6c: {  	_ =	shalt  }
0x6d: {  	_ =	shalt  }
0x6e: {  	_ =	shalt  }
0x6f: {  	_ =	shalt  }
0x70: {  	_ =	shalt  }
0x71: {  	_ =	shalt  }
0x72: {  	_ =	shalt  }
0x73: {  	_ =	shalt  }
0x74: {  	_ =	shalt  }
0x75: {  	_ =	shalt  }
0x76: {  	_ =	shalt  }
0x77: {  	_ =	shalt  }
0x78: {  	_ =	shalt  }
0x79: {  	_ =	shalt  }
0x7a: {  	_ =	shalt  }
0x7b: {  	_ =	shalt  }
0x7c: {  	_ =	shalt  }
0x7d: {  	_ =	shalt  }
0x7e: {  	_ =	shalt  }
0x7f: {  	_ =	shalt  }
0x80: {  	_ =	shalt  }
0x81: {  	_ =	shalt  }
0x82: {  	_ =	shalt  }
0x83: {  	_ =	shalt  }
0x84: {  	_ =	shalt  }
0x85: {  	_ =	shalt  }
0x86: {  	_ =	shalt  }
0x87: {  	_ =	shalt  }
.Lfunc_end0:
.L_simem_size_0:
called_computation.8_lowered:
.L_overlay_start_0:
0x88: {  	s2 =	sld [smem:$0x3FD9]  }
0x89: {  	s3 =	sld [smem:$0x3FFE];
	_ =	sdelay $0x1  }
0x8a: {  	s1 =	srdreg.scid  }
0x8b: {  	s0 =	sand.u32 $0x1, s1  }
0x8c: {  	s16 =	sshll.u32 s0, $0xA;
	s2 =	sadd.s32 s3, s2  }
0x8d: {  	s2 =	sadd.s32 s2, s16  }
0x8e: {  	[smem:$0x3FB9] =	sst s2  }
0x8f: {  	_ = 	snop  }
0x90: {  	(tm) =	ssettm $0x1  }
0x91: {  	s17 =	sld [smem:$0x3FFB];
	_ =	sdelay $0x3  }
0x92: {  	_ =	strace s17  }
0x93: {  	s2 =	sld [smem:$0x3FFC];
	_ =	sdelay $0x3  }
0x94: {  	_ =	strace s2  }
0x95: {  	s2 =	sld [smem:$0x3FFD];
	_ =	sdelay $0x3  }
0x96: {  	_ =	strace s2  }
0x97: {  	_ =	strace $0x8FFFFFFF  }
0x98: {  	s18 =	sld [smem:$0x3FDB];
	_ =	sdelay $0x1  }
0x99: {  	s19 =	simm.s32 $_scs_section_size  }
0x9a: {  	s4 =	simm.s32 $_size__tile_overlayer_lowered;
	s5 =	simm.s32 $_tile_overlayer_lowered  }
0x9b: {  	s22 =	simm.s32 $0x1BFF;
	s21 =	sshll.u32 s5, $0x1;
	s2 =	sadd.s32 s19, s18  }
0x9c: {  	s6 =	simm.s32 $0x0;
	s20 =	sshll.u32 s4, $0x1;
	s4 =	sadd.s32 s21, s2  }
0x9d: {  	[timem:s6], [sflag:s22] =	dma.local [hbm:s4], s20  }
0x9e: {  	_ =	swait.ge [sflag:s22], s20  }
0x9f: {  	s3 =	ssub.s32 $0x0, s20;
	[sflag:s22] =	ssyncset.done $0x0  }
0xa0: {  	[sflag:s22] =	ssyncadd.s32 s3;
	_ =	sdelay $0x1  }
0xa1: {  	s23 =	simm.s32 $0x1B8B  }
0xa2: {  	_ =	swait.ge [sflag:s23], $0x1  }
0xa3: {  	[sflag:s23] =	ssyncset.done $0x0  }
0xa4: {  	s25 =	simm.s32 $0x1B8E;
	s24 =	sld [smem:$0x3FFE];
	[sflag:s23] =	ssyncadd.s32 $0xFFFFFFFF  }
0xa5: {  	s26 =	simm.s32 $execute0_lowered;
	[smem:$0x3FD2] =	sst s25  }
0xa6: {  	s4 =	sshll.u32 s26, $0x1;
	_ =	strace $0x8000005E;
	[dreg:$0x1] =	wrdreg $0xFFFFFFFF  }
0xa7: {  	s28 =	simm.s32 $_size_execute0_lowered;
	s2 =	sadd.s32 s2, s4;
	[dreg:$0x0] =	wrdreg $0x0  }
0xa8: {  	s4 =	sshll.u32 s28, $0x1;
	[dreg:$0x2] =	wrdreg s2  }
0xa9: {  	[dreg:$0x3] =	wrdreg s4  }
0xaa: {  	[dreg:$0x4] =	wrdreg $0xC0  }
0xab: {  	_ =	task [dreg:s6], $0x5FFFF  }
0xac: {  	[dreg:$0x1] =	wrdreg $0xFFFFFFFF  }
0xad: {  	[dreg:$0x0] =	wrdreg $0x60  }
0xae: {  	[dreg:$0x2] =	wrdreg s24  }
0xaf: {  	[dreg:$0x3] =	wrdreg $0x84000  }
0xb0: {  	[dreg:$0x4] =	wrdreg $0x9  }
0xb1: {  	_ =	task.clear_ibuf [dreg:s6], $0x5FFFF;
	_ =	strace $0x9000005E  }
0xb2: {  	s29 =	simm.s32 $0x9;
	_ =	strace $0x80000060  }
0xb3: {  	_ =	swait.ge [sflag:s29], $0x1  }
0xb4: {  	[sflag:s29] =	ssyncadd.s32 $0xFFFFFFFF  }
0xb5: {  	_ =	strace $0x90000060  }
0xb6: {  	_ =	sfence  }
0xb7: {  	s30 =	sld [smem:$0x0];
	_ =	sdelay $0x2  }
0xb8: {  	s31 =	sshll.u32 s1, $0xD;
	s1 =	sshrl.u32 s1, $0x2  }
0xb9: {  	s3 =	sand.u32 $0x4000, s31;
	s1 =	sadd.s32 s1, s30  }
0xba: {  	s0 =	sor.u32 s3, s0;
	s1 =	sshll.u32 s1, $0x11  }
0xbb: {  	s0 =	sor.u32 s1, s0  }
0xbc: {  	s0 =	sadd.s32 $0x8F2B, s0  }
0xbd: {  	[sflag:s0] =	ssyncadd.remote.s32 $0x1  }
0xbe: {  	_ =	sfence.sel $0xFFFF  }
0xbf: {  	[dreg:$0x0] =	wrdreg $0xFFFFFFFF;
	(pc) =	sbr.abs _section_cstart, $3  }
0xc0: {  	[dreg:$0x1] =	wrdreg $0xFFFFFFFF  }
0xc1: {  	_ =	task.clear_ibuf [dreg:s6], $0x2FFFF;
	_ =	strace $0x9FFFFFFF  }
0xc2: {  	(tm) =	ssettm $0x7FFFFFFF  }
0xc3: {  	_ =	shalt  }
tec
execute0_lowered:
.L_overlay_start_1:
0x0: {  	(tag) =	ssettag $0x1  }
0x1: {  	s1 =	srdreg.scid  }
0x2: {  	s0 =	stileid.u32;
	s4 =	rddreg [dreg:$0x0]  }
0x3: {  	s2 =	rddreg [dreg:$0x1];
	s3 =	simm.s32 $0x0;
	s8 =	smul.u32 $0x5000, s0  }
0x4: {  	s17 =	simm.s32 $0x1;
	s18 =	simm.s32 $0x80;
	s12 =	smul.u32 $0x50000, s0  }
0x5: {  	s19 =	simm.s32 $0x2;
	s6 =	sand.u32 $0x1, s1;
	s16 =	smul.u32 $0x2800, s0  }
0x6: {  	s20 =	sshll.u32 s0, $0x1;
	s1 =	rddreg [dreg:$0x2];
	s9 =	smul.u32 $0xA000, s6  }
0x7: {  	[smem:$0x7FF] =	sst s3;
	s11 =	sadd.s32 $0x3BC00, s4;
	s15 =	smul.u32 $0x28000, s6  }
0x8: {  	s31 =	sshll.u32 s0, $0x6;
	s5 =	sor.u32 s6, s20;
	s22 =	smul.u32 $0x1400, s6  }
0x9: {  	_ =	strace $0x8000005F;
	s21 =	ssub.s32 $0x2, s6;
	s7 =	smul.u32 $0x1400, s5  }
0xa: {  	s20 =	simm.s32 $0x1300;
	s10 =	smul.u32 $0x5000, s5;
	s23 =	sshrl.u32 s8, $0x3  }
0xb: {  	s14 =	sshrl.u32 s21, $0x1;
	s5 =	sadd.s32 s8, s2;
	s13 =	sadd.s32 s23, s4  }
0xc: {  	s9 =	sadd.s32 s9, s4;
	s14 =	ssub.s32 s21, s14;
	s25 =	sadd.s32 s15, s12  }
0xd: {  	s28 =	sadd.s32 s22, s16;
	s12 =	simm.s32 $0x3;
	s15 =	simm.s32 $0x1400  }
0xe: {  	s16 =	simm.s32 $0x2400;
	s21 =	simm.s32 $0x1380;
	s22 =	simm.s32 $0x3400  }
0xf: {  	s7 =	sshrl.u32 s7, $0x3;
	s6 =	sadd.s32 $0xE0C00, s13;
	s24 =	sadd.s32 $0x2DEC00, s9  }
0x10: {  	s26 =	sor.u32 $0x2000, s25;
	s8 =	smax.u32 s14, $0x1;
	s30 =	sshll.u32 s28, $0x2  }
0x11: {  	s13 =	sor.u32 $0x1C03, s31;
	s14 =	sshrl.u32 s5, $0x3;
	s7 =	sadd.s32 s7, s4  }
0x12: {  	s29 =	sshrl.u32 s26, $0x3;
	s23 =	sadd.s32 s23, s24;
	s4 =	sadd.s32 $0xDBC00, s7  }
0x13: {  	s7 =	sadd.s32 s11, s10;
	s10 =	sadd.s32 s29, s11;
	s11 =	sadd.s32 s30, s11  }
0x14: {  	s24 =	simm.s32 $0x0;
	s9 =	sadd.s32 $0x4E00, s7;
	s11 =	sadd.s32 $0x200, s11  }
.LBB2_1:
0x15: {  	[tilespmem:s3], [sflag:$0x3] =	stream.linear.gather [hbm4b:s4+s3], $0x1400, $0x38;
	[tilespmem:$0xD400] =	vst v63  }
0x16: {  	_ =	swait.ge [sflag:s12], $0x1400  }
0x17: {  	[sflag:s12] =	ssyncset.done $0x0  }
0x18: {  	[sflag:s12] =	ssyncadd.s32 $0xFFFFEC00  }
0x19: {  	[spmem:s14], [sflag:s13] =	dma.local [hbm:s6], $0xA00  }
0x1a: {  	_ =	swait.ge [sflag:s12], $0xA00  }
0x1b: {  	[sflag:s12] =	ssyncset.done $0x0  }
0x1c: {  	[sflag:s12] =	ssyncadd.s32 $0xFFFFF600  }
0x1d: {  	[bflag:$0x0] =	sbarrier.arrive $0xFFFF  }
0x1e: {  	[tilespmem:s15], [sflag:$0x1] =	stream.linear.gather [hbm4b:s7+s3], $0x1000, $0x38;
	[tilespmem:$0xD400] =	vst v63  }
0x1f: {  	s25 =	sadd.s32 $0x0, s11  }
0x20: {  	[tilespmem:s16], [sflag:$0x2] =	stream.linear.gather [hbm4b:s25+s3], $0x1000, $0x38;
	[tilespmem:$0xD400] =	vst v63  }
0x21: {  	_ =	swait.ge [sflag:s17], $0x1000  }
0x22: {  	[sflag:s17] =	ssyncset.done $0x0  }
0x23: {  	s29 =	simm.s32 $0x0;
	[sflag:s17] =	ssyncadd.s32 $0xFFFFF000  }
0x24: {  	[spmem:s2] =	stream.indirect.scatter.add.f32 [tilespmem:s15], [sflag:$0x3], $0x20, s29, s18, $0xb8;
	[tilespmem:$0xD400] =	vst v63  }
0x25: {  	_ =	swait.ge [sflag:s12], $0x1000  }
0x26: {  	[sflag:s12] =	ssyncset.done $0x0  }
0x27: {  	s30 =	sadd.s32 $0x0, s10;
	[sflag:s12] =	ssyncadd.s32 $0xFFFFF000  }
0x28: {  	[tilespmem:s15], [sflag:$0x1] =	stream.linear.gather [hbm4b:s30+s3], $0x1000, $0x38;
	[tilespmem:$0xD400] =	vst v63  }
0x29: {  	_ =	swait.ge [sflag:s19], $0x1000  }
0x2a: {  	[sflag:s19] =	ssyncset.done $0x0  }
0x2b: {  	s31 =	simm.s32 $0x80;
	[sflag:s19] =	ssyncadd.s32 $0xFFFFF000  }
0x2c: {  	[spmem:s2] =	stream.indirect.scatter.add.f32 [tilespmem:s16], [sflag:$0x3], $0x20, s31, s18, $0xb8;
	[tilespmem:$0xD400] =	vst v63  }
0x2d: {  	_ =	swait.ge [sflag:s12], $0x1000  }
0x2e: {  	s26 =	simm.s32 $0x800;
	s25 =	simm.s32 $0x400;
	[sflag:s12] =	ssyncset.done $0x0  }
.LBB2_2:
0x2f: {  	s28 =	sadd.s32 s25, s11  }
0x30: {  	[sflag:s12] =	ssyncadd.s32 $0xFFFFF000;
	s29 =	smov.u32 s26;
	s30 =	sadd.s32 $0x400, s26  }
0x31: {  	[tilespmem:s16], [sflag:$0x2] =	stream.linear.gather [hbm4b:s28+s3], $0x1000, $0x38;
	[tilespmem:$0xD400] =	vst v63  }
0x32: {  	p0 =	sne.s32 s26, $0x4800;
	_ =	swait.ge [sflag:s17], $0x1000  }
0x33: {  	[sflag:s17] =	ssyncset.done $0x0  }
0x34: {  	s26 =	sshra.s32 s25, $0x2;
	[sflag:s17] =	ssyncadd.s32 $0xFFFFF000  }
0x35: {  	[spmem:s2] =	stream.indirect.scatter.add.f32 [tilespmem:s15], [sflag:$0x3], $0x20, s26, s18, $0xb8;
	[tilespmem:$0xD400] =	vst v63  }
0x36: {  	_ =	swait.ge [sflag:s12], $0x1000  }
0x37: {  	[sflag:s12] =	ssyncset.done $0x0  }
0x38: {  	s28 =	sadd.s32 s25, s10;
	s25 =	smov.u32 s29;
	[sflag:s12] =	ssyncadd.s32 $0xFFFFF000  }
0x39: {  	[tilespmem:s15], [sflag:$0x1] =	stream.linear.gather [hbm4b:s28+s3], $0x1000, $0x38;
	[tilespmem:$0xD400] =	vst v63  }
0x3a: {  	_ =	swait.ge [sflag:s19], $0x1000  }
.Ltmp0:
0x3b: {  	[sflag:s19] =	ssyncset.done $0x0;
	(pc) =	sbr.rel @p0 .LBB2_2-.Ltmp0, $4  }
0x3c: {  	s26 =	sadd.s32 $0x80, s26;
	[sflag:s19] =	ssyncadd.s32 $0xFFFFF000  }
0x3d: {  	[spmem:s2] =	stream.indirect.scatter.add.f32 [tilespmem:s16], [sflag:$0x3], $0x20, s26, s18, $0xb8;
	[tilespmem:$0xD400] =	vst v63  }
0x3e: {  	_ =	swait.ge [sflag:s12], $0x1000  }
0x3f: {  	s26 =	smov.u32 s30;
	[sflag:s12] =	ssyncset.done $0x0  }
0x40: {  	s26 =	sadd.s32 s25, s11;
	[sflag:s12] =	ssyncadd.s32 $0xFFFFF000  }
0x41: {  	[tilespmem:s16], [sflag:$0x2] =	stream.linear.gather [hbm4b:s26+s3], $0x1000, $0x38;
	[tilespmem:$0xD400] =	vst v63  }
0x42: {  	_ =	swait.ge [sflag:s17], $0x1000  }
0x43: {  	[sflag:s17] =	ssyncset.done $0x0  }
0x44: {  	s29 =	sshra.s32 s25, $0x2;
	[sflag:s17] =	ssyncadd.s32 $0xFFFFF000  }
0x45: {  	[spmem:s2] =	stream.indirect.scatter.add.f32 [tilespmem:s15], [sflag:$0x3], $0x20, s29, s18, $0xb8;
	[tilespmem:$0xD400] =	vst v63  }
0x46: {  	_ =	swait.ge [sflag:s12], $0x1000  }
0x47: {  	[sflag:s12] =	ssyncset.done $0x0  }
0x48: {  	s30 =	sadd.s32 s25, s10;
	[sflag:s12] =	ssyncadd.s32 $0xFFFFF000  }
0x49: {  	[tilespmem:s15], [sflag:$0x1] =	stream.linear.gather [hbm4b:s30+s3], $0x1000, $0x38;
	[tilespmem:$0xD400] =	vst v63  }
0x4a: {  	_ =	swait.ge [sflag:s19], $0x1000  }
0x4b: {  	[sflag:s19] =	ssyncset.done $0x0  }
0x4c: {  	s31 =	sadd.s32 $0x80, s29;
	[sflag:s19] =	ssyncadd.s32 $0xFFFFF000  }
0x4d: {  	[spmem:s2] =	stream.indirect.scatter.add.f32 [tilespmem:s16], [sflag:$0x3], $0x20, s31, s18, $0xb8;
	[tilespmem:$0xD400] =	vst v63  }
0x4e: {  	_ =	swait.ge [sflag:s12], $0x1000  }
0x4f: {  	[sflag:s12] =	ssyncset.done $0x0  }
0x50: {  	[sflag:s12] =	ssyncadd.s32 $0xFFFFF000  }
0x51: {  	[tilespmem:s16], [sflag:$0x2] =	stream.linear.gather [hbm4b:s9+s3], $0x1000, $0x38;
	[tilespmem:$0xD400] =	vst v63  }
0x52: {  	_ =	swait.ge [sflag:s17], $0x1000  }
0x53: {  	[sflag:s17] =	ssyncset.done $0x0  }
0x54: {  	[sflag:s17] =	ssyncadd.s32 $0xFFFFF000  }
0x55: {  	[spmem:s2] =	stream.indirect.scatter.add.f32 [tilespmem:s15], [sflag:$0x3], $0x20, s20, s18, $0xb8;
	[tilespmem:$0xD400] =	vst v63  }
0x56: {  	_ =	swait.ge [sflag:s12], $0x1000  }
0x57: {  	[sflag:s12] =	ssyncset.done $0x0  }
0x58: {  	[sflag:s12] =	ssyncadd.s32 $0xFFFFF000  }
0x59: {  	_ =	swait.ge [sflag:s19], $0x1000  }
0x5a: {  	[sflag:s19] =	ssyncset.done $0x0  }
0x5b: {  	[sflag:s19] =	ssyncadd.s32 $0xFFFFF000  }
0x5c: {  	[spmem:s2] =	stream.indirect.scatter.add.f32 [tilespmem:s16], [sflag:$0x3], $0x20, s21, s18, $0xb8;
	[tilespmem:$0xD400] =	vst v63  }
0x5d: {  	_ =	swait.ge [sflag:s12], $0x1000  }
0x5e: {  	[sflag:s12] =	ssyncset.done $0x0  }
0x5f: {  	[sflag:s12] =	ssyncadd.s32 $0xFFFFF000  }
0x60: {  	[bflag:$0x0] =	sbarrier.arrive $0xFFFF  }
0x61: {  	[tilespmem:s22], [sflag:$0x3] =	stream.linear.gather [spmem:s5], $0x5000, $0x38;
	[tilespmem:$0xD400] =	vst v63  }
0x62: {  	s24 =	sadd.s32 $0x1, s24;
	_ =	swait.ge [sflag:s12], $0x5000  }
0x63: {  	p0 =	sne.s32 s24, s8;
	[sflag:s12] =	ssyncset.done $0x0  }
.Ltmp1:
0x64: {  	[sflag:s12] =	ssyncadd.s32 $0xFFFFB000;
	(pc) =	sbr.rel @p0 .LBB2_1-.Ltmp1, $4  }
0x65: {  	[hbm4b:s23+s3] =	stream.linear.scatter [tilespmem:s22], [sflag:$0x3], $0x5000, $0x38;
	[tilespmem:$0xD400] =	vst v63  }
0x66: {  	_ =	swait.ge [sflag:s12], $0x5000  }
0x67: {  	[sflag:s12] =	ssyncset.done $0x0  }
0x68: {  	[sflag:s12] =	ssyncadd.s32 $0xFFFFB000  }
0x69: {  	_ =	sfence.sel $0x180000  }
0x6a: {  	[bflag:$0x0] =	sbarrier.arrive $0xFFFF  }
0x6b: {  	p0 =	sne.s32 s0, $0x0;
	_ =	strace $0x9000005F  }
0x6c: {  	s0 =	sadd.s32 @!p0 $0x100000, s1;
	[bflag:$0x2] =	sbarrier.arrive $0xFFFF  }
0x6d: {  	[sflag:s0] =	ssyncadd.tile.s32 @!p0 $0x1;
	_ =	shalt  }
.Lfunc_end2:
_tile_overlayer_lowered:
.L_overlay_start_2:
0x6e: {  	(tag) =	ssettag $0x2  }
0x6f: {  	s0 =	rddreg [dreg:$0x0];
	s2 =	stileid.u32  }
0x70: {  	s1 =	rddreg [dreg:$0x1];
	p0 =	sne.s32 s2, $0x0  }
0x71: {  	s3 =	rddreg [dreg:$0x2];
	[bflag:$0x3] =	sbarrier.arrive $0xFFFF;
	s2 =	simm.s32 @!p0 $0x1C03  }
0x72: {  	[timem:s3], [sflag:s2] =	dma.local @!p0 [hbm:s0], s1  }
0x73: {  	s0 =	simm.s32 @!p0 $0x3  }
0x74: {  	_ =	swait.ge @!p0 [sflag:s0], s1  }
0x75: {  	s1 =	ssub.s32 @!p0 $0x0, s1;
	[sflag:s0] =	ssyncset.done @!p0 $0x0  }
0x76: {  	[sflag:s0] =	ssyncadd.s32 @!p0 s1  }
0x77: {  	[bflag:$0x3] =	sbarrier.arrive $0xFFFF  }
0x78: {  	_ =	shalt  }

// kernel: kernel.56.cloned.1.call-start
scs
__scs_entry_jumppad:
0x0: {  	(pc) =	sbr.rel $0x88, $3  }
0x1: {  	(tag) =	ssettag $0x0;
	lr =	simm.s32 $0x1  }
0x2: {  	[smem:$0x3F92] =	sst lr;
	_ =	strace $0xD0000000  }
0x3: {  	_ = 	snop  }
0x4: {  	_ = 	snop  }
0x5: {  	_ = 	snop  }
0x6: {  	_ = 	snop  }
0x7: {  	_ = 	snop  }
__scs_overlays_trampoline_lowered:
0x8: {  	[smem:$0x3FA1] =	sst s0  }
0x9: {  	[smem:$0x3FA2] =	sst s1  }
0xa: {  	[smem:$0x3FA3] =	sst s2  }
0xb: {  	[smem:$0x3FA4] =	sst s3  }
0xc: {  	[smem:$0x3FA5] =	sst s4  }
0xd: {  	[smem:$0x3FA6] =	sst s5  }
0xe: {  	[smem:$0x3FA7] =	sst s6  }
0xf: {  	[smem:$0x3FA8] =	sst s7  }
0x10: {  	[smem:$0x3FA9] =	sst s8  }
0x11: {  	[smem:$0x3FAA] =	sst s9;
	s0 =	simm.s32 @!p0 $0x0  }
0x12: {  	s1 =	sld [smem:$0x3F90];
	s0 =	simm.s32 @p0 $0x1  }
0x13: {  	[smem:$0x3FAB] =	sst s0;
	s0 =	simm.s32 @!p1 $0x0  }
0x14: {  	s2 =	sld [smem:$0x3F8F];
	s0 =	simm.s32 @p1 $0x1  }
0x15: {  	[smem:$0x3FAC] =	sst s0;
	s0 =	simm.s32 @!p2 $0x0  }
0x16: {  	s3 =	sld [smem:$0x3FDB];
	s0 =	simm.s32 @p2 $0x1  }
0x17: {  	s4 =	simm.s32 $0x1BF5;
	[smem:$0x3FAE] =	sst s0  }
0x18: {  	s0 =	sld [smem:$0x3F91];
	_ =	swait.ge [sflag:s4], $0x0  }
0x19: {  	s7 =	sld [smem:$0x3F92]  }
0x1a: {  	s8 =	sadd.s32 $0xFFFFE003, lr  }
0x1b: {  	s9 =	sadd.s32 $0xFFFFFEF7, lr;
	s5 =	simm.s32 $0xFFFFFFFF;
	p2 =	slt.u32 s8, $0xFFFFF086  }
0x1c: {  	p1 =	slt.u32 s9, $0xF7A;
	s5 =	simm.s32 @!p2 $0x0  }
0x1d: {  	s5 =	simm.s32 @p1 $0x1;
	p0 =	seq.s32 s7, s2  }
0x1e: {  	s7 =	smul.u32 @!p0 $0xF7A, s2;
	p2 =	seq.s32 @!p0 s5, $0x0  }
0x1f: {  	s9 =	smul.u32 $0xF7A, s1;
	s8 =	simm.s32 @!p0 $0x1BF5;
	p2 =	por !p2, p0  }
0x20: {  	[sflag:s8] =	ssyncset.s32 @!p0 $0xFFFFF086;
	s6 =	sadd.s32 @!p0 s3, s7;
	s7 =	simm.s32 @!p0 $0x108  }
0x21: {  	s3 =	sadd.s32 s3, s9;
	s6 =	sadd.s32 @!p0 $0x88, s6;
	s7 =	simm.s32 @p2 $0x1082  }
0x22: {  	[simem:s7], [sflag:s8] =	dma.local @!p0 [hbm:s6], $0xF7A  }
0x23: {  	s9 =	sor.u32 $0xD0000000, s2;
	s6 =	simm.s32 $0x108;
	_ =	swait.ge @!p0 [sflag:s8], $0x0  }
0x24: {  	s3 =	sadd.s32 $0x88, s3;
	s6 =	simm.s32 @!p1 $0x1082;
	[sflag:s4] =	ssyncset.s32 $0xFFFFF086  }
0x25: {  	[simem:s6], [sflag:s4] =	dma.local [hbm:s3], $0xF7A  }
0x26: {  	[smem:$0x3F92] =	sst s1;
	(tag) =	ssettag s2;
	_ =	strace s9  }
0x27: {  	s1 =	sld [smem:$0x3FA2]  }
0x28: {  	s2 =	sld [smem:$0x3FA3]  }
0x29: {  	s4 =	sld [smem:$0x3FA5]  }
0x2a: {  	p0 =	seq.s32 s5, $0x0;
	s5 =	sld [smem:$0x3FA6]  }
0x2b: {  	s6 =	sld [smem:$0x3FA7]  }
0x2c: {  	s7 =	sld [smem:$0x3FA8]  }
0x2d: {  	s3 =	simm.s32 $0x108;
	s8 =	sld [smem:$0x3FA9]  }
0x2e: {  	s3 =	simm.s32 @!p0 $0x1082;
	s9 =	sld [smem:$0x3FAA]  }
0x2f: {  	lr =	sadd.s32 s0, s3;
	s0 =	sld [smem:$0x3FA1]  }
0x30: {  	s3 =	sld [smem:$0x3FA4]  }
0x31: {  	[smem:$0x3FAD] =	sst s10  }
0x32: {  	s10 =	sld [smem:$0x3FAB];
	_ =	sdelay $0x3  }
0x33: {  	p0 =	seq.s32 s10, $0x1;
	s10 =	sld [smem:$0x3FAD];
	_ =	sdelay $0x3  }
0x34: {  	[smem:$0x3FAD] =	sst s10  }
0x35: {  	s10 =	sld [smem:$0x3FAC];
	_ =	sdelay $0x3  }
0x36: {  	p1 =	seq.s32 s10, $0x1;
	s10 =	sld [smem:$0x3FAD];
	_ =	sdelay $0x3  }
0x37: {  	[smem:$0x3FAD] =	sst s10  }
0x38: {  	s10 =	sld [smem:$0x3FAE]  }
0x39: {  	_ = 	snop;
	(pc) =	sbr.ind lr, $3  }
0x3a: {  	_ = 	snop  }
0x3b: {  	_ = 	snop  }
0x3c: {  	p2 =	seq.s32 s10, $0x1;
	s10 =	sld [smem:$0x3FAD]  }
0x3d: {  	_ =	shalt  }
0x3e: {  	_ =	shalt  }
0x3f: {  	_ =	shalt  }
0x40: {  	_ =	shalt  }
0x41: {  	_ =	shalt  }
0x42: {  	_ =	shalt  }
0x43: {  	_ =	shalt  }
0x44: {  	_ =	shalt  }
0x45: {  	_ =	shalt  }
0x46: {  	_ =	shalt  }
0x47: {  	_ =	shalt  }
0x48: {  	_ =	shalt  }
0x49: {  	_ =	shalt  }
0x4a: {  	_ =	shalt  }
0x4b: {  	_ =	shalt  }
0x4c: {  	_ =	shalt  }
0x4d: {  	_ =	shalt  }
0x4e: {  	_ =	shalt  }
0x4f: {  	_ =	shalt  }
0x50: {  	_ =	shalt  }
0x51: {  	_ =	shalt  }
0x52: {  	_ =	shalt  }
0x53: {  	_ =	shalt  }
0x54: {  	_ =	shalt  }
0x55: {  	_ =	shalt  }
0x56: {  	_ =	shalt  }
0x57: {  	_ =	shalt  }
0x58: {  	_ =	shalt  }
0x59: {  	_ =	shalt  }
0x5a: {  	_ =	shalt  }
0x5b: {  	_ =	shalt  }
0x5c: {  	_ =	shalt  }
0x5d: {  	_ =	shalt  }
0x5e: {  	_ =	shalt  }
0x5f: {  	_ =	shalt  }
0x60: {  	_ =	shalt  }
0x61: {  	_ =	shalt  }
0x62: {  	_ =	shalt  }
0x63: {  	_ =	shalt  }
0x64: {  	_ =	shalt  }
0x65: {  	_ =	shalt  }
0x66: {  	_ =	shalt  }
0x67: {  	_ =	shalt  }
0x68: {  	_ =	shalt  }
0x69: {  	_ =	shalt  }
0x6a: {  	_ =	shalt  }
0x6b: {  	_ =	shalt  }
0x6c: {  	_ =	shalt  }
0x6d: {  	_ =	shalt  }
0x6e: {  	_ =	shalt  }
0x6f: {  	_ =	shalt  }
0x70: {  	_ =	shalt  }
0x71: {  	_ =	shalt  }
0x72: {  	_ =	shalt  }
0x73: {  	_ =	shalt  }
0x74: {  	_ =	shalt  }
0x75: {  	_ =	shalt  }
0x76: {  	_ =	shalt  }
0x77: {  	_ =	shalt  }
0x78: {  	_ =	shalt  }
0x79: {  	_ =	shalt  }
0x7a: {  	_ =	shalt  }
0x7b: {  	_ =	shalt  }
0x7c: {  	_ =	shalt  }
0x7d: {  	_ =	shalt  }
0x7e: {  	_ =	shalt  }
0x7f: {  	_ =	shalt  }
0x80: {  	_ =	shalt  }
0x81: {  	_ =	shalt  }
0x82: {  	_ =	shalt  }
0x83: {  	_ =	shalt  }
0x84: {  	_ =	shalt  }
0x85: {  	_ =	shalt  }
0x86: {  	_ =	shalt  }
0x87: {  	_ =	shalt  }
.Lfunc_end0:
.L_simem_size_0:
called_computation.9_lowered:
.L_overlay_start_0:
0x88: {  	s2 =	sld [smem:$0x3FD9]  }
0x89: {  	s3 =	sld [smem:$0x3FFE];
	_ =	sdelay $0x1  }
0x8a: {  	s1 =	srdreg.scid  }
0x8b: {  	s0 =	sand.u32 $0x1, s1  }
0x8c: {  	s17 =	sshll.u32 s0, $0xA;
	s2 =	sadd.s32 s3, s2  }
0x8d: {  	s2 =	sadd.s32 s2, s17  }
0x8e: {  	[smem:$0x3FB9] =	sst s2  }
0x8f: {  	_ = 	snop  }
0x90: {  	s2 =	sld [smem:$0x3FD0];
	(tm) =	ssettm $0x1  }
0x91: {  	s18 =	sld [smem:$0x3FFB];
	_ =	sdelay $0x3  }
0x92: {  	_ =	strace s18  }
0x93: {  	s3 =	sld [smem:$0x3FFC];
	_ =	sdelay $0x3  }
0x94: {  	_ =	strace s3  }
0x95: {  	s3 =	sld [smem:$0x3FFD];
	_ =	sdelay $0x3  }
0x96: {  	_ =	strace s3  }
0x97: {  	_ =	strace $0x8FFFFFFF  }
0x98: {  	s19 =	sld [smem:$0x3FDB];
	_ =	sdelay $0x1  }
0x99: {  	s4 =	simm.s32 $_scs_section_size  }
0x9a: {  	s5 =	simm.s32 $_size__tile_overlayer_lowered;
	s6 =	simm.s32 $_tile_overlayer_lowered  }
0x9b: {  	s22 =	simm.s32 $0x1BFF;
	s21 =	sshll.u32 s6, $0x1;
	s3 =	sadd.s32 s4, s19  }
0x9c: {  	s7 =	simm.s32 $0x0;
	s20 =	sshll.u32 s5, $0x1;
	s5 =	sadd.s32 s21, s3  }
0x9d: {  	[timem:s7], [sflag:s22] =	dma.local [hbm:s5], s20  }
0x9e: {  	_ =	swait.ge [sflag:s22], s20  }
0x9f: {  	s4 =	ssub.s32 $0x0, s20;
	[sflag:s22] =	ssyncset.done $0x0  }
0xa0: {  	[sflag:s22] =	ssyncadd.s32 s4;
	_ =	sdelay $0x1  }
0xa1: {  	s23 =	simm.s32 $0x1B8B  }
0xa2: {  	_ =	swait.ge [sflag:s23], $0x1  }
0xa3: {  	[sflag:s23] =	ssyncset.done $0x0  }
0xa4: {  	s25 =	simm.s32 $0x1B8E;
	s24 =	sld [smem:$0x3FFE];
	[sflag:s23] =	ssyncadd.s32 $0xFFFFFFFF  }
0xa5: {  	s26 =	simm.s32 $execute0_lowered;
	[smem:$0x3FD2] =	sst s25  }
0xa6: {  	s5 =	sshll.u32 s26, $0x1;
	_ =	strace $0x80000061;
	[dreg:$0x1] =	wrdreg $0xFFFFFFFF  }
0xa7: {  	s28 =	simm.s32 $_size_execute0_lowered;
	s3 =	sadd.s32 s3, s5;
	[dreg:$0x0] =	wrdreg $0x0  }
0xa8: {  	s5 =	sshll.u32 s28, $0x1;
	[dreg:$0x2] =	wrdreg s3  }
0xa9: {  	[dreg:$0x3] =	wrdreg s5  }
0xaa: {  	[dreg:$0x4] =	wrdreg $0xC0  }
0xab: {  	_ =	task [dreg:s7], $0x5FFFF  }
0xac: {  	[dreg:$0x1] =	wrdreg $0xFFFFFFFF  }
0xad: {  	[dreg:$0x0] =	wrdreg $0x60  }
0xae: {  	[dreg:$0x2] =	wrdreg s2  }
0xaf: {  	[dreg:$0x3] =	wrdreg s24  }
0xb0: {  	[dreg:$0x4] =	wrdreg $0x9  }
0xb1: {  	_ =	task.clear_ibuf [dreg:s7], $0x5FFFF;
	_ =	strace $0x90000061  }
0xb2: {  	s29 =	simm.s32 $0x9;
	_ =	strace $0x80000063  }
0xb3: {  	_ =	swait.ge [sflag:s29], $0x1  }
0xb4: {  	[sflag:s29] =	ssyncadd.s32 $0xFFFFFFFF  }
0xb5: {  	_ =	strace $0x90000063  }
0xb6: {  	_ =	sfence  }
0xb7: {  	s30 =	sld [smem:$0x0];
	_ =	sdelay $0x2  }
0xb8: {  	s31 =	sshll.u32 s1, $0xD;
	s1 =	sshrl.u32 s1, $0x2  }
0xb9: {  	s3 =	sand.u32 $0x4000, s31;
	s1 =	sadd.s32 s1, s30  }
0xba: {  	s0 =	sor.u32 s3, s0;
	s1 =	sshll.u32 s1, $0x11  }
0xbb: {  	s0 =	sor.u32 s1, s0  }
0xbc: {  	s0 =	sadd.s32 $0x8F2B, s0  }
0xbd: {  	[sflag:s0] =	ssyncadd.remote.s32 $0x1  }
0xbe: {  	_ =	sfence.sel $0xFFFF  }
0xbf: {  	[dreg:$0x0] =	wrdreg $0xFFFFFFFF;
	(pc) =	sbr.abs _section_cstart, $3  }
0xc0: {  	[dreg:$0x1] =	wrdreg $0xFFFFFFFF  }
0xc1: {  	_ =	task.clear_ibuf [dreg:s7], $0x2FFFF;
	_ =	strace $0x9FFFFFFF  }
0xc2: {  	(tm) =	ssettm $0x7FFFFFFF  }
0xc3: {  	_ =	shalt  }
tec
execute0_lowered:
.L_overlay_start_1:
0x0: {  	(tag) =	ssettag $0x1  }
0x1: {  	s2 =	rddreg [dreg:$0x0];
	s1 =	srdreg.scid  }
0x2: {  	s0 =	stileid.u32;
	s4 =	rddreg [dreg:$0x1]  }
0x3: {  	s3 =	simm.s32 $0x0;
	s14 =	simm.s32 $0x1;
	s10 =	smul.u32 $0x50000, s0  }
0x4: {  	s15 =	simm.s32 $0x2;
	s5 =	sand.u32 $0x1, s1;
	s25 =	smul.u32 $0x2800, s0  }
0x5: {  	s16 =	simm.s32 $0x1380;
	s6 =	sshll.u32 s0, $0x1;
	s12 =	smul.u32 $0x28000, s5  }
0x6: {  	s1 =	rddreg [dreg:$0x2];
	s6 =	sor.u32 s5, s6;
	s28 =	smul.u32 $0x1400, s5  }
0x7: {  	s17 =	simm.s32 $0x0;
	[smem:$0x7FF] =	sst s3;
	s7 =	smul.u32 $0x1400, s6  }
0x8: {  	s13 =	sadd.s32 $0x3BC00, s4;
	s9 =	ssub.s32 $0x2, s5;
	s8 =	smul.u32 $0x28000, s6  }
0x9: {  	_ =	strace $0x80000062;
	s11 =	sshrl.u32 s9, $0x1;
	s29 =	smul.u32 $0x5000, s6  }
0xa: {  	s9 =	ssub.s32 s9, s11;
	s30 =	sadd.s32 s12, s10;
	s12 =	simm.s32 $0x1400  }
0xb: {  	s7 =	sshrl.u32 s7, $0x3;
	s26 =	sshrl.u32 s8, $0x3;
	s5 =	smax.u32 s9, $0x1  }
0xc: {  	s8 =	sadd.s32 s28, s25;
	s9 =	sadd.s32 s13, s29;
	s10 =	sshrl.u32 s30, $0x3  }
0xd: {  	s7 =	sadd.s32 s7, s4;
	s11 =	sshll.u32 s8, $0x2;
	s8 =	sadd.s32 s10, s13  }
0xe: {  	s10 =	simm.s32 $0x3;
	s4 =	sadd.s32 $0x36C00, s7;
	s7 =	sadd.s32 s13, s26  }
0xf: {  	s31 =	sadd.s32 s11, s13;
	s11 =	simm.s32 $0x80;
	s13 =	simm.s32 $0x2400  }
0x10: {  	s6 =	sadd.s32 $0x4C00, s7;
	s7 =	sadd.s32 $0x4E00, s9;
	s9 =	sadd.s32 $0x200, s31  }
.LBB2_1:
0x11: {  	[tilespmem:s3], [sflag:$0x3] =	stream.linear.gather [hbm4b:s4+s3], $0x1400, $0x38;
	[tilespmem:$0x3400] =	vst v63  }
0x12: {  	_ =	swait.ge [sflag:s10], $0x1400  }
0x13: {  	[sflag:s10] =	ssyncset.done $0x0  }
0x14: {  	[sflag:s10] =	ssyncadd.s32 $0xFFFFEC00  }
0x15: {  	[tilespmem:s12], [sflag:$0x1] =	stream.indirect.gather [hbm4b:s2+s11], $0x20, s3, s11, $0xb8;
	[tilespmem:$0x3400] =	vst v63  }
0x16: {  	s18 =	simm.s32 $0x80  }
0x17: {  	[tilespmem:s13], [sflag:$0x2] =	stream.indirect.gather [hbm4b:s2+s11], $0x20, s18, s11, $0xb8;
	[tilespmem:$0x3400] =	vst v63  }
0x18: {  	_ =	swait.ge [sflag:s14], $0x1000  }
0x19: {  	[sflag:s14] =	ssyncset.done $0x0  }
0x1a: {  	s29 =	sadd.s32 $0x0, s8;
	[sflag:s14] =	ssyncadd.s32 $0xFFFFF000  }
0x1b: {  	[hbm4b:s29+s3] =	stream.linear.scatter [tilespmem:s12], [sflag:$0x3], $0x1000, $0x38;
	[tilespmem:$0x3400] =	vst v63  }
0x1c: {  	_ =	swait.ge [sflag:s10], $0x1000  }
0x1d: {  	[sflag:s10] =	ssyncset.done $0x0  }
0x1e: {  	s30 =	simm.s32 $0x100;
	[sflag:s10] =	ssyncadd.s32 $0xFFFFF000  }
0x1f: {  	[tilespmem:s12], [sflag:$0x1] =	stream.indirect.gather [hbm4b:s2+s11], $0x20, s30, s11, $0xb8;
	[tilespmem:$0x3400] =	vst v63  }
0x20: {  	_ =	swait.ge [sflag:s15], $0x1000  }
0x21: {  	[sflag:s15] =	ssyncset.done $0x0  }
0x22: {  	s31 =	sadd.s32 $0x0, s9;
	[sflag:s15] =	ssyncadd.s32 $0xFFFFF000  }
0x23: {  	[hbm4b:s31+s3] =	stream.linear.scatter [tilespmem:s13], [sflag:$0x3], $0x1000, $0x38;
	[tilespmem:$0x3400] =	vst v63  }
0x24: {  	s20 =	simm.s32 $0x800;
	_ =	swait.ge [sflag:s10], $0x1000  }
0x25: {  	s19 =	simm.s32 $0x100;
	s18 =	simm.s32 $0x400;
	[sflag:s10] =	ssyncset.done $0x0  }
.LBB2_2:
0x26: {  	s21 =	sadd.s32 $0x80, s19  }
0x27: {  	[sflag:s10] =	ssyncadd.s32 $0xFFFFF000;
	s22 =	smov.u32 s20;
	s23 =	sadd.s32 $0x400, s20  }
0x28: {  	[tilespmem:s13], [sflag:$0x2] =	stream.indirect.gather [hbm4b:s2+s11], $0x20, s21, s11, $0xb8;
	[tilespmem:$0x3400] =	vst v63  }
0x29: {  	p0 =	sne.s32 s20, $0x4800;
	_ =	swait.ge [sflag:s14], $0x1000  }
0x2a: {  	[sflag:s14] =	ssyncset.done $0x0  }
0x2b: {  	s20 =	sadd.s32 s18, s8;
	[sflag:s14] =	ssyncadd.s32 $0xFFFFF000  }
0x2c: {  	[hbm4b:s20+s3] =	stream.linear.scatter [tilespmem:s12], [sflag:$0x3], $0x1000, $0x38;
	[tilespmem:$0x3400] =	vst v63  }
0x2d: {  	_ =	swait.ge [sflag:s10], $0x1000  }
0x2e: {  	[sflag:s10] =	ssyncset.done $0x0  }
0x2f: {  	s19 =	sadd.s32 $0x100, s19;
	[sflag:s10] =	ssyncadd.s32 $0xFFFFF000  }
0x30: {  	[tilespmem:s12], [sflag:$0x1] =	stream.indirect.gather [hbm4b:s2+s11], $0x20, s19, s11, $0xb8;
	[tilespmem:$0x3400] =	vst v63  }
0x31: {  	_ =	swait.ge [sflag:s15], $0x1000  }
.Ltmp0:
0x32: {  	[sflag:s15] =	ssyncset.done $0x0;
	(pc) =	sbr.rel @p0 .LBB2_2-.Ltmp0, $4  }
0x33: {  	s19 =	sadd.s32 s18, s9;
	s18 =	smov.u32 s22;
	[sflag:s15] =	ssyncadd.s32 $0xFFFFF000  }
0x34: {  	[hbm4b:s19+s3] =	stream.linear.scatter [tilespmem:s13], [sflag:$0x3], $0x1000, $0x38;
	[tilespmem:$0x3400] =	vst v63  }
0x35: {  	_ =	swait.ge [sflag:s10], $0x1000  }
0x36: {  	s20 =	smov.u32 s23;
	s19 =	sshra.s32 s18, $0x2;
	[sflag:s10] =	ssyncset.done $0x0  }
0x37: {  	s20 =	sadd.s32 $0x80, s19;
	[sflag:s10] =	ssyncadd.s32 $0xFFFFF000  }
0x38: {  	[tilespmem:s13], [sflag:$0x2] =	stream.indirect.gather [hbm4b:s2+s11], $0x20, s20, s11, $0xb8;
	[tilespmem:$0x3400] =	vst v63  }
0x39: {  	_ =	swait.ge [sflag:s14], $0x1000  }
0x3a: {  	[sflag:s14] =	ssyncset.done $0x0  }
0x3b: {  	s29 =	sadd.s32 s18, s8;
	[sflag:s14] =	ssyncadd.s32 $0xFFFFF000  }
0x3c: {  	[hbm4b:s29+s3] =	stream.linear.scatter [tilespmem:s12], [sflag:$0x3], $0x1000, $0x38;
	[tilespmem:$0x3400] =	vst v63  }
0x3d: {  	_ =	swait.ge [sflag:s10], $0x1000  }
0x3e: {  	[sflag:s10] =	ssyncset.done $0x0  }
0x3f: {  	s30 =	sadd.s32 $0x100, s19;
	[sflag:s10] =	ssyncadd.s32 $0xFFFFF000  }
0x40: {  	[tilespmem:s12], [sflag:$0x1] =	stream.indirect.gather [hbm4b:s2+s11], $0x20, s30, s11, $0xb8;
	[tilespmem:$0x3400] =	vst v63  }
0x41: {  	_ =	swait.ge [sflag:s15], $0x1000  }
0x42: {  	[sflag:s15] =	ssyncset.done $0x0  }
0x43: {  	s31 =	sadd.s32 s18, s9;
	[sflag:s15] =	ssyncadd.s32 $0xFFFFF000  }
0x44: {  	[hbm4b:s31+s3] =	stream.linear.scatter [tilespmem:s13], [sflag:$0x3], $0x1000, $0x38;
	[tilespmem:$0x3400] =	vst v63  }
0x45: {  	_ =	swait.ge [sflag:s10], $0x1000  }
0x46: {  	[sflag:s10] =	ssyncset.done $0x0  }
0x47: {  	[sflag:s10] =	ssyncadd.s32 $0xFFFFF000  }
0x48: {  	[tilespmem:s13], [sflag:$0x2] =	stream.indirect.gather [hbm4b:s2+s11], $0x20, s16, s11, $0xb8;
	[tilespmem:$0x3400] =	vst v63  }
0x49: {  	_ =	swait.ge [sflag:s14], $0x1000  }
0x4a: {  	[sflag:s14] =	ssyncset.done $0x0  }
0x4b: {  	[sflag:s14] =	ssyncadd.s32 $0xFFFFF000  }
0x4c: {  	[hbm4b:s6+s3] =	stream.linear.scatter [tilespmem:s12], [sflag:$0x3], $0x1000, $0x38;
	[tilespmem:$0x3400] =	vst v63  }
0x4d: {  	_ =	swait.ge [sflag:s10], $0x1000  }
0x4e: {  	[sflag:s10] =	ssyncset.done $0x0  }
0x4f: {  	[sflag:s10] =	ssyncadd.s32 $0xFFFFF000  }
0x50: {  	s17 =	sadd.s32 $0x1, s17;
	_ =	swait.ge [sflag:s15], $0x1000  }
0x51: {  	p0 =	sne.s32 s17, s5;
	[sflag:s15] =	ssyncset.done $0x0  }
.Ltmp1:
0x52: {  	[sflag:s15] =	ssyncadd.s32 $0xFFFFF000;
	(pc) =	sbr.rel @p0 .LBB2_1-.Ltmp1, $4  }
0x53: {  	[hbm4b:s7+s3] =	stream.linear.scatter [tilespmem:s13], [sflag:$0x3], $0x1000, $0x38;
	[tilespmem:$0x3400] =	vst v63  }
0x54: {  	_ =	swait.ge [sflag:s10], $0x1000  }
0x55: {  	[sflag:s10] =	ssyncset.done $0x0  }
0x56: {  	[sflag:s10] =	ssyncadd.s32 $0xFFFFF000  }
0x57: {  	_ =	sfence.sel $0x180000  }
0x58: {  	[bflag:$0x0] =	sbarrier.arrive $0xFFFF  }
0x59: {  	p0 =	sne.s32 s0, $0x0;
	_ =	strace $0x90000062  }
0x5a: {  	s0 =	sadd.s32 @!p0 $0x100000, s1;
	[bflag:$0x2] =	sbarrier.arrive $0xFFFF  }
0x5b: {  	[sflag:s0] =	ssyncadd.tile.s32 @!p0 $0x1;
	_ =	shalt  }
.Lfunc_end2:
_tile_overlayer_lowered:
.L_overlay_start_2:
0x5c: {  	(tag) =	ssettag $0x2  }
0x5d: {  	s0 =	rddreg [dreg:$0x0];
	s2 =	stileid.u32  }
0x5e: {  	s1 =	rddreg [dreg:$0x1];
	p0 =	sne.s32 s2, $0x0  }
0x5f: {  	s3 =	rddreg [dreg:$0x2];
	[bflag:$0x3] =	sbarrier.arrive $0xFFFF;
	s2 =	simm.s32 @!p0 $0x1C03  }
0x60: {  	[timem:s3], [sflag:s2] =	dma.local @!p0 [hbm:s0], s1  }
0x61: {  	s0 =	simm.s32 @!p0 $0x3  }
0x62: {  	_ =	swait.ge @!p0 [sflag:s0], s1  }
0x63: {  	s1 =	ssub.s32 @!p0 $0x0, s1;
	[sflag:s0] =	ssyncset.done @!p0 $0x0  }
0x64: {  	[sflag:s0] =	ssyncadd.s32 @!p0 s1  }
0x65: {  	[bflag:$0x3] =	sbarrier.arrive $0xFFFF  }
0x66: {  	_ =	shalt  }

// kernel: kernel.59.cloned.1.call-start
scs
__scs_entry_jumppad:
0x0: {  	(pc) =	sbr.rel $0x88, $3  }
0x1: {  	(tag) =	ssettag $0x0;
	lr =	simm.s32 $0x1  }
0x2: {  	[smem:$0x3F92] =	sst lr;
	_ =	strace $0xD0000000  }
0x3: {  	_ = 	snop  }
0x4: {  	_ = 	snop  }
0x5: {  	_ = 	snop  }
0x6: {  	_ = 	snop  }
0x7: {  	_ = 	snop  }
__scs_overlays_trampoline_lowered:
0x8: {  	[smem:$0x3FA1] =	sst s0  }
0x9: {  	[smem:$0x3FA2] =	sst s1  }
0xa: {  	[smem:$0x3FA3] =	sst s2  }
0xb: {  	[smem:$0x3FA4] =	sst s3  }
0xc: {  	[smem:$0x3FA5] =	sst s4  }
0xd: {  	[smem:$0x3FA6] =	sst s5  }
0xe: {  	[smem:$0x3FA7] =	sst s6  }
0xf: {  	[smem:$0x3FA8] =	sst s7  }
0x10: {  	[smem:$0x3FA9] =	sst s8  }
0x11: {  	[smem:$0x3FAA] =	sst s9;
	s0 =	simm.s32 @!p0 $0x0  }
0x12: {  	s1 =	sld [smem:$0x3F90];
	s0 =	simm.s32 @p0 $0x1  }
0x13: {  	[smem:$0x3FAB] =	sst s0;
	s0 =	simm.s32 @!p1 $0x0  }
0x14: {  	s2 =	sld [smem:$0x3F8F];
	s0 =	simm.s32 @p1 $0x1  }
0x15: {  	[smem:$0x3FAC] =	sst s0;
	s0 =	simm.s32 @!p2 $0x0  }
0x16: {  	s3 =	sld [smem:$0x3FDB];
	s0 =	simm.s32 @p2 $0x1  }
0x17: {  	s4 =	simm.s32 $0x1BF5;
	[smem:$0x3FAE] =	sst s0  }
0x18: {  	s0 =	sld [smem:$0x3F91];
	_ =	swait.ge [sflag:s4], $0x0  }
0x19: {  	s7 =	sld [smem:$0x3F92]  }
0x1a: {  	s8 =	sadd.s32 $0xFFFFE003, lr  }
0x1b: {  	s9 =	sadd.s32 $0xFFFFFEF7, lr;
	s5 =	simm.s32 $0xFFFFFFFF;
	p2 =	slt.u32 s8, $0xFFFFF086  }
0x1c: {  	p1 =	slt.u32 s9, $0xF7A;
	s5 =	simm.s32 @!p2 $0x0  }
0x1d: {  	s5 =	simm.s32 @p1 $0x1;
	p0 =	seq.s32 s7, s2  }
0x1e: {  	s7 =	smul.u32 @!p0 $0xF7A, s2;
	p2 =	seq.s32 @!p0 s5, $0x0  }
0x1f: {  	s9 =	smul.u32 $0xF7A, s1;
	s8 =	simm.s32 @!p0 $0x1BF5;
	p2 =	por !p2, p0  }
0x20: {  	[sflag:s8] =	ssyncset.s32 @!p0 $0xFFFFF086;
	s6 =	sadd.s32 @!p0 s3, s7;
	s7 =	simm.s32 @!p0 $0x108  }
0x21: {  	s3 =	sadd.s32 s3, s9;
	s6 =	sadd.s32 @!p0 $0x88, s6;
	s7 =	simm.s32 @p2 $0x1082  }
0x22: {  	[simem:s7], [sflag:s8] =	dma.local @!p0 [hbm:s6], $0xF7A  }
0x23: {  	s9 =	sor.u32 $0xD0000000, s2;
	s6 =	simm.s32 $0x108;
	_ =	swait.ge @!p0 [sflag:s8], $0x0  }
0x24: {  	s3 =	sadd.s32 $0x88, s3;
	s6 =	simm.s32 @!p1 $0x1082;
	[sflag:s4] =	ssyncset.s32 $0xFFFFF086  }
0x25: {  	[simem:s6], [sflag:s4] =	dma.local [hbm:s3], $0xF7A  }
0x26: {  	[smem:$0x3F92] =	sst s1;
	(tag) =	ssettag s2;
	_ =	strace s9  }
0x27: {  	s1 =	sld [smem:$0x3FA2]  }
0x28: {  	s2 =	sld [smem:$0x3FA3]  }
0x29: {  	s4 =	sld [smem:$0x3FA5]  }
0x2a: {  	p0 =	seq.s32 s5, $0x0;
	s5 =	sld [smem:$0x3FA6]  }
0x2b: {  	s6 =	sld [smem:$0x3FA7]  }
0x2c: {  	s7 =	sld [smem:$0x3FA8]  }
0x2d: {  	s3 =	simm.s32 $0x108;
	s8 =	sld [smem:$0x3FA9]  }
0x2e: {  	s3 =	simm.s32 @!p0 $0x1082;
	s9 =	sld [smem:$0x3FAA]  }
0x2f: {  	lr =	sadd.s32 s0, s3;
	s0 =	sld [smem:$0x3FA1]  }
0x30: {  	s3 =	sld [smem:$0x3FA4]  }
0x31: {  	[smem:$0x3FAD] =	sst s10  }
0x32: {  	s10 =	sld [smem:$0x3FAB];
	_ =	sdelay $0x3  }
0x33: {  	p0 =	seq.s32 s10, $0x1;
	s10 =	sld [smem:$0x3FAD];
	_ =	sdelay $0x3  }
0x34: {  	[smem:$0x3FAD] =	sst s10  }
0x35: {  	s10 =	sld [smem:$0x3FAC];
	_ =	sdelay $0x3  }
0x36: {  	p1 =	seq.s32 s10, $0x1;
	s10 =	sld [smem:$0x3FAD];
	_ =	sdelay $0x3  }
0x37: {  	[smem:$0x3FAD] =	sst s10  }
0x38: {  	s10 =	sld [smem:$0x3FAE]  }
0x39: {  	_ = 	snop;
	(pc) =	sbr.ind lr, $3  }
0x3a: {  	_ = 	snop  }
0x3b: {  	_ = 	snop  }
0x3c: {  	p2 =	seq.s32 s10, $0x1;
	s10 =	sld [smem:$0x3FAD]  }
0x3d: {  	_ =	shalt  }
0x3e: {  	_ =	shalt  }
0x3f: {  	_ =	shalt  }
0x40: {  	_ =	shalt  }
0x41: {  	_ =	shalt  }
0x42: {  	_ =	shalt  }
0x43: {  	_ =	shalt  }
0x44: {  	_ =	shalt  }
0x45: {  	_ =	shalt  }
0x46: {  	_ =	shalt  }
0x47: {  	_ =	shalt  }
0x48: {  	_ =	shalt  }
0x49: {  	_ =	shalt  }
0x4a: {  	_ =	shalt  }
0x4b: {  	_ =	shalt  }
0x4c: {  	_ =	shalt  }
0x4d: {  	_ =	shalt  }
0x4e: {  	_ =	shalt  }
0x4f: {  	_ =	shalt  }
0x50: {  	_ =	shalt  }
0x51: {  	_ =	shalt  }
0x52: {  	_ =	shalt  }
0x53: {  	_ =	shalt  }
0x54: {  	_ =	shalt  }
0x55: {  	_ =	shalt  }
0x56: {  	_ =	shalt  }
0x57: {  	_ =	shalt  }
0x58: {  	_ =	shalt  }
0x59: {  	_ =	shalt  }
0x5a: {  	_ =	shalt  }
0x5b: {  	_ =	shalt  }
0x5c: {  	_ =	shalt  }
0x5d: {  	_ =	shalt  }
0x5e: {  	_ =	shalt  }
0x5f: {  	_ =	shalt  }
0x60: {  	_ =	shalt  }
0x61: {  	_ =	shalt  }
0x62: {  	_ =	shalt  }
0x63: {  	_ =	shalt  }
0x64: {  	_ =	shalt  }
0x65: {  	_ =	shalt  }
0x66: {  	_ =	shalt  }
0x67: {  	_ =	shalt  }
0x68: {  	_ =	shalt  }
0x69: {  	_ =	shalt  }
0x6a: {  	_ =	shalt  }
0x6b: {  	_ =	shalt  }
0x6c: {  	_ =	shalt  }
0x6d: {  	_ =	shalt  }
0x6e: {  	_ =	shalt  }
0x6f: {  	_ =	shalt  }
0x70: {  	_ =	shalt  }
0x71: {  	_ =	shalt  }
0x72: {  	_ =	shalt  }
0x73: {  	_ =	shalt  }
0x74: {  	_ =	shalt  }
0x75: {  	_ =	shalt  }
0x76: {  	_ =	shalt  }
0x77: {  	_ =	shalt  }
0x78: {  	_ =	shalt  }
0x79: {  	_ =	shalt  }
0x7a: {  	_ =	shalt  }
0x7b: {  	_ =	shalt  }
0x7c: {  	_ =	shalt  }
0x7d: {  	_ =	shalt  }
0x7e: {  	_ =	shalt  }
0x7f: {  	_ =	shalt  }
0x80: {  	_ =	shalt  }
0x81: {  	_ =	shalt  }
0x82: {  	_ =	shalt  }
0x83: {  	_ =	shalt  }
0x84: {  	_ =	shalt  }
0x85: {  	_ =	shalt  }
0x86: {  	_ =	shalt  }
0x87: {  	_ =	shalt  }
.Lfunc_end0:
.L_simem_size_0:
called_computation.10_lowered:
.L_overlay_start_0:
0x88: {  	s2 =	sld [smem:$0x3FD9]  }
0x89: {  	s3 =	sld [smem:$0x3FFE];
	_ =	sdelay $0x1  }
0x8a: {  	s1 =	srdreg.scid  }
0x8b: {  	s0 =	sand.u32 $0x1, s1  }
0x8c: {  	s16 =	sshll.u32 s0, $0xA;
	s2 =	sadd.s32 s3, s2  }
0x8d: {  	s2 =	sadd.s32 s2, s16  }
0x8e: {  	[smem:$0x3FB9] =	sst s2  }
0x8f: {  	_ = 	snop  }
0x90: {  	(tm) =	ssettm $0x1  }
0x91: {  	s17 =	sld [smem:$0x3FFB];
	_ =	sdelay $0x3  }
0x92: {  	_ =	strace s17  }
0x93: {  	s2 =	sld [smem:$0x3FFC];
	_ =	sdelay $0x3  }
0x94: {  	_ =	strace s2  }
0x95: {  	s2 =	sld [smem:$0x3FFD];
	_ =	sdelay $0x3  }
0x96: {  	_ =	strace s2  }
0x97: {  	_ =	strace $0x8FFFFFFF  }
0x98: {  	s18 =	sld [smem:$0x3FDB];
	_ =	sdelay $0x1  }
0x99: {  	s19 =	simm.s32 $_scs_section_size  }
0x9a: {  	s4 =	simm.s32 $_size__tile_overlayer_lowered;
	s5 =	simm.s32 $_tile_overlayer_lowered  }
0x9b: {  	s22 =	simm.s32 $0x1BFF;
	s21 =	sshll.u32 s5, $0x1;
	s2 =	sadd.s32 s19, s18  }
0x9c: {  	s6 =	simm.s32 $0x0;
	s20 =	sshll.u32 s4, $0x1;
	s4 =	sadd.s32 s21, s2  }
0x9d: {  	[timem:s6], [sflag:s22] =	dma.local [hbm:s4], s20  }
0x9e: {  	_ =	swait.ge [sflag:s22], s20  }
0x9f: {  	s3 =	ssub.s32 $0x0, s20;
	[sflag:s22] =	ssyncset.done $0x0  }
0xa0: {  	[sflag:s22] =	ssyncadd.s32 s3;
	_ =	sdelay $0x1  }
0xa1: {  	s23 =	simm.s32 $0x1B8B  }
0xa2: {  	_ =	swait.ge [sflag:s23], $0x1  }
0xa3: {  	[sflag:s23] =	ssyncset.done $0x0  }
0xa4: {  	s25 =	simm.s32 $0x1B8E;
	s24 =	sld [smem:$0x3FFE];
	[sflag:s23] =	ssyncadd.s32 $0xFFFFFFFF  }
0xa5: {  	s26 =	simm.s32 $execute0_lowered;
	[smem:$0x3FD2] =	sst s25  }
0xa6: {  	s4 =	sshll.u32 s26, $0x1;
	_ =	strace $0x80000064;
	[dreg:$0x1] =	wrdreg $0xFFFFFFFF  }
0xa7: {  	s28 =	simm.s32 $_size_execute0_lowered;
	s2 =	sadd.s32 s2, s4;
	[dreg:$0x0] =	wrdreg $0x0  }
0xa8: {  	s4 =	sshll.u32 s28, $0x1;
	[dreg:$0x2] =	wrdreg s2  }
0xa9: {  	[dreg:$0x3] =	wrdreg s4  }
0xaa: {  	[dreg:$0x4] =	wrdreg $0xC0  }
0xab: {  	_ =	task [dreg:s6], $0x5FFFF  }
0xac: {  	[dreg:$0x1] =	wrdreg $0xFFFFFFFF  }
0xad: {  	[dreg:$0x0] =	wrdreg $0x60  }
0xae: {  	[dreg:$0x2] =	wrdreg s24  }
0xaf: {  	[dreg:$0x3] =	wrdreg $0x84000  }
0xb0: {  	[dreg:$0x4] =	wrdreg $0x9  }
0xb1: {  	_ =	task.clear_ibuf [dreg:s6], $0x5FFFF;
	_ =	strace $0x90000064  }
0xb2: {  	s29 =	simm.s32 $0x9;
	_ =	strace $0x80000066  }
0xb3: {  	_ =	swait.ge [sflag:s29], $0x1  }
0xb4: {  	[sflag:s29] =	ssyncadd.s32 $0xFFFFFFFF  }
0xb5: {  	_ =	strace $0x90000066  }
0xb6: {  	_ =	sfence  }
0xb7: {  	s30 =	sld [smem:$0x0];
	_ =	sdelay $0x2  }
0xb8: {  	s31 =	sshll.u32 s1, $0xD;
	s1 =	sshrl.u32 s1, $0x2  }
0xb9: {  	s3 =	sand.u32 $0x4000, s31;
	s1 =	sadd.s32 s1, s30  }
0xba: {  	s0 =	sor.u32 s3, s0;
	s1 =	sshll.u32 s1, $0x11  }
0xbb: {  	s0 =	sor.u32 s1, s0  }
0xbc: {  	s0 =	sadd.s32 $0x8F2B, s0  }
0xbd: {  	[sflag:s0] =	ssyncadd.remote.s32 $0x1  }
0xbe: {  	_ =	sfence.sel $0xFFFF  }
0xbf: {  	[dreg:$0x0] =	wrdreg $0xFFFFFFFF;
	(pc) =	sbr.abs _section_cstart, $3  }
0xc0: {  	[dreg:$0x1] =	wrdreg $0xFFFFFFFF  }
0xc1: {  	_ =	task.clear_ibuf [dreg:s6], $0x2FFFF;
	_ =	strace $0x9FFFFFFF  }
0xc2: {  	(tm) =	ssettm $0x7FFFFFFF  }
0xc3: {  	_ =	shalt  }
tec
execute0_lowered:
.L_overlay_start_1:
0x0: {  	(tag) =	ssettag $0x1  }
0x1: {  	s1 =	srdreg.scid  }
0x2: {  	s0 =	stileid.u32;
	s4 =	rddreg [dreg:$0x0]  }
0x3: {  	s2 =	rddreg [dreg:$0x1];
	s3 =	simm.s32 $0x0;
	s8 =	smul.u32 $0x5000, s0  }
0x4: {  	s17 =	simm.s32 $0x1;
	s18 =	simm.s32 $0x80;
	s12 =	smul.u32 $0x50000, s0  }
0x5: {  	s19 =	simm.s32 $0x2;
	s6 =	sand.u32 $0x1, s1;
	s16 =	smul.u32 $0x2800, s0  }
0x6: {  	s20 =	sshll.u32 s0, $0x1;
	s1 =	rddreg [dreg:$0x2];
	s9 =	smul.u32 $0xA000, s6  }
0x7: {  	[smem:$0x7FF] =	sst s3;
	s11 =	sadd.s32 $0x3BC00, s4;
	s15 =	smul.u32 $0x28000, s6  }
0x8: {  	s31 =	sshll.u32 s0, $0x6;
	s5 =	sor.u32 s6, s20;
	s22 =	smul.u32 $0x1400, s6  }
0x9: {  	_ =	strace $0x80000065;
	s21 =	ssub.s32 $0x2, s6;
	s7 =	smul.u32 $0x1400, s5  }
0xa: {  	s20 =	simm.s32 $0x1300;
	s10 =	smul.u32 $0x5000, s5;
	s23 =	sshrl.u32 s8, $0x3  }
0xb: {  	s14 =	sshrl.u32 s21, $0x1;
	s5 =	sadd.s32 s8, s2;
	s13 =	sadd.s32 s23, s4  }
0xc: {  	s9 =	sadd.s32 s9, s4;
	s14 =	ssub.s32 s21, s14;
	s25 =	sadd.s32 s15, s12  }
0xd: {  	s28 =	sadd.s32 s22, s16;
	s12 =	simm.s32 $0x3;
	s15 =	simm.s32 $0x1400  }
0xe: {  	s16 =	simm.s32 $0x2400;
	s21 =	simm.s32 $0x1380;
	s22 =	simm.s32 $0x3400  }
0xf: {  	s7 =	sshrl.u32 s7, $0x3;
	s6 =	sadd.s32 $0xE0C00, s13;
	s24 =	sadd.s32 $0x2DEC00, s9  }
0x10: {  	s26 =	sor.u32 $0x2000, s25;
	s8 =	smax.u32 s14, $0x1;
	s30 =	sshll.u32 s28, $0x2  }
0x11: {  	s13 =	sor.u32 $0x1C03, s31;
	s14 =	sshrl.u32 s5, $0x3;
	s7 =	sadd.s32 s7, s4  }
0x12: {  	s29 =	sshrl.u32 s26, $0x3;
	s23 =	sadd.s32 s23, s24;
	s4 =	sadd.s32 $0xDBC00, s7  }
0x13: {  	s7 =	sadd.s32 s11, s10;
	s10 =	sadd.s32 s29, s11;
	s11 =	sadd.s32 s30, s11  }
0x14: {  	s24 =	simm.s32 $0x0;
	s9 =	sadd.s32 $0x4E00, s7;
	s11 =	sadd.s32 $0x200, s11  }
.LBB2_1:
0x15: {  	[tilespmem:s3], [sflag:$0x3] =	stream.linear.gather [hbm4b:s4+s3], $0x1400, $0x38;
	[tilespmem:$0xD400] =	vst v63  }
0x16: {  	_ =	swait.ge [sflag:s12], $0x1400  }
0x17: {  	[sflag:s12] =	ssyncset.done $0x0  }
0x18: {  	[sflag:s12] =	ssyncadd.s32 $0xFFFFEC00  }
0x19: {  	[spmem:s14], [sflag:s13] =	dma.local [hbm:s6], $0xA00  }
0x1a: {  	_ =	swait.ge [sflag:s12], $0xA00  }
0x1b: {  	[sflag:s12] =	ssyncset.done $0x0  }
0x1c: {  	[sflag:s12] =	ssyncadd.s32 $0xFFFFF600  }
0x1d: {  	[bflag:$0x0] =	sbarrier.arrive $0xFFFF  }
0x1e: {  	[tilespmem:s15], [sflag:$0x1] =	stream.linear.gather [hbm4b:s7+s3], $0x1000, $0x38;
	[tilespmem:$0xD400] =	vst v63  }
0x1f: {  	s25 =	sadd.s32 $0x0, s11  }
0x20: {  	[tilespmem:s16], [sflag:$0x2] =	stream.linear.gather [hbm4b:s25+s3], $0x1000, $0x38;
	[tilespmem:$0xD400] =	vst v63  }
0x21: {  	_ =	swait.ge [sflag:s17], $0x1000  }
0x22: {  	[sflag:s17] =	ssyncset.done $0x0  }
0x23: {  	s29 =	simm.s32 $0x0;
	[sflag:s17] =	ssyncadd.s32 $0xFFFFF000  }
0x24: {  	[spmem:s2] =	stream.indirect.scatter.add.f32 [tilespmem:s15], [sflag:$0x3], $0x20, s29, s18, $0xb8;
	[tilespmem:$0xD400] =	vst v63  }
0x25: {  	_ =	swait.ge [sflag:s12], $0x1000  }
0x26: {  	[sflag:s12] =	ssyncset.done $0x0  }
0x27: {  	s30 =	sadd.s32 $0x0, s10;
	[sflag:s12] =	ssyncadd.s32 $0xFFFFF000  }
0x28: {  	[tilespmem:s15], [sflag:$0x1] =	stream.linear.gather [hbm4b:s30+s3], $0x1000, $0x38;
	[tilespmem:$0xD400] =	vst v63  }
0x29: {  	_ =	swait.ge [sflag:s19], $0x1000  }
0x2a: {  	[sflag:s19] =	ssyncset.done $0x0  }
0x2b: {  	s31 =	simm.s32 $0x80;
	[sflag:s19] =	ssyncadd.s32 $0xFFFFF000  }
0x2c: {  	[spmem:s2] =	stream.indirect.scatter.add.f32 [tilespmem:s16], [sflag:$0x3], $0x20, s31, s18, $0xb8;
	[tilespmem:$0xD400] =	vst v63  }
0x2d: {  	_ =	swait.ge [sflag:s12], $0x1000  }
0x2e: {  	s26 =	simm.s32 $0x800;
	s25 =	simm.s32 $0x400;
	[sflag:s12] =	ssyncset.done $0x0  }
.LBB2_2:
0x2f: {  	s28 =	sadd.s32 s25, s11  }
0x30: {  	[sflag:s12] =	ssyncadd.s32 $0xFFFFF000;
	s29 =	smov.u32 s26;
	s30 =	sadd.s32 $0x400, s26  }
0x31: {  	[tilespmem:s16], [sflag:$0x2] =	stream.linear.gather [hbm4b:s28+s3], $0x1000, $0x38;
	[tilespmem:$0xD400] =	vst v63  }
0x32: {  	p0 =	sne.s32 s26, $0x4800;
	_ =	swait.ge [sflag:s17], $0x1000  }
0x33: {  	[sflag:s17] =	ssyncset.done $0x0  }
0x34: {  	s26 =	sshra.s32 s25, $0x2;
	[sflag:s17] =	ssyncadd.s32 $0xFFFFF000  }
0x35: {  	[spmem:s2] =	stream.indirect.scatter.add.f32 [tilespmem:s15], [sflag:$0x3], $0x20, s26, s18, $0xb8;
	[tilespmem:$0xD400] =	vst v63  }
0x36: {  	_ =	swait.ge [sflag:s12], $0x1000  }
0x37: {  	[sflag:s12] =	ssyncset.done $0x0  }
0x38: {  	s28 =	sadd.s32 s25, s10;
	s25 =	smov.u32 s29;
	[sflag:s12] =	ssyncadd.s32 $0xFFFFF000  }
0x39: {  	[tilespmem:s15], [sflag:$0x1] =	stream.linear.gather [hbm4b:s28+s3], $0x1000, $0x38;
	[tilespmem:$0xD400] =	vst v63  }
0x3a: {  	_ =	swait.ge [sflag:s19], $0x1000  }
.Ltmp0:
0x3b: {  	[sflag:s19] =	ssyncset.done $0x0;
	(pc) =	sbr.rel @p0 .LBB2_2-.Ltmp0, $4  }
0x3c: {  	s26 =	sadd.s32 $0x80, s26;
	[sflag:s19] =	ssyncadd.s32 $0xFFFFF000  }
0x3d: {  	[spmem:s2] =	stream.indirect.scatter.add.f32 [tilespmem:s16], [sflag:$0x3], $0x20, s26, s18, $0xb8;
	[tilespmem:$0xD400] =	vst v63  }
0x3e: {  	_ =	swait.ge [sflag:s12], $0x1000  }
0x3f: {  	s26 =	smov.u32 s30;
	[sflag:s12] =	ssyncset.done $0x0  }
0x40: {  	s26 =	sadd.s32 s25, s11;
	[sflag:s12] =	ssyncadd.s32 $0xFFFFF000  }
0x41: {  	[tilespmem:s16], [sflag:$0x2] =	stream.linear.gather [hbm4b:s26+s3], $0x1000, $0x38;
	[tilespmem:$0xD400] =	vst v63  }
0x42: {  	_ =	swait.ge [sflag:s17], $0x1000  }
0x43: {  	[sflag:s17] =	ssyncset.done $0x0  }
0x44: {  	s29 =	sshra.s32 s25, $0x2;
	[sflag:s17] =	ssyncadd.s32 $0xFFFFF000  }
0x45: {  	[spmem:s2] =	stream.indirect.scatter.add.f32 [tilespmem:s15], [sflag:$0x3], $0x20, s29, s18, $0xb8;
	[tilespmem:$0xD400] =	vst v63  }
0x46: {  	_ =	swait.ge [sflag:s12], $0x1000  }
0x47: {  	[sflag:s12] =	ssyncset.done $0x0  }
0x48: {  	s30 =	sadd.s32 s25, s10;
	[sflag:s12] =	ssyncadd.s32 $0xFFFFF000  }
0x49: {  	[tilespmem:s15], [sflag:$0x1] =	stream.linear.gather [hbm4b:s30+s3], $0x1000, $0x38;
	[tilespmem:$0xD400] =	vst v63  }
0x4a: {  	_ =	swait.ge [sflag:s19], $0x1000  }
0x4b: {  	[sflag:s19] =	ssyncset.done $0x0  }
0x4c: {  	s31 =	sadd.s32 $0x80, s29;
	[sflag:s19] =	ssyncadd.s32 $0xFFFFF000  }
0x4d: {  	[spmem:s2] =	stream.indirect.scatter.add.f32 [tilespmem:s16], [sflag:$0x3], $0x20, s31, s18, $0xb8;
	[tilespmem:$0xD400] =	vst v63  }
0x4e: {  	_ =	swait.ge [sflag:s12], $0x1000  }
0x4f: {  	[sflag:s12] =	ssyncset.done $0x0  }
0x50: {  	[sflag:s12] =	ssyncadd.s32 $0xFFFFF000  }
0x51: {  	[tilespmem:s16], [sflag:$0x2] =	stream.linear.gather [hbm4b:s9+s3], $0x1000, $0x38;
	[tilespmem:$0xD400] =	vst v63  }
0x52: {  	_ =	swait.ge [sflag:s17], $0x1000  }
0x53: {  	[sflag:s17] =	ssyncset.done $0x0  }
0x54: {  	[sflag:s17] =	ssyncadd.s32 $0xFFFFF000  }
0x55: {  	[spmem:s2] =	stream.indirect.scatter.add.f32 [tilespmem:s15], [sflag:$0x3], $0x20, s20, s18, $0xb8;
	[tilespmem:$0xD400] =	vst v63  }
0x56: {  	_ =	swait.ge [sflag:s12], $0x1000  }
0x57: {  	[sflag:s12] =	ssyncset.done $0x0  }
0x58: {  	[sflag:s12] =	ssyncadd.s32 $0xFFFFF000  }
0x59: {  	_ =	swait.ge [sflag:s19], $0x1000  }
0x5a: {  	[sflag:s19] =	ssyncset.done $0x0  }
0x5b: {  	[sflag:s19] =	ssyncadd.s32 $0xFFFFF000  }
0x5c: {  	[spmem:s2] =	stream.indirect.scatter.add.f32 [tilespmem:s16], [sflag:$0x3], $0x20, s21, s18, $0xb8;
	[tilespmem:$0xD400] =	vst v63  }
0x5d: {  	_ =	swait.ge [sflag:s12], $0x1000  }
0x5e: {  	[sflag:s12] =	ssyncset.done $0x0  }
0x5f: {  	[sflag:s12] =	ssyncadd.s32 $0xFFFFF000  }
0x60: {  	[bflag:$0x0] =	sbarrier.arrive $0xFFFF  }
0x61: {  	[tilespmem:s22], [sflag:$0x3] =	stream.linear.gather [spmem:s5], $0x5000, $0x38;
	[tilespmem:$0xD400] =	vst v63  }
0x62: {  	s24 =	sadd.s32 $0x1, s24;
	_ =	swait.ge [sflag:s12], $0x5000  }
0x63: {  	p0 =	sne.s32 s24, s8;
	[sflag:s12] =	ssyncset.done $0x0  }
.Ltmp1:
0x64: {  	[sflag:s12] =	ssyncadd.s32 $0xFFFFB000;
	(pc) =	sbr.rel @p0 .LBB2_1-.Ltmp1, $4  }
0x65: {  	[hbm4b:s23+s3] =	stream.linear.scatter [tilespmem:s22], [sflag:$0x3], $0x5000, $0x38;
	[tilespmem:$0xD400] =	vst v63  }
0x66: {  	_ =	swait.ge [sflag:s12], $0x5000  }
0x67: {  	[sflag:s12] =	ssyncset.done $0x0  }
0x68: {  	[sflag:s12] =	ssyncadd.s32 $0xFFFFB000  }
0x69: {  	_ =	sfence.sel $0x180000  }
0x6a: {  	[bflag:$0x0] =	sbarrier.arrive $0xFFFF  }
0x6b: {  	p0 =	sne.s32 s0, $0x0;
	_ =	strace $0x90000065  }
0x6c: {  	s0 =	sadd.s32 @!p0 $0x100000, s1;
	[bflag:$0x2] =	sbarrier.arrive $0xFFFF  }
0x6d: {  	[sflag:s0] =	ssyncadd.tile.s32 @!p0 $0x1;
	_ =	shalt  }
.Lfunc_end2:
_tile_overlayer_lowered:
.L_overlay_start_2:
0x6e: {  	(tag) =	ssettag $0x2  }
0x6f: {  	s0 =	rddreg [dreg:$0x0];
	s2 =	stileid.u32  }
0x70: {  	s1 =	rddreg [dreg:$0x1];
	p0 =	sne.s32 s2, $0x0  }
0x71: {  	s3 =	rddreg [dreg:$0x2];
	[bflag:$0x3] =	sbarrier.arrive $0xFFFF;
	s2 =	simm.s32 @!p0 $0x1C03  }
0x72: {  	[timem:s3], [sflag:s2] =	dma.local @!p0 [hbm:s0], s1  }
0x73: {  	s0 =	simm.s32 @!p0 $0x3  }
0x74: {  	_ =	swait.ge @!p0 [sflag:s0], s1  }
0x75: {  	s1 =	ssub.s32 @!p0 $0x0, s1;
	[sflag:s0] =	ssyncset.done @!p0 $0x0  }
0x76: {  	[sflag:s0] =	ssyncadd.s32 @!p0 s1  }
0x77: {  	[bflag:$0x3] =	sbarrier.arrive $0xFFFF  }
0x78: {  	_ =	shalt  }

// kernel: kernel.62.cloned.1.call-start
scs
__scs_entry_jumppad:
0x0: {  	(pc) =	sbr.rel $0x88, $3  }
0x1: {  	(tag) =	ssettag $0x0;
	lr =	simm.s32 $0x1  }
0x2: {  	[smem:$0x3F92] =	sst lr;
	_ =	strace $0xD0000000  }
0x3: {  	_ = 	snop  }
0x4: {  	_ = 	snop  }
0x5: {  	_ = 	snop  }
0x6: {  	_ = 	snop  }
0x7: {  	_ = 	snop  }
__scs_overlays_trampoline_lowered:
0x8: {  	[smem:$0x3FA1] =	sst s0  }
0x9: {  	[smem:$0x3FA2] =	sst s1  }
0xa: {  	[smem:$0x3FA3] =	sst s2  }
0xb: {  	[smem:$0x3FA4] =	sst s3  }
0xc: {  	[smem:$0x3FA5] =	sst s4  }
0xd: {  	[smem:$0x3FA6] =	sst s5  }
0xe: {  	[smem:$0x3FA7] =	sst s6  }
0xf: {  	[smem:$0x3FA8] =	sst s7  }
0x10: {  	[smem:$0x3FA9] =	sst s8  }
0x11: {  	[smem:$0x3FAA] =	sst s9;
	s0 =	simm.s32 @!p0 $0x0  }
0x12: {  	s1 =	sld [smem:$0x3F90];
	s0 =	simm.s32 @p0 $0x1  }
0x13: {  	[smem:$0x3FAB] =	sst s0;
	s0 =	simm.s32 @!p1 $0x0  }
0x14: {  	s2 =	sld [smem:$0x3F8F];
	s0 =	simm.s32 @p1 $0x1  }
0x15: {  	[smem:$0x3FAC] =	sst s0;
	s0 =	simm.s32 @!p2 $0x0  }
0x16: {  	s3 =	sld [smem:$0x3FDB];
	s0 =	simm.s32 @p2 $0x1  }
0x17: {  	s4 =	simm.s32 $0x1BF5;
	[smem:$0x3FAE] =	sst s0  }
0x18: {  	s0 =	sld [smem:$0x3F91];
	_ =	swait.ge [sflag:s4], $0x0  }
0x19: {  	s7 =	sld [smem:$0x3F92]  }
0x1a: {  	s8 =	sadd.s32 $0xFFFFE003, lr  }
0x1b: {  	s9 =	sadd.s32 $0xFFFFFEF7, lr;
	s5 =	simm.s32 $0xFFFFFFFF;
	p2 =	slt.u32 s8, $0xFFFFF086  }
0x1c: {  	p1 =	slt.u32 s9, $0xF7A;
	s5 =	simm.s32 @!p2 $0x0  }
0x1d: {  	s5 =	simm.s32 @p1 $0x1;
	p0 =	seq.s32 s7, s2  }
0x1e: {  	s7 =	smul.u32 @!p0 $0xF7A, s2;
	p2 =	seq.s32 @!p0 s5, $0x0  }
0x1f: {  	s9 =	smul.u32 $0xF7A, s1;
	s8 =	simm.s32 @!p0 $0x1BF5;
	p2 =	por !p2, p0  }
0x20: {  	[sflag:s8] =	ssyncset.s32 @!p0 $0xFFFFF086;
	s6 =	sadd.s32 @!p0 s3, s7;
	s7 =	simm.s32 @!p0 $0x108  }
0x21: {  	s3 =	sadd.s32 s3, s9;
	s6 =	sadd.s32 @!p0 $0x88, s6;
	s7 =	simm.s32 @p2 $0x1082  }
0x22: {  	[simem:s7], [sflag:s8] =	dma.local @!p0 [hbm:s6], $0xF7A  }
0x23: {  	s9 =	sor.u32 $0xD0000000, s2;
	s6 =	simm.s32 $0x108;
	_ =	swait.ge @!p0 [sflag:s8], $0x0  }
0x24: {  	s3 =	sadd.s32 $0x88, s3;
	s6 =	simm.s32 @!p1 $0x1082;
	[sflag:s4] =	ssyncset.s32 $0xFFFFF086  }
0x25: {  	[simem:s6], [sflag:s4] =	dma.local [hbm:s3], $0xF7A  }
0x26: {  	[smem:$0x3F92] =	sst s1;
	(tag) =	ssettag s2;
	_ =	strace s9  }
0x27: {  	s1 =	sld [smem:$0x3FA2]  }
0x28: {  	s2 =	sld [smem:$0x3FA3]  }
0x29: {  	s4 =	sld [smem:$0x3FA5]  }
0x2a: {  	p0 =	seq.s32 s5, $0x0;
	s5 =	sld [smem:$0x3FA6]  }
0x2b: {  	s6 =	sld [smem:$0x3FA7]  }
0x2c: {  	s7 =	sld [smem:$0x3FA8]  }
0x2d: {  	s3 =	simm.s32 $0x108;
	s8 =	sld [smem:$0x3FA9]  }
0x2e: {  	s3 =	simm.s32 @!p0 $0x1082;
	s9 =	sld [smem:$0x3FAA]  }
0x2f: {  	lr =	sadd.s32 s0, s3;
	s0 =	sld [smem:$0x3FA1]  }
0x30: {  	s3 =	sld [smem:$0x3FA4]  }
0x31: {  	[smem:$0x3FAD] =	sst s10  }
0x32: {  	s10 =	sld [smem:$0x3FAB];
	_ =	sdelay $0x3  }
0x33: {  	p0 =	seq.s32 s10, $0x1;
	s10 =	sld [smem:$0x3FAD];
	_ =	sdelay $0x3  }
0x34: {  	[smem:$0x3FAD] =	sst s10  }
0x35: {  	s10 =	sld [smem:$0x3FAC];
	_ =	sdelay $0x3  }
0x36: {  	p1 =	seq.s32 s10, $0x1;
	s10 =	sld [smem:$0x3FAD];
	_ =	sdelay $0x3  }
0x37: {  	[smem:$0x3FAD] =	sst s10  }
0x38: {  	s10 =	sld [smem:$0x3FAE]  }
0x39: {  	_ = 	snop;
	(pc) =	sbr.ind lr, $3  }
0x3a: {  	_ = 	snop  }
0x3b: {  	_ = 	snop  }
0x3c: {  	p2 =	seq.s32 s10, $0x1;
	s10 =	sld [smem:$0x3FAD]  }
0x3d: {  	_ =	shalt  }
0x3e: {  	_ =	shalt  }
0x3f: {  	_ =	shalt  }
0x40: {  	_ =	shalt  }
0x41: {  	_ =	shalt  }
0x42: {  	_ =	shalt  }
0x43: {  	_ =	shalt  }
0x44: {  	_ =	shalt  }
0x45: {  	_ =	shalt  }
0x46: {  	_ =	shalt  }
0x47: {  	_ =	shalt  }
0x48: {  	_ =	shalt  }
0x49: {  	_ =	shalt  }
0x4a: {  	_ =	shalt  }
0x4b: {  	_ =	shalt  }
0x4c: {  	_ =	shalt  }
0x4d: {  	_ =	shalt  }
0x4e: {  	_ =	shalt  }
0x4f: {  	_ =	shalt  }
0x50: {  	_ =	shalt  }
0x51: {  	_ =	shalt  }
0x52: {  	_ =	shalt  }
0x53: {  	_ =	shalt  }
0x54: {  	_ =	shalt  }
0x55: {  	_ =	shalt  }
0x56: {  	_ =	shalt  }
0x57: {  	_ =	shalt  }
0x58: {  	_ =	shalt  }
0x59: {  	_ =	shalt  }
0x5a: {  	_ =	shalt  }
0x5b: {  	_ =	shalt  }
0x5c: {  	_ =	shalt  }
0x5d: {  	_ =	shalt  }
0x5e: {  	_ =	shalt  }
0x5f: {  	_ =	shalt  }
0x60: {  	_ =	shalt  }
0x61: {  	_ =	shalt  }
0x62: {  	_ =	shalt  }
0x63: {  	_ =	shalt  }
0x64: {  	_ =	shalt  }
0x65: {  	_ =	shalt  }
0x66: {  	_ =	shalt  }
0x67: {  	_ =	shalt  }
0x68: {  	_ =	shalt  }
0x69: {  	_ =	shalt  }
0x6a: {  	_ =	shalt  }
0x6b: {  	_ =	shalt  }
0x6c: {  	_ =	shalt  }
0x6d: {  	_ =	shalt  }
0x6e: {  	_ =	shalt  }
0x6f: {  	_ =	shalt  }
0x70: {  	_ =	shalt  }
0x71: {  	_ =	shalt  }
0x72: {  	_ =	shalt  }
0x73: {  	_ =	shalt  }
0x74: {  	_ =	shalt  }
0x75: {  	_ =	shalt  }
0x76: {  	_ =	shalt  }
0x77: {  	_ =	shalt  }
0x78: {  	_ =	shalt  }
0x79: {  	_ =	shalt  }
0x7a: {  	_ =	shalt  }
0x7b: {  	_ =	shalt  }
0x7c: {  	_ =	shalt  }
0x7d: {  	_ =	shalt  }
0x7e: {  	_ =	shalt  }
0x7f: {  	_ =	shalt  }
0x80: {  	_ =	shalt  }
0x81: {  	_ =	shalt  }
0x82: {  	_ =	shalt  }
0x83: {  	_ =	shalt  }
0x84: {  	_ =	shalt  }
0x85: {  	_ =	shalt  }
0x86: {  	_ =	shalt  }
0x87: {  	_ =	shalt  }
.Lfunc_end0:
.L_simem_size_0:
called_computation.11_lowered:
.L_overlay_start_0:
0x88: {  	s2 =	sld [smem:$0x3FD9]  }
0x89: {  	s3 =	sld [smem:$0x3FFE];
	_ =	sdelay $0x1  }
0x8a: {  	s1 =	srdreg.scid  }
0x8b: {  	s0 =	sand.u32 $0x1, s1  }
0x8c: {  	s17 =	sshll.u32 s0, $0xA;
	s2 =	sadd.s32 s3, s2  }
0x8d: {  	s2 =	sadd.s32 s2, s17  }
0x8e: {  	[smem:$0x3FB9] =	sst s2  }
0x8f: {  	_ = 	snop  }
0x90: {  	s2 =	sld [smem:$0x3FD0];
	(tm) =	ssettm $0x1  }
0x91: {  	s18 =	sld [smem:$0x3FFB];
	_ =	sdelay $0x3  }
0x92: {  	_ =	strace s18  }
0x93: {  	s3 =	sld [smem:$0x3FFC];
	_ =	sdelay $0x3  }
0x94: {  	_ =	strace s3  }
0x95: {  	s3 =	sld [smem:$0x3FFD];
	_ =	sdelay $0x3  }
0x96: {  	_ =	strace s3  }
0x97: {  	_ =	strace $0x8FFFFFFF  }
0x98: {  	s19 =	sld [smem:$0x3FDB];
	_ =	sdelay $0x1  }
0x99: {  	s4 =	simm.s32 $_scs_section_size  }
0x9a: {  	s5 =	simm.s32 $_size__tile_overlayer_lowered;
	s6 =	simm.s32 $_tile_overlayer_lowered  }
0x9b: {  	s22 =	simm.s32 $0x1BFF;
	s21 =	sshll.u32 s6, $0x1;
	s3 =	sadd.s32 s4, s19  }
0x9c: {  	s7 =	simm.s32 $0x0;
	s20 =	sshll.u32 s5, $0x1;
	s5 =	sadd.s32 s21, s3  }
0x9d: {  	[timem:s7], [sflag:s22] =	dma.local [hbm:s5], s20  }
0x9e: {  	_ =	swait.ge [sflag:s22], s20  }
0x9f: {  	s4 =	ssub.s32 $0x0, s20;
	[sflag:s22] =	ssyncset.done $0x0  }
0xa0: {  	[sflag:s22] =	ssyncadd.s32 s4;
	_ =	sdelay $0x1  }
0xa1: {  	s23 =	simm.s32 $0x1B8B  }
0xa2: {  	_ =	swait.ge [sflag:s23], $0x1  }
0xa3: {  	[sflag:s23] =	ssyncset.done $0x0  }
0xa4: {  	s25 =	simm.s32 $0x1B8E;
	s24 =	sld [smem:$0x3FFE];
	[sflag:s23] =	ssyncadd.s32 $0xFFFFFFFF  }
0xa5: {  	s26 =	simm.s32 $execute0_lowered;
	[smem:$0x3FD2] =	sst s25  }
0xa6: {  	s5 =	sshll.u32 s26, $0x1;
	_ =	strace $0x80000067;
	[dreg:$0x1] =	wrdreg $0xFFFFFFFF  }
0xa7: {  	s28 =	simm.s32 $_size_execute0_lowered;
	s3 =	sadd.s32 s3, s5;
	[dreg:$0x0] =	wrdreg $0x0  }
0xa8: {  	s5 =	sshll.u32 s28, $0x1;
	[dreg:$0x2] =	wrdreg s3  }
0xa9: {  	[dreg:$0x3] =	wrdreg s5  }
0xaa: {  	[dreg:$0x4] =	wrdreg $0xC0  }
0xab: {  	_ =	task [dreg:s7], $0x5FFFF  }
0xac: {  	[dreg:$0x1] =	wrdreg $0xFFFFFFFF  }
0xad: {  	[dreg:$0x0] =	wrdreg $0x60  }
0xae: {  	[dreg:$0x2] =	wrdreg s2  }
0xaf: {  	[dreg:$0x3] =	wrdreg s24  }
0xb0: {  	[dreg:$0x4] =	wrdreg $0x9  }
0xb1: {  	_ =	task.clear_ibuf [dreg:s7], $0x5FFFF;
	_ =	strace $0x90000067  }
0xb2: {  	s29 =	simm.s32 $0x9;
	_ =	strace $0x80000069  }
0xb3: {  	_ =	swait.ge [sflag:s29], $0x1  }
0xb4: {  	[sflag:s29] =	ssyncadd.s32 $0xFFFFFFFF  }
0xb5: {  	_ =	strace $0x90000069  }
0xb6: {  	_ =	sfence  }
0xb7: {  	s30 =	sld [smem:$0x0];
	_ =	sdelay $0x2  }
0xb8: {  	s31 =	sshll.u32 s1, $0xD;
	s1 =	sshrl.u32 s1, $0x2  }
0xb9: {  	s3 =	sand.u32 $0x4000, s31;
	s1 =	sadd.s32 s1, s30  }
0xba: {  	s0 =	sor.u32 s3, s0;
	s1 =	sshll.u32 s1, $0x11  }
0xbb: {  	s0 =	sor.u32 s1, s0  }
0xbc: {  	s0 =	sadd.s32 $0x8F2B, s0  }
0xbd: {  	[sflag:s0] =	ssyncadd.remote.s32 $0x1  }
0xbe: {  	_ =	sfence.sel $0xFFFF  }
0xbf: {  	[dreg:$0x0] =	wrdreg $0xFFFFFFFF;
	(pc) =	sbr.abs _section_cstart, $3  }
0xc0: {  	[dreg:$0x1] =	wrdreg $0xFFFFFFFF  }
0xc1: {  	_ =	task.clear_ibuf [dreg:s7], $0x2FFFF;
	_ =	strace $0x9FFFFFFF  }
0xc2: {  	(tm) =	ssettm $0x7FFFFFFF  }
0xc3: {  	_ =	shalt  }
tec
execute0_lowered:
.L_overlay_start_1:
0x0: {  	(tag) =	ssettag $0x1  }
0x1: {  	s2 =	rddreg [dreg:$0x0];
	s1 =	srdreg.scid  }
0x2: {  	s0 =	stileid.u32;
	s4 =	rddreg [dreg:$0x1]  }
0x3: {  	s3 =	simm.s32 $0x0;
	s14 =	simm.s32 $0x1;
	s10 =	smul.u32 $0x50000, s0  }
0x4: {  	s15 =	simm.s32 $0x2;
	s5 =	sand.u32 $0x1, s1;
	s25 =	smul.u32 $0x2800, s0  }
0x5: {  	s16 =	simm.s32 $0x1380;
	s6 =	sshll.u32 s0, $0x1;
	s12 =	smul.u32 $0x28000, s5  }
0x6: {  	s1 =	rddreg [dreg:$0x2];
	s6 =	sor.u32 s5, s6;
	s28 =	smul.u32 $0x1400, s5  }
0x7: {  	s17 =	simm.s32 $0x0;
	[smem:$0x7FF] =	sst s3;
	s7 =	smul.u32 $0x1400, s6  }
0x8: {  	s13 =	sadd.s32 $0x3BC00, s4;
	s9 =	ssub.s32 $0x2, s5;
	s8 =	smul.u32 $0x28000, s6  }
0x9: {  	_ =	strace $0x80000068;
	s11 =	sshrl.u32 s9, $0x1;
	s29 =	smul.u32 $0x5000, s6  }
0xa: {  	s9 =	ssub.s32 s9, s11;
	s30 =	sadd.s32 s12, s10;
	s12 =	simm.s32 $0x1400  }
0xb: {  	s7 =	sshrl.u32 s7, $0x3;
	s26 =	sshrl.u32 s8, $0x3;
	s5 =	smax.u32 s9, $0x1  }
0xc: {  	s8 =	sadd.s32 s28, s25;
	s9 =	sadd.s32 s13, s29;
	s10 =	sshrl.u32 s30, $0x3  }
0xd: {  	s7 =	sadd.s32 s7, s4;
	s11 =	sshll.u32 s8, $0x2;
	s8 =	sadd.s32 s10, s13  }
0xe: {  	s10 =	simm.s32 $0x3;
	s4 =	sadd.s32 $0x36C00, s7;
	s7 =	sadd.s32 s13, s26  }
0xf: {  	s31 =	sadd.s32 s11, s13;
	s11 =	simm.s32 $0x80;
	s13 =	simm.s32 $0x2400  }
0x10: {  	s6 =	sadd.s32 $0x4C00, s7;
	s7 =	sadd.s32 $0x4E00, s9;
	s9 =	sadd.s32 $0x200, s31  }
.LBB2_1:
0x11: {  	[tilespmem:s3], [sflag:$0x3] =	stream.linear.gather [hbm4b:s4+s3], $0x1400, $0x38;
	[tilespmem:$0x3400] =	vst v63  }
0x12: {  	_ =	swait.ge [sflag:s10], $0x1400  }
0x13: {  	[sflag:s10] =	ssyncset.done $0x0  }
0x14: {  	[sflag:s10] =	ssyncadd.s32 $0xFFFFEC00  }
0x15: {  	[tilespmem:s12], [sflag:$0x1] =	stream.indirect.gather [hbm4b:s2+s11], $0x20, s3, s11, $0xb8;
	[tilespmem:$0x3400] =	vst v63  }
0x16: {  	s18 =	simm.s32 $0x80  }
0x17: {  	[tilespmem:s13], [sflag:$0x2] =	stream.indirect.gather [hbm4b:s2+s11], $0x20, s18, s11, $0xb8;
	[tilespmem:$0x3400] =	vst v63  }
0x18: {  	_ =	swait.ge [sflag:s14], $0x1000  }
0x19: {  	[sflag:s14] =	ssyncset.done $0x0  }
0x1a: {  	s29 =	sadd.s32 $0x0, s8;
	[sflag:s14] =	ssyncadd.s32 $0xFFFFF000  }
0x1b: {  	[hbm4b:s29+s3] =	stream.linear.scatter [tilespmem:s12], [sflag:$0x3], $0x1000, $0x38;
	[tilespmem:$0x3400] =	vst v63  }
0x1c: {  	_ =	swait.ge [sflag:s10], $0x1000  }
0x1d: {  	[sflag:s10] =	ssyncset.done $0x0  }
0x1e: {  	s30 =	simm.s32 $0x100;
	[sflag:s10] =	ssyncadd.s32 $0xFFFFF000  }
0x1f: {  	[tilespmem:s12], [sflag:$0x1] =	stream.indirect.gather [hbm4b:s2+s11], $0x20, s30, s11, $0xb8;
	[tilespmem:$0x3400] =	vst v63  }
0x20: {  	_ =	swait.ge [sflag:s15], $0x1000  }
0x21: {  	[sflag:s15] =	ssyncset.done $0x0  }
0x22: {  	s31 =	sadd.s32 $0x0, s9;
	[sflag:s15] =	ssyncadd.s32 $0xFFFFF000  }
0x23: {  	[hbm4b:s31+s3] =	stream.linear.scatter [tilespmem:s13], [sflag:$0x3], $0x1000, $0x38;
	[tilespmem:$0x3400] =	vst v63  }
0x24: {  	s20 =	simm.s32 $0x800;
	_ =	swait.ge [sflag:s10], $0x1000  }
0x25: {  	s19 =	simm.s32 $0x100;
	s18 =	simm.s32 $0x400;
	[sflag:s10] =	ssyncset.done $0x0  }
.LBB2_2:
0x26: {  	s21 =	sadd.s32 $0x80, s19  }
0x27: {  	[sflag:s10] =	ssyncadd.s32 $0xFFFFF000;
	s22 =	smov.u32 s20;
	s23 =	sadd.s32 $0x400, s20  }
0x28: {  	[tilespmem:s13], [sflag:$0x2] =	stream.indirect.gather [hbm4b:s2+s11], $0x20, s21, s11, $0xb8;
	[tilespmem:$0x3400] =	vst v63  }
0x29: {  	p0 =	sne.s32 s20, $0x4800;
	_ =	swait.ge [sflag:s14], $0x1000  }
0x2a: {  	[sflag:s14] =	ssyncset.done $0x0  }
0x2b: {  	s20 =	sadd.s32 s18, s8;
	[sflag:s14] =	ssyncadd.s32 $0xFFFFF000  }
0x2c: {  	[hbm4b:s20+s3] =	stream.linear.scatter [tilespmem:s12], [sflag:$0x3], $0x1000, $0x38;
	[tilespmem:$0x3400] =	vst v63  }
0x2d: {  	_ =	swait.ge [sflag:s10], $0x1000  }
0x2e: {  	[sflag:s10] =	ssyncset.done $0x0  }
0x2f: {  	s19 =	sadd.s32 $0x100, s19;
	[sflag:s10] =	ssyncadd.s32 $0xFFFFF000  }
0x30: {  	[tilespmem:s12], [sflag:$0x1] =	stream.indirect.gather [hbm4b:s2+s11], $0x20, s19, s11, $0xb8;
	[tilespmem:$0x3400] =	vst v63  }
0x31: {  	_ =	swait.ge [sflag:s15], $0x1000  }
.Ltmp0:
0x32: {  	[sflag:s15] =	ssyncset.done $0x0;
	(pc) =	sbr.rel @p0 .LBB2_2-.Ltmp0, $4  }
0x33: {  	s19 =	sadd.s32 s18, s9;
	s18 =	smov.u32 s22;
	[sflag:s15] =	ssyncadd.s32 $0xFFFFF000  }
0x34: {  	[hbm4b:s19+s3] =	stream.linear.scatter [tilespmem:s13], [sflag:$0x3], $0x1000, $0x38;
	[tilespmem:$0x3400] =	vst v63  }
0x35: {  	_ =	swait.ge [sflag:s10], $0x1000  }
0x36: {  	s20 =	smov.u32 s23;
	s19 =	sshra.s32 s18, $0x2;
	[sflag:s10] =	ssyncset.done $0x0  }
0x37: {  	s20 =	sadd.s32 $0x80, s19;
	[sflag:s10] =	ssyncadd.s32 $0xFFFFF000  }
0x38: {  	[tilespmem:s13], [sflag:$0x2] =	stream.indirect.gather [hbm4b:s2+s11], $0x20, s20, s11, $0xb8;
	[tilespmem:$0x3400] =	vst v63  }
0x39: {  	_ =	swait.ge [sflag:s14], $0x1000  }
0x3a: {  	[sflag:s14] =	ssyncset.done $0x0  }
0x3b: {  	s29 =	sadd.s32 s18, s8;
	[sflag:s14] =	ssyncadd.s32 $0xFFFFF000  }
0x3c: {  	[hbm4b:s29+s3] =	stream.linear.scatter [tilespmem:s12], [sflag:$0x3], $0x1000, $0x38;
	[tilespmem:$0x3400] =	vst v63  }
0x3d: {  	_ =	swait.ge [sflag:s10], $0x1000  }
0x3e: {  	[sflag:s10] =	ssyncset.done $0x0  }
0x3f: {  	s30 =	sadd.s32 $0x100, s19;
	[sflag:s10] =	ssyncadd.s32 $0xFFFFF000  }
0x40: {  	[tilespmem:s12], [sflag:$0x1] =	stream.indirect.gather [hbm4b:s2+s11], $0x20, s30, s11, $0xb8;
	[tilespmem:$0x3400] =	vst v63  }
0x41: {  	_ =	swait.ge [sflag:s15], $0x1000  }
0x42: {  	[sflag:s15] =	ssyncset.done $0x0  }
0x43: {  	s31 =	sadd.s32 s18, s9;
	[sflag:s15] =	ssyncadd.s32 $0xFFFFF000  }
0x44: {  	[hbm4b:s31+s3] =	stream.linear.scatter [tilespmem:s13], [sflag:$0x3], $0x1000, $0x38;
	[tilespmem:$0x3400] =	vst v63  }
0x45: {  	_ =	swait.ge [sflag:s10], $0x1000  }
0x46: {  	[sflag:s10] =	ssyncset.done $0x0  }
0x47: {  	[sflag:s10] =	ssyncadd.s32 $0xFFFFF000  }
0x48: {  	[tilespmem:s13], [sflag:$0x2] =	stream.indirect.gather [hbm4b:s2+s11], $0x20, s16, s11, $0xb8;
	[tilespmem:$0x3400] =	vst v63  }
0x49: {  	_ =	swait.ge [sflag:s14], $0x1000  }
0x4a: {  	[sflag:s14] =	ssyncset.done $0x0  }
0x4b: {  	[sflag:s14] =	ssyncadd.s32 $0xFFFFF000  }
0x4c: {  	[hbm4b:s6+s3] =	stream.linear.scatter [tilespmem:s12], [sflag:$0x3], $0x1000, $0x38;
	[tilespmem:$0x3400] =	vst v63  }
0x4d: {  	_ =	swait.ge [sflag:s10], $0x1000  }
0x4e: {  	[sflag:s10] =	ssyncset.done $0x0  }
0x4f: {  	[sflag:s10] =	ssyncadd.s32 $0xFFFFF000  }
0x50: {  	s17 =	sadd.s32 $0x1, s17;
	_ =	swait.ge [sflag:s15], $0x1000  }
0x51: {  	p0 =	sne.s32 s17, s5;
	[sflag:s15] =	ssyncset.done $0x0  }
.Ltmp1:
0x52: {  	[sflag:s15] =	ssyncadd.s32 $0xFFFFF000;
	(pc) =	sbr.rel @p0 .LBB2_1-.Ltmp1, $4  }
0x53: {  	[hbm4b:s7+s3] =	stream.linear.scatter [tilespmem:s13], [sflag:$0x3], $0x1000, $0x38;
	[tilespmem:$0x3400] =	vst v63  }
0x54: {  	_ =	swait.ge [sflag:s10], $0x1000  }
0x55: {  	[sflag:s10] =	ssyncset.done $0x0  }
0x56: {  	[sflag:s10] =	ssyncadd.s32 $0xFFFFF000  }
0x57: {  	_ =	sfence.sel $0x180000  }
0x58: {  	[bflag:$0x0] =	sbarrier.arrive $0xFFFF  }
0x59: {  	p0 =	sne.s32 s0, $0x0;
	_ =	strace $0x90000068  }
0x5a: {  	s0 =	sadd.s32 @!p0 $0x100000, s1;
	[bflag:$0x2] =	sbarrier.arrive $0xFFFF  }
0x5b: {  	[sflag:s0] =	ssyncadd.tile.s32 @!p0 $0x1;
	_ =	shalt  }
.Lfunc_end2:
_tile_overlayer_lowered:
.L_overlay_start_2:
0x5c: {  	(tag) =	ssettag $0x2  }
0x5d: {  	s0 =	rddreg [dreg:$0x0];
	s2 =	stileid.u32  }
0x5e: {  	s1 =	rddreg [dreg:$0x1];
	p0 =	sne.s32 s2, $0x0  }
0x5f: {  	s3 =	rddreg [dreg:$0x2];
	[bflag:$0x3] =	sbarrier.arrive $0xFFFF;
	s2 =	simm.s32 @!p0 $0x1C03  }
0x60: {  	[timem:s3], [sflag:s2] =	dma.local @!p0 [hbm:s0], s1  }
0x61: {  	s0 =	simm.s32 @!p0 $0x3  }
0x62: {  	_ =	swait.ge @!p0 [sflag:s0], s1  }
0x63: {  	s1 =	ssub.s32 @!p0 $0x0, s1;
	[sflag:s0] =	ssyncset.done @!p0 $0x0  }
0x64: {  	[sflag:s0] =	ssyncadd.s32 @!p0 s1  }
0x65: {  	[bflag:$0x3] =	sbarrier.arrive $0xFFFF  }
0x66: {  	_ =	shalt  }

// kernel: kernel.65.cloned.1.call-start
scs
__scs_entry_jumppad:
0x0: {  	(pc) =	sbr.rel $0x88, $3  }
0x1: {  	(tag) =	ssettag $0x0;
	lr =	simm.s32 $0x1  }
0x2: {  	[smem:$0x3F92] =	sst lr;
	_ =	strace $0xD0000000  }
0x3: {  	_ = 	snop  }
0x4: {  	_ = 	snop  }
0x5: {  	_ = 	snop  }
0x6: {  	_ = 	snop  }
0x7: {  	_ = 	snop  }
__scs_overlays_trampoline_lowered:
0x8: {  	[smem:$0x3FA1] =	sst s0  }
0x9: {  	[smem:$0x3FA2] =	sst s1  }
0xa: {  	[smem:$0x3FA3] =	sst s2  }
0xb: {  	[smem:$0x3FA4] =	sst s3  }
0xc: {  	[smem:$0x3FA5] =	sst s4  }
0xd: {  	[smem:$0x3FA6] =	sst s5  }
0xe: {  	[smem:$0x3FA7] =	sst s6  }
0xf: {  	[smem:$0x3FA8] =	sst s7  }
0x10: {  	[smem:$0x3FA9] =	sst s8  }
0x11: {  	[smem:$0x3FAA] =	sst s9;
	s0 =	simm.s32 @!p0 $0x0  }
0x12: {  	s1 =	sld [smem:$0x3F90];
	s0 =	simm.s32 @p0 $0x1  }
0x13: {  	[smem:$0x3FAB] =	sst s0;
	s0 =	simm.s32 @!p1 $0x0  }
0x14: {  	s2 =	sld [smem:$0x3F8F];
	s0 =	simm.s32 @p1 $0x1  }
0x15: {  	[smem:$0x3FAC] =	sst s0;
	s0 =	simm.s32 @!p2 $0x0  }
0x16: {  	s3 =	sld [smem:$0x3FDB];
	s0 =	simm.s32 @p2 $0x1  }
0x17: {  	s4 =	simm.s32 $0x1BF5;
	[smem:$0x3FAE] =	sst s0  }
0x18: {  	s0 =	sld [smem:$0x3F91];
	_ =	swait.ge [sflag:s4], $0x0  }
0x19: {  	s7 =	sld [smem:$0x3F92]  }
0x1a: {  	s8 =	sadd.s32 $0xFFFFE003, lr  }
0x1b: {  	s9 =	sadd.s32 $0xFFFFFEF7, lr;
	s5 =	simm.s32 $0xFFFFFFFF;
	p2 =	slt.u32 s8, $0xFFFFF086  }
0x1c: {  	p1 =	slt.u32 s9, $0xF7A;
	s5 =	simm.s32 @!p2 $0x0  }
0x1d: {  	s5 =	simm.s32 @p1 $0x1;
	p0 =	seq.s32 s7, s2  }
0x1e: {  	s7 =	smul.u32 @!p0 $0xF7A, s2;
	p2 =	seq.s32 @!p0 s5, $0x0  }
0x1f: {  	s9 =	smul.u32 $0xF7A, s1;
	s8 =	simm.s32 @!p0 $0x1BF5;
	p2 =	por !p2, p0  }
0x20: {  	[sflag:s8] =	ssyncset.s32 @!p0 $0xFFFFF086;
	s6 =	sadd.s32 @!p0 s3, s7;
	s7 =	simm.s32 @!p0 $0x108  }
0x21: {  	s3 =	sadd.s32 s3, s9;
	s6 =	sadd.s32 @!p0 $0x88, s6;
	s7 =	simm.s32 @p2 $0x1082  }
0x22: {  	[simem:s7], [sflag:s8] =	dma.local @!p0 [hbm:s6], $0xF7A  }
0x23: {  	s9 =	sor.u32 $0xD0000000, s2;
	s6 =	simm.s32 $0x108;
	_ =	swait.ge @!p0 [sflag:s8], $0x0  }
0x24: {  	s3 =	sadd.s32 $0x88, s3;
	s6 =	simm.s32 @!p1 $0x1082;
	[sflag:s4] =	ssyncset.s32 $0xFFFFF086  }
0x25: {  	[simem:s6], [sflag:s4] =	dma.local [hbm:s3], $0xF7A  }
0x26: {  	[smem:$0x3F92] =	sst s1;
	(tag) =	ssettag s2;
	_ =	strace s9  }
0x27: {  	s1 =	sld [smem:$0x3FA2]  }
0x28: {  	s2 =	sld [smem:$0x3FA3]  }
0x29: {  	s4 =	sld [smem:$0x3FA5]  }
0x2a: {  	p0 =	seq.s32 s5, $0x0;
	s5 =	sld [smem:$0x3FA6]  }
0x2b: {  	s6 =	sld [smem:$0x3FA7]  }
0x2c: {  	s7 =	sld [smem:$0x3FA8]  }
0x2d: {  	s3 =	simm.s32 $0x108;
	s8 =	sld [smem:$0x3FA9]  }
0x2e: {  	s3 =	simm.s32 @!p0 $0x1082;
	s9 =	sld [smem:$0x3FAA]  }
0x2f: {  	lr =	sadd.s32 s0, s3;
	s0 =	sld [smem:$0x3FA1]  }
0x30: {  	s3 =	sld [smem:$0x3FA4]  }
0x31: {  	[smem:$0x3FAD] =	sst s10  }
0x32: {  	s10 =	sld [smem:$0x3FAB];
	_ =	sdelay $0x3  }
0x33: {  	p0 =	seq.s32 s10, $0x1;
	s10 =	sld [smem:$0x3FAD];
	_ =	sdelay $0x3  }
0x34: {  	[smem:$0x3FAD] =	sst s10  }
0x35: {  	s10 =	sld [smem:$0x3FAC];
	_ =	sdelay $0x3  }
0x36: {  	p1 =	seq.s32 s10, $0x1;
	s10 =	sld [smem:$0x3FAD];
	_ =	sdelay $0x3  }
0x37: {  	[smem:$0x3FAD] =	sst s10  }
0x38: {  	s10 =	sld [smem:$0x3FAE]  }
0x39: {  	_ = 	snop;
	(pc) =	sbr.ind lr, $3  }
0x3a: {  	_ = 	snop  }
0x3b: {  	_ = 	snop  }
0x3c: {  	p2 =	seq.s32 s10, $0x1;
	s10 =	sld [smem:$0x3FAD]  }
0x3d: {  	_ =	shalt  }
0x3e: {  	_ =	shalt  }
0x3f: {  	_ =	shalt  }
0x40: {  	_ =	shalt  }
0x41: {  	_ =	shalt  }
0x42: {  	_ =	shalt  }
0x43: {  	_ =	shalt  }
0x44: {  	_ =	shalt  }
0x45: {  	_ =	shalt  }
0x46: {  	_ =	shalt  }
0x47: {  	_ =	shalt  }
0x48: {  	_ =	shalt  }
0x49: {  	_ =	shalt  }
0x4a: {  	_ =	shalt  }
0x4b: {  	_ =	shalt  }
0x4c: {  	_ =	shalt  }
0x4d: {  	_ =	shalt  }
0x4e: {  	_ =	shalt  }
0x4f: {  	_ =	shalt  }
0x50: {  	_ =	shalt  }
0x51: {  	_ =	shalt  }
0x52: {  	_ =	shalt  }
0x53: {  	_ =	shalt  }
0x54: {  	_ =	shalt  }
0x55: {  	_ =	shalt  }
0x56: {  	_ =	shalt  }
0x57: {  	_ =	shalt  }
0x58: {  	_ =	shalt  }
0x59: {  	_ =	shalt  }
0x5a: {  	_ =	shalt  }
0x5b: {  	_ =	shalt  }
0x5c: {  	_ =	shalt  }
0x5d: {  	_ =	shalt  }
0x5e: {  	_ =	shalt  }
0x5f: {  	_ =	shalt  }
0x60: {  	_ =	shalt  }
0x61: {  	_ =	shalt  }
0x62: {  	_ =	shalt  }
0x63: {  	_ =	shalt  }
0x64: {  	_ =	shalt  }
0x65: {  	_ =	shalt  }
0x66: {  	_ =	shalt  }
0x67: {  	_ =	shalt  }
0x68: {  	_ =	shalt  }
0x69: {  	_ =	shalt  }
0x6a: {  	_ =	shalt  }
0x6b: {  	_ =	shalt  }
0x6c: {  	_ =	shalt  }
0x6d: {  	_ =	shalt  }
0x6e: {  	_ =	shalt  }
0x6f: {  	_ =	shalt  }
0x70: {  	_ =	shalt  }
0x71: {  	_ =	shalt  }
0x72: {  	_ =	shalt  }
0x73: {  	_ =	shalt  }
0x74: {  	_ =	shalt  }
0x75: {  	_ =	shalt  }
0x76: {  	_ =	shalt  }
0x77: {  	_ =	shalt  }
0x78: {  	_ =	shalt  }
0x79: {  	_ =	shalt  }
0x7a: {  	_ =	shalt  }
0x7b: {  	_ =	shalt  }
0x7c: {  	_ =	shalt  }
0x7d: {  	_ =	shalt  }
0x7e: {  	_ =	shalt  }
0x7f: {  	_ =	shalt  }
0x80: {  	_ =	shalt  }
0x81: {  	_ =	shalt  }
0x82: {  	_ =	shalt  }
0x83: {  	_ =	shalt  }
0x84: {  	_ =	shalt  }
0x85: {  	_ =	shalt  }
0x86: {  	_ =	shalt  }
0x87: {  	_ =	shalt  }
.Lfunc_end0:
.L_simem_size_0:
called_computation.12_lowered:
.L_overlay_start_0:
0x88: {  	s2 =	sld [smem:$0x3FD9]  }
0x89: {  	s3 =	sld [smem:$0x3FFE];
	_ =	sdelay $0x1  }
0x8a: {  	s1 =	srdreg.scid  }
0x8b: {  	s0 =	sand.u32 $0x1, s1  }
0x8c: {  	s16 =	sshll.u32 s0, $0xA;
	s2 =	sadd.s32 s3, s2  }
0x8d: {  	s2 =	sadd.s32 s2, s16  }
0x8e: {  	[smem:$0x3FB9] =	sst s2  }
0x8f: {  	_ = 	snop  }
0x90: {  	(tm) =	ssettm $0x1  }
0x91: {  	s17 =	sld [smem:$0x3FFB];
	_ =	sdelay $0x3  }
0x92: {  	_ =	strace s17  }
0x93: {  	s2 =	sld [smem:$0x3FFC];
	_ =	sdelay $0x3  }
0x94: {  	_ =	strace s2  }
0x95: {  	s2 =	sld [smem:$0x3FFD];
	_ =	sdelay $0x3  }
0x96: {  	_ =	strace s2  }
0x97: {  	_ =	strace $0x8FFFFFFF  }
0x98: {  	s18 =	sld [smem:$0x3FDB];
	_ =	sdelay $0x1  }
0x99: {  	s19 =	simm.s32 $_scs_section_size  }
0x9a: {  	s4 =	simm.s32 $_size__tile_overlayer_lowered;
	s5 =	simm.s32 $_tile_overlayer_lowered  }
0x9b: {  	s22 =	simm.s32 $0x1BFF;
	s21 =	sshll.u32 s5, $0x1;
	s2 =	sadd.s32 s19, s18  }
0x9c: {  	s6 =	simm.s32 $0x0;
	s20 =	sshll.u32 s4, $0x1;
	s4 =	sadd.s32 s21, s2  }
0x9d: {  	[timem:s6], [sflag:s22] =	dma.local [hbm:s4], s20  }
0x9e: {  	_ =	swait.ge [sflag:s22], s20  }
0x9f: {  	s3 =	ssub.s32 $0x0, s20;
	[sflag:s22] =	ssyncset.done $0x0  }
0xa0: {  	[sflag:s22] =	ssyncadd.s32 s3;
	_ =	sdelay $0x1  }
0xa1: {  	s23 =	simm.s32 $0x1B8B  }
0xa2: {  	_ =	swait.ge [sflag:s23], $0x1  }
0xa3: {  	[sflag:s23] =	ssyncset.done $0x0  }
0xa4: {  	s25 =	simm.s32 $0x1B8E;
	s24 =	sld [smem:$0x3FFE];
	[sflag:s23] =	ssyncadd.s32 $0xFFFFFFFF  }
0xa5: {  	s26 =	simm.s32 $execute0_lowered;
	[smem:$0x3FD2] =	sst s25  }
0xa6: {  	s4 =	sshll.u32 s26, $0x1;
	_ =	strace $0x8000006A;
	[dreg:$0x1] =	wrdreg $0xFFFFFFFF  }
0xa7: {  	s28 =	simm.s32 $_size_execute0_lowered;
	s2 =	sadd.s32 s2, s4;
	[dreg:$0x0] =	wrdreg $0x0  }
0xa8: {  	s4 =	sshll.u32 s28, $0x1;
	[dreg:$0x2] =	wrdreg s2  }
0xa9: {  	[dreg:$0x3] =	wrdreg s4  }
0xaa: {  	[dreg:$0x4] =	wrdreg $0xC0  }
0xab: {  	_ =	task [dreg:s6], $0x5FFFF  }
0xac: {  	[dreg:$0x1] =	wrdreg $0xFFFFFFFF  }
0xad: {  	[dreg:$0x0] =	wrdreg $0x60  }
0xae: {  	[dreg:$0x2] =	wrdreg s24  }
0xaf: {  	[dreg:$0x3] =	wrdreg $0x84000  }
0xb0: {  	[dreg:$0x4] =	wrdreg $0x9  }
0xb1: {  	_ =	task.clear_ibuf [dreg:s6], $0x5FFFF;
	_ =	strace $0x9000006A  }
0xb2: {  	s29 =	simm.s32 $0x9;
	_ =	strace $0x8000006C  }
0xb3: {  	_ =	swait.ge [sflag:s29], $0x1  }
0xb4: {  	[sflag:s29] =	ssyncadd.s32 $0xFFFFFFFF  }
0xb5: {  	_ =	strace $0x9000006C  }
0xb6: {  	_ =	sfence  }
0xb7: {  	s30 =	sld [smem:$0x0];
	_ =	sdelay $0x2  }
0xb8: {  	s31 =	sshll.u32 s1, $0xD;
	s1 =	sshrl.u32 s1, $0x2  }
0xb9: {  	s3 =	sand.u32 $0x4000, s31;
	s1 =	sadd.s32 s1, s30  }
0xba: {  	s0 =	sor.u32 s3, s0;
	s1 =	sshll.u32 s1, $0x11  }
0xbb: {  	s0 =	sor.u32 s1, s0  }
0xbc: {  	s0 =	sadd.s32 $0x8F2B, s0  }
0xbd: {  	[sflag:s0] =	ssyncadd.remote.s32 $0x1  }
0xbe: {  	_ =	sfence.sel $0xFFFF  }
0xbf: {  	[dreg:$0x0] =	wrdreg $0xFFFFFFFF;
	(pc) =	sbr.abs _section_cstart, $3  }
0xc0: {  	[dreg:$0x1] =	wrdreg $0xFFFFFFFF  }
0xc1: {  	_ =	task.clear_ibuf [dreg:s6], $0x2FFFF;
	_ =	strace $0x9FFFFFFF  }
0xc2: {  	(tm) =	ssettm $0x7FFFFFFF  }
0xc3: {  	_ =	shalt  }
tec
execute0_lowered:
.L_overlay_start_1:
0x0: {  	(tag) =	ssettag $0x1  }
0x1: {  	s1 =	srdreg.scid  }
0x2: {  	s0 =	stileid.u32;
	s4 =	rddreg [dreg:$0x0]  }
0x3: {  	s2 =	rddreg [dreg:$0x1];
	s3 =	simm.s32 $0x0;
	s8 =	smul.u32 $0x5000, s0  }
0x4: {  	s17 =	simm.s32 $0x1;
	s18 =	simm.s32 $0x80;
	s12 =	smul.u32 $0x50000, s0  }
0x5: {  	s19 =	simm.s32 $0x2;
	s6 =	sand.u32 $0x1, s1;
	s16 =	smul.u32 $0x2800, s0  }
0x6: {  	s20 =	sshll.u32 s0, $0x1;
	s1 =	rddreg [dreg:$0x2];
	s9 =	smul.u32 $0xA000, s6  }
0x7: {  	[smem:$0x7FF] =	sst s3;
	s11 =	sadd.s32 $0x36C00, s4;
	s15 =	smul.u32 $0x28000, s6  }
0x8: {  	s31 =	sshll.u32 s0, $0x6;
	s5 =	sor.u32 s6, s20;
	s22 =	smul.u32 $0x1400, s6  }
0x9: {  	_ =	strace $0x8000006B;
	s21 =	ssub.s32 $0x2, s6;
	s7 =	smul.u32 $0x1400, s5  }
0xa: {  	s20 =	simm.s32 $0x1300;
	s10 =	smul.u32 $0x5000, s5;
	s23 =	sshrl.u32 s8, $0x3  }
0xb: {  	s14 =	sshrl.u32 s21, $0x1;
	s5 =	sadd.s32 s8, s2;
	s13 =	sadd.s32 s23, s4  }
0xc: {  	s9 =	sadd.s32 s9, s4;
	s14 =	ssub.s32 s21, s14;
	s25 =	sadd.s32 s15, s12  }
0xd: {  	s28 =	sadd.s32 s22, s16;
	s12 =	simm.s32 $0x3;
	s15 =	simm.s32 $0x1400  }
0xe: {  	s16 =	simm.s32 $0x2400;
	s21 =	simm.s32 $0x1380;
	s22 =	simm.s32 $0x3400  }
0xf: {  	s7 =	sshrl.u32 s7, $0x3;
	s6 =	sadd.s32 $0xE0C00, s13;
	s24 =	sadd.s32 $0x111E00, s9  }
0x10: {  	s26 =	sor.u32 $0x2000, s25;
	s8 =	smax.u32 s14, $0x1;
	s30 =	sshll.u32 s28, $0x2  }
0x11: {  	s13 =	sor.u32 $0x1C03, s31;
	s14 =	sshrl.u32 s5, $0x3;
	s7 =	sadd.s32 s7, s4  }
0x12: {  	s29 =	sshrl.u32 s26, $0x3;
	s23 =	sadd.s32 s23, s24;
	s4 =	sadd.s32 $0xDBC00, s7  }
0x13: {  	s7 =	sadd.s32 s11, s10;
	s10 =	sadd.s32 s29, s11;
	s11 =	sadd.s32 s30, s11  }
0x14: {  	s24 =	simm.s32 $0x0;
	s9 =	sadd.s32 $0x4E00, s7;
	s11 =	sadd.s32 $0x200, s11  }
.LBB2_1:
0x15: {  	[tilespmem:s3], [sflag:$0x3] =	stream.linear.gather [hbm4b:s4+s3], $0x1400, $0x38;
	[tilespmem:$0xD400] =	vst v63  }
0x16: {  	_ =	swait.ge [sflag:s12], $0x1400  }
0x17: {  	[sflag:s12] =	ssyncset.done $0x0  }
0x18: {  	[sflag:s12] =	ssyncadd.s32 $0xFFFFEC00  }
0x19: {  	[spmem:s14], [sflag:s13] =	dma.local [hbm:s6], $0xA00  }
0x1a: {  	_ =	swait.ge [sflag:s12], $0xA00  }
0x1b: {  	[sflag:s12] =	ssyncset.done $0x0  }
0x1c: {  	[sflag:s12] =	ssyncadd.s32 $0xFFFFF600  }
0x1d: {  	[bflag:$0x0] =	sbarrier.arrive $0xFFFF  }
0x1e: {  	[tilespmem:s15], [sflag:$0x1] =	stream.linear.gather [hbm4b:s7+s3], $0x1000, $0x38;
	[tilespmem:$0xD400] =	vst v63  }
0x1f: {  	s25 =	sadd.s32 $0x0, s11  }
0x20: {  	[tilespmem:s16], [sflag:$0x2] =	stream.linear.gather [hbm4b:s25+s3], $0x1000, $0x38;
	[tilespmem:$0xD400] =	vst v63  }
0x21: {  	_ =	swait.ge [sflag:s17], $0x1000  }
0x22: {  	[sflag:s17] =	ssyncset.done $0x0  }
0x23: {  	s29 =	simm.s32 $0x0;
	[sflag:s17] =	ssyncadd.s32 $0xFFFFF000  }
0x24: {  	[spmem:s2] =	stream.indirect.scatter.add.f32 [tilespmem:s15], [sflag:$0x3], $0x20, s29, s18, $0xb8;
	[tilespmem:$0xD400] =	vst v63  }
0x25: {  	_ =	swait.ge [sflag:s12], $0x1000  }
0x26: {  	[sflag:s12] =	ssyncset.done $0x0  }
0x27: {  	s30 =	sadd.s32 $0x0, s10;
	[sflag:s12] =	ssyncadd.s32 $0xFFFFF000  }
0x28: {  	[tilespmem:s15], [sflag:$0x1] =	stream.linear.gather [hbm4b:s30+s3], $0x1000, $0x38;
	[tilespmem:$0xD400] =	vst v63  }
0x29: {  	_ =	swait.ge [sflag:s19], $0x1000  }
0x2a: {  	[sflag:s19] =	ssyncset.done $0x0  }
0x2b: {  	s31 =	simm.s32 $0x80;
	[sflag:s19] =	ssyncadd.s32 $0xFFFFF000  }
0x2c: {  	[spmem:s2] =	stream.indirect.scatter.add.f32 [tilespmem:s16], [sflag:$0x3], $0x20, s31, s18, $0xb8;
	[tilespmem:$0xD400] =	vst v63  }
0x2d: {  	_ =	swait.ge [sflag:s12], $0x1000  }
0x2e: {  	s26 =	simm.s32 $0x800;
	s25 =	simm.s32 $0x400;
	[sflag:s12] =	ssyncset.done $0x0  }
.LBB2_2:
0x2f: {  	s28 =	sadd.s32 s25, s11  }
0x30: {  	[sflag:s12] =	ssyncadd.s32 $0xFFFFF000;
	s29 =	smov.u32 s26;
	s30 =	sadd.s32 $0x400, s26  }
0x31: {  	[tilespmem:s16], [sflag:$0x2] =	stream.linear.gather [hbm4b:s28+s3], $0x1000, $0x38;
	[tilespmem:$0xD400] =	vst v63  }
0x32: {  	p0 =	sne.s32 s26, $0x4800;
	_ =	swait.ge [sflag:s17], $0x1000  }
0x33: {  	[sflag:s17] =	ssyncset.done $0x0  }
0x34: {  	s26 =	sshra.s32 s25, $0x2;
	[sflag:s17] =	ssyncadd.s32 $0xFFFFF000  }
0x35: {  	[spmem:s2] =	stream.indirect.scatter.add.f32 [tilespmem:s15], [sflag:$0x3], $0x20, s26, s18, $0xb8;
	[tilespmem:$0xD400] =	vst v63  }
0x36: {  	_ =	swait.ge [sflag:s12], $0x1000  }
0x37: {  	[sflag:s12] =	ssyncset.done $0x0  }
0x38: {  	s28 =	sadd.s32 s25, s10;
	s25 =	smov.u32 s29;
	[sflag:s12] =	ssyncadd.s32 $0xFFFFF000  }
0x39: {  	[tilespmem:s15], [sflag:$0x1] =	stream.linear.gather [hbm4b:s28+s3], $0x1000, $0x38;
	[tilespmem:$0xD400] =	vst v63  }
0x3a: {  	_ =	swait.ge [sflag:s19], $0x1000  }
.Ltmp0:
0x3b: {  	[sflag:s19] =	ssyncset.done $0x0;
	(pc) =	sbr.rel @p0 .LBB2_2-.Ltmp0, $4  }
0x3c: {  	s26 =	sadd.s32 $0x80, s26;
	[sflag:s19] =	ssyncadd.s32 $0xFFFFF000  }
0x3d: {  	[spmem:s2] =	stream.indirect.scatter.add.f32 [tilespmem:s16], [sflag:$0x3], $0x20, s26, s18, $0xb8;
	[tilespmem:$0xD400] =	vst v63  }
0x3e: {  	_ =	swait.ge [sflag:s12], $0x1000  }
0x3f: {  	s26 =	smov.u32 s30;
	[sflag:s12] =	ssyncset.done $0x0  }
0x40: {  	s26 =	sadd.s32 s25, s11;
	[sflag:s12] =	ssyncadd.s32 $0xFFFFF000  }
0x41: {  	[tilespmem:s16], [sflag:$0x2] =	stream.linear.gather [hbm4b:s26+s3], $0x1000, $0x38;
	[tilespmem:$0xD400] =	vst v63  }
0x42: {  	_ =	swait.ge [sflag:s17], $0x1000  }
0x43: {  	[sflag:s17] =	ssyncset.done $0x0  }
0x44: {  	s29 =	sshra.s32 s25, $0x2;
	[sflag:s17] =	ssyncadd.s32 $0xFFFFF000  }
0x45: {  	[spmem:s2] =	stream.indirect.scatter.add.f32 [tilespmem:s15], [sflag:$0x3], $0x20, s29, s18, $0xb8;
	[tilespmem:$0xD400] =	vst v63  }
0x46: {  	_ =	swait.ge [sflag:s12], $0x1000  }
0x47: {  	[sflag:s12] =	ssyncset.done $0x0  }
0x48: {  	s30 =	sadd.s32 s25, s10;
	[sflag:s12] =	ssyncadd.s32 $0xFFFFF000  }
0x49: {  	[tilespmem:s15], [sflag:$0x1] =	stream.linear.gather [hbm4b:s30+s3], $0x1000, $0x38;
	[tilespmem:$0xD400] =	vst v63  }
0x4a: {  	_ =	swait.ge [sflag:s19], $0x1000  }
0x4b: {  	[sflag:s19] =	ssyncset.done $0x0  }
0x4c: {  	s31 =	sadd.s32 $0x80, s29;
	[sflag:s19] =	ssyncadd.s32 $0xFFFFF000  }
0x4d: {  	[spmem:s2] =	stream.indirect.scatter.add.f32 [tilespmem:s16], [sflag:$0x3], $0x20, s31, s18, $0xb8;
	[tilespmem:$0xD400] =	vst v63  }
0x4e: {  	_ =	swait.ge [sflag:s12], $0x1000  }
0x4f: {  	[sflag:s12] =	ssyncset.done $0x0  }
0x50: {  	[sflag:s12] =	ssyncadd.s32 $0xFFFFF000  }
0x51: {  	[tilespmem:s16], [sflag:$0x2] =	stream.linear.gather [hbm4b:s9+s3], $0x1000, $0x38;
	[tilespmem:$0xD400] =	vst v63  }
0x52: {  	_ =	swait.ge [sflag:s17], $0x1000  }
0x53: {  	[sflag:s17] =	ssyncset.done $0x0  }
0x54: {  	[sflag:s17] =	ssyncadd.s32 $0xFFFFF000  }
0x55: {  	[spmem:s2] =	stream.indirect.scatter.add.f32 [tilespmem:s15], [sflag:$0x3], $0x20, s20, s18, $0xb8;
	[tilespmem:$0xD400] =	vst v63  }
0x56: {  	_ =	swait.ge [sflag:s12], $0x1000  }
0x57: {  	[sflag:s12] =	ssyncset.done $0x0  }
0x58: {  	[sflag:s12] =	ssyncadd.s32 $0xFFFFF000  }
0x59: {  	_ =	swait.ge [sflag:s19], $0x1000  }
0x5a: {  	[sflag:s19] =	ssyncset.done $0x0  }
0x5b: {  	[sflag:s19] =	ssyncadd.s32 $0xFFFFF000  }
0x5c: {  	[spmem:s2] =	stream.indirect.scatter.add.f32 [tilespmem:s16], [sflag:$0x3], $0x20, s21, s18, $0xb8;
	[tilespmem:$0xD400] =	vst v63  }
0x5d: {  	_ =	swait.ge [sflag:s12], $0x1000  }
0x5e: {  	[sflag:s12] =	ssyncset.done $0x0  }
0x5f: {  	[sflag:s12] =	ssyncadd.s32 $0xFFFFF000  }
0x60: {  	[bflag:$0x0] =	sbarrier.arrive $0xFFFF  }
0x61: {  	[tilespmem:s22], [sflag:$0x3] =	stream.linear.gather [spmem:s5], $0x5000, $0x38;
	[tilespmem:$0xD400] =	vst v63  }
0x62: {  	s24 =	sadd.s32 $0x1, s24;
	_ =	swait.ge [sflag:s12], $0x5000  }
0x63: {  	p0 =	sne.s32 s24, s8;
	[sflag:s12] =	ssyncset.done $0x0  }
.Ltmp1:
0x64: {  	[sflag:s12] =	ssyncadd.s32 $0xFFFFB000;
	(pc) =	sbr.rel @p0 .LBB2_1-.Ltmp1, $4  }
0x65: {  	[hbm4b:s23+s3] =	stream.linear.scatter [tilespmem:s22], [sflag:$0x3], $0x5000, $0x38;
	[tilespmem:$0xD400] =	vst v63  }
0x66: {  	_ =	swait.ge [sflag:s12], $0x5000  }
0x67: {  	[sflag:s12] =	ssyncset.done $0x0  }
0x68: {  	[sflag:s12] =	ssyncadd.s32 $0xFFFFB000  }
0x69: {  	_ =	sfence.sel $0x180000  }
0x6a: {  	[bflag:$0x0] =	sbarrier.arrive $0xFFFF  }
0x6b: {  	p0 =	sne.s32 s0, $0x0;
	_ =	strace $0x9000006B  }
0x6c: {  	s0 =	sadd.s32 @!p0 $0x100000, s1;
	[bflag:$0x2] =	sbarrier.arrive $0xFFFF  }
0x6d: {  	[sflag:s0] =	ssyncadd.tile.s32 @!p0 $0x1;
	_ =	shalt  }
.Lfunc_end2:
_tile_overlayer_lowered:
.L_overlay_start_2:
0x6e: {  	(tag) =	ssettag $0x2  }
0x6f: {  	s0 =	rddreg [dreg:$0x0];
	s2 =	stileid.u32  }
0x70: {  	s1 =	rddreg [dreg:$0x1];
	p0 =	sne.s32 s2, $0x0  }
0x71: {  	s3 =	rddreg [dreg:$0x2];
	[bflag:$0x3] =	sbarrier.arrive $0xFFFF;
	s2 =	simm.s32 @!p0 $0x1C03  }
0x72: {  	[timem:s3], [sflag:s2] =	dma.local @!p0 [hbm:s0], s1  }
0x73: {  	s0 =	simm.s32 @!p0 $0x3  }
0x74: {  	_ =	swait.ge @!p0 [sflag:s0], s1  }
0x75: {  	s1 =	ssub.s32 @!p0 $0x0, s1;
	[sflag:s0] =	ssyncset.done @!p0 $0x0  }
0x76: {  	[sflag:s0] =	ssyncadd.s32 @!p0 s1  }
0x77: {  	[bflag:$0x3] =	sbarrier.arrive $0xFFFF  }
0x78: {  	_ =	shalt  }

</sc_bundles>
